<compile_context>
chip_gen: v7x
topology: tpu7x:2x2x1
jax: 0.10.2.dev20260603
libtpu: 0.0.44.dev20260713+nightly
codegen_flags: <defaults>
</compile_context>

<pallas_src>
import jax
import jax.numpy as jnp
import numpy as np
from jax import lax
from jax.experimental import pallas as pl
from jax.experimental.pallas import tpu as pltpu
from jax.experimental.pallas import tpu_sc as plsc

N_NODES = 10000
N_EDGES = 320000
IN_CH = 128
HID = 64
OUT_CH = 10
CH = 16
K = 3
LAMBDA_AMP = 0.5
GAMMA = 1.0 / (2.0 * (1.0 - LAMBDA_AMP))
G2 = GAMMA * 2.0 * (1.0 - LAMBDA_AMP)
LAM_EFF = GAMMA * LAMBDA_AMP

NC = 2
NS = 16
NW = NC * NS
CHUNK = 128
NCHUNK = 80
NB = 4
NG = NCHUNK // NB
NBD = 8
NGD = NCHUNK // NBD
EPT = NCHUNK * CHUNK
EPAD = EPT * NW
ECH = N_EDGES // CHUNK
ECHP = EPAD // CHUNK
NPAD = 10112
SPT = NPAD // NS
R8 = NPAD // 8
RX = N_NODES // 8

_BLK = np.kron(np.eye(8, dtype=np.float32), np.ones((CH, CH), np.float32))



def _sc_deg_body(ei_hbm, ones_hbm, zeros_hbm, out_hbm, idx_c, msg, acc, ss):
    c = lax.axis_index("c")
    s = lax.axis_index("s")
    w = s * NC + c
    pltpu.sync_copy(ones_hbm, msg)
    pltpu.sync_copy(ei_hbm.at[1, pl.ds(w * NCHUNK, NCHUNK)], idx_c)
    pltpu.sync_copy(zeros_hbm.at[pl.ds(s * SPT, SPT)], acc.at[pl.ds(s * SPT, SPT)])
    plsc.subcore_barrier()

    for b in range(NBD):
        pltpu.async_copy(msg, acc.at[idx_c.at[b]], ss, add=True)

    def body(t, carry):
        for b in range(NBD):
            pltpu.async_copy(msg, acc.at[idx_c.at[(t + 1) * NBD + b]], ss,
                             add=True)
        for b in range(NBD):
            pltpu.make_async_copy(msg, acc.at[idx_c.at[t * NBD + b]], ss).wait()
        return carry

    lax.fori_loop(0, NGD - 1, body, 0)
    for b in range(NBD):
        pltpu.make_async_copy(msg, acc.at[idx_c.at[(NGD - 1) * NBD + b]],
                              ss).wait()
    plsc.subcore_barrier()
    pltpu.sync_copy(acc.at[pl.ds(s * SPT, SPT)],
                    out_hbm.at[c, pl.ds(s * SPT, SPT)])


def _sc_prop_body(u_hbm, ei_hbm, zeros_hbm, out_hbm,
                  idx_r, idx_c, msg, u_sh, acc, sg0, sg1, ss0, ss1):
    c = lax.axis_index("c")
    s = lax.axis_index("s")
    w = s * NC + c
    pltpu.sync_copy(ei_hbm.at[0, pl.ds(w * NCHUNK, NCHUNK)],
                    idx_r.at[pl.ds(0, NCHUNK)])
    pltpu.sync_copy(ei_hbm.at[0, pl.ds(w * NCHUNK, NB)],
                    idx_r.at[pl.ds(NCHUNK, NB)])
    pltpu.sync_copy(ei_hbm.at[1, pl.ds(w * NCHUNK, NCHUNK)], idx_c)
    pltpu.sync_copy(u_hbm.at[pl.ds(s * SPT, SPT)], u_sh.at[pl.ds(s * SPT, SPT)])
    pltpu.sync_copy(zeros_hbm.at[pl.ds(s * SPT, SPT)], acc.at[pl.ds(s * SPT, SPT)])
    plsc.subcore_barrier()

    for b in range(NB):
        pltpu.async_copy(u_sh.at[idx_r.at[b]], msg.at[0, b], sg0)

    def body(t, carry):
        g0 = 2 * t
        g1 = 2 * t + 1
        for b in range(NB):
            pltpu.make_async_copy(u_sh.at[idx_r.at[g0 * NB + b]],
                                  msg.at[0, b], sg0).wait()
        for b in range(NB):
            pltpu.async_copy(u_sh.at[idx_r.at[g1 * NB + b]], msg.at[1, b], sg1)
        for b in range(NB):
            pltpu.async_copy(msg.at[0, b], acc.at[idx_c.at[g0 * NB + b]], ss0,
                             add=True)
        for b in range(NB):
            pltpu.make_async_copy(u_sh.at[idx_r.at[g1 * NB + b]],
                                  msg.at[1, b], sg1).wait()
        for b in range(NB):
            pltpu.make_async_copy(msg.at[0, b],
                                  acc.at[idx_c.at[g0 * NB + b]], ss0).wait()
        for b in range(NB):
            pltpu.async_copy(u_sh.at[idx_r.at[(g0 + 2) * NB + b]],
                             msg.at[0, b], sg0)
        for b in range(NB):
            pltpu.async_copy(msg.at[1, b], acc.at[idx_c.at[g1 * NB + b]], ss1,
                             add=True)
        for b in range(NB):
            pltpu.make_async_copy(msg.at[1, b],
                                  acc.at[idx_c.at[g1 * NB + b]], ss1).wait()
        return carry

    lax.fori_loop(0, NG // 2, body, 0)
    for b in range(NB):
        pltpu.make_async_copy(u_sh.at[idx_r.at[NCHUNK + b]],
                              msg.at[0, b], sg0).wait()
    plsc.subcore_barrier()
    pltpu.sync_copy(acc.at[pl.ds(s * SPT, SPT)],
                    out_hbm.at[c, pl.ds(s * SPT, SPT)])


_SC_MESH = plsc.VectorSubcoreMesh(core_axis_name="c", subcore_axis_name="s")
_SC_PARAMS = pltpu.CompilerParams(use_tc_tiling_on_sc=False)

_deg_sc = pl.kernel(
    _sc_deg_body,
    out_type=jax.ShapeDtypeStruct((NC, NPAD, CH), jnp.float32),
    mesh=_SC_MESH,
    compiler_params=_SC_PARAMS,
    scratch_types=[
        pltpu.VMEM((NCHUNK, CHUNK), jnp.int32),
        pltpu.VMEM((CHUNK, CH), jnp.float32),
        pltpu.VMEM_SHARED((NPAD, CH), jnp.float32),
        pltpu.SemaphoreType.DMA,
    ],
)

_prop_sc = pl.kernel(
    _sc_prop_body,
    out_type=jax.ShapeDtypeStruct((NC, NPAD, CH), jnp.float32),
    mesh=_SC_MESH,
    compiler_params=_SC_PARAMS,
    scratch_types=[
        pltpu.VMEM((NCHUNK + NB, CHUNK), jnp.int32),
        pltpu.VMEM((NCHUNK, CHUNK), jnp.int32),
        pltpu.VMEM((2, NB, CHUNK, CH), jnp.float32),
        pltpu.VMEM_SHARED((NPAD, CH), jnp.float32),
        pltpu.VMEM_SHARED((NPAD, CH), jnp.float32),
        pltpu.SemaphoreType.DMA,
        pltpu.SemaphoreType.DMA,
        pltpu.SemaphoreType.DMA,
        pltpu.SemaphoreType.DMA,
    ],
)



def _mlp_body(x_ref, w1_ref, b1_ref, w2_ref, b2_ref, h_ref):
    for a in range(8):
        lo = a * R8
        na = min(R8, N_NODES - lo)
        h1 = jnp.dot(x_ref[lo:lo + na, :], w1_ref[...],
                     preferred_element_type=jnp.float32)
        h1 = jnp.maximum(h1 + b1_ref[...], 0.0)
        h2 = jnp.dot(h1, w2_ref[...],
                     preferred_element_type=jnp.float32) + b2_ref[...]
        h_ref[0:na, a * CH:(a + 1) * CH] = h2
        if na < R8:
            h_ref[na:R8, a * CH:(a + 1) * CH] = jnp.zeros(
                (R8 - na, CH), jnp.float32)


_mlp = pl.pallas_call(
    _mlp_body,
    out_shape=jax.ShapeDtypeStruct((R8, 8 * CH), jnp.float32),
)


def _prep_body(dacc_ref, h_ref, dinv_ref, u_ref):
    dacc = dacc_ref[...]
    dinv = lax.rsqrt(1.0 + dacc[0] + dacc[1])
    dinv_ref[...] = dinv
    u_ref[...] = dinv * h_ref[...]


_prep = pl.pallas_call(
    _prep_body,
    out_shape=(jax.ShapeDtypeStruct((R8, 8 * CH), jnp.float32),
               jax.ShapeDtypeStruct((R8, 8 * CH), jnp.float32)),
)


def _step_math(acc_ref, xk_ref, h_ref, dinv_ref, blk_ref):
    a = acc_ref[...]
    acc = a[0] + a[1]
    dinv = dinv_ref[...]
    xk = xk_ref[...]
    h = h_ref[...]
    y = (1.0 - G2) * xk + G2 * (dinv * acc + dinv * dinv * xk)
    d = y - h
    rn2 = jnp.dot(d * d, blk_ref[...], preferred_element_type=jnp.float32)
    scale = jnp.maximum(1.0 - LAM_EFF * lax.rsqrt(jnp.maximum(rn2, 1e-30)),
                        0.0)
    return h + scale * d, dinv


def _step_body(acc_ref, xk_ref, h_ref, dinv_ref, blk_ref, xknew_ref, unew_ref):
    xknew, dinv = _step_math(acc_ref, xk_ref, h_ref, dinv_ref, blk_ref)
    xknew_ref[...] = xknew
    unew_ref[...] = dinv * xknew


_step = pl.pallas_call(
    _step_body,
    out_shape=(jax.ShapeDtypeStruct((R8, 8 * CH), jnp.float32),
               jax.ShapeDtypeStruct((R8, 8 * CH), jnp.float32)),
)


def _stepf_body(acc_ref, xk_ref, h_ref, dinv_ref, blk_ref, xknew_ref):
    xknew, _ = _step_math(acc_ref, xk_ref, h_ref, dinv_ref, blk_ref)
    xknew_ref[...] = xknew


_stepf = pl.pallas_call(
    _stepf_body,
    out_shape=jax.ShapeDtypeStruct((R8, 8 * CH), jnp.float32),
)



def kernel(x, edge_index, W1, b1, W2, b2):
    f32 = jnp.float32
    ei = edge_index.astype(jnp.int32)
    eip = (ei % R8) * 8 + ei // R8
    ei3 = jnp.pad(eip.reshape(2, ECH, CHUNK),
                  ((0, 0), (0, ECHP - ECH), (0, 0)),
                  constant_values=(N_NODES % R8) * 8 + N_NODES // R8)

    w2p = jnp.pad(W2, ((0, 0), (0, CH - OUT_CH)))
    b1r = b1.reshape(1, HID)
    b2p = jnp.pad(b2, (0, CH - OUT_CH)).reshape(1, CH)
    blk = jnp.asarray(_BLK)
    zeros = jnp.zeros((NPAD, CH), f32)
    ones = jnp.ones((CHUNK, CH), f32)

    hp = _mlp(x, W1, b1r, w2p, b2p)
    dacc = _deg_sc(ei3, ones, zeros)
    dinvp, up = _prep(dacc.reshape(NC, R8, 8 * CH), hp)
    xkp = hp
    for k in range(K):
        acc = _prop_sc(up.reshape(NPAD, CH), ei3, zeros)
        accp = acc.reshape(NC, R8, 8 * CH)
        if k < K - 1:
            xkp, up = _step(accp, xkp, hp, dinvp, blk)
        else:
            xkp = _stepf(accp, xkp, hp, dinvp, blk)
    out = xkp.reshape(R8, 8, CH).transpose(1, 0, 2).reshape(NPAD, CH)
    return out[:N_NODES, :OUT_CH]

# --- scband reference (transcript-rebuilt; emitter-appended) ---
"""Pipeline reference for scband-air-gnn-25933012533347 (READ-ONLY COPY).

The authoritative reference and input builder live on the scoring server;
editing this copy changes nothing except your own understanding.
"""

import jax, jax.numpy as jnp
import numpy as np

N_NODES = 10000
N_EDGES = 320000
IN_CH = 128
HID = 64
OUT_CH = 10
K = 3
LAMBDA_AMP = 0.5


def setup_inputs(seed: int = 0) -> dict:
    key = jax.random.key(seed)
    k1, k2, k3, k4, k5, k6 = jax.random.split(key, 6)
    x = jax.random.normal(k1, (N_NODES, IN_CH), dtype=jnp.float32)
    edge_index = jax.random.randint(k2, (2, N_EDGES), 0, N_NODES, dtype=jnp.int64)
    W1 = jax.random.normal(k3, (IN_CH, HID), dtype=jnp.float32) * (1.0 / np.sqrt(IN_CH))
    b1 = jnp.zeros((HID,), dtype=jnp.float32)
    W2 = jax.random.normal(k4, (HID, OUT_CH), dtype=jnp.float32) * (1.0 / np.sqrt(HID))
    b2 = jnp.zeros((OUT_CH,), dtype=jnp.float32)
    return {"x": x, "edge_index": edge_index, "W1": W1, "b1": b1, "W2": W2, "b2": b2}


def _gcn_norm(edge_index, num_nodes):
    # add self loops, symmetric normalization (PyG gcn_norm)
    row = jnp.concatenate([edge_index[0], jnp.arange(num_nodes, dtype=edge_index.dtype)])
    col = jnp.concatenate([edge_index[1], jnp.arange(num_nodes, dtype=edge_index.dtype)])
    w = jnp.ones(row.shape[0], dtype=jnp.float32)
    deg = jnp.zeros((num_nodes,), dtype=jnp.float32).at[col].add(w)
    deg_inv_sqrt = jnp.where(deg > 0, 1.0 / jnp.sqrt(jnp.where(deg > 0, deg, 1.0)), 0.0)
    norm = deg_inv_sqrt[row] * w * deg_inv_sqrt[col]
    return row, col, norm


def _propagate(z, row, col, norm, num_nodes):
    msgs = z[row] * norm[:, None]
    return jnp.zeros_like(z).at[col].add(msgs)


def _proximal_L21(d, lam):
    row_norm = jnp.sqrt(jnp.sum(d * d, axis=1))
    score = jnp.clip(row_norm - lam, 0.0)
    safe = jnp.where(row_norm > 0, row_norm, 1.0)
    score = jnp.where(row_norm > 0, score / safe, score)
    return score[:, None] * d


def reference(x, edge_index, W1, b1, W2, b2):
    # MLP (dropout in eval mode = identity)
    h = x @ W1 + b1
    h = jax.nn.relu(h)
    h = h @ W2 + b2
    # AdaptiveConv (AirGNN AMP forward)
    num_nodes = x.shape[0]
    row, col, norm = _gcn_norm(edge_index, num_nodes)
    gamma = 1.0 / (2.0 * (1.0 - LAMBDA_AMP))
    hh = h
    xk = h
    for _ in range(K):
        LX = xk - _propagate(xk, row, col, norm, num_nodes)
        y = xk - gamma * 2.0 * (1.0 - LAMBDA_AMP) * LX
        xk = hh + _proximal_L21(y - hh, gamma * LAMBDA_AMP)
    return xk

if __name__ == "__main__":
    import jax
    _d = setup_inputs()
    print(jax.jit(kernel)(*tuple(_d.values())))

</pallas_src>

<mosaic_0001>
#map = affine_map<(d0, d1) -> (0, 0)>
#map1 = affine_map<(d0, d1) -> (0, 0, 0)>
module attributes {stable_mosaic.version = 14 : i64} {
  func.func @_sc_prop_body(%arg0: i32, %arg1: i32, %arg2: memref<10112x16xf32, #tpu.memory_space<hbm>>, %arg3: memref<2x2560x128xi32, #tpu.memory_space<hbm>>, %arg4: memref<10112x16xf32, #tpu.memory_space<hbm>>, %arg5: memref<2x10112x16xf32, #tpu.memory_space<hbm>>, %arg6: memref<84x128xi32, #tpu.memory_space<vmem>>, %arg7: memref<80x128xi32, #tpu.memory_space<vmem>>, %arg8: memref<2x4x128x16xf32, #tpu.memory_space<vmem>>, %arg9: memref<10112x16xf32, #tpu.memory_space<vmem_shared>>, %arg10: memref<10112x16xf32, #tpu.memory_space<vmem_shared>>, %arg11: memref<!tpu.dma_semaphore, #tpu.memory_space<semaphore_mem>>, %arg12: memref<!tpu.dma_semaphore, #tpu.memory_space<semaphore_mem>>, %arg13: memref<!tpu.dma_semaphore, #tpu.memory_space<semaphore_mem>>, %arg14: memref<!tpu.dma_semaphore, #tpu.memory_space<semaphore_mem>>) attributes {dimension_semantics = [#tpu.dimension_semantics<core_parallel>, #tpu.dimension_semantics<subcore_parallel>], iteration_bounds = array<i64: 2, 16>, scalar_prefetch = 0 : i64, scratch_operands = 9 : i64, tpu.core_type = #tpu.core_type<sc_vector_subcore>, window_params = [{transform_indices = #map}, {transform_indices = #map1}, {transform_indices = #map}, {transform_indices = #map1}]} {
    %mul3A = arith.constant 2 : i32
    %mul3A_0 = arith.muli %arg1, %mul3A : i32
    %add3A = arith.addi %mul3A_0, %arg0 : i32
    %mul3A_1 = arith.constant 80 : i32
    %mul3A_2 = arith.muli %add3A, %mul3A_1 : i32
    %run_scoped3A = arith.constant 0 : i32
    "tpu.region"() ({
      %run_scoped3A_129 = tpu.sem_alloc : memref<!tpu.dma_semaphore, #tpu.memory_space<semaphore_mem>>
      %dma_start3A_130 = arith.constant 0 : i32
      %dma_start3A_131 = arith.constant 0 : i32
      %dma_start3A_132 = tpu.memref_slice %arg6[%dma_start3A_130, %dma_start3A_131] : memref<84x128xi32, #tpu.memory_space<vmem>> -> memref<80x128xi32, #tpu.memory_space<vmem>>
      %dma_start3A_133 = arith.constant 0 : i32
      %dma_start3A_134 = tpu.memref_slice %arg3[%run_scoped3A, %mul3A_2, %dma_start3A_133] : memref<2x2560x128xi32, #tpu.memory_space<hbm>> -> memref<1x80x128xi32, #tpu.memory_space<hbm>>
      %dma_start3A_135 = tpu.memref_squeeze %dma_start3A_134 : memref<1x80x128xi32, #tpu.memory_space<hbm>> -> memref<80x128xi32, #tpu.memory_space<hbm>>
      %dma_start3A_136 = arith.constant 0 : i32
      %dma_start3A_137 = arith.constant 0 : i32
      %dma_start3A_138 = tpu.memref_slice %arg6[%dma_start3A_136, %dma_start3A_137] : memref<84x128xi32, #tpu.memory_space<vmem>> -> memref<80x128xi32, #tpu.memory_space<vmem>>
      %dma_start3A_139 = arith.constant 0 : i32
      %dma_start3A_140 = tpu.memref_slice %arg3[%run_scoped3A, %mul3A_2, %dma_start3A_139] : memref<2x2560x128xi32, #tpu.memory_space<hbm>> -> memref<1x80x128xi32, #tpu.memory_space<hbm>>
      %dma_start3A_141 = tpu.memref_squeeze %dma_start3A_140 : memref<1x80x128xi32, #tpu.memory_space<hbm>> -> memref<80x128xi32, #tpu.memory_space<hbm>>
      tpu.enqueue_dma source(%dma_start3A_141 : memref<80x128xi32, #tpu.memory_space<hbm>>) target(%dma_start3A_138 : memref<80x128xi32, #tpu.memory_space<vmem>>) target_semaphore(%run_scoped3A_129 : memref<!tpu.dma_semaphore, #tpu.memory_space<semaphore_mem>>)
      %dma_wait3A_142 = arith.constant 0 : i32
      %dma_wait3A_143 = arith.constant 0 : i32
      %dma_wait3A_144 = tpu.memref_slice %arg6[%dma_wait3A_142, %dma_wait3A_143] : memref<84x128xi32, #tpu.memory_space<vmem>> -> memref<80x128xi32, #tpu.memory_space<vmem>>
      %dma_wait3A_145 = arith.constant 0 : i32
      %dma_wait3A_146 = tpu.memref_slice %arg3[%run_scoped3A, %mul3A_2, %dma_wait3A_145] : memref<2x2560x128xi32, #tpu.memory_space<hbm>> -> memref<1x80x128xi32, #tpu.memory_space<hbm>>
      %dma_wait3A_147 = tpu.memref_squeeze %dma_wait3A_146 : memref<1x80x128xi32, #tpu.memory_space<hbm>> -> memref<80x128xi32, #tpu.memory_space<hbm>>
      %dma_wait3A_148 = arith.constant 0 : i32
      %dma_wait3A_149 = arith.constant 0 : i32
      %dma_wait3A_150 = tpu.memref_slice %arg6[%dma_wait3A_148, %dma_wait3A_149] : memref<84x128xi32, #tpu.memory_space<vmem>> -> memref<80x128xi32, #tpu.memory_space<vmem>>
      %dma_wait3A_151 = arith.constant 0 : i32
      %dma_wait3A_152 = tpu.memref_slice %arg3[%run_scoped3A, %mul3A_2, %dma_wait3A_151] : memref<2x2560x128xi32, #tpu.memory_space<hbm>> -> memref<1x80x128xi32, #tpu.memory_space<hbm>>
      %dma_wait3A_153 = tpu.memref_squeeze %dma_wait3A_152 : memref<1x80x128xi32, #tpu.memory_space<hbm>> -> memref<80x128xi32, #tpu.memory_space<hbm>>
      tpu.wait_dma2 semaphore(%run_scoped3A_129 : memref<!tpu.dma_semaphore, #tpu.memory_space<semaphore_mem>>) src(%dma_wait3A_153 : memref<80x128xi32, #tpu.memory_space<hbm>>) dst(%dma_wait3A_150 : memref<80x128xi32, #tpu.memory_space<vmem>>)
      tpu.yield
    }) : () -> ()
    %mul3A_3 = arith.constant 80 : i32
    %mul3A_4 = arith.muli %add3A, %mul3A_3 : i32
    %run_scoped3A_5 = arith.constant 0 : i32
    "tpu.region"() ({
      %run_scoped3A_129 = tpu.sem_alloc : memref<!tpu.dma_semaphore, #tpu.memory_space<semaphore_mem>>
      %dma_start3A_130 = arith.constant 80 : i32
      %dma_start3A_131 = arith.constant 0 : i32
      %dma_start3A_132 = tpu.memref_slice %arg6[%dma_start3A_130, %dma_start3A_131] : memref<84x128xi32, #tpu.memory_space<vmem>> -> memref<4x128xi32, #tpu.memory_space<vmem>>
      %dma_start3A_133 = arith.constant 0 : i32
      %dma_start3A_134 = tpu.memref_slice %arg3[%run_scoped3A_5, %mul3A_4, %dma_start3A_133] : memref<2x2560x128xi32, #tpu.memory_space<hbm>> -> memref<1x4x128xi32, #tpu.memory_space<hbm>>
      %dma_start3A_135 = tpu.memref_squeeze %dma_start3A_134 : memref<1x4x128xi32, #tpu.memory_space<hbm>> -> memref<4x128xi32, #tpu.memory_space<hbm>>
      %dma_start3A_136 = arith.constant 80 : i32
      %dma_start3A_137 = arith.constant 0 : i32
      %dma_start3A_138 = tpu.memref_slice %arg6[%dma_start3A_136, %dma_start3A_137] : memref<84x128xi32, #tpu.memory_space<vmem>> -> memref<4x128xi32, #tpu.memory_space<vmem>>
      %dma_start3A_139 = arith.constant 0 : i32
      %dma_start3A_140 = tpu.memref_slice %arg3[%run_scoped3A_5, %mul3A_4, %dma_start3A_139] : memref<2x2560x128xi32, #tpu.memory_space<hbm>> -> memref<1x4x128xi32, #tpu.memory_space<hbm>>
      %dma_start3A_141 = tpu.memref_squeeze %dma_start3A_140 : memref<1x4x128xi32, #tpu.memory_space<hbm>> -> memref<4x128xi32, #tpu.memory_space<hbm>>
      tpu.enqueue_dma source(%dma_start3A_141 : memref<4x128xi32, #tpu.memory_space<hbm>>) target(%dma_start3A_138 : memref<4x128xi32, #tpu.memory_space<vmem>>) target_semaphore(%run_scoped3A_129 : memref<!tpu.dma_semaphore, #tpu.memory_space<semaphore_mem>>)
      %dma_wait3A_142 = arith.constant 80 : i32
      %dma_wait3A_143 = arith.constant 0 : i32
      %dma_wait3A_144 = tpu.memref_slice %arg6[%dma_wait3A_142, %dma_wait3A_143] : memref<84x128xi32, #tpu.memory_space<vmem>> -> memref<4x128xi32, #tpu.memory_space<vmem>>
      %dma_wait3A_145 = arith.constant 0 : i32
      %dma_wait3A_146 = tpu.memref_slice %arg3[%run_scoped3A_5, %mul3A_4, %dma_wait3A_145] : memref<2x2560x128xi32, #tpu.memory_space<hbm>> -> memref<1x4x128xi32, #tpu.memory_space<hbm>>
      %dma_wait3A_147 = tpu.memref_squeeze %dma_wait3A_146 : memref<1x4x128xi32, #tpu.memory_space<hbm>> -> memref<4x128xi32, #tpu.memory_space<hbm>>
      %dma_wait3A_148 = arith.constant 80 : i32
      %dma_wait3A_149 = arith.constant 0 : i32
      %dma_wait3A_150 = tpu.memref_slice %arg6[%dma_wait3A_148, %dma_wait3A_149] : memref<84x128xi32, #tpu.memory_space<vmem>> -> memref<4x128xi32, #tpu.memory_space<vmem>>
      %dma_wait3A_151 = arith.constant 0 : i32
      %dma_wait3A_152 = tpu.memref_slice %arg3[%run_scoped3A_5, %mul3A_4, %dma_wait3A_151] : memref<2x2560x128xi32, #tpu.memory_space<hbm>> -> memref<1x4x128xi32, #tpu.memory_space<hbm>>
      %dma_wait3A_153 = tpu.memref_squeeze %dma_wait3A_152 : memref<1x4x128xi32, #tpu.memory_space<hbm>> -> memref<4x128xi32, #tpu.memory_space<hbm>>
      tpu.wait_dma2 semaphore(%run_scoped3A_129 : memref<!tpu.dma_semaphore, #tpu.memory_space<semaphore_mem>>) src(%dma_wait3A_153 : memref<4x128xi32, #tpu.memory_space<hbm>>) dst(%dma_wait3A_150 : memref<4x128xi32, #tpu.memory_space<vmem>>)
      tpu.yield
    }) : () -> ()
    %mul3A_6 = arith.constant 80 : i32
    %mul3A_7 = arith.muli %add3A, %mul3A_6 : i32
    %run_scoped3A_8 = arith.constant 1 : i32
    "tpu.region"() ({
      %run_scoped3A_129 = tpu.sem_alloc : memref<!tpu.dma_semaphore, #tpu.memory_space<semaphore_mem>>
      %dma_start3A_130 = arith.constant 0 : i32
      %dma_start3A_131 = tpu.memref_slice %arg3[%run_scoped3A_8, %mul3A_7, %dma_start3A_130] : memref<2x2560x128xi32, #tpu.memory_space<hbm>> -> memref<1x80x128xi32, #tpu.memory_space<hbm>>
      %dma_start3A_132 = tpu.memref_squeeze %dma_start3A_131 : memref<1x80x128xi32, #tpu.memory_space<hbm>> -> memref<80x128xi32, #tpu.memory_space<hbm>>
      %dma_start3A_133 = arith.constant 0 : i32
      %dma_start3A_134 = tpu.memref_slice %arg3[%run_scoped3A_8, %mul3A_7, %dma_start3A_133] : memref<2x2560x128xi32, #tpu.memory_space<hbm>> -> memref<1x80x128xi32, #tpu.memory_space<hbm>>
      %dma_start3A_135 = tpu.memref_squeeze %dma_start3A_134 : memref<1x80x128xi32, #tpu.memory_space<hbm>> -> memref<80x128xi32, #tpu.memory_space<hbm>>
      tpu.enqueue_dma source(%dma_start3A_135 : memref<80x128xi32, #tpu.memory_space<hbm>>) target(%arg7 : memref<80x128xi32, #tpu.memory_space<vmem>>) target_semaphore(%run_scoped3A_129 : memref<!tpu.dma_semaphore, #tpu.memory_space<semaphore_mem>>)
      %dma_wait3A_136 = arith.constant 0 : i32
      %dma_wait3A_137 = tpu.memref_slice %arg3[%run_scoped3A_8, %mul3A_7, %dma_wait3A_136] : memref<2x2560x128xi32, #tpu.memory_space<hbm>> -> memref<1x80x128xi32, #tpu.memory_space<hbm>>
      %dma_wait3A_138 = tpu.memref_squeeze %dma_wait3A_137 : memref<1x80x128xi32, #tpu.memory_space<hbm>> -> memref<80x128xi32, #tpu.memory_space<hbm>>
      %dma_wait3A_139 = arith.constant 0 : i32
      %dma_wait3A_140 = tpu.memref_slice %arg3[%run_scoped3A_8, %mul3A_7, %dma_wait3A_139] : memref<2x2560x128xi32, #tpu.memory_space<hbm>> -> memref<1x80x128xi32, #tpu.memory_space<hbm>>
      %dma_wait3A_141 = tpu.memref_squeeze %dma_wait3A_140 : memref<1x80x128xi32, #tpu.memory_space<hbm>> -> memref<80x128xi32, #tpu.memory_space<hbm>>
      tpu.wait_dma2 semaphore(%run_scoped3A_129 : memref<!tpu.dma_semaphore, #tpu.memory_space<semaphore_mem>>) src(%dma_wait3A_141 : memref<80x128xi32, #tpu.memory_space<hbm>>) dst(%arg7 : memref<80x128xi32, #tpu.memory_space<vmem>>)
      tpu.yield
    }) : () -> ()
    %mul3A_9 = arith.constant 632 : i32
    %mul3A_10 = arith.muli %arg1, %mul3A_9 : i32
    %mul3A_11 = arith.constant 632 : i32
    %mul3A_12 = arith.muli %arg1, %mul3A_11 : i32
    "tpu.region"() ({
      %run_scoped3A_129 = tpu.sem_alloc : memref<!tpu.dma_semaphore, #tpu.memory_space<semaphore_mem>>
      %dma_start3A_130 = arith.constant 0 : i32
      %dma_start3A_131 = tpu.memref_slice %arg9[%mul3A_12, %dma_start3A_130] : memref<10112x16xf32, #tpu.memory_space<vmem_shared>> -> memref<632x16xf32, #tpu.memory_space<vmem_shared>>
      %dma_start3A_132 = arith.constant 0 : i32
      %dma_start3A_133 = tpu.memref_slice %arg2[%mul3A_10, %dma_start3A_132] : memref<10112x16xf32, #tpu.memory_space<hbm>> -> memref<632x16xf32, #tpu.memory_space<hbm>>
      tpu.enqueue_dma source(%dma_start3A_133 : memref<632x16xf32, #tpu.memory_space<hbm>>) target(%dma_start3A_131 : memref<632x16xf32, #tpu.memory_space<vmem_shared>>) target_semaphore(%run_scoped3A_129 : memref<!tpu.dma_semaphore, #tpu.memory_space<semaphore_mem>>)
      %dma_wait3A_134 = arith.constant 0 : i32
      %dma_wait3A_135 = tpu.memref_slice %arg9[%mul3A_12, %dma_wait3A_134] : memref<10112x16xf32, #tpu.memory_space<vmem_shared>> -> memref<632x16xf32, #tpu.memory_space<vmem_shared>>
      %dma_wait3A_136 = arith.constant 0 : i32
      %dma_wait3A_137 = tpu.memref_slice %arg2[%mul3A_10, %dma_wait3A_136] : memref<10112x16xf32, #tpu.memory_space<hbm>> -> memref<632x16xf32, #tpu.memory_space<hbm>>
      tpu.wait_dma2 semaphore(%run_scoped3A_129 : memref<!tpu.dma_semaphore, #tpu.memory_space<semaphore_mem>>) src(%dma_wait3A_137 : memref<632x16xf32, #tpu.memory_space<hbm>>) dst(%dma_wait3A_135 : memref<632x16xf32, #tpu.memory_space<vmem_shared>>)
      tpu.yield
    }) : () -> ()
    %mul3A_13 = arith.constant 632 : i32
    %mul3A_14 = arith.muli %arg1, %mul3A_13 : i32
    %mul3A_15 = arith.constant 632 : i32
    %mul3A_16 = arith.muli %arg1, %mul3A_15 : i32
    "tpu.region"() ({
      %run_scoped3A_129 = tpu.sem_alloc : memref<!tpu.dma_semaphore, #tpu.memory_space<semaphore_mem>>
      %dma_start3A_130 = arith.constant 0 : i32
      %dma_start3A_131 = tpu.memref_slice %arg10[%mul3A_16, %dma_start3A_130] : memref<10112x16xf32, #tpu.memory_space<vmem_shared>> -> memref<632x16xf32, #tpu.memory_space<vmem_shared>>
      %dma_start3A_132 = arith.constant 0 : i32
      %dma_start3A_133 = tpu.memref_slice %arg4[%mul3A_14, %dma_start3A_132] : memref<10112x16xf32, #tpu.memory_space<hbm>> -> memref<632x16xf32, #tpu.memory_space<hbm>>
      tpu.enqueue_dma source(%dma_start3A_133 : memref<632x16xf32, #tpu.memory_space<hbm>>) target(%dma_start3A_131 : memref<632x16xf32, #tpu.memory_space<vmem_shared>>) target_semaphore(%run_scoped3A_129 : memref<!tpu.dma_semaphore, #tpu.memory_space<semaphore_mem>>)
      %dma_wait3A_134 = arith.constant 0 : i32
      %dma_wait3A_135 = tpu.memref_slice %arg10[%mul3A_16, %dma_wait3A_134] : memref<10112x16xf32, #tpu.memory_space<vmem_shared>> -> memref<632x16xf32, #tpu.memory_space<vmem_shared>>
      %dma_wait3A_136 = arith.constant 0 : i32
      %dma_wait3A_137 = tpu.memref_slice %arg4[%mul3A_14, %dma_wait3A_136] : memref<10112x16xf32, #tpu.memory_space<hbm>> -> memref<632x16xf32, #tpu.memory_space<hbm>>
      tpu.wait_dma2 semaphore(%run_scoped3A_129 : memref<!tpu.dma_semaphore, #tpu.memory_space<semaphore_mem>>) src(%dma_wait3A_137 : memref<632x16xf32, #tpu.memory_space<hbm>>) dst(%dma_wait3A_135 : memref<632x16xf32, #tpu.memory_space<vmem_shared>>)
      tpu.yield
    }) : () -> ()
    %barrier3A = arith.constant 0 : index
    tpu.barrier barrier_id(%barrier3A)
    %dma_start3A = arith.constant 0 : i32
    %dma_start3A_17 = arith.constant 0 : i32
    %dma_start3A_18 = arith.constant 0 : i32
    %dma_start3A_19 = arith.constant 0 : i32
    %dma_start3A_20 = arith.constant 0 : i32
    %dma_start3A_21 = tpu.memref_slice %arg8[%dma_start3A_17, %dma_start3A_18, %dma_start3A_19, %dma_start3A_20] : memref<2x4x128x16xf32, #tpu.memory_space<vmem>> -> memref<1x1x128x16xf32, #tpu.memory_space<vmem>>
    %dma_start3A_22 = tpu.memref_squeeze %dma_start3A_21 : memref<1x1x128x16xf32, #tpu.memory_space<vmem>> -> memref<128x16xf32, #tpu.memory_space<vmem>>
    %dma_start3A_23 = arith.constant 0 : i32
    %dma_start3A_24 = tpu.memref_slice %arg6[%dma_start3A, %dma_start3A_23] : memref<84x128xi32, #tpu.memory_space<vmem>> -> memref<1x128xi32, #tpu.memory_space<vmem>>
    %dma_start3A_25 = tpu.memref_squeeze %dma_start3A_24 : memref<1x128xi32, #tpu.memory_space<vmem>> -> memref<128xi32, #tpu.memory_space<vmem>>
    %dma_start3A_26 = arith.constant 0 : i32
    %dma_start3A_27 = arith.constant 0 : i32
    %dma_start3A_28 = tpu.memref_slice %arg9[%dma_start3A_26, %dma_start3A_27] : memref<10112x16xf32, #tpu.memory_space<vmem_shared>> -> memref<10112x16xf32, #tpu.memory_space<vmem_shared>>
    tpu.enqueue_indirect_dma source(%dma_start3A_28 : memref<10112x16xf32, #tpu.memory_space<vmem_shared>>) target(%dma_start3A_22 : memref<128x16xf32, #tpu.memory_space<vmem>>) offsets(%dma_start3A_25 : memref<128xi32, #tpu.memory_space<vmem>>) semaphore(%arg11 : memref<!tpu.dma_semaphore, #tpu.memory_space<semaphore_mem>>)
    %dma_start3A_29 = arith.constant 1 : i32
    %dma_start3A_30 = arith.constant 0 : i32
    %dma_start3A_31 = arith.constant 1 : i32
    %dma_start3A_32 = arith.constant 0 : i32
    %dma_start3A_33 = arith.constant 0 : i32
    %dma_start3A_34 = tpu.memref_slice %arg8[%dma_start3A_30, %dma_start3A_31, %dma_start3A_32, %dma_start3A_33] : memref<2x4x128x16xf32, #tpu.memory_space<vmem>> -> memref<1x1x128x16xf32, #tpu.memory_space<vmem>>
    %dma_start3A_35 = tpu.memref_squeeze %dma_start3A_34 : memref<1x1x128x16xf32, #tpu.memory_space<vmem>> -> memref<128x16xf32, #tpu.memory_space<vmem>>
    %dma_start3A_36 = arith.constant 0 : i32
    %dma_start3A_37 = tpu.memref_slice %arg6[%dma_start3A_29, %dma_start3A_36] : memref<84x128xi32, #tpu.memory_space<vmem>> -> memref<1x128xi32, #tpu.memory_space<vmem>>
    %dma_start3A_38 = tpu.memref_squeeze %dma_start3A_37 : memref<1x128xi32, #tpu.memory_space<vmem>> -> memref<128xi32, #tpu.memory_space<vmem>>
    %dma_start3A_39 = arith.constant 0 : i32
    %dma_start3A_40 = arith.constant 0 : i32
    %dma_start3A_41 = tpu.memref_slice %arg9[%dma_start3A_39, %dma_start3A_40] : memref<10112x16xf32, #tpu.memory_space<vmem_shared>> -> memref<10112x16xf32, #tpu.memory_space<vmem_shared>>
    tpu.enqueue_indirect_dma source(%dma_start3A_41 : memref<10112x16xf32, #tpu.memory_space<vmem_shared>>) target(%dma_start3A_35 : memref<128x16xf32, #tpu.memory_space<vmem>>) offsets(%dma_start3A_38 : memref<128xi32, #tpu.memory_space<vmem>>) semaphore(%arg11 : memref<!tpu.dma_semaphore, #tpu.memory_space<semaphore_mem>>)
    %dma_start3A_42 = arith.constant 2 : i32
    %dma_start3A_43 = arith.constant 0 : i32
    %dma_start3A_44 = arith.constant 2 : i32
    %dma_start3A_45 = arith.constant 0 : i32
    %dma_start3A_46 = arith.constant 0 : i32
    %dma_start3A_47 = tpu.memref_slice %arg8[%dma_start3A_43, %dma_start3A_44, %dma_start3A_45, %dma_start3A_46] : memref<2x4x128x16xf32, #tpu.memory_space<vmem>> -> memref<1x1x128x16xf32, #tpu.memory_space<vmem>>
    %dma_start3A_48 = tpu.memref_squeeze %dma_start3A_47 : memref<1x1x128x16xf32, #tpu.memory_space<vmem>> -> memref<128x16xf32, #tpu.memory_space<vmem>>
    %dma_start3A_49 = arith.constant 0 : i32
    %dma_start3A_50 = tpu.memref_slice %arg6[%dma_start3A_42, %dma_start3A_49] : memref<84x128xi32, #tpu.memory_space<vmem>> -> memref<1x128xi32, #tpu.memory_space<vmem>>
    %dma_start3A_51 = tpu.memref_squeeze %dma_start3A_50 : memref<1x128xi32, #tpu.memory_space<vmem>> -> memref<128xi32, #tpu.memory_space<vmem>>
    %dma_start3A_52 = arith.constant 0 : i32
    %dma_start3A_53 = arith.constant 0 : i32
    %dma_start3A_54 = tpu.memref_slice %arg9[%dma_start3A_52, %dma_start3A_53] : memref<10112x16xf32, #tpu.memory_space<vmem_shared>> -> memref<10112x16xf32, #tpu.memory_space<vmem_shared>>
    tpu.enqueue_indirect_dma source(%dma_start3A_54 : memref<10112x16xf32, #tpu.memory_space<vmem_shared>>) target(%dma_start3A_48 : memref<128x16xf32, #tpu.memory_space<vmem>>) offsets(%dma_start3A_51 : memref<128xi32, #tpu.memory_space<vmem>>) semaphore(%arg11 : memref<!tpu.dma_semaphore, #tpu.memory_space<semaphore_mem>>)
    %dma_start3A_55 = arith.constant 3 : i32
    %dma_start3A_56 = arith.constant 0 : i32
    %dma_start3A_57 = arith.constant 3 : i32
    %dma_start3A_58 = arith.constant 0 : i32
    %dma_start3A_59 = arith.constant 0 : i32
    %dma_start3A_60 = tpu.memref_slice %arg8[%dma_start3A_56, %dma_start3A_57, %dma_start3A_58, %dma_start3A_59] : memref<2x4x128x16xf32, #tpu.memory_space<vmem>> -> memref<1x1x128x16xf32, #tpu.memory_space<vmem>>
    %dma_start3A_61 = tpu.memref_squeeze %dma_start3A_60 : memref<1x1x128x16xf32, #tpu.memory_space<vmem>> -> memref<128x16xf32, #tpu.memory_space<vmem>>
    %dma_start3A_62 = arith.constant 0 : i32
    %dma_start3A_63 = tpu.memref_slice %arg6[%dma_start3A_55, %dma_start3A_62] : memref<84x128xi32, #tpu.memory_space<vmem>> -> memref<1x128xi32, #tpu.memory_space<vmem>>
    %dma_start3A_64 = tpu.memref_squeeze %dma_start3A_63 : memref<1x128xi32, #tpu.memory_space<vmem>> -> memref<128xi32, #tpu.memory_space<vmem>>
    %dma_start3A_65 = arith.constant 0 : i32
    %dma_start3A_66 = arith.constant 0 : i32
    %dma_start3A_67 = tpu.memref_slice %arg9[%dma_start3A_65, %dma_start3A_66] : memref<10112x16xf32, #tpu.memory_space<vmem_shared>> -> memref<10112x16xf32, #tpu.memory_space<vmem_shared>>
    tpu.enqueue_indirect_dma source(%dma_start3A_67 : memref<10112x16xf32, #tpu.memory_space<vmem_shared>>) target(%dma_start3A_61 : memref<128x16xf32, #tpu.memory_space<vmem>>) offsets(%dma_start3A_64 : memref<128xi32, #tpu.memory_space<vmem>>) semaphore(%arg11 : memref<!tpu.dma_semaphore, #tpu.memory_space<semaphore_mem>>)
    %scan3A = arith.constant 0 : i32
    %scan3A_68 = arith.constant 0 : i32
    %scan3A_69 = arith.constant 10 : i32
    %scan3A_70 = arith.addi %scan3A_68, %scan3A_69 : i32
    %scan3A_71 = arith.constant 1 : i32
    scf.for %scan3A_129 = %scan3A_68 to %scan3A_70 step %scan3A_71  : i32 {
      %mul3A_130 = arith.constant 2 : i32
      %mul3A_131 = arith.muli %mul3A_130, %scan3A_129 : i32
      %mul3A_132 = arith.constant 2 : i32
      %mul3A_133 = arith.muli %mul3A_132, %scan3A_129 : i32
      %add3A_134 = arith.constant 1 : i32
      %add3A_135 = arith.addi %mul3A_133, %add3A_134 : i32
      %mul3A_136 = arith.constant 4 : i32
      %mul3A_137 = arith.muli %mul3A_131, %mul3A_136 : i32
      %add3A_138 = arith.constant 0 : i32
      %add3A_139 = arith.addi %mul3A_137, %add3A_138 : i32
      %dma_wait3A_140 = arith.constant 0 : i32
      %dma_wait3A_141 = arith.constant 0 : i32
      %dma_wait3A_142 = arith.constant 0 : i32
      %dma_wait3A_143 = arith.constant 0 : i32
      %dma_wait3A_144 = tpu.memref_slice %arg8[%dma_wait3A_140, %dma_wait3A_141, %dma_wait3A_142, %dma_wait3A_143] : memref<2x4x128x16xf32, #tpu.memory_space<vmem>> -> memref<1x1x128x16xf32, #tpu.memory_space<vmem>>
      %dma_wait3A_145 = tpu.memref_squeeze %dma_wait3A_144 : memref<1x1x128x16xf32, #tpu.memory_space<vmem>> -> memref<128x16xf32, #tpu.memory_space<vmem>>
      %dma_wait3A_146 = arith.constant 0 : i32
      %dma_wait3A_147 = tpu.memref_slice %arg6[%add3A_139, %dma_wait3A_146] : memref<84x128xi32, #tpu.memory_space<vmem>> -> memref<1x128xi32, #tpu.memory_space<vmem>>
      %dma_wait3A_148 = tpu.memref_squeeze %dma_wait3A_147 : memref<1x128xi32, #tpu.memory_space<vmem>> -> memref<128xi32, #tpu.memory_space<vmem>>
      %dma_wait3A_149 = arith.constant 0 : i32
      %dma_wait3A_150 = arith.constant 0 : i32
      %dma_wait3A_151 = tpu.memref_slice %arg9[%dma_wait3A_149, %dma_wait3A_150] : memref<10112x16xf32, #tpu.memory_space<vmem_shared>> -> memref<10112x16xf32, #tpu.memory_space<vmem_shared>>
      tpu.wait_indirect_dma semaphore(%arg11 : memref<!tpu.dma_semaphore, #tpu.memory_space<semaphore_mem>>) src(%dma_wait3A_151 : memref<10112x16xf32, #tpu.memory_space<vmem_shared>>) dst(%dma_wait3A_145 : memref<128x16xf32, #tpu.memory_space<vmem>>)
      %mul3A_152 = arith.constant 4 : i32
      %mul3A_153 = arith.muli %mul3A_131, %mul3A_152 : i32
      %add3A_154 = arith.constant 1 : i32
      %add3A_155 = arith.addi %mul3A_153, %add3A_154 : i32
      %dma_wait3A_156 = arith.constant 0 : i32
      %dma_wait3A_157 = arith.constant 1 : i32
      %dma_wait3A_158 = arith.constant 0 : i32
      %dma_wait3A_159 = arith.constant 0 : i32
      %dma_wait3A_160 = tpu.memref_slice %arg8[%dma_wait3A_156, %dma_wait3A_157, %dma_wait3A_158, %dma_wait3A_159] : memref<2x4x128x16xf32, #tpu.memory_space<vmem>> -> memref<1x1x128x16xf32, #tpu.memory_space<vmem>>
      %dma_wait3A_161 = tpu.memref_squeeze %dma_wait3A_160 : memref<1x1x128x16xf32, #tpu.memory_space<vmem>> -> memref<128x16xf32, #tpu.memory_space<vmem>>
      %dma_wait3A_162 = arith.constant 0 : i32
      %dma_wait3A_163 = tpu.memref_slice %arg6[%add3A_155, %dma_wait3A_162] : memref<84x128xi32, #tpu.memory_space<vmem>> -> memref<1x128xi32, #tpu.memory_space<vmem>>
      %dma_wait3A_164 = tpu.memref_squeeze %dma_wait3A_163 : memref<1x128xi32, #tpu.memory_space<vmem>> -> memref<128xi32, #tpu.memory_space<vmem>>
      %dma_wait3A_165 = arith.constant 0 : i32
      %dma_wait3A_166 = arith.constant 0 : i32
      %dma_wait3A_167 = tpu.memref_slice %arg9[%dma_wait3A_165, %dma_wait3A_166] : memref<10112x16xf32, #tpu.memory_space<vmem_shared>> -> memref<10112x16xf32, #tpu.memory_space<vmem_shared>>
      tpu.wait_indirect_dma semaphore(%arg11 : memref<!tpu.dma_semaphore, #tpu.memory_space<semaphore_mem>>) src(%dma_wait3A_167 : memref<10112x16xf32, #tpu.memory_space<vmem_shared>>) dst(%dma_wait3A_161 : memref<128x16xf32, #tpu.memory_space<vmem>>)
      %mul3A_168 = arith.constant 4 : i32
      %mul3A_169 = arith.muli %mul3A_131, %mul3A_168 : i32
      %add3A_170 = arith.constant 2 : i32
      %add3A_171 = arith.addi %mul3A_169, %add3A_170 : i32
      %dma_wait3A_172 = arith.constant 0 : i32
      %dma_wait3A_173 = arith.constant 2 : i32
      %dma_wait3A_174 = arith.constant 0 : i32
      %dma_wait3A_175 = arith.constant 0 : i32
      %dma_wait3A_176 = tpu.memref_slice %arg8[%dma_wait3A_172, %dma_wait3A_173, %dma_wait3A_174, %dma_wait3A_175] : memref<2x4x128x16xf32, #tpu.memory_space<vmem>> -> memref<1x1x128x16xf32, #tpu.memory_space<vmem>>
      %dma_wait3A_177 = tpu.memref_squeeze %dma_wait3A_176 : memref<1x1x128x16xf32, #tpu.memory_space<vmem>> -> memref<128x16xf32, #tpu.memory_space<vmem>>
      %dma_wait3A_178 = arith.constant 0 : i32
      %dma_wait3A_179 = tpu.memref_slice %arg6[%add3A_171, %dma_wait3A_178] : memref<84x128xi32, #tpu.memory_space<vmem>> -> memref<1x128xi32, #tpu.memory_space<vmem>>
      %dma_wait3A_180 = tpu.memref_squeeze %dma_wait3A_179 : memref<1x128xi32, #tpu.memory_space<vmem>> -> memref<128xi32, #tpu.memory_space<vmem>>
      %dma_wait3A_181 = arith.constant 0 : i32
      %dma_wait3A_182 = arith.constant 0 : i32
      %dma_wait3A_183 = tpu.memref_slice %arg9[%dma_wait3A_181, %dma_wait3A_182] : memref<10112x16xf32, #tpu.memory_space<vmem_shared>> -> memref<10112x16xf32, #tpu.memory_space<vmem_shared>>
      tpu.wait_indirect_dma semaphore(%arg11 : memref<!tpu.dma_semaphore, #tpu.memory_space<semaphore_mem>>) src(%dma_wait3A_183 : memref<10112x16xf32, #tpu.memory_space<vmem_shared>>) dst(%dma_wait3A_177 : memref<128x16xf32, #tpu.memory_space<vmem>>)
      %mul3A_184 = arith.constant 4 : i32
      %mul3A_185 = arith.muli %mul3A_131, %mul3A_184 : i32
      %add3A_186 = arith.constant 3 : i32
      %add3A_187 = arith.addi %mul3A_185, %add3A_186 : i32
      %dma_wait3A_188 = arith.constant 0 : i32
      %dma_wait3A_189 = arith.constant 3 : i32
      %dma_wait3A_190 = arith.constant 0 : i32
      %dma_wait3A_191 = arith.constant 0 : i32
      %dma_wait3A_192 = tpu.memref_slice %arg8[%dma_wait3A_188, %dma_wait3A_189, %dma_wait3A_190, %dma_wait3A_191] : memref<2x4x128x16xf32, #tpu.memory_space<vmem>> -> memref<1x1x128x16xf32, #tpu.memory_space<vmem>>
      %dma_wait3A_193 = tpu.memref_squeeze %dma_wait3A_192 : memref<1x1x128x16xf32, #tpu.memory_space<vmem>> -> memref<128x16xf32, #tpu.memory_space<vmem>>
      %dma_wait3A_194 = arith.constant 0 : i32
      %dma_wait3A_195 = tpu.memref_slice %arg6[%add3A_187, %dma_wait3A_194] : memref<84x128xi32, #tpu.memory_space<vmem>> -> memref<1x128xi32, #tpu.memory_space<vmem>>
      %dma_wait3A_196 = tpu.memref_squeeze %dma_wait3A_195 : memref<1x128xi32, #tpu.memory_space<vmem>> -> memref<128xi32, #tpu.memory_space<vmem>>
      %dma_wait3A_197 = arith.constant 0 : i32
      %dma_wait3A_198 = arith.constant 0 : i32
      %dma_wait3A_199 = tpu.memref_slice %arg9[%dma_wait3A_197, %dma_wait3A_198] : memref<10112x16xf32, #tpu.memory_space<vmem_shared>> -> memref<10112x16xf32, #tpu.memory_space<vmem_shared>>
      tpu.wait_indirect_dma semaphore(%arg11 : memref<!tpu.dma_semaphore, #tpu.memory_space<semaphore_mem>>) src(%dma_wait3A_199 : memref<10112x16xf32, #tpu.memory_space<vmem_shared>>) dst(%dma_wait3A_193 : memref<128x16xf32, #tpu.memory_space<vmem>>)
      %mul3A_200 = arith.constant 4 : i32
      %mul3A_201 = arith.muli %add3A_135, %mul3A_200 : i32
      %add3A_202 = arith.constant 0 : i32
      %add3A_203 = arith.addi %mul3A_201, %add3A_202 : i32
      %dma_start3A_204 = arith.constant 1 : i32
      %dma_start3A_205 = arith.constant 0 : i32
      %dma_start3A_206 = arith.constant 0 : i32
      %dma_start3A_207 = arith.constant 0 : i32
      %dma_start3A_208 = tpu.memref_slice %arg8[%dma_start3A_204, %dma_start3A_205, %dma_start3A_206, %dma_start3A_207] : memref<2x4x128x16xf32, #tpu.memory_space<vmem>> -> memref<1x1x128x16xf32, #tpu.memory_space<vmem>>
      %dma_start3A_209 = tpu.memref_squeeze %dma_start3A_208 : memref<1x1x128x16xf32, #tpu.memory_space<vmem>> -> memref<128x16xf32, #tpu.memory_space<vmem>>
      %dma_start3A_210 = arith.constant 0 : i32
      %dma_start3A_211 = tpu.memref_slice %arg6[%add3A_203, %dma_start3A_210] : memref<84x128xi32, #tpu.memory_space<vmem>> -> memref<1x128xi32, #tpu.memory_space<vmem>>
      %dma_start3A_212 = tpu.memref_squeeze %dma_start3A_211 : memref<1x128xi32, #tpu.memory_space<vmem>> -> memref<128xi32, #tpu.memory_space<vmem>>
      %dma_start3A_213 = arith.constant 0 : i32
      %dma_start3A_214 = arith.constant 0 : i32
      %dma_start3A_215 = tpu.memref_slice %arg9[%dma_start3A_213, %dma_start3A_214] : memref<10112x16xf32, #tpu.memory_space<vmem_shared>> -> memref<10112x16xf32, #tpu.memory_space<vmem_shared>>
      tpu.enqueue_indirect_dma source(%dma_start3A_215 : memref<10112x16xf32, #tpu.memory_space<vmem_shared>>) target(%dma_start3A_209 : memref<128x16xf32, #tpu.memory_space<vmem>>) offsets(%dma_start3A_212 : memref<128xi32, #tpu.memory_space<vmem>>) semaphore(%arg12 : memref<!tpu.dma_semaphore, #tpu.memory_space<semaphore_mem>>)
      %mul3A_216 = arith.constant 4 : i32
      %mul3A_217 = arith.muli %add3A_135, %mul3A_216 : i32
      %add3A_218 = arith.constant 1 : i32
      %add3A_219 = arith.addi %mul3A_217, %add3A_218 : i32
      %dma_start3A_220 = arith.constant 1 : i32
      %dma_start3A_221 = arith.constant 1 : i32
      %dma_start3A_222 = arith.constant 0 : i32
      %dma_start3A_223 = arith.constant 0 : i32
      %dma_start3A_224 = tpu.memref_slice %arg8[%dma_start3A_220, %dma_start3A_221, %dma_start3A_222, %dma_start3A_223] : memref<2x4x128x16xf32, #tpu.memory_space<vmem>> -> memref<1x1x128x16xf32, #tpu.memory_space<vmem>>
      %dma_start3A_225 = tpu.memref_squeeze %dma_start3A_224 : memref<1x1x128x16xf32, #tpu.memory_space<vmem>> -> memref<128x16xf32, #tpu.memory_space<vmem>>
      %dma_start3A_226 = arith.constant 0 : i32
      %dma_start3A_227 = tpu.memref_slice %arg6[%add3A_219, %dma_start3A_226] : memref<84x128xi32, #tpu.memory_space<vmem>> -> memref<1x128xi32, #tpu.memory_space<vmem>>
      %dma_start3A_228 = tpu.memref_squeeze %dma_start3A_227 : memref<1x128xi32, #tpu.memory_space<vmem>> -> memref<128xi32, #tpu.memory_space<vmem>>
      %dma_start3A_229 = arith.constant 0 : i32
      %dma_start3A_230 = arith.constant 0 : i32
      %dma_start3A_231 = tpu.memref_slice %arg9[%dma_start3A_229, %dma_start3A_230] : memref<10112x16xf32, #tpu.memory_space<vmem_shared>> -> memref<10112x16xf32, #tpu.memory_space<vmem_shared>>
      tpu.enqueue_indirect_dma source(%dma_start3A_231 : memref<10112x16xf32, #tpu.memory_space<vmem_shared>>) target(%dma_start3A_225 : memref<128x16xf32, #tpu.memory_space<vmem>>) offsets(%dma_start3A_228 : memref<128xi32, #tpu.memory_space<vmem>>) semaphore(%arg12 : memref<!tpu.dma_semaphore, #tpu.memory_space<semaphore_mem>>)
      %mul3A_232 = arith.constant 4 : i32
      %mul3A_233 = arith.muli %add3A_135, %mul3A_232 : i32
      %add3A_234 = arith.constant 2 : i32
      %add3A_235 = arith.addi %mul3A_233, %add3A_234 : i32
      %dma_start3A_236 = arith.constant 1 : i32
      %dma_start3A_237 = arith.constant 2 : i32
      %dma_start3A_238 = arith.constant 0 : i32
      %dma_start3A_239 = arith.constant 0 : i32
      %dma_start3A_240 = tpu.memref_slice %arg8[%dma_start3A_236, %dma_start3A_237, %dma_start3A_238, %dma_start3A_239] : memref<2x4x128x16xf32, #tpu.memory_space<vmem>> -> memref<1x1x128x16xf32, #tpu.memory_space<vmem>>
      %dma_start3A_241 = tpu.memref_squeeze %dma_start3A_240 : memref<1x1x128x16xf32, #tpu.memory_space<vmem>> -> memref<128x16xf32, #tpu.memory_space<vmem>>
      %dma_start3A_242 = arith.constant 0 : i32
      %dma_start3A_243 = tpu.memref_slice %arg6[%add3A_235, %dma_start3A_242] : memref<84x128xi32, #tpu.memory_space<vmem>> -> memref<1x128xi32, #tpu.memory_space<vmem>>
      %dma_start3A_244 = tpu.memref_squeeze %dma_start3A_243 : memref<1x128xi32, #tpu.memory_space<vmem>> -> memref<128xi32, #tpu.memory_space<vmem>>
      %dma_start3A_245 = arith.constant 0 : i32
      %dma_start3A_246 = arith.constant 0 : i32
      %dma_start3A_247 = tpu.memref_slice %arg9[%dma_start3A_245, %dma_start3A_246] : memref<10112x16xf32, #tpu.memory_space<vmem_shared>> -> memref<10112x16xf32, #tpu.memory_space<vmem_shared>>
      tpu.enqueue_indirect_dma source(%dma_start3A_247 : memref<10112x16xf32, #tpu.memory_space<vmem_shared>>) target(%dma_start3A_241 : memref<128x16xf32, #tpu.memory_space<vmem>>) offsets(%dma_start3A_244 : memref<128xi32, #tpu.memory_space<vmem>>) semaphore(%arg12 : memref<!tpu.dma_semaphore, #tpu.memory_space<semaphore_mem>>)
      %mul3A_248 = arith.constant 4 : i32
      %mul3A_249 = arith.muli %add3A_135, %mul3A_248 : i32
      %add3A_250 = arith.constant 3 : i32
      %add3A_251 = arith.addi %mul3A_249, %add3A_250 : i32
      %dma_start3A_252 = arith.constant 1 : i32
      %dma_start3A_253 = arith.constant 3 : i32
      %dma_start3A_254 = arith.constant 0 : i32
      %dma_start3A_255 = arith.constant 0 : i32
      %dma_start3A_256 = tpu.memref_slice %arg8[%dma_start3A_252, %dma_start3A_253, %dma_start3A_254, %dma_start3A_255] : memref<2x4x128x16xf32, #tpu.memory_space<vmem>> -> memref<1x1x128x16xf32, #tpu.memory_space<vmem>>
      %dma_start3A_257 = tpu.memref_squeeze %dma_start3A_256 : memref<1x1x128x16xf32, #tpu.memory_space<vmem>> -> memref<128x16xf32, #tpu.memory_space<vmem>>
      %dma_start3A_258 = arith.constant 0 : i32
      %dma_start3A_259 = tpu.memref_slice %arg6[%add3A_251, %dma_start3A_258] : memref<84x128xi32, #tpu.memory_space<vmem>> -> memref<1x128xi32, #tpu.memory_space<vmem>>
      %dma_start3A_260 = tpu.memref_squeeze %dma_start3A_259 : memref<1x128xi32, #tpu.memory_space<vmem>> -> memref<128xi32, #tpu.memory_space<vmem>>
      %dma_start3A_261 = arith.constant 0 : i32
      %dma_start3A_262 = arith.constant 0 : i32
      %dma_start3A_263 = tpu.memref_slice %arg9[%dma_start3A_261, %dma_start3A_262] : memref<10112x16xf32, #tpu.memory_space<vmem_shared>> -> memref<10112x16xf32, #tpu.memory_space<vmem_shared>>
      tpu.enqueue_indirect_dma source(%dma_start3A_263 : memref<10112x16xf32, #tpu.memory_space<vmem_shared>>) target(%dma_start3A_257 : memref<128x16xf32, #tpu.memory_space<vmem>>) offsets(%dma_start3A_260 : memref<128xi32, #tpu.memory_space<vmem>>) semaphore(%arg12 : memref<!tpu.dma_semaphore, #tpu.memory_space<semaphore_mem>>)
      %mul3A_264 = arith.constant 4 : i32
      %mul3A_265 = arith.muli %mul3A_131, %mul3A_264 : i32
      %add3A_266 = arith.constant 0 : i32
      %add3A_267 = arith.addi %mul3A_265, %add3A_266 : i32
      %dma_start3A_268 = arith.constant 0 : i32
      %dma_start3A_269 = arith.constant 0 : i32
      %dma_start3A_270 = arith.constant 0 : i32
      %dma_start3A_271 = arith.constant 0 : i32
      %dma_start3A_272 = tpu.memref_slice %arg8[%dma_start3A_268, %dma_start3A_269, %dma_start3A_270, %dma_start3A_271] : memref<2x4x128x16xf32, #tpu.memory_space<vmem>> -> memref<1x1x128x16xf32, #tpu.memory_space<vmem>>
      %dma_start3A_273 = tpu.memref_squeeze %dma_start3A_272 : memref<1x1x128x16xf32, #tpu.memory_space<vmem>> -> memref<128x16xf32, #tpu.memory_space<vmem>>
      %dma_start3A_274 = arith.constant 0 : i32
      %dma_start3A_275 = tpu.memref_slice %arg7[%add3A_267, %dma_start3A_274] : memref<80x128xi32, #tpu.memory_space<vmem>> -> memref<1x128xi32, #tpu.memory_space<vmem>>
      %dma_start3A_276 = tpu.memref_squeeze %dma_start3A_275 : memref<1x128xi32, #tpu.memory_space<vmem>> -> memref<128xi32, #tpu.memory_space<vmem>>
      %dma_start3A_277 = arith.constant 0 : i32
      %dma_start3A_278 = arith.constant 0 : i32
      %dma_start3A_279 = tpu.memref_slice %arg10[%dma_start3A_277, %dma_start3A_278] : memref<10112x16xf32, #tpu.memory_space<vmem_shared>> -> memref<10112x16xf32, #tpu.memory_space<vmem_shared>>
      tpu.enqueue_indirect_dma source(%dma_start3A_273 : memref<128x16xf32, #tpu.memory_space<vmem>>) target(%dma_start3A_279 : memref<10112x16xf32, #tpu.memory_space<vmem_shared>>) offsets(%dma_start3A_276 : memref<128xi32, #tpu.memory_space<vmem>>) semaphore(%arg13 : memref<!tpu.dma_semaphore, #tpu.memory_space<semaphore_mem>>) {add = true}
      %mul3A_280 = arith.constant 4 : i32
      %mul3A_281 = arith.muli %mul3A_131, %mul3A_280 : i32
      %add3A_282 = arith.constant 1 : i32
      %add3A_283 = arith.addi %mul3A_281, %add3A_282 : i32
      %dma_start3A_284 = arith.constant 0 : i32
      %dma_start3A_285 = arith.constant 1 : i32
      %dma_start3A_286 = arith.constant 0 : i32
      %dma_start3A_287 = arith.constant 0 : i32
      %dma_start3A_288 = tpu.memref_slice %arg8[%dma_start3A_284, %dma_start3A_285, %dma_start3A_286, %dma_start3A_287] : memref<2x4x128x16xf32, #tpu.memory_space<vmem>> -> memref<1x1x128x16xf32, #tpu.memory_space<vmem>>
      %dma_start3A_289 = tpu.memref_squeeze %dma_start3A_288 : memref<1x1x128x16xf32, #tpu.memory_space<vmem>> -> memref<128x16xf32, #tpu.memory_space<vmem>>
      %dma_start3A_290 = arith.constant 0 : i32
      %dma_start3A_291 = tpu.memref_slice %arg7[%add3A_283, %dma_start3A_290] : memref<80x128xi32, #tpu.memory_space<vmem>> -> memref<1x128xi32, #tpu.memory_space<vmem>>
      %dma_start3A_292 = tpu.memref_squeeze %dma_start3A_291 : memref<1x128xi32, #tpu.memory_space<vmem>> -> memref<128xi32, #tpu.memory_space<vmem>>
      %dma_start3A_293 = arith.constant 0 : i32
      %dma_start3A_294 = arith.constant 0 : i32
      %dma_start3A_295 = tpu.memref_slice %arg10[%dma_start3A_293, %dma_start3A_294] : memref<10112x16xf32, #tpu.memory_space<vmem_shared>> -> memref<10112x16xf32, #tpu.memory_space<vmem_shared>>
      tpu.enqueue_indirect_dma source(%dma_start3A_289 : memref<128x16xf32, #tpu.memory_space<vmem>>) target(%dma_start3A_295 : memref<10112x16xf32, #tpu.memory_space<vmem_shared>>) offsets(%dma_start3A_292 : memref<128xi32, #tpu.memory_space<vmem>>) semaphore(%arg13 : memref<!tpu.dma_semaphore, #tpu.memory_space<semaphore_mem>>) {add = true}
      %mul3A_296 = arith.constant 4 : i32
      %mul3A_297 = arith.muli %mul3A_131, %mul3A_296 : i32
      %add3A_298 = arith.constant 2 : i32
      %add3A_299 = arith.addi %mul3A_297, %add3A_298 : i32
      %dma_start3A_300 = arith.constant 0 : i32
      %dma_start3A_301 = arith.constant 2 : i32
      %dma_start3A_302 = arith.constant 0 : i32
      %dma_start3A_303 = arith.constant 0 : i32
      %dma_start3A_304 = tpu.memref_slice %arg8[%dma_start3A_300, %dma_start3A_301, %dma_start3A_302, %dma_start3A_303] : memref<2x4x128x16xf32, #tpu.memory_space<vmem>> -> memref<1x1x128x16xf32, #tpu.memory_space<vmem>>
      %dma_start3A_305 = tpu.memref_squeeze %dma_start3A_304 : memref<1x1x128x16xf32, #tpu.memory_space<vmem>> -> memref<128x16xf32, #tpu.memory_space<vmem>>
      %dma_start3A_306 = arith.constant 0 : i32
      %dma_start3A_307 = tpu.memref_slice %arg7[%add3A_299, %dma_start3A_306] : memref<80x128xi32, #tpu.memory_space<vmem>> -> memref<1x128xi32, #tpu.memory_space<vmem>>
      %dma_start3A_308 = tpu.memref_squeeze %dma_start3A_307 : memref<1x128xi32, #tpu.memory_space<vmem>> -> memref<128xi32, #tpu.memory_space<vmem>>
      %dma_start3A_309 = arith.constant 0 : i32
      %dma_start3A_310 = arith.constant 0 : i32
      %dma_start3A_311 = tpu.memref_slice %arg10[%dma_start3A_309, %dma_start3A_310] : memref<10112x16xf32, #tpu.memory_space<vmem_shared>> -> memref<10112x16xf32, #tpu.memory_space<vmem_shared>>
      tpu.enqueue_indirect_dma source(%dma_start3A_305 : memref<128x16xf32, #tpu.memory_space<vmem>>) target(%dma_start3A_311 : memref<10112x16xf32, #tpu.memory_space<vmem_shared>>) offsets(%dma_start3A_308 : memref<128xi32, #tpu.memory_space<vmem>>) semaphore(%arg13 : memref<!tpu.dma_semaphore, #tpu.memory_space<semaphore_mem>>) {add = true}
      %mul3A_312 = arith.constant 4 : i32
      %mul3A_313 = arith.muli %mul3A_131, %mul3A_312 : i32
      %add3A_314 = arith.constant 3 : i32
      %add3A_315 = arith.addi %mul3A_313, %add3A_314 : i32
      %dma_start3A_316 = arith.constant 0 : i32
      %dma_start3A_317 = arith.constant 3 : i32
      %dma_start3A_318 = arith.constant 0 : i32
      %dma_start3A_319 = arith.constant 0 : i32
      %dma_start3A_320 = tpu.memref_slice %arg8[%dma_start3A_316, %dma_start3A_317, %dma_start3A_318, %dma_start3A_319] : memref<2x4x128x16xf32, #tpu.memory_space<vmem>> -> memref<1x1x128x16xf32, #tpu.memory_space<vmem>>
      %dma_start3A_321 = tpu.memref_squeeze %dma_start3A_320 : memref<1x1x128x16xf32, #tpu.memory_space<vmem>> -> memref<128x16xf32, #tpu.memory_space<vmem>>
      %dma_start3A_322 = arith.constant 0 : i32
      %dma_start3A_323 = tpu.memref_slice %arg7[%add3A_315, %dma_start3A_322] : memref<80x128xi32, #tpu.memory_space<vmem>> -> memref<1x128xi32, #tpu.memory_space<vmem>>
      %dma_start3A_324 = tpu.memref_squeeze %dma_start3A_323 : memref<1x128xi32, #tpu.memory_space<vmem>> -> memref<128xi32, #tpu.memory_space<vmem>>
      %dma_start3A_325 = arith.constant 0 : i32
      %dma_start3A_326 = arith.constant 0 : i32
      %dma_start3A_327 = tpu.memref_slice %arg10[%dma_start3A_325, %dma_start3A_326] : memref<10112x16xf32, #tpu.memory_space<vmem_shared>> -> memref<10112x16xf32, #tpu.memory_space<vmem_shared>>
      tpu.enqueue_indirect_dma source(%dma_start3A_321 : memref<128x16xf32, #tpu.memory_space<vmem>>) target(%dma_start3A_327 : memref<10112x16xf32, #tpu.memory_space<vmem_shared>>) offsets(%dma_start3A_324 : memref<128xi32, #tpu.memory_space<vmem>>) semaphore(%arg13 : memref<!tpu.dma_semaphore, #tpu.memory_space<semaphore_mem>>) {add = true}
      %mul3A_328 = arith.constant 4 : i32
      %mul3A_329 = arith.muli %add3A_135, %mul3A_328 : i32
      %add3A_330 = arith.constant 0 : i32
      %add3A_331 = arith.addi %mul3A_329, %add3A_330 : i32
      %dma_wait3A_332 = arith.constant 1 : i32
      %dma_wait3A_333 = arith.constant 0 : i32
      %dma_wait3A_334 = arith.constant 0 : i32
      %dma_wait3A_335 = arith.constant 0 : i32
      %dma_wait3A_336 = tpu.memref_slice %arg8[%dma_wait3A_332, %dma_wait3A_333, %dma_wait3A_334, %dma_wait3A_335] : memref<2x4x128x16xf32, #tpu.memory_space<vmem>> -> memref<1x1x128x16xf32, #tpu.memory_space<vmem>>
      %dma_wait3A_337 = tpu.memref_squeeze %dma_wait3A_336 : memref<1x1x128x16xf32, #tpu.memory_space<vmem>> -> memref<128x16xf32, #tpu.memory_space<vmem>>
      %dma_wait3A_338 = arith.constant 0 : i32
      %dma_wait3A_339 = tpu.memref_slice %arg6[%add3A_331, %dma_wait3A_338] : memref<84x128xi32, #tpu.memory_space<vmem>> -> memref<1x128xi32, #tpu.memory_space<vmem>>
      %dma_wait3A_340 = tpu.memref_squeeze %dma_wait3A_339 : memref<1x128xi32, #tpu.memory_space<vmem>> -> memref<128xi32, #tpu.memory_space<vmem>>
      %dma_wait3A_341 = arith.constant 0 : i32
      %dma_wait3A_342 = arith.constant 0 : i32
      %dma_wait3A_343 = tpu.memref_slice %arg9[%dma_wait3A_341, %dma_wait3A_342] : memref<10112x16xf32, #tpu.memory_space<vmem_shared>> -> memref<10112x16xf32, #tpu.memory_space<vmem_shared>>
      tpu.wait_indirect_dma semaphore(%arg12 : memref<!tpu.dma_semaphore, #tpu.memory_space<semaphore_mem>>) src(%dma_wait3A_343 : memref<10112x16xf32, #tpu.memory_space<vmem_shared>>) dst(%dma_wait3A_337 : memref<128x16xf32, #tpu.memory_space<vmem>>)
      %mul3A_344 = arith.constant 4 : i32
      %mul3A_345 = arith.muli %add3A_135, %mul3A_344 : i32
      %add3A_346 = arith.constant 1 : i32
      %add3A_347 = arith.addi %mul3A_345, %add3A_346 : i32
      %dma_wait3A_348 = arith.constant 1 : i32
      %dma_wait3A_349 = arith.constant 1 : i32
      %dma_wait3A_350 = arith.constant 0 : i32
      %dma_wait3A_351 = arith.constant 0 : i32
      %dma_wait3A_352 = tpu.memref_slice %arg8[%dma_wait3A_348, %dma_wait3A_349, %dma_wait3A_350, %dma_wait3A_351] : memref<2x4x128x16xf32, #tpu.memory_space<vmem>> -> memref<1x1x128x16xf32, #tpu.memory_space<vmem>>
      %dma_wait3A_353 = tpu.memref_squeeze %dma_wait3A_352 : memref<1x1x128x16xf32, #tpu.memory_space<vmem>> -> memref<128x16xf32, #tpu.memory_space<vmem>>
      %dma_wait3A_354 = arith.constant 0 : i32
      %dma_wait3A_355 = tpu.memref_slice %arg6[%add3A_347, %dma_wait3A_354] : memref<84x128xi32, #tpu.memory_space<vmem>> -> memref<1x128xi32, #tpu.memory_space<vmem>>
      %dma_wait3A_356 = tpu.memref_squeeze %dma_wait3A_355 : memref<1x128xi32, #tpu.memory_space<vmem>> -> memref<128xi32, #tpu.memory_space<vmem>>
      %dma_wait3A_357 = arith.constant 0 : i32
      %dma_wait3A_358 = arith.constant 0 : i32
      %dma_wait3A_359 = tpu.memref_slice %arg9[%dma_wait3A_357, %dma_wait3A_358] : memref<10112x16xf32, #tpu.memory_space<vmem_shared>> -> memref<10112x16xf32, #tpu.memory_space<vmem_shared>>
      tpu.wait_indirect_dma semaphore(%arg12 : memref<!tpu.dma_semaphore, #tpu.memory_space<semaphore_mem>>) src(%dma_wait3A_359 : memref<10112x16xf32, #tpu.memory_space<vmem_shared>>) dst(%dma_wait3A_353 : memref<128x16xf32, #tpu.memory_space<vmem>>)
      %mul3A_360 = arith.constant 4 : i32
      %mul3A_361 = arith.muli %add3A_135, %mul3A_360 : i32
      %add3A_362 = arith.constant 2 : i32
      %add3A_363 = arith.addi %mul3A_361, %add3A_362 : i32
      %dma_wait3A_364 = arith.constant 1 : i32
      %dma_wait3A_365 = arith.constant 2 : i32
      %dma_wait3A_366 = arith.constant 0 : i32
      %dma_wait3A_367 = arith.constant 0 : i32
      %dma_wait3A_368 = tpu.memref_slice %arg8[%dma_wait3A_364, %dma_wait3A_365, %dma_wait3A_366, %dma_wait3A_367] : memref<2x4x128x16xf32, #tpu.memory_space<vmem>> -> memref<1x1x128x16xf32, #tpu.memory_space<vmem>>
      %dma_wait3A_369 = tpu.memref_squeeze %dma_wait3A_368 : memref<1x1x128x16xf32, #tpu.memory_space<vmem>> -> memref<128x16xf32, #tpu.memory_space<vmem>>
      %dma_wait3A_370 = arith.constant 0 : i32
      %dma_wait3A_371 = tpu.memref_slice %arg6[%add3A_363, %dma_wait3A_370] : memref<84x128xi32, #tpu.memory_space<vmem>> -> memref<1x128xi32, #tpu.memory_space<vmem>>
      %dma_wait3A_372 = tpu.memref_squeeze %dma_wait3A_371 : memref<1x128xi32, #tpu.memory_space<vmem>> -> memref<128xi32, #tpu.memory_space<vmem>>
      %dma_wait3A_373 = arith.constant 0 : i32
      %dma_wait3A_374 = arith.constant 0 : i32
      %dma_wait3A_375 = tpu.memref_slice %arg9[%dma_wait3A_373, %dma_wait3A_374] : memref<10112x16xf32, #tpu.memory_space<vmem_shared>> -> memref<10112x16xf32, #tpu.memory_space<vmem_shared>>
      tpu.wait_indirect_dma semaphore(%arg12 : memref<!tpu.dma_semaphore, #tpu.memory_space<semaphore_mem>>) src(%dma_wait3A_375 : memref<10112x16xf32, #tpu.memory_space<vmem_shared>>) dst(%dma_wait3A_369 : memref<128x16xf32, #tpu.memory_space<vmem>>)
      %mul3A_376 = arith.constant 4 : i32
      %mul3A_377 = arith.muli %add3A_135, %mul3A_376 : i32
      %add3A_378 = arith.constant 3 : i32
      %add3A_379 = arith.addi %mul3A_377, %add3A_378 : i32
      %dma_wait3A_380 = arith.constant 1 : i32
      %dma_wait3A_381 = arith.constant 3 : i32
      %dma_wait3A_382 = arith.constant 0 : i32
      %dma_wait3A_383 = arith.constant 0 : i32
      %dma_wait3A_384 = tpu.memref_slice %arg8[%dma_wait3A_380, %dma_wait3A_381, %dma_wait3A_382, %dma_wait3A_383] : memref<2x4x128x16xf32, #tpu.memory_space<vmem>> -> memref<1x1x128x16xf32, #tpu.memory_space<vmem>>
      %dma_wait3A_385 = tpu.memref_squeeze %dma_wait3A_384 : memref<1x1x128x16xf32, #tpu.memory_space<vmem>> -> memref<128x16xf32, #tpu.memory_space<vmem>>
      %dma_wait3A_386 = arith.constant 0 : i32
      %dma_wait3A_387 = tpu.memref_slice %arg6[%add3A_379, %dma_wait3A_386] : memref<84x128xi32, #tpu.memory_space<vmem>> -> memref<1x128xi32, #tpu.memory_space<vmem>>
      %dma_wait3A_388 = tpu.memref_squeeze %dma_wait3A_387 : memref<1x128xi32, #tpu.memory_space<vmem>> -> memref<128xi32, #tpu.memory_space<vmem>>
      %dma_wait3A_389 = arith.constant 0 : i32
      %dma_wait3A_390 = arith.constant 0 : i32
      %dma_wait3A_391 = tpu.memref_slice %arg9[%dma_wait3A_389, %dma_wait3A_390] : memref<10112x16xf32, #tpu.memory_space<vmem_shared>> -> memref<10112x16xf32, #tpu.memory_space<vmem_shared>>
      tpu.wait_indirect_dma semaphore(%arg12 : memref<!tpu.dma_semaphore, #tpu.memory_space<semaphore_mem>>) src(%dma_wait3A_391 : memref<10112x16xf32, #tpu.memory_space<vmem_shared>>) dst(%dma_wait3A_385 : memref<128x16xf32, #tpu.memory_space<vmem>>)
      %mul3A_392 = arith.constant 4 : i32
      %mul3A_393 = arith.muli %mul3A_131, %mul3A_392 : i32
      %add3A_394 = arith.constant 0 : i32
      %add3A_395 = arith.addi %mul3A_393, %add3A_394 : i32
      %dma_wait3A_396 = arith.constant 0 : i32
      %dma_wait3A_397 = arith.constant 0 : i32
      %dma_wait3A_398 = arith.constant 0 : i32
      %dma_wait3A_399 = arith.constant 0 : i32
      %dma_wait3A_400 = tpu.memref_slice %arg8[%dma_wait3A_396, %dma_wait3A_397, %dma_wait3A_398, %dma_wait3A_399] : memref<2x4x128x16xf32, #tpu.memory_space<vmem>> -> memref<1x1x128x16xf32, #tpu.memory_space<vmem>>
      %dma_wait3A_401 = tpu.memref_squeeze %dma_wait3A_400 : memref<1x1x128x16xf32, #tpu.memory_space<vmem>> -> memref<128x16xf32, #tpu.memory_space<vmem>>
      %dma_wait3A_402 = arith.constant 0 : i32
      %dma_wait3A_403 = tpu.memref_slice %arg7[%add3A_395, %dma_wait3A_402] : memref<80x128xi32, #tpu.memory_space<vmem>> -> memref<1x128xi32, #tpu.memory_space<vmem>>
      %dma_wait3A_404 = tpu.memref_squeeze %dma_wait3A_403 : memref<1x128xi32, #tpu.memory_space<vmem>> -> memref<128xi32, #tpu.memory_space<vmem>>
      %dma_wait3A_405 = arith.constant 0 : i32
      %dma_wait3A_406 = arith.constant 0 : i32
      %dma_wait3A_407 = tpu.memref_slice %arg10[%dma_wait3A_405, %dma_wait3A_406] : memref<10112x16xf32, #tpu.memory_space<vmem_shared>> -> memref<10112x16xf32, #tpu.memory_space<vmem_shared>>
      tpu.wait_indirect_dma semaphore(%arg13 : memref<!tpu.dma_semaphore, #tpu.memory_space<semaphore_mem>>) src(%dma_wait3A_401 : memref<128x16xf32, #tpu.memory_space<vmem>>) dst(%dma_wait3A_407 : memref<10112x16xf32, #tpu.memory_space<vmem_shared>>)
      %mul3A_408 = arith.constant 4 : i32
      %mul3A_409 = arith.muli %mul3A_131, %mul3A_408 : i32
      %add3A_410 = arith.constant 1 : i32
      %add3A_411 = arith.addi %mul3A_409, %add3A_410 : i32
      %dma_wait3A_412 = arith.constant 0 : i32
      %dma_wait3A_413 = arith.constant 1 : i32
      %dma_wait3A_414 = arith.constant 0 : i32
      %dma_wait3A_415 = arith.constant 0 : i32
      %dma_wait3A_416 = tpu.memref_slice %arg8[%dma_wait3A_412, %dma_wait3A_413, %dma_wait3A_414, %dma_wait3A_415] : memref<2x4x128x16xf32, #tpu.memory_space<vmem>> -> memref<1x1x128x16xf32, #tpu.memory_space<vmem>>
      %dma_wait3A_417 = tpu.memref_squeeze %dma_wait3A_416 : memref<1x1x128x16xf32, #tpu.memory_space<vmem>> -> memref<128x16xf32, #tpu.memory_space<vmem>>
      %dma_wait3A_418 = arith.constant 0 : i32
      %dma_wait3A_419 = tpu.memref_slice %arg7[%add3A_411, %dma_wait3A_418] : memref<80x128xi32, #tpu.memory_space<vmem>> -> memref<1x128xi32, #tpu.memory_space<vmem>>
      %dma_wait3A_420 = tpu.memref_squeeze %dma_wait3A_419 : memref<1x128xi32, #tpu.memory_space<vmem>> -> memref<128xi32, #tpu.memory_space<vmem>>
      %dma_wait3A_421 = arith.constant 0 : i32
      %dma_wait3A_422 = arith.constant 0 : i32
      %dma_wait3A_423 = tpu.memref_slice %arg10[%dma_wait3A_421, %dma_wait3A_422] : memref<10112x16xf32, #tpu.memory_space<vmem_shared>> -> memref<10112x16xf32, #tpu.memory_space<vmem_shared>>
      tpu.wait_indirect_dma semaphore(%arg13 : memref<!tpu.dma_semaphore, #tpu.memory_space<semaphore_mem>>) src(%dma_wait3A_417 : memref<128x16xf32, #tpu.memory_space<vmem>>) dst(%dma_wait3A_423 : memref<10112x16xf32, #tpu.memory_space<vmem_shared>>)
      %mul3A_424 = arith.constant 4 : i32
      %mul3A_425 = arith.muli %mul3A_131, %mul3A_424 : i32
      %add3A_426 = arith.constant 2 : i32
      %add3A_427 = arith.addi %mul3A_425, %add3A_426 : i32
      %dma_wait3A_428 = arith.constant 0 : i32
      %dma_wait3A_429 = arith.constant 2 : i32
      %dma_wait3A_430 = arith.constant 0 : i32
      %dma_wait3A_431 = arith.constant 0 : i32
      %dma_wait3A_432 = tpu.memref_slice %arg8[%dma_wait3A_428, %dma_wait3A_429, %dma_wait3A_430, %dma_wait3A_431] : memref<2x4x128x16xf32, #tpu.memory_space<vmem>> -> memref<1x1x128x16xf32, #tpu.memory_space<vmem>>
      %dma_wait3A_433 = tpu.memref_squeeze %dma_wait3A_432 : memref<1x1x128x16xf32, #tpu.memory_space<vmem>> -> memref<128x16xf32, #tpu.memory_space<vmem>>
      %dma_wait3A_434 = arith.constant 0 : i32
      %dma_wait3A_435 = tpu.memref_slice %arg7[%add3A_427, %dma_wait3A_434] : memref<80x128xi32, #tpu.memory_space<vmem>> -> memref<1x128xi32, #tpu.memory_space<vmem>>
      %dma_wait3A_436 = tpu.memref_squeeze %dma_wait3A_435 : memref<1x128xi32, #tpu.memory_space<vmem>> -> memref<128xi32, #tpu.memory_space<vmem>>
      %dma_wait3A_437 = arith.constant 0 : i32
      %dma_wait3A_438 = arith.constant 0 : i32
      %dma_wait3A_439 = tpu.memref_slice %arg10[%dma_wait3A_437, %dma_wait3A_438] : memref<10112x16xf32, #tpu.memory_space<vmem_shared>> -> memref<10112x16xf32, #tpu.memory_space<vmem_shared>>
      tpu.wait_indirect_dma semaphore(%arg13 : memref<!tpu.dma_semaphore, #tpu.memory_space<semaphore_mem>>) src(%dma_wait3A_433 : memref<128x16xf32, #tpu.memory_space<vmem>>) dst(%dma_wait3A_439 : memref<10112x16xf32, #tpu.memory_space<vmem_shared>>)
      %mul3A_440 = arith.constant 4 : i32
      %mul3A_441 = arith.muli %mul3A_131, %mul3A_440 : i32
      %add3A_442 = arith.constant 3 : i32
      %add3A_443 = arith.addi %mul3A_441, %add3A_442 : i32
      %dma_wait3A_444 = arith.constant 0 : i32
      %dma_wait3A_445 = arith.constant 3 : i32
      %dma_wait3A_446 = arith.constant 0 : i32
      %dma_wait3A_447 = arith.constant 0 : i32
      %dma_wait3A_448 = tpu.memref_slice %arg8[%dma_wait3A_444, %dma_wait3A_445, %dma_wait3A_446, %dma_wait3A_447] : memref<2x4x128x16xf32, #tpu.memory_space<vmem>> -> memref<1x1x128x16xf32, #tpu.memory_space<vmem>>
      %dma_wait3A_449 = tpu.memref_squeeze %dma_wait3A_448 : memref<1x1x128x16xf32, #tpu.memory_space<vmem>> -> memref<128x16xf32, #tpu.memory_space<vmem>>
      %dma_wait3A_450 = arith.constant 0 : i32
      %dma_wait3A_451 = tpu.memref_slice %arg7[%add3A_443, %dma_wait3A_450] : memref<80x128xi32, #tpu.memory_space<vmem>> -> memref<1x128xi32, #tpu.memory_space<vmem>>
      %dma_wait3A_452 = tpu.memref_squeeze %dma_wait3A_451 : memref<1x128xi32, #tpu.memory_space<vmem>> -> memref<128xi32, #tpu.memory_space<vmem>>
      %dma_wait3A_453 = arith.constant 0 : i32
      %dma_wait3A_454 = arith.constant 0 : i32
      %dma_wait3A_455 = tpu.memref_slice %arg10[%dma_wait3A_453, %dma_wait3A_454] : memref<10112x16xf32, #tpu.memory_space<vmem_shared>> -> memref<10112x16xf32, #tpu.memory_space<vmem_shared>>
      tpu.wait_indirect_dma semaphore(%arg13 : memref<!tpu.dma_semaphore, #tpu.memory_space<semaphore_mem>>) src(%dma_wait3A_449 : memref<128x16xf32, #tpu.memory_space<vmem>>) dst(%dma_wait3A_455 : memref<10112x16xf32, #tpu.memory_space<vmem_shared>>)
      %add3A_456 = arith.constant 2 : i32
      %add3A_457 = arith.addi %mul3A_131, %add3A_456 : i32
      %mul3A_458 = arith.constant 4 : i32
      %mul3A_459 = arith.muli %add3A_457, %mul3A_458 : i32
      %add3A_460 = arith.constant 0 : i32
      %add3A_461 = arith.addi %mul3A_459, %add3A_460 : i32
      %dma_start3A_462 = arith.constant 0 : i32
      %dma_start3A_463 = arith.constant 0 : i32
      %dma_start3A_464 = arith.constant 0 : i32
      %dma_start3A_465 = arith.constant 0 : i32
      %dma_start3A_466 = tpu.memref_slice %arg8[%dma_start3A_462, %dma_start3A_463, %dma_start3A_464, %dma_start3A_465] : memref<2x4x128x16xf32, #tpu.memory_space<vmem>> -> memref<1x1x128x16xf32, #tpu.memory_space<vmem>>
      %dma_start3A_467 = tpu.memref_squeeze %dma_start3A_466 : memref<1x1x128x16xf32, #tpu.memory_space<vmem>> -> memref<128x16xf32, #tpu.memory_space<vmem>>
      %dma_start3A_468 = arith.constant 0 : i32
      %dma_start3A_469 = tpu.memref_slice %arg6[%add3A_461, %dma_start3A_468] : memref<84x128xi32, #tpu.memory_space<vmem>> -> memref<1x128xi32, #tpu.memory_space<vmem>>
      %dma_start3A_470 = tpu.memref_squeeze %dma_start3A_469 : memref<1x128xi32, #tpu.memory_space<vmem>> -> memref<128xi32, #tpu.memory_space<vmem>>
      %dma_start3A_471 = arith.constant 0 : i32
      %dma_start3A_472 = arith.constant 0 : i32
      %dma_start3A_473 = tpu.memref_slice %arg9[%dma_start3A_471, %dma_start3A_472] : memref<10112x16xf32, #tpu.memory_space<vmem_shared>> -> memref<10112x16xf32, #tpu.memory_space<vmem_shared>>
      tpu.enqueue_indirect_dma source(%dma_start3A_473 : memref<10112x16xf32, #tpu.memory_space<vmem_shared>>) target(%dma_start3A_467 : memref<128x16xf32, #tpu.memory_space<vmem>>) offsets(%dma_start3A_470 : memref<128xi32, #tpu.memory_space<vmem>>) semaphore(%arg11 : memref<!tpu.dma_semaphore, #tpu.memory_space<semaphore_mem>>)
      %add3A_474 = arith.constant 2 : i32
      %add3A_475 = arith.addi %mul3A_131, %add3A_474 : i32
      %mul3A_476 = arith.constant 4 : i32
      %mul3A_477 = arith.muli %add3A_475, %mul3A_476 : i32
      %add3A_478 = arith.constant 1 : i32
      %add3A_479 = arith.addi %mul3A_477, %add3A_478 : i32
      %dma_start3A_480 = arith.constant 0 : i32
      %dma_start3A_481 = arith.constant 1 : i32
      %dma_start3A_482 = arith.constant 0 : i32
      %dma_start3A_483 = arith.constant 0 : i32
      %dma_start3A_484 = tpu.memref_slice %arg8[%dma_start3A_480, %dma_start3A_481, %dma_start3A_482, %dma_start3A_483] : memref<2x4x128x16xf32, #tpu.memory_space<vmem>> -> memref<1x1x128x16xf32, #tpu.memory_space<vmem>>
      %dma_start3A_485 = tpu.memref_squeeze %dma_start3A_484 : memref<1x1x128x16xf32, #tpu.memory_space<vmem>> -> memref<128x16xf32, #tpu.memory_space<vmem>>
      %dma_start3A_486 = arith.constant 0 : i32
      %dma_start3A_487 = tpu.memref_slice %arg6[%add3A_479, %dma_start3A_486] : memref<84x128xi32, #tpu.memory_space<vmem>> -> memref<1x128xi32, #tpu.memory_space<vmem>>
      %dma_start3A_488 = tpu.memref_squeeze %dma_start3A_487 : memref<1x128xi32, #tpu.memory_space<vmem>> -> memref<128xi32, #tpu.memory_space<vmem>>
      %dma_start3A_489 = arith.constant 0 : i32
      %dma_start3A_490 = arith.constant 0 : i32
      %dma_start3A_491 = tpu.memref_slice %arg9[%dma_start3A_489, %dma_start3A_490] : memref<10112x16xf32, #tpu.memory_space<vmem_shared>> -> memref<10112x16xf32, #tpu.memory_space<vmem_shared>>
      tpu.enqueue_indirect_dma source(%dma_start3A_491 : memref<10112x16xf32, #tpu.memory_space<vmem_shared>>) target(%dma_start3A_485 : memref<128x16xf32, #tpu.memory_space<vmem>>) offsets(%dma_start3A_488 : memref<128xi32, #tpu.memory_space<vmem>>) semaphore(%arg11 : memref<!tpu.dma_semaphore, #tpu.memory_space<semaphore_mem>>)
      %add3A_492 = arith.constant 2 : i32
      %add3A_493 = arith.addi %mul3A_131, %add3A_492 : i32
      %mul3A_494 = arith.constant 4 : i32
      %mul3A_495 = arith.muli %add3A_493, %mul3A_494 : i32
      %add3A_496 = arith.constant 2 : i32
      %add3A_497 = arith.addi %mul3A_495, %add3A_496 : i32
      %dma_start3A_498 = arith.constant 0 : i32
      %dma_start3A_499 = arith.constant 2 : i32
      %dma_start3A_500 = arith.constant 0 : i32
      %dma_start3A_501 = arith.constant 0 : i32
      %dma_start3A_502 = tpu.memref_slice %arg8[%dma_start3A_498, %dma_start3A_499, %dma_start3A_500, %dma_start3A_501] : memref<2x4x128x16xf32, #tpu.memory_space<vmem>> -> memref<1x1x128x16xf32, #tpu.memory_space<vmem>>
      %dma_start3A_503 = tpu.memref_squeeze %dma_start3A_502 : memref<1x1x128x16xf32, #tpu.memory_space<vmem>> -> memref<128x16xf32, #tpu.memory_space<vmem>>
      %dma_start3A_504 = arith.constant 0 : i32
      %dma_start3A_505 = tpu.memref_slice %arg6[%add3A_497, %dma_start3A_504] : memref<84x128xi32, #tpu.memory_space<vmem>> -> memref<1x128xi32, #tpu.memory_space<vmem>>
      %dma_start3A_506 = tpu.memref_squeeze %dma_start3A_505 : memref<1x128xi32, #tpu.memory_space<vmem>> -> memref<128xi32, #tpu.memory_space<vmem>>
      %dma_start3A_507 = arith.constant 0 : i32
      %dma_start3A_508 = arith.constant 0 : i32
      %dma_start3A_509 = tpu.memref_slice %arg9[%dma_start3A_507, %dma_start3A_508] : memref<10112x16xf32, #tpu.memory_space<vmem_shared>> -> memref<10112x16xf32, #tpu.memory_space<vmem_shared>>
      tpu.enqueue_indirect_dma source(%dma_start3A_509 : memref<10112x16xf32, #tpu.memory_space<vmem_shared>>) target(%dma_start3A_503 : memref<128x16xf32, #tpu.memory_space<vmem>>) offsets(%dma_start3A_506 : memref<128xi32, #tpu.memory_space<vmem>>) semaphore(%arg11 : memref<!tpu.dma_semaphore, #tpu.memory_space<semaphore_mem>>)
      %add3A_510 = arith.constant 2 : i32
      %add3A_511 = arith.addi %mul3A_131, %add3A_510 : i32
      %mul3A_512 = arith.constant 4 : i32
      %mul3A_513 = arith.muli %add3A_511, %mul3A_512 : i32
      %add3A_514 = arith.constant 3 : i32
      %add3A_515 = arith.addi %mul3A_513, %add3A_514 : i32
      %dma_start3A_516 = arith.constant 0 : i32
      %dma_start3A_517 = arith.constant 3 : i32
      %dma_start3A_518 = arith.constant 0 : i32
      %dma_start3A_519 = arith.constant 0 : i32
      %dma_start3A_520 = tpu.memref_slice %arg8[%dma_start3A_516, %dma_start3A_517, %dma_start3A_518, %dma_start3A_519] : memref<2x4x128x16xf32, #tpu.memory_space<vmem>> -> memref<1x1x128x16xf32, #tpu.memory_space<vmem>>
      %dma_start3A_521 = tpu.memref_squeeze %dma_start3A_520 : memref<1x1x128x16xf32, #tpu.memory_space<vmem>> -> memref<128x16xf32, #tpu.memory_space<vmem>>
      %dma_start3A_522 = arith.constant 0 : i32
      %dma_start3A_523 = tpu.memref_slice %arg6[%add3A_515, %dma_start3A_522] : memref<84x128xi32, #tpu.memory_space<vmem>> -> memref<1x128xi32, #tpu.memory_space<vmem>>
      %dma_start3A_524 = tpu.memref_squeeze %dma_start3A_523 : memref<1x128xi32, #tpu.memory_space<vmem>> -> memref<128xi32, #tpu.memory_space<vmem>>
      %dma_start3A_525 = arith.constant 0 : i32
      %dma_start3A_526 = arith.constant 0 : i32
      %dma_start3A_527 = tpu.memref_slice %arg9[%dma_start3A_525, %dma_start3A_526] : memref<10112x16xf32, #tpu.memory_space<vmem_shared>> -> memref<10112x16xf32, #tpu.memory_space<vmem_shared>>
      tpu.enqueue_indirect_dma source(%dma_start3A_527 : memref<10112x16xf32, #tpu.memory_space<vmem_shared>>) target(%dma_start3A_521 : memref<128x16xf32, #tpu.memory_space<vmem>>) offsets(%dma_start3A_524 : memref<128xi32, #tpu.memory_space<vmem>>) semaphore(%arg11 : memref<!tpu.dma_semaphore, #tpu.memory_space<semaphore_mem>>)
      %mul3A_528 = arith.constant 4 : i32
      %mul3A_529 = arith.muli %add3A_135, %mul3A_528 : i32
      %add3A_530 = arith.constant 0 : i32
      %add3A_531 = arith.addi %mul3A_529, %add3A_530 : i32
      %dma_start3A_532 = arith.constant 1 : i32
      %dma_start3A_533 = arith.constant 0 : i32
      %dma_start3A_534 = arith.constant 0 : i32
      %dma_start3A_535 = arith.constant 0 : i32
      %dma_start3A_536 = tpu.memref_slice %arg8[%dma_start3A_532, %dma_start3A_533, %dma_start3A_534, %dma_start3A_535] : memref<2x4x128x16xf32, #tpu.memory_space<vmem>> -> memref<1x1x128x16xf32, #tpu.memory_space<vmem>>
      %dma_start3A_537 = tpu.memref_squeeze %dma_start3A_536 : memref<1x1x128x16xf32, #tpu.memory_space<vmem>> -> memref<128x16xf32, #tpu.memory_space<vmem>>
      %dma_start3A_538 = arith.constant 0 : i32
      %dma_start3A_539 = tpu.memref_slice %arg7[%add3A_531, %dma_start3A_538] : memref<80x128xi32, #tpu.memory_space<vmem>> -> memref<1x128xi32, #tpu.memory_space<vmem>>
      %dma_start3A_540 = tpu.memref_squeeze %dma_start3A_539 : memref<1x128xi32, #tpu.memory_space<vmem>> -> memref<128xi32, #tpu.memory_space<vmem>>
      %dma_start3A_541 = arith.constant 0 : i32
      %dma_start3A_542 = arith.constant 0 : i32
      %dma_start3A_543 = tpu.memref_slice %arg10[%dma_start3A_541, %dma_start3A_542] : memref<10112x16xf32, #tpu.memory_space<vmem_shared>> -> memref<10112x16xf32, #tpu.memory_space<vmem_shared>>
      tpu.enqueue_indirect_dma source(%dma_start3A_537 : memref<128x16xf32, #tpu.memory_space<vmem>>) target(%dma_start3A_543 : memref<10112x16xf32, #tpu.memory_space<vmem_shared>>) offsets(%dma_start3A_540 : memref<128xi32, #tpu.memory_space<vmem>>) semaphore(%arg14 : memref<!tpu.dma_semaphore, #tpu.memory_space<semaphore_mem>>) {add = true}
      %mul3A_544 = arith.constant 4 : i32
      %mul3A_545 = arith.muli %add3A_135, %mul3A_544 : i32
      %add3A_546 = arith.constant 1 : i32
      %add3A_547 = arith.addi %mul3A_545, %add3A_546 : i32
      %dma_start3A_548 = arith.constant 1 : i32
      %dma_start3A_549 = arith.constant 1 : i32
      %dma_start3A_550 = arith.constant 0 : i32
      %dma_start3A_551 = arith.constant 0 : i32
      %dma_start3A_552 = tpu.memref_slice %arg8[%dma_start3A_548, %dma_start3A_549, %dma_start3A_550, %dma_start3A_551] : memref<2x4x128x16xf32, #tpu.memory_space<vmem>> -> memref<1x1x128x16xf32, #tpu.memory_space<vmem>>
      %dma_start3A_553 = tpu.memref_squeeze %dma_start3A_552 : memref<1x1x128x16xf32, #tpu.memory_space<vmem>> -> memref<128x16xf32, #tpu.memory_space<vmem>>
      %dma_start3A_554 = arith.constant 0 : i32
      %dma_start3A_555 = tpu.memref_slice %arg7[%add3A_547, %dma_start3A_554] : memref<80x128xi32, #tpu.memory_space<vmem>> -> memref<1x128xi32, #tpu.memory_space<vmem>>
      %dma_start3A_556 = tpu.memref_squeeze %dma_start3A_555 : memref<1x128xi32, #tpu.memory_space<vmem>> -> memref<128xi32, #tpu.memory_space<vmem>>
      %dma_start3A_557 = arith.constant 0 : i32
      %dma_start3A_558 = arith.constant 0 : i32
      %dma_start3A_559 = tpu.memref_slice %arg10[%dma_start3A_557, %dma_start3A_558] : memref<10112x16xf32, #tpu.memory_space<vmem_shared>> -> memref<10112x16xf32, #tpu.memory_space<vmem_shared>>
      tpu.enqueue_indirect_dma source(%dma_start3A_553 : memref<128x16xf32, #tpu.memory_space<vmem>>) target(%dma_start3A_559 : memref<10112x16xf32, #tpu.memory_space<vmem_shared>>) offsets(%dma_start3A_556 : memref<128xi32, #tpu.memory_space<vmem>>) semaphore(%arg14 : memref<!tpu.dma_semaphore, #tpu.memory_space<semaphore_mem>>) {add = true}
      %mul3A_560 = arith.constant 4 : i32
      %mul3A_561 = arith.muli %add3A_135, %mul3A_560 : i32
      %add3A_562 = arith.constant 2 : i32
      %add3A_563 = arith.addi %mul3A_561, %add3A_562 : i32
      %dma_start3A_564 = arith.constant 1 : i32
      %dma_start3A_565 = arith.constant 2 : i32
      %dma_start3A_566 = arith.constant 0 : i32
      %dma_start3A_567 = arith.constant 0 : i32
      %dma_start3A_568 = tpu.memref_slice %arg8[%dma_start3A_564, %dma_start3A_565, %dma_start3A_566, %dma_start3A_567] : memref<2x4x128x16xf32, #tpu.memory_space<vmem>> -> memref<1x1x128x16xf32, #tpu.memory_space<vmem>>
      %dma_start3A_569 = tpu.memref_squeeze %dma_start3A_568 : memref<1x1x128x16xf32, #tpu.memory_space<vmem>> -> memref<128x16xf32, #tpu.memory_space<vmem>>
      %dma_start3A_570 = arith.constant 0 : i32
      %dma_start3A_571 = tpu.memref_slice %arg7[%add3A_563, %dma_start3A_570] : memref<80x128xi32, #tpu.memory_space<vmem>> -> memref<1x128xi32, #tpu.memory_space<vmem>>
      %dma_start3A_572 = tpu.memref_squeeze %dma_start3A_571 : memref<1x128xi32, #tpu.memory_space<vmem>> -> memref<128xi32, #tpu.memory_space<vmem>>
      %dma_start3A_573 = arith.constant 0 : i32
      %dma_start3A_574 = arith.constant 0 : i32
      %dma_start3A_575 = tpu.memref_slice %arg10[%dma_start3A_573, %dma_start3A_574] : memref<10112x16xf32, #tpu.memory_space<vmem_shared>> -> memref<10112x16xf32, #tpu.memory_space<vmem_shared>>
      tpu.enqueue_indirect_dma source(%dma_start3A_569 : memref<128x16xf32, #tpu.memory_space<vmem>>) target(%dma_start3A_575 : memref<10112x16xf32, #tpu.memory_space<vmem_shared>>) offsets(%dma_start3A_572 : memref<128xi32, #tpu.memory_space<vmem>>) semaphore(%arg14 : memref<!tpu.dma_semaphore, #tpu.memory_space<semaphore_mem>>) {add = true}
      %mul3A_576 = arith.constant 4 : i32
      %mul3A_577 = arith.muli %add3A_135, %mul3A_576 : i32
      %add3A_578 = arith.constant 3 : i32
      %add3A_579 = arith.addi %mul3A_577, %add3A_578 : i32
      %dma_start3A_580 = arith.constant 1 : i32
      %dma_start3A_581 = arith.constant 3 : i32
      %dma_start3A_582 = arith.constant 0 : i32
      %dma_start3A_583 = arith.constant 0 : i32
      %dma_start3A_584 = tpu.memref_slice %arg8[%dma_start3A_580, %dma_start3A_581, %dma_start3A_582, %dma_start3A_583] : memref<2x4x128x16xf32, #tpu.memory_space<vmem>> -> memref<1x1x128x16xf32, #tpu.memory_space<vmem>>
      %dma_start3A_585 = tpu.memref_squeeze %dma_start3A_584 : memref<1x1x128x16xf32, #tpu.memory_space<vmem>> -> memref<128x16xf32, #tpu.memory_space<vmem>>
      %dma_start3A_586 = arith.constant 0 : i32
      %dma_start3A_587 = tpu.memref_slice %arg7[%add3A_579, %dma_start3A_586] : memref<80x128xi32, #tpu.memory_space<vmem>> -> memref<1x128xi32, #tpu.memory_space<vmem>>
      %dma_start3A_588 = tpu.memref_squeeze %dma_start3A_587 : memref<1x128xi32, #tpu.memory_space<vmem>> -> memref<128xi32, #tpu.memory_space<vmem>>
      %dma_start3A_589 = arith.constant 0 : i32
      %dma_start3A_590 = arith.constant 0 : i32
      %dma_start3A_591 = tpu.memref_slice %arg10[%dma_start3A_589, %dma_start3A_590] : memref<10112x16xf32, #tpu.memory_space<vmem_shared>> -> memref<10112x16xf32, #tpu.memory_space<vmem_shared>>
      tpu.enqueue_indirect_dma source(%dma_start3A_585 : memref<128x16xf32, #tpu.memory_space<vmem>>) target(%dma_start3A_591 : memref<10112x16xf32, #tpu.memory_space<vmem_shared>>) offsets(%dma_start3A_588 : memref<128xi32, #tpu.memory_space<vmem>>) semaphore(%arg14 : memref<!tpu.dma_semaphore, #tpu.memory_space<semaphore_mem>>) {add = true}
      %mul3A_592 = arith.constant 4 : i32
      %mul3A_593 = arith.muli %add3A_135, %mul3A_592 : i32
      %add3A_594 = arith.constant 0 : i32
      %add3A_595 = arith.addi %mul3A_593, %add3A_594 : i32
      %dma_wait3A_596 = arith.constant 1 : i32
      %dma_wait3A_597 = arith.constant 0 : i32
      %dma_wait3A_598 = arith.constant 0 : i32
      %dma_wait3A_599 = arith.constant 0 : i32
      %dma_wait3A_600 = tpu.memref_slice %arg8[%dma_wait3A_596, %dma_wait3A_597, %dma_wait3A_598, %dma_wait3A_599] : memref<2x4x128x16xf32, #tpu.memory_space<vmem>> -> memref<1x1x128x16xf32, #tpu.memory_space<vmem>>
      %dma_wait3A_601 = tpu.memref_squeeze %dma_wait3A_600 : memref<1x1x128x16xf32, #tpu.memory_space<vmem>> -> memref<128x16xf32, #tpu.memory_space<vmem>>
      %dma_wait3A_602 = arith.constant 0 : i32
      %dma_wait3A_603 = tpu.memref_slice %arg7[%add3A_595, %dma_wait3A_602] : memref<80x128xi32, #tpu.memory_space<vmem>> -> memref<1x128xi32, #tpu.memory_space<vmem>>
      %dma_wait3A_604 = tpu.memref_squeeze %dma_wait3A_603 : memref<1x128xi32, #tpu.memory_space<vmem>> -> memref<128xi32, #tpu.memory_space<vmem>>
      %dma_wait3A_605 = arith.constant 0 : i32
      %dma_wait3A_606 = arith.constant 0 : i32
      %dma_wait3A_607 = tpu.memref_slice %arg10[%dma_wait3A_605, %dma_wait3A_606] : memref<10112x16xf32, #tpu.memory_space<vmem_shared>> -> memref<10112x16xf32, #tpu.memory_space<vmem_shared>>
      tpu.wait_indirect_dma semaphore(%arg14 : memref<!tpu.dma_semaphore, #tpu.memory_space<semaphore_mem>>) src(%dma_wait3A_601 : memref<128x16xf32, #tpu.memory_space<vmem>>) dst(%dma_wait3A_607 : memref<10112x16xf32, #tpu.memory_space<vmem_shared>>)
      %mul3A_608 = arith.constant 4 : i32
      %mul3A_609 = arith.muli %add3A_135, %mul3A_608 : i32
      %add3A_610 = arith.constant 1 : i32
      %add3A_611 = arith.addi %mul3A_609, %add3A_610 : i32
      %dma_wait3A_612 = arith.constant 1 : i32
      %dma_wait3A_613 = arith.constant 1 : i32
      %dma_wait3A_614 = arith.constant 0 : i32
      %dma_wait3A_615 = arith.constant 0 : i32
      %dma_wait3A_616 = tpu.memref_slice %arg8[%dma_wait3A_612, %dma_wait3A_613, %dma_wait3A_614, %dma_wait3A_615] : memref<2x4x128x16xf32, #tpu.memory_space<vmem>> -> memref<1x1x128x16xf32, #tpu.memory_space<vmem>>
      %dma_wait3A_617 = tpu.memref_squeeze %dma_wait3A_616 : memref<1x1x128x16xf32, #tpu.memory_space<vmem>> -> memref<128x16xf32, #tpu.memory_space<vmem>>
      %dma_wait3A_618 = arith.constant 0 : i32
      %dma_wait3A_619 = tpu.memref_slice %arg7[%add3A_611, %dma_wait3A_618] : memref<80x128xi32, #tpu.memory_space<vmem>> -> memref<1x128xi32, #tpu.memory_space<vmem>>
      %dma_wait3A_620 = tpu.memref_squeeze %dma_wait3A_619 : memref<1x128xi32, #tpu.memory_space<vmem>> -> memref<128xi32, #tpu.memory_space<vmem>>
      %dma_wait3A_621 = arith.constant 0 : i32
      %dma_wait3A_622 = arith.constant 0 : i32
      %dma_wait3A_623 = tpu.memref_slice %arg10[%dma_wait3A_621, %dma_wait3A_622] : memref<10112x16xf32, #tpu.memory_space<vmem_shared>> -> memref<10112x16xf32, #tpu.memory_space<vmem_shared>>
      tpu.wait_indirect_dma semaphore(%arg14 : memref<!tpu.dma_semaphore, #tpu.memory_space<semaphore_mem>>) src(%dma_wait3A_617 : memref<128x16xf32, #tpu.memory_space<vmem>>) dst(%dma_wait3A_623 : memref<10112x16xf32, #tpu.memory_space<vmem_shared>>)
      %mul3A_624 = arith.constant 4 : i32
      %mul3A_625 = arith.muli %add3A_135, %mul3A_624 : i32
      %add3A_626 = arith.constant 2 : i32
      %add3A_627 = arith.addi %mul3A_625, %add3A_626 : i32
      %dma_wait3A_628 = arith.constant 1 : i32
      %dma_wait3A_629 = arith.constant 2 : i32
      %dma_wait3A_630 = arith.constant 0 : i32
      %dma_wait3A_631 = arith.constant 0 : i32
      %dma_wait3A_632 = tpu.memref_slice %arg8[%dma_wait3A_628, %dma_wait3A_629, %dma_wait3A_630, %dma_wait3A_631] : memref<2x4x128x16xf32, #tpu.memory_space<vmem>> -> memref<1x1x128x16xf32, #tpu.memory_space<vmem>>
      %dma_wait3A_633 = tpu.memref_squeeze %dma_wait3A_632 : memref<1x1x128x16xf32, #tpu.memory_space<vmem>> -> memref<128x16xf32, #tpu.memory_space<vmem>>
      %dma_wait3A_634 = arith.constant 0 : i32
      %dma_wait3A_635 = tpu.memref_slice %arg7[%add3A_627, %dma_wait3A_634] : memref<80x128xi32, #tpu.memory_space<vmem>> -> memref<1x128xi32, #tpu.memory_space<vmem>>
      %dma_wait3A_636 = tpu.memref_squeeze %dma_wait3A_635 : memref<1x128xi32, #tpu.memory_space<vmem>> -> memref<128xi32, #tpu.memory_space<vmem>>
      %dma_wait3A_637 = arith.constant 0 : i32
      %dma_wait3A_638 = arith.constant 0 : i32
      %dma_wait3A_639 = tpu.memref_slice %arg10[%dma_wait3A_637, %dma_wait3A_638] : memref<10112x16xf32, #tpu.memory_space<vmem_shared>> -> memref<10112x16xf32, #tpu.memory_space<vmem_shared>>
      tpu.wait_indirect_dma semaphore(%arg14 : memref<!tpu.dma_semaphore, #tpu.memory_space<semaphore_mem>>) src(%dma_wait3A_633 : memref<128x16xf32, #tpu.memory_space<vmem>>) dst(%dma_wait3A_639 : memref<10112x16xf32, #tpu.memory_space<vmem_shared>>)
      %mul3A_640 = arith.constant 4 : i32
      %mul3A_641 = arith.muli %add3A_135, %mul3A_640 : i32
      %add3A_642 = arith.constant 3 : i32
      %add3A_643 = arith.addi %mul3A_641, %add3A_642 : i32
      %dma_wait3A_644 = arith.constant 1 : i32
      %dma_wait3A_645 = arith.constant 3 : i32
      %dma_wait3A_646 = arith.constant 0 : i32
      %dma_wait3A_647 = arith.constant 0 : i32
      %dma_wait3A_648 = tpu.memref_slice %arg8[%dma_wait3A_644, %dma_wait3A_645, %dma_wait3A_646, %dma_wait3A_647] : memref<2x4x128x16xf32, #tpu.memory_space<vmem>> -> memref<1x1x128x16xf32, #tpu.memory_space<vmem>>
      %dma_wait3A_649 = tpu.memref_squeeze %dma_wait3A_648 : memref<1x1x128x16xf32, #tpu.memory_space<vmem>> -> memref<128x16xf32, #tpu.memory_space<vmem>>
      %dma_wait3A_650 = arith.constant 0 : i32
      %dma_wait3A_651 = tpu.memref_slice %arg7[%add3A_643, %dma_wait3A_650] : memref<80x128xi32, #tpu.memory_space<vmem>> -> memref<1x128xi32, #tpu.memory_space<vmem>>
      %dma_wait3A_652 = tpu.memref_squeeze %dma_wait3A_651 : memref<1x128xi32, #tpu.memory_space<vmem>> -> memref<128xi32, #tpu.memory_space<vmem>>
      %dma_wait3A_653 = arith.constant 0 : i32
      %dma_wait3A_654 = arith.constant 0 : i32
      %dma_wait3A_655 = tpu.memref_slice %arg10[%dma_wait3A_653, %dma_wait3A_654] : memref<10112x16xf32, #tpu.memory_space<vmem_shared>> -> memref<10112x16xf32, #tpu.memory_space<vmem_shared>>
      tpu.wait_indirect_dma semaphore(%arg14 : memref<!tpu.dma_semaphore, #tpu.memory_space<semaphore_mem>>) src(%dma_wait3A_649 : memref<128x16xf32, #tpu.memory_space<vmem>>) dst(%dma_wait3A_655 : memref<10112x16xf32, #tpu.memory_space<vmem_shared>>)
    }
    %scan3A_72 = arith.constant 10 : i32
    %dma_wait3A = arith.constant 80 : i32
    %dma_wait3A_73 = arith.constant 0 : i32
    %dma_wait3A_74 = arith.constant 0 : i32
    %dma_wait3A_75 = arith.constant 0 : i32
    %dma_wait3A_76 = arith.constant 0 : i32
    %dma_wait3A_77 = tpu.memref_slice %arg8[%dma_wait3A_73, %dma_wait3A_74, %dma_wait3A_75, %dma_wait3A_76] : memref<2x4x128x16xf32, #tpu.memory_space<vmem>> -> memref<1x1x128x16xf32, #tpu.memory_space<vmem>>
    %dma_wait3A_78 = tpu.memref_squeeze %dma_wait3A_77 : memref<1x1x128x16xf32, #tpu.memory_space<vmem>> -> memref<128x16xf32, #tpu.memory_space<vmem>>
    %dma_wait3A_79 = arith.constant 0 : i32
    %dma_wait3A_80 = tpu.memref_slice %arg6[%dma_wait3A, %dma_wait3A_79] : memref<84x128xi32, #tpu.memory_space<vmem>> -> memref<1x128xi32, #tpu.memory_space<vmem>>
    %dma_wait3A_81 = tpu.memref_squeeze %dma_wait3A_80 : memref<1x128xi32, #tpu.memory_space<vmem>> -> memref<128xi32, #tpu.memory_space<vmem>>
    %dma_wait3A_82 = arith.constant 0 : i32
    %dma_wait3A_83 = arith.constant 0 : i32
    %dma_wait3A_84 = tpu.memref_slice %arg9[%dma_wait3A_82, %dma_wait3A_83] : memref<10112x16xf32, #tpu.memory_space<vmem_shared>> -> memref<10112x16xf32, #tpu.memory_space<vmem_shared>>
    tpu.wait_indirect_dma semaphore(%arg11 : memref<!tpu.dma_semaphore, #tpu.memory_space<semaphore_mem>>) src(%dma_wait3A_84 : memref<10112x16xf32, #tpu.memory_space<vmem_shared>>) dst(%dma_wait3A_78 : memref<128x16xf32, #tpu.memory_space<vmem>>)
    %dma_wait3A_85 = arith.constant 81 : i32
    %dma_wait3A_86 = arith.constant 0 : i32
    %dma_wait3A_87 = arith.constant 1 : i32
    %dma_wait3A_88 = arith.constant 0 : i32
    %dma_wait3A_89 = arith.constant 0 : i32
    %dma_wait3A_90 = tpu.memref_slice %arg8[%dma_wait3A_86, %dma_wait3A_87, %dma_wait3A_88, %dma_wait3A_89] : memref<2x4x128x16xf32, #tpu.memory_space<vmem>> -> memref<1x1x128x16xf32, #tpu.memory_space<vmem>>
    %dma_wait3A_91 = tpu.memref_squeeze %dma_wait3A_90 : memref<1x1x128x16xf32, #tpu.memory_space<vmem>> -> memref<128x16xf32, #tpu.memory_space<vmem>>
    %dma_wait3A_92 = arith.constant 0 : i32
    %dma_wait3A_93 = tpu.memref_slice %arg6[%dma_wait3A_85, %dma_wait3A_92] : memref<84x128xi32, #tpu.memory_space<vmem>> -> memref<1x128xi32, #tpu.memory_space<vmem>>
    %dma_wait3A_94 = tpu.memref_squeeze %dma_wait3A_93 : memref<1x128xi32, #tpu.memory_space<vmem>> -> memref<128xi32, #tpu.memory_space<vmem>>
    %dma_wait3A_95 = arith.constant 0 : i32
    %dma_wait3A_96 = arith.constant 0 : i32
    %dma_wait3A_97 = tpu.memref_slice %arg9[%dma_wait3A_95, %dma_wait3A_96] : memref<10112x16xf32, #tpu.memory_space<vmem_shared>> -> memref<10112x16xf32, #tpu.memory_space<vmem_shared>>
    tpu.wait_indirect_dma semaphore(%arg11 : memref<!tpu.dma_semaphore, #tpu.memory_space<semaphore_mem>>) src(%dma_wait3A_97 : memref<10112x16xf32, #tpu.memory_space<vmem_shared>>) dst(%dma_wait3A_91 : memref<128x16xf32, #tpu.memory_space<vmem>>)
    %dma_wait3A_98 = arith.constant 82 : i32
    %dma_wait3A_99 = arith.constant 0 : i32
    %dma_wait3A_100 = arith.constant 2 : i32
    %dma_wait3A_101 = arith.constant 0 : i32
    %dma_wait3A_102 = arith.constant 0 : i32
    %dma_wait3A_103 = tpu.memref_slice %arg8[%dma_wait3A_99, %dma_wait3A_100, %dma_wait3A_101, %dma_wait3A_102] : memref<2x4x128x16xf32, #tpu.memory_space<vmem>> -> memref<1x1x128x16xf32, #tpu.memory_space<vmem>>
    %dma_wait3A_104 = tpu.memref_squeeze %dma_wait3A_103 : memref<1x1x128x16xf32, #tpu.memory_space<vmem>> -> memref<128x16xf32, #tpu.memory_space<vmem>>
    %dma_wait3A_105 = arith.constant 0 : i32
    %dma_wait3A_106 = tpu.memref_slice %arg6[%dma_wait3A_98, %dma_wait3A_105] : memref<84x128xi32, #tpu.memory_space<vmem>> -> memref<1x128xi32, #tpu.memory_space<vmem>>
    %dma_wait3A_107 = tpu.memref_squeeze %dma_wait3A_106 : memref<1x128xi32, #tpu.memory_space<vmem>> -> memref<128xi32, #tpu.memory_space<vmem>>
    %dma_wait3A_108 = arith.constant 0 : i32
    %dma_wait3A_109 = arith.constant 0 : i32
    %dma_wait3A_110 = tpu.memref_slice %arg9[%dma_wait3A_108, %dma_wait3A_109] : memref<10112x16xf32, #tpu.memory_space<vmem_shared>> -> memref<10112x16xf32, #tpu.memory_space<vmem_shared>>
    tpu.wait_indirect_dma semaphore(%arg11 : memref<!tpu.dma_semaphore, #tpu.memory_space<semaphore_mem>>) src(%dma_wait3A_110 : memref<10112x16xf32, #tpu.memory_space<vmem_shared>>) dst(%dma_wait3A_104 : memref<128x16xf32, #tpu.memory_space<vmem>>)
    %dma_wait3A_111 = arith.constant 83 : i32
    %dma_wait3A_112 = arith.constant 0 : i32
    %dma_wait3A_113 = arith.constant 3 : i32
    %dma_wait3A_114 = arith.constant 0 : i32
    %dma_wait3A_115 = arith.constant 0 : i32
    %dma_wait3A_116 = tpu.memref_slice %arg8[%dma_wait3A_112, %dma_wait3A_113, %dma_wait3A_114, %dma_wait3A_115] : memref<2x4x128x16xf32, #tpu.memory_space<vmem>> -> memref<1x1x128x16xf32, #tpu.memory_space<vmem>>
    %dma_wait3A_117 = tpu.memref_squeeze %dma_wait3A_116 : memref<1x1x128x16xf32, #tpu.memory_space<vmem>> -> memref<128x16xf32, #tpu.memory_space<vmem>>
    %dma_wait3A_118 = arith.constant 0 : i32
    %dma_wait3A_119 = tpu.memref_slice %arg6[%dma_wait3A_111, %dma_wait3A_118] : memref<84x128xi32, #tpu.memory_space<vmem>> -> memref<1x128xi32, #tpu.memory_space<vmem>>
    %dma_wait3A_120 = tpu.memref_squeeze %dma_wait3A_119 : memref<1x128xi32, #tpu.memory_space<vmem>> -> memref<128xi32, #tpu.memory_space<vmem>>
    %dma_wait3A_121 = arith.constant 0 : i32
    %dma_wait3A_122 = arith.constant 0 : i32
    %dma_wait3A_123 = tpu.memref_slice %arg9[%dma_wait3A_121, %dma_wait3A_122] : memref<10112x16xf32, #tpu.memory_space<vmem_shared>> -> memref<10112x16xf32, #tpu.memory_space<vmem_shared>>
    tpu.wait_indirect_dma semaphore(%arg11 : memref<!tpu.dma_semaphore, #tpu.memory_space<semaphore_mem>>) src(%dma_wait3A_123 : memref<10112x16xf32, #tpu.memory_space<vmem_shared>>) dst(%dma_wait3A_117 : memref<128x16xf32, #tpu.memory_space<vmem>>)
    %barrier3A_124 = arith.constant 0 : index
    tpu.barrier barrier_id(%barrier3A_124)
    %mul3A_125 = arith.constant 632 : i32
    %mul3A_126 = arith.muli %arg1, %mul3A_125 : i32
    %mul3A_127 = arith.constant 632 : i32
    %mul3A_128 = arith.muli %arg1, %mul3A_127 : i32
    "tpu.region"() ({
      %run_scoped3A_129 = tpu.sem_alloc : memref<!tpu.dma_semaphore, #tpu.memory_space<semaphore_mem>>
      %dma_start3A_130 = arith.constant 0 : i32
      %dma_start3A_131 = tpu.memref_slice %arg5[%arg0, %mul3A_128, %dma_start3A_130] : memref<2x10112x16xf32, #tpu.memory_space<hbm>> -> memref<1x632x16xf32, #tpu.memory_space<hbm>>
      %dma_start3A_132 = tpu.memref_squeeze %dma_start3A_131 : memref<1x632x16xf32, #tpu.memory_space<hbm>> -> memref<632x16xf32, #tpu.memory_space<hbm>>
      %dma_start3A_133 = arith.constant 0 : i32
      %dma_start3A_134 = tpu.memref_slice %arg10[%mul3A_126, %dma_start3A_133] : memref<10112x16xf32, #tpu.memory_space<vmem_shared>> -> memref<632x16xf32, #tpu.memory_space<vmem_shared>>
      tpu.enqueue_dma source(%dma_start3A_134 : memref<632x16xf32, #tpu.memory_space<vmem_shared>>) target(%dma_start3A_132 : memref<632x16xf32, #tpu.memory_space<hbm>>) target_semaphore(%run_scoped3A_129 : memref<!tpu.dma_semaphore, #tpu.memory_space<semaphore_mem>>)
      %dma_wait3A_135 = arith.constant 0 : i32
      %dma_wait3A_136 = tpu.memref_slice %arg5[%arg0, %mul3A_128, %dma_wait3A_135] : memref<2x10112x16xf32, #tpu.memory_space<hbm>> -> memref<1x632x16xf32, #tpu.memory_space<hbm>>
      %dma_wait3A_137 = tpu.memref_squeeze %dma_wait3A_136 : memref<1x632x16xf32, #tpu.memory_space<hbm>> -> memref<632x16xf32, #tpu.memory_space<hbm>>
      %dma_wait3A_138 = arith.constant 0 : i32
      %dma_wait3A_139 = tpu.memref_slice %arg10[%mul3A_126, %dma_wait3A_138] : memref<10112x16xf32, #tpu.memory_space<vmem_shared>> -> memref<632x16xf32, #tpu.memory_space<vmem_shared>>
      tpu.wait_dma2 semaphore(%run_scoped3A_129 : memref<!tpu.dma_semaphore, #tpu.memory_space<semaphore_mem>>) src(%dma_wait3A_139 : memref<632x16xf32, #tpu.memory_space<vmem_shared>>) dst(%dma_wait3A_137 : memref<632x16xf32, #tpu.memory_space<hbm>>)
      tpu.yield
    }) : () -> ()
    return
  }
}

#map = affine_map<(d0, d1) -> (0, 0, 0)>
#map1 = affine_map<(d0, d1) -> (0, 0)>
module attributes {stable_mosaic.version = 14 : i64} {
  func.func @_sc_deg_body(%arg0: i32, %arg1: i32, %arg2: memref<2x2560x128xi32, #tpu.memory_space<hbm>>, %arg3: memref<128x16xf32, #tpu.memory_space<hbm>>, %arg4: memref<10112x16xf32, #tpu.memory_space<hbm>>, %arg5: memref<2x10112x16xf32, #tpu.memory_space<hbm>>, %arg6: memref<80x128xi32, #tpu.memory_space<vmem>>, %arg7: memref<128x16xf32, #tpu.memory_space<vmem>>, %arg8: memref<10112x16xf32, #tpu.memory_space<vmem_shared>>, %arg9: memref<!tpu.dma_semaphore, #tpu.memory_space<semaphore_mem>>) attributes {dimension_semantics = [#tpu.dimension_semantics<core_parallel>, #tpu.dimension_semantics<subcore_parallel>], iteration_bounds = array<i64: 2, 16>, scalar_prefetch = 0 : i64, scratch_operands = 4 : i64, tpu.core_type = #tpu.core_type<sc_vector_subcore>, window_params = [{transform_indices = #map}, {transform_indices = #map1}, {transform_indices = #map1}, {transform_indices = #map}]} {
    %mul3A = arith.constant 2 : i32
    %mul3A_0 = arith.muli %arg1, %mul3A : i32
    %add3A = arith.addi %mul3A_0, %arg0 : i32
    "tpu.region"() ({
      %run_scoped3A_127 = tpu.sem_alloc : memref<!tpu.dma_semaphore, #tpu.memory_space<semaphore_mem>>
      tpu.enqueue_dma source(%arg3 : memref<128x16xf32, #tpu.memory_space<hbm>>) target(%arg7 : memref<128x16xf32, #tpu.memory_space<vmem>>) target_semaphore(%run_scoped3A_127 : memref<!tpu.dma_semaphore, #tpu.memory_space<semaphore_mem>>)
      tpu.wait_dma2 semaphore(%run_scoped3A_127 : memref<!tpu.dma_semaphore, #tpu.memory_space<semaphore_mem>>) src(%arg3 : memref<128x16xf32, #tpu.memory_space<hbm>>) dst(%arg7 : memref<128x16xf32, #tpu.memory_space<vmem>>)
      tpu.yield
    }) : () -> ()
    %mul3A_1 = arith.constant 80 : i32
    %mul3A_2 = arith.muli %add3A, %mul3A_1 : i32
    %run_scoped3A = arith.constant 1 : i32
    "tpu.region"() ({
      %run_scoped3A_127 = tpu.sem_alloc : memref<!tpu.dma_semaphore, #tpu.memory_space<semaphore_mem>>
      %dma_start3A_128 = arith.constant 0 : i32
      %dma_start3A_129 = tpu.memref_slice %arg2[%run_scoped3A, %mul3A_2, %dma_start3A_128] : memref<2x2560x128xi32, #tpu.memory_space<hbm>> -> memref<1x80x128xi32, #tpu.memory_space<hbm>>
      %dma_start3A_130 = tpu.memref_squeeze %dma_start3A_129 : memref<1x80x128xi32, #tpu.memory_space<hbm>> -> memref<80x128xi32, #tpu.memory_space<hbm>>
      %dma_start3A_131 = arith.constant 0 : i32
      %dma_start3A_132 = tpu.memref_slice %arg2[%run_scoped3A, %mul3A_2, %dma_start3A_131] : memref<2x2560x128xi32, #tpu.memory_space<hbm>> -> memref<1x80x128xi32, #tpu.memory_space<hbm>>
      %dma_start3A_133 = tpu.memref_squeeze %dma_start3A_132 : memref<1x80x128xi32, #tpu.memory_space<hbm>> -> memref<80x128xi32, #tpu.memory_space<hbm>>
      tpu.enqueue_dma source(%dma_start3A_133 : memref<80x128xi32, #tpu.memory_space<hbm>>) target(%arg6 : memref<80x128xi32, #tpu.memory_space<vmem>>) target_semaphore(%run_scoped3A_127 : memref<!tpu.dma_semaphore, #tpu.memory_space<semaphore_mem>>)
      %dma_wait3A_134 = arith.constant 0 : i32
      %dma_wait3A_135 = tpu.memref_slice %arg2[%run_scoped3A, %mul3A_2, %dma_wait3A_134] : memref<2x2560x128xi32, #tpu.memory_space<hbm>> -> memref<1x80x128xi32, #tpu.memory_space<hbm>>
      %dma_wait3A_136 = tpu.memref_squeeze %dma_wait3A_135 : memref<1x80x128xi32, #tpu.memory_space<hbm>> -> memref<80x128xi32, #tpu.memory_space<hbm>>
      %dma_wait3A_137 = arith.constant 0 : i32
      %dma_wait3A_138 = tpu.memref_slice %arg2[%run_scoped3A, %mul3A_2, %dma_wait3A_137] : memref<2x2560x128xi32, #tpu.memory_space<hbm>> -> memref<1x80x128xi32, #tpu.memory_space<hbm>>
      %dma_wait3A_139 = tpu.memref_squeeze %dma_wait3A_138 : memref<1x80x128xi32, #tpu.memory_space<hbm>> -> memref<80x128xi32, #tpu.memory_space<hbm>>
      tpu.wait_dma2 semaphore(%run_scoped3A_127 : memref<!tpu.dma_semaphore, #tpu.memory_space<semaphore_mem>>) src(%dma_wait3A_139 : memref<80x128xi32, #tpu.memory_space<hbm>>) dst(%arg6 : memref<80x128xi32, #tpu.memory_space<vmem>>)
      tpu.yield
    }) : () -> ()
    %mul3A_3 = arith.constant 632 : i32
    %mul3A_4 = arith.muli %arg1, %mul3A_3 : i32
    %mul3A_5 = arith.constant 632 : i32
    %mul3A_6 = arith.muli %arg1, %mul3A_5 : i32
    "tpu.region"() ({
      %run_scoped3A_127 = tpu.sem_alloc : memref<!tpu.dma_semaphore, #tpu.memory_space<semaphore_mem>>
      %dma_start3A_128 = arith.constant 0 : i32
      %dma_start3A_129 = tpu.memref_slice %arg8[%mul3A_6, %dma_start3A_128] : memref<10112x16xf32, #tpu.memory_space<vmem_shared>> -> memref<632x16xf32, #tpu.memory_space<vmem_shared>>
      %dma_start3A_130 = arith.constant 0 : i32
      %dma_start3A_131 = tpu.memref_slice %arg4[%mul3A_4, %dma_start3A_130] : memref<10112x16xf32, #tpu.memory_space<hbm>> -> memref<632x16xf32, #tpu.memory_space<hbm>>
      tpu.enqueue_dma source(%dma_start3A_131 : memref<632x16xf32, #tpu.memory_space<hbm>>) target(%dma_start3A_129 : memref<632x16xf32, #tpu.memory_space<vmem_shared>>) target_semaphore(%run_scoped3A_127 : memref<!tpu.dma_semaphore, #tpu.memory_space<semaphore_mem>>)
      %dma_wait3A_132 = arith.constant 0 : i32
      %dma_wait3A_133 = tpu.memref_slice %arg8[%mul3A_6, %dma_wait3A_132] : memref<10112x16xf32, #tpu.memory_space<vmem_shared>> -> memref<632x16xf32, #tpu.memory_space<vmem_shared>>
      %dma_wait3A_134 = arith.constant 0 : i32
      %dma_wait3A_135 = tpu.memref_slice %arg4[%mul3A_4, %dma_wait3A_134] : memref<10112x16xf32, #tpu.memory_space<hbm>> -> memref<632x16xf32, #tpu.memory_space<hbm>>
      tpu.wait_dma2 semaphore(%run_scoped3A_127 : memref<!tpu.dma_semaphore, #tpu.memory_space<semaphore_mem>>) src(%dma_wait3A_135 : memref<632x16xf32, #tpu.memory_space<hbm>>) dst(%dma_wait3A_133 : memref<632x16xf32, #tpu.memory_space<vmem_shared>>)
      tpu.yield
    }) : () -> ()
    %barrier3A = arith.constant 0 : index
    tpu.barrier barrier_id(%barrier3A)
    %dma_start3A = arith.constant 0 : i32
    %dma_start3A_7 = arith.constant 0 : i32
    %dma_start3A_8 = tpu.memref_slice %arg6[%dma_start3A, %dma_start3A_7] : memref<80x128xi32, #tpu.memory_space<vmem>> -> memref<1x128xi32, #tpu.memory_space<vmem>>
    %dma_start3A_9 = tpu.memref_squeeze %dma_start3A_8 : memref<1x128xi32, #tpu.memory_space<vmem>> -> memref<128xi32, #tpu.memory_space<vmem>>
    %dma_start3A_10 = arith.constant 0 : i32
    %dma_start3A_11 = arith.constant 0 : i32
    %dma_start3A_12 = tpu.memref_slice %arg8[%dma_start3A_10, %dma_start3A_11] : memref<10112x16xf32, #tpu.memory_space<vmem_shared>> -> memref<10112x16xf32, #tpu.memory_space<vmem_shared>>
    tpu.enqueue_indirect_dma source(%arg7 : memref<128x16xf32, #tpu.memory_space<vmem>>) target(%dma_start3A_12 : memref<10112x16xf32, #tpu.memory_space<vmem_shared>>) offsets(%dma_start3A_9 : memref<128xi32, #tpu.memory_space<vmem>>) semaphore(%arg9 : memref<!tpu.dma_semaphore, #tpu.memory_space<semaphore_mem>>) {add = true}
    %dma_start3A_13 = arith.constant 1 : i32
    %dma_start3A_14 = arith.constant 0 : i32
    %dma_start3A_15 = tpu.memref_slice %arg6[%dma_start3A_13, %dma_start3A_14] : memref<80x128xi32, #tpu.memory_space<vmem>> -> memref<1x128xi32, #tpu.memory_space<vmem>>
    %dma_start3A_16 = tpu.memref_squeeze %dma_start3A_15 : memref<1x128xi32, #tpu.memory_space<vmem>> -> memref<128xi32, #tpu.memory_space<vmem>>
    %dma_start3A_17 = arith.constant 0 : i32
    %dma_start3A_18 = arith.constant 0 : i32
    %dma_start3A_19 = tpu.memref_slice %arg8[%dma_start3A_17, %dma_start3A_18] : memref<10112x16xf32, #tpu.memory_space<vmem_shared>> -> memref<10112x16xf32, #tpu.memory_space<vmem_shared>>
    tpu.enqueue_indirect_dma source(%arg7 : memref<128x16xf32, #tpu.memory_space<vmem>>) target(%dma_start3A_19 : memref<10112x16xf32, #tpu.memory_space<vmem_shared>>) offsets(%dma_start3A_16 : memref<128xi32, #tpu.memory_space<vmem>>) semaphore(%arg9 : memref<!tpu.dma_semaphore, #tpu.memory_space<semaphore_mem>>) {add = true}
    %dma_start3A_20 = arith.constant 2 : i32
    %dma_start3A_21 = arith.constant 0 : i32
    %dma_start3A_22 = tpu.memref_slice %arg6[%dma_start3A_20, %dma_start3A_21] : memref<80x128xi32, #tpu.memory_space<vmem>> -> memref<1x128xi32, #tpu.memory_space<vmem>>
    %dma_start3A_23 = tpu.memref_squeeze %dma_start3A_22 : memref<1x128xi32, #tpu.memory_space<vmem>> -> memref<128xi32, #tpu.memory_space<vmem>>
    %dma_start3A_24 = arith.constant 0 : i32
    %dma_start3A_25 = arith.constant 0 : i32
    %dma_start3A_26 = tpu.memref_slice %arg8[%dma_start3A_24, %dma_start3A_25] : memref<10112x16xf32, #tpu.memory_space<vmem_shared>> -> memref<10112x16xf32, #tpu.memory_space<vmem_shared>>
    tpu.enqueue_indirect_dma source(%arg7 : memref<128x16xf32, #tpu.memory_space<vmem>>) target(%dma_start3A_26 : memref<10112x16xf32, #tpu.memory_space<vmem_shared>>) offsets(%dma_start3A_23 : memref<128xi32, #tpu.memory_space<vmem>>) semaphore(%arg9 : memref<!tpu.dma_semaphore, #tpu.memory_space<semaphore_mem>>) {add = true}
    %dma_start3A_27 = arith.constant 3 : i32
    %dma_start3A_28 = arith.constant 0 : i32
    %dma_start3A_29 = tpu.memref_slice %arg6[%dma_start3A_27, %dma_start3A_28] : memref<80x128xi32, #tpu.memory_space<vmem>> -> memref<1x128xi32, #tpu.memory_space<vmem>>
    %dma_start3A_30 = tpu.memref_squeeze %dma_start3A_29 : memref<1x128xi32, #tpu.memory_space<vmem>> -> memref<128xi32, #tpu.memory_space<vmem>>
    %dma_start3A_31 = arith.constant 0 : i32
    %dma_start3A_32 = arith.constant 0 : i32
    %dma_start3A_33 = tpu.memref_slice %arg8[%dma_start3A_31, %dma_start3A_32] : memref<10112x16xf32, #tpu.memory_space<vmem_shared>> -> memref<10112x16xf32, #tpu.memory_space<vmem_shared>>
    tpu.enqueue_indirect_dma source(%arg7 : memref<128x16xf32, #tpu.memory_space<vmem>>) target(%dma_start3A_33 : memref<10112x16xf32, #tpu.memory_space<vmem_shared>>) offsets(%dma_start3A_30 : memref<128xi32, #tpu.memory_space<vmem>>) semaphore(%arg9 : memref<!tpu.dma_semaphore, #tpu.memory_space<semaphore_mem>>) {add = true}
    %dma_start3A_34 = arith.constant 4 : i32
    %dma_start3A_35 = arith.constant 0 : i32
    %dma_start3A_36 = tpu.memref_slice %arg6[%dma_start3A_34, %dma_start3A_35] : memref<80x128xi32, #tpu.memory_space<vmem>> -> memref<1x128xi32, #tpu.memory_space<vmem>>
    %dma_start3A_37 = tpu.memref_squeeze %dma_start3A_36 : memref<1x128xi32, #tpu.memory_space<vmem>> -> memref<128xi32, #tpu.memory_space<vmem>>
    %dma_start3A_38 = arith.constant 0 : i32
    %dma_start3A_39 = arith.constant 0 : i32
    %dma_start3A_40 = tpu.memref_slice %arg8[%dma_start3A_38, %dma_start3A_39] : memref<10112x16xf32, #tpu.memory_space<vmem_shared>> -> memref<10112x16xf32, #tpu.memory_space<vmem_shared>>
    tpu.enqueue_indirect_dma source(%arg7 : memref<128x16xf32, #tpu.memory_space<vmem>>) target(%dma_start3A_40 : memref<10112x16xf32, #tpu.memory_space<vmem_shared>>) offsets(%dma_start3A_37 : memref<128xi32, #tpu.memory_space<vmem>>) semaphore(%arg9 : memref<!tpu.dma_semaphore, #tpu.memory_space<semaphore_mem>>) {add = true}
    %dma_start3A_41 = arith.constant 5 : i32
    %dma_start3A_42 = arith.constant 0 : i32
    %dma_start3A_43 = tpu.memref_slice %arg6[%dma_start3A_41, %dma_start3A_42] : memref<80x128xi32, #tpu.memory_space<vmem>> -> memref<1x128xi32, #tpu.memory_space<vmem>>
    %dma_start3A_44 = tpu.memref_squeeze %dma_start3A_43 : memref<1x128xi32, #tpu.memory_space<vmem>> -> memref<128xi32, #tpu.memory_space<vmem>>
    %dma_start3A_45 = arith.constant 0 : i32
    %dma_start3A_46 = arith.constant 0 : i32
    %dma_start3A_47 = tpu.memref_slice %arg8[%dma_start3A_45, %dma_start3A_46] : memref<10112x16xf32, #tpu.memory_space<vmem_shared>> -> memref<10112x16xf32, #tpu.memory_space<vmem_shared>>
    tpu.enqueue_indirect_dma source(%arg7 : memref<128x16xf32, #tpu.memory_space<vmem>>) target(%dma_start3A_47 : memref<10112x16xf32, #tpu.memory_space<vmem_shared>>) offsets(%dma_start3A_44 : memref<128xi32, #tpu.memory_space<vmem>>) semaphore(%arg9 : memref<!tpu.dma_semaphore, #tpu.memory_space<semaphore_mem>>) {add = true}
    %dma_start3A_48 = arith.constant 6 : i32
    %dma_start3A_49 = arith.constant 0 : i32
    %dma_start3A_50 = tpu.memref_slice %arg6[%dma_start3A_48, %dma_start3A_49] : memref<80x128xi32, #tpu.memory_space<vmem>> -> memref<1x128xi32, #tpu.memory_space<vmem>>
    %dma_start3A_51 = tpu.memref_squeeze %dma_start3A_50 : memref<1x128xi32, #tpu.memory_space<vmem>> -> memref<128xi32, #tpu.memory_space<vmem>>
    %dma_start3A_52 = arith.constant 0 : i32
    %dma_start3A_53 = arith.constant 0 : i32
    %dma_start3A_54 = tpu.memref_slice %arg8[%dma_start3A_52, %dma_start3A_53] : memref<10112x16xf32, #tpu.memory_space<vmem_shared>> -> memref<10112x16xf32, #tpu.memory_space<vmem_shared>>
    tpu.enqueue_indirect_dma source(%arg7 : memref<128x16xf32, #tpu.memory_space<vmem>>) target(%dma_start3A_54 : memref<10112x16xf32, #tpu.memory_space<vmem_shared>>) offsets(%dma_start3A_51 : memref<128xi32, #tpu.memory_space<vmem>>) semaphore(%arg9 : memref<!tpu.dma_semaphore, #tpu.memory_space<semaphore_mem>>) {add = true}
    %dma_start3A_55 = arith.constant 7 : i32
    %dma_start3A_56 = arith.constant 0 : i32
    %dma_start3A_57 = tpu.memref_slice %arg6[%dma_start3A_55, %dma_start3A_56] : memref<80x128xi32, #tpu.memory_space<vmem>> -> memref<1x128xi32, #tpu.memory_space<vmem>>
    %dma_start3A_58 = tpu.memref_squeeze %dma_start3A_57 : memref<1x128xi32, #tpu.memory_space<vmem>> -> memref<128xi32, #tpu.memory_space<vmem>>
    %dma_start3A_59 = arith.constant 0 : i32
    %dma_start3A_60 = arith.constant 0 : i32
    %dma_start3A_61 = tpu.memref_slice %arg8[%dma_start3A_59, %dma_start3A_60] : memref<10112x16xf32, #tpu.memory_space<vmem_shared>> -> memref<10112x16xf32, #tpu.memory_space<vmem_shared>>
    tpu.enqueue_indirect_dma source(%arg7 : memref<128x16xf32, #tpu.memory_space<vmem>>) target(%dma_start3A_61 : memref<10112x16xf32, #tpu.memory_space<vmem_shared>>) offsets(%dma_start3A_58 : memref<128xi32, #tpu.memory_space<vmem>>) semaphore(%arg9 : memref<!tpu.dma_semaphore, #tpu.memory_space<semaphore_mem>>) {add = true}
    %scan3A = arith.constant 0 : i32
    %scan3A_62 = arith.constant 0 : i32
    %scan3A_63 = arith.constant 9 : i32
    %scan3A_64 = arith.addi %scan3A_62, %scan3A_63 : i32
    %scan3A_65 = arith.constant 1 : i32
    scf.for %scan3A_127 = %scan3A_62 to %scan3A_64 step %scan3A_65  : i32 {
      %add3A_128 = arith.constant 1 : i32
      %add3A_129 = arith.addi %scan3A_127, %add3A_128 : i32
      %mul3A_130 = arith.constant 8 : i32
      %mul3A_131 = arith.muli %add3A_129, %mul3A_130 : i32
      %add3A_132 = arith.constant 0 : i32
      %add3A_133 = arith.addi %mul3A_131, %add3A_132 : i32
      %dma_start3A_134 = arith.constant 0 : i32
      %dma_start3A_135 = tpu.memref_slice %arg6[%add3A_133, %dma_start3A_134] : memref<80x128xi32, #tpu.memory_space<vmem>> -> memref<1x128xi32, #tpu.memory_space<vmem>>
      %dma_start3A_136 = tpu.memref_squeeze %dma_start3A_135 : memref<1x128xi32, #tpu.memory_space<vmem>> -> memref<128xi32, #tpu.memory_space<vmem>>
      %dma_start3A_137 = arith.constant 0 : i32
      %dma_start3A_138 = arith.constant 0 : i32
      %dma_start3A_139 = tpu.memref_slice %arg8[%dma_start3A_137, %dma_start3A_138] : memref<10112x16xf32, #tpu.memory_space<vmem_shared>> -> memref<10112x16xf32, #tpu.memory_space<vmem_shared>>
      tpu.enqueue_indirect_dma source(%arg7 : memref<128x16xf32, #tpu.memory_space<vmem>>) target(%dma_start3A_139 : memref<10112x16xf32, #tpu.memory_space<vmem_shared>>) offsets(%dma_start3A_136 : memref<128xi32, #tpu.memory_space<vmem>>) semaphore(%arg9 : memref<!tpu.dma_semaphore, #tpu.memory_space<semaphore_mem>>) {add = true}
      %add3A_140 = arith.constant 1 : i32
      %add3A_141 = arith.addi %scan3A_127, %add3A_140 : i32
      %mul3A_142 = arith.constant 8 : i32
      %mul3A_143 = arith.muli %add3A_141, %mul3A_142 : i32
      %add3A_144 = arith.constant 1 : i32
      %add3A_145 = arith.addi %mul3A_143, %add3A_144 : i32
      %dma_start3A_146 = arith.constant 0 : i32
      %dma_start3A_147 = tpu.memref_slice %arg6[%add3A_145, %dma_start3A_146] : memref<80x128xi32, #tpu.memory_space<vmem>> -> memref<1x128xi32, #tpu.memory_space<vmem>>
      %dma_start3A_148 = tpu.memref_squeeze %dma_start3A_147 : memref<1x128xi32, #tpu.memory_space<vmem>> -> memref<128xi32, #tpu.memory_space<vmem>>
      %dma_start3A_149 = arith.constant 0 : i32
      %dma_start3A_150 = arith.constant 0 : i32
      %dma_start3A_151 = tpu.memref_slice %arg8[%dma_start3A_149, %dma_start3A_150] : memref<10112x16xf32, #tpu.memory_space<vmem_shared>> -> memref<10112x16xf32, #tpu.memory_space<vmem_shared>>
      tpu.enqueue_indirect_dma source(%arg7 : memref<128x16xf32, #tpu.memory_space<vmem>>) target(%dma_start3A_151 : memref<10112x16xf32, #tpu.memory_space<vmem_shared>>) offsets(%dma_start3A_148 : memref<128xi32, #tpu.memory_space<vmem>>) semaphore(%arg9 : memref<!tpu.dma_semaphore, #tpu.memory_space<semaphore_mem>>) {add = true}
      %add3A_152 = arith.constant 1 : i32
      %add3A_153 = arith.addi %scan3A_127, %add3A_152 : i32
      %mul3A_154 = arith.constant 8 : i32
      %mul3A_155 = arith.muli %add3A_153, %mul3A_154 : i32
      %add3A_156 = arith.constant 2 : i32
      %add3A_157 = arith.addi %mul3A_155, %add3A_156 : i32
      %dma_start3A_158 = arith.constant 0 : i32
      %dma_start3A_159 = tpu.memref_slice %arg6[%add3A_157, %dma_start3A_158] : memref<80x128xi32, #tpu.memory_space<vmem>> -> memref<1x128xi32, #tpu.memory_space<vmem>>
      %dma_start3A_160 = tpu.memref_squeeze %dma_start3A_159 : memref<1x128xi32, #tpu.memory_space<vmem>> -> memref<128xi32, #tpu.memory_space<vmem>>
      %dma_start3A_161 = arith.constant 0 : i32
      %dma_start3A_162 = arith.constant 0 : i32
      %dma_start3A_163 = tpu.memref_slice %arg8[%dma_start3A_161, %dma_start3A_162] : memref<10112x16xf32, #tpu.memory_space<vmem_shared>> -> memref<10112x16xf32, #tpu.memory_space<vmem_shared>>
      tpu.enqueue_indirect_dma source(%arg7 : memref<128x16xf32, #tpu.memory_space<vmem>>) target(%dma_start3A_163 : memref<10112x16xf32, #tpu.memory_space<vmem_shared>>) offsets(%dma_start3A_160 : memref<128xi32, #tpu.memory_space<vmem>>) semaphore(%arg9 : memref<!tpu.dma_semaphore, #tpu.memory_space<semaphore_mem>>) {add = true}
      %add3A_164 = arith.constant 1 : i32
      %add3A_165 = arith.addi %scan3A_127, %add3A_164 : i32
      %mul3A_166 = arith.constant 8 : i32
      %mul3A_167 = arith.muli %add3A_165, %mul3A_166 : i32
      %add3A_168 = arith.constant 3 : i32
      %add3A_169 = arith.addi %mul3A_167, %add3A_168 : i32
      %dma_start3A_170 = arith.constant 0 : i32
      %dma_start3A_171 = tpu.memref_slice %arg6[%add3A_169, %dma_start3A_170] : memref<80x128xi32, #tpu.memory_space<vmem>> -> memref<1x128xi32, #tpu.memory_space<vmem>>
      %dma_start3A_172 = tpu.memref_squeeze %dma_start3A_171 : memref<1x128xi32, #tpu.memory_space<vmem>> -> memref<128xi32, #tpu.memory_space<vmem>>
      %dma_start3A_173 = arith.constant 0 : i32
      %dma_start3A_174 = arith.constant 0 : i32
      %dma_start3A_175 = tpu.memref_slice %arg8[%dma_start3A_173, %dma_start3A_174] : memref<10112x16xf32, #tpu.memory_space<vmem_shared>> -> memref<10112x16xf32, #tpu.memory_space<vmem_shared>>
      tpu.enqueue_indirect_dma source(%arg7 : memref<128x16xf32, #tpu.memory_space<vmem>>) target(%dma_start3A_175 : memref<10112x16xf32, #tpu.memory_space<vmem_shared>>) offsets(%dma_start3A_172 : memref<128xi32, #tpu.memory_space<vmem>>) semaphore(%arg9 : memref<!tpu.dma_semaphore, #tpu.memory_space<semaphore_mem>>) {add = true}
      %add3A_176 = arith.constant 1 : i32
      %add3A_177 = arith.addi %scan3A_127, %add3A_176 : i32
      %mul3A_178 = arith.constant 8 : i32
      %mul3A_179 = arith.muli %add3A_177, %mul3A_178 : i32
      %add3A_180 = arith.constant 4 : i32
      %add3A_181 = arith.addi %mul3A_179, %add3A_180 : i32
      %dma_start3A_182 = arith.constant 0 : i32
      %dma_start3A_183 = tpu.memref_slice %arg6[%add3A_181, %dma_start3A_182] : memref<80x128xi32, #tpu.memory_space<vmem>> -> memref<1x128xi32, #tpu.memory_space<vmem>>
      %dma_start3A_184 = tpu.memref_squeeze %dma_start3A_183 : memref<1x128xi32, #tpu.memory_space<vmem>> -> memref<128xi32, #tpu.memory_space<vmem>>
      %dma_start3A_185 = arith.constant 0 : i32
      %dma_start3A_186 = arith.constant 0 : i32
      %dma_start3A_187 = tpu.memref_slice %arg8[%dma_start3A_185, %dma_start3A_186] : memref<10112x16xf32, #tpu.memory_space<vmem_shared>> -> memref<10112x16xf32, #tpu.memory_space<vmem_shared>>
      tpu.enqueue_indirect_dma source(%arg7 : memref<128x16xf32, #tpu.memory_space<vmem>>) target(%dma_start3A_187 : memref<10112x16xf32, #tpu.memory_space<vmem_shared>>) offsets(%dma_start3A_184 : memref<128xi32, #tpu.memory_space<vmem>>) semaphore(%arg9 : memref<!tpu.dma_semaphore, #tpu.memory_space<semaphore_mem>>) {add = true}
      %add3A_188 = arith.constant 1 : i32
      %add3A_189 = arith.addi %scan3A_127, %add3A_188 : i32
      %mul3A_190 = arith.constant 8 : i32
      %mul3A_191 = arith.muli %add3A_189, %mul3A_190 : i32
      %add3A_192 = arith.constant 5 : i32
      %add3A_193 = arith.addi %mul3A_191, %add3A_192 : i32
      %dma_start3A_194 = arith.constant 0 : i32
      %dma_start3A_195 = tpu.memref_slice %arg6[%add3A_193, %dma_start3A_194] : memref<80x128xi32, #tpu.memory_space<vmem>> -> memref<1x128xi32, #tpu.memory_space<vmem>>
      %dma_start3A_196 = tpu.memref_squeeze %dma_start3A_195 : memref<1x128xi32, #tpu.memory_space<vmem>> -> memref<128xi32, #tpu.memory_space<vmem>>
      %dma_start3A_197 = arith.constant 0 : i32
      %dma_start3A_198 = arith.constant 0 : i32
      %dma_start3A_199 = tpu.memref_slice %arg8[%dma_start3A_197, %dma_start3A_198] : memref<10112x16xf32, #tpu.memory_space<vmem_shared>> -> memref<10112x16xf32, #tpu.memory_space<vmem_shared>>
      tpu.enqueue_indirect_dma source(%arg7 : memref<128x16xf32, #tpu.memory_space<vmem>>) target(%dma_start3A_199 : memref<10112x16xf32, #tpu.memory_space<vmem_shared>>) offsets(%dma_start3A_196 : memref<128xi32, #tpu.memory_space<vmem>>) semaphore(%arg9 : memref<!tpu.dma_semaphore, #tpu.memory_space<semaphore_mem>>) {add = true}
      %add3A_200 = arith.constant 1 : i32
      %add3A_201 = arith.addi %scan3A_127, %add3A_200 : i32
      %mul3A_202 = arith.constant 8 : i32
      %mul3A_203 = arith.muli %add3A_201, %mul3A_202 : i32
      %add3A_204 = arith.constant 6 : i32
      %add3A_205 = arith.addi %mul3A_203, %add3A_204 : i32
      %dma_start3A_206 = arith.constant 0 : i32
      %dma_start3A_207 = tpu.memref_slice %arg6[%add3A_205, %dma_start3A_206] : memref<80x128xi32, #tpu.memory_space<vmem>> -> memref<1x128xi32, #tpu.memory_space<vmem>>
      %dma_start3A_208 = tpu.memref_squeeze %dma_start3A_207 : memref<1x128xi32, #tpu.memory_space<vmem>> -> memref<128xi32, #tpu.memory_space<vmem>>
      %dma_start3A_209 = arith.constant 0 : i32
      %dma_start3A_210 = arith.constant 0 : i32
      %dma_start3A_211 = tpu.memref_slice %arg8[%dma_start3A_209, %dma_start3A_210] : memref<10112x16xf32, #tpu.memory_space<vmem_shared>> -> memref<10112x16xf32, #tpu.memory_space<vmem_shared>>
      tpu.enqueue_indirect_dma source(%arg7 : memref<128x16xf32, #tpu.memory_space<vmem>>) target(%dma_start3A_211 : memref<10112x16xf32, #tpu.memory_space<vmem_shared>>) offsets(%dma_start3A_208 : memref<128xi32, #tpu.memory_space<vmem>>) semaphore(%arg9 : memref<!tpu.dma_semaphore, #tpu.memory_space<semaphore_mem>>) {add = true}
      %add3A_212 = arith.constant 1 : i32
      %add3A_213 = arith.addi %scan3A_127, %add3A_212 : i32
      %mul3A_214 = arith.constant 8 : i32
      %mul3A_215 = arith.muli %add3A_213, %mul3A_214 : i32
      %add3A_216 = arith.constant 7 : i32
      %add3A_217 = arith.addi %mul3A_215, %add3A_216 : i32
      %dma_start3A_218 = arith.constant 0 : i32
      %dma_start3A_219 = tpu.memref_slice %arg6[%add3A_217, %dma_start3A_218] : memref<80x128xi32, #tpu.memory_space<vmem>> -> memref<1x128xi32, #tpu.memory_space<vmem>>
      %dma_start3A_220 = tpu.memref_squeeze %dma_start3A_219 : memref<1x128xi32, #tpu.memory_space<vmem>> -> memref<128xi32, #tpu.memory_space<vmem>>
      %dma_start3A_221 = arith.constant 0 : i32
      %dma_start3A_222 = arith.constant 0 : i32
      %dma_start3A_223 = tpu.memref_slice %arg8[%dma_start3A_221, %dma_start3A_222] : memref<10112x16xf32, #tpu.memory_space<vmem_shared>> -> memref<10112x16xf32, #tpu.memory_space<vmem_shared>>
      tpu.enqueue_indirect_dma source(%arg7 : memref<128x16xf32, #tpu.memory_space<vmem>>) target(%dma_start3A_223 : memref<10112x16xf32, #tpu.memory_space<vmem_shared>>) offsets(%dma_start3A_220 : memref<128xi32, #tpu.memory_space<vmem>>) semaphore(%arg9 : memref<!tpu.dma_semaphore, #tpu.memory_space<semaphore_mem>>) {add = true}
      %mul3A_224 = arith.constant 8 : i32
      %mul3A_225 = arith.muli %scan3A_127, %mul3A_224 : i32
      %add3A_226 = arith.constant 0 : i32
      %add3A_227 = arith.addi %mul3A_225, %add3A_226 : i32
      %dma_wait3A_228 = arith.constant 0 : i32
      %dma_wait3A_229 = tpu.memref_slice %arg6[%add3A_227, %dma_wait3A_228] : memref<80x128xi32, #tpu.memory_space<vmem>> -> memref<1x128xi32, #tpu.memory_space<vmem>>
      %dma_wait3A_230 = tpu.memref_squeeze %dma_wait3A_229 : memref<1x128xi32, #tpu.memory_space<vmem>> -> memref<128xi32, #tpu.memory_space<vmem>>
      %dma_wait3A_231 = arith.constant 0 : i32
      %dma_wait3A_232 = arith.constant 0 : i32
      %dma_wait3A_233 = tpu.memref_slice %arg8[%dma_wait3A_231, %dma_wait3A_232] : memref<10112x16xf32, #tpu.memory_space<vmem_shared>> -> memref<10112x16xf32, #tpu.memory_space<vmem_shared>>
      tpu.wait_indirect_dma semaphore(%arg9 : memref<!tpu.dma_semaphore, #tpu.memory_space<semaphore_mem>>) src(%arg7 : memref<128x16xf32, #tpu.memory_space<vmem>>) dst(%dma_wait3A_233 : memref<10112x16xf32, #tpu.memory_space<vmem_shared>>)
      %mul3A_234 = arith.constant 8 : i32
      %mul3A_235 = arith.muli %scan3A_127, %mul3A_234 : i32
      %add3A_236 = arith.constant 1 : i32
      %add3A_237 = arith.addi %mul3A_235, %add3A_236 : i32
      %dma_wait3A_238 = arith.constant 0 : i32
      %dma_wait3A_239 = tpu.memref_slice %arg6[%add3A_237, %dma_wait3A_238] : memref<80x128xi32, #tpu.memory_space<vmem>> -> memref<1x128xi32, #tpu.memory_space<vmem>>
      %dma_wait3A_240 = tpu.memref_squeeze %dma_wait3A_239 : memref<1x128xi32, #tpu.memory_space<vmem>> -> memref<128xi32, #tpu.memory_space<vmem>>
      %dma_wait3A_241 = arith.constant 0 : i32
      %dma_wait3A_242 = arith.constant 0 : i32
      %dma_wait3A_243 = tpu.memref_slice %arg8[%dma_wait3A_241, %dma_wait3A_242] : memref<10112x16xf32, #tpu.memory_space<vmem_shared>> -> memref<10112x16xf32, #tpu.memory_space<vmem_shared>>
      tpu.wait_indirect_dma semaphore(%arg9 : memref<!tpu.dma_semaphore, #tpu.memory_space<semaphore_mem>>) src(%arg7 : memref<128x16xf32, #tpu.memory_space<vmem>>) dst(%dma_wait3A_243 : memref<10112x16xf32, #tpu.memory_space<vmem_shared>>)
      %mul3A_244 = arith.constant 8 : i32
      %mul3A_245 = arith.muli %scan3A_127, %mul3A_244 : i32
      %add3A_246 = arith.constant 2 : i32
      %add3A_247 = arith.addi %mul3A_245, %add3A_246 : i32
      %dma_wait3A_248 = arith.constant 0 : i32
      %dma_wait3A_249 = tpu.memref_slice %arg6[%add3A_247, %dma_wait3A_248] : memref<80x128xi32, #tpu.memory_space<vmem>> -> memref<1x128xi32, #tpu.memory_space<vmem>>
      %dma_wait3A_250 = tpu.memref_squeeze %dma_wait3A_249 : memref<1x128xi32, #tpu.memory_space<vmem>> -> memref<128xi32, #tpu.memory_space<vmem>>
      %dma_wait3A_251 = arith.constant 0 : i32
      %dma_wait3A_252 = arith.constant 0 : i32
      %dma_wait3A_253 = tpu.memref_slice %arg8[%dma_wait3A_251, %dma_wait3A_252] : memref<10112x16xf32, #tpu.memory_space<vmem_shared>> -> memref<10112x16xf32, #tpu.memory_space<vmem_shared>>
      tpu.wait_indirect_dma semaphore(%arg9 : memref<!tpu.dma_semaphore, #tpu.memory_space<semaphore_mem>>) src(%arg7 : memref<128x16xf32, #tpu.memory_space<vmem>>) dst(%dma_wait3A_253 : memref<10112x16xf32, #tpu.memory_space<vmem_shared>>)
      %mul3A_254 = arith.constant 8 : i32
      %mul3A_255 = arith.muli %scan3A_127, %mul3A_254 : i32
      %add3A_256 = arith.constant 3 : i32
      %add3A_257 = arith.addi %mul3A_255, %add3A_256 : i32
      %dma_wait3A_258 = arith.constant 0 : i32
      %dma_wait3A_259 = tpu.memref_slice %arg6[%add3A_257, %dma_wait3A_258] : memref<80x128xi32, #tpu.memory_space<vmem>> -> memref<1x128xi32, #tpu.memory_space<vmem>>
      %dma_wait3A_260 = tpu.memref_squeeze %dma_wait3A_259 : memref<1x128xi32, #tpu.memory_space<vmem>> -> memref<128xi32, #tpu.memory_space<vmem>>
      %dma_wait3A_261 = arith.constant 0 : i32
      %dma_wait3A_262 = arith.constant 0 : i32
      %dma_wait3A_263 = tpu.memref_slice %arg8[%dma_wait3A_261, %dma_wait3A_262] : memref<10112x16xf32, #tpu.memory_space<vmem_shared>> -> memref<10112x16xf32, #tpu.memory_space<vmem_shared>>
      tpu.wait_indirect_dma semaphore(%arg9 : memref<!tpu.dma_semaphore, #tpu.memory_space<semaphore_mem>>) src(%arg7 : memref<128x16xf32, #tpu.memory_space<vmem>>) dst(%dma_wait3A_263 : memref<10112x16xf32, #tpu.memory_space<vmem_shared>>)
      %mul3A_264 = arith.constant 8 : i32
      %mul3A_265 = arith.muli %scan3A_127, %mul3A_264 : i32
      %add3A_266 = arith.constant 4 : i32
      %add3A_267 = arith.addi %mul3A_265, %add3A_266 : i32
      %dma_wait3A_268 = arith.constant 0 : i32
      %dma_wait3A_269 = tpu.memref_slice %arg6[%add3A_267, %dma_wait3A_268] : memref<80x128xi32, #tpu.memory_space<vmem>> -> memref<1x128xi32, #tpu.memory_space<vmem>>
      %dma_wait3A_270 = tpu.memref_squeeze %dma_wait3A_269 : memref<1x128xi32, #tpu.memory_space<vmem>> -> memref<128xi32, #tpu.memory_space<vmem>>
      %dma_wait3A_271 = arith.constant 0 : i32
      %dma_wait3A_272 = arith.constant 0 : i32
      %dma_wait3A_273 = tpu.memref_slice %arg8[%dma_wait3A_271, %dma_wait3A_272] : memref<10112x16xf32, #tpu.memory_space<vmem_shared>> -> memref<10112x16xf32, #tpu.memory_space<vmem_shared>>
      tpu.wait_indirect_dma semaphore(%arg9 : memref<!tpu.dma_semaphore, #tpu.memory_space<semaphore_mem>>) src(%arg7 : memref<128x16xf32, #tpu.memory_space<vmem>>) dst(%dma_wait3A_273 : memref<10112x16xf32, #tpu.memory_space<vmem_shared>>)
      %mul3A_274 = arith.constant 8 : i32
      %mul3A_275 = arith.muli %scan3A_127, %mul3A_274 : i32
      %add3A_276 = arith.constant 5 : i32
      %add3A_277 = arith.addi %mul3A_275, %add3A_276 : i32
      %dma_wait3A_278 = arith.constant 0 : i32
      %dma_wait3A_279 = tpu.memref_slice %arg6[%add3A_277, %dma_wait3A_278] : memref<80x128xi32, #tpu.memory_space<vmem>> -> memref<1x128xi32, #tpu.memory_space<vmem>>
      %dma_wait3A_280 = tpu.memref_squeeze %dma_wait3A_279 : memref<1x128xi32, #tpu.memory_space<vmem>> -> memref<128xi32, #tpu.memory_space<vmem>>
      %dma_wait3A_281 = arith.constant 0 : i32
      %dma_wait3A_282 = arith.constant 0 : i32
      %dma_wait3A_283 = tpu.memref_slice %arg8[%dma_wait3A_281, %dma_wait3A_282] : memref<10112x16xf32, #tpu.memory_space<vmem_shared>> -> memref<10112x16xf32, #tpu.memory_space<vmem_shared>>
      tpu.wait_indirect_dma semaphore(%arg9 : memref<!tpu.dma_semaphore, #tpu.memory_space<semaphore_mem>>) src(%arg7 : memref<128x16xf32, #tpu.memory_space<vmem>>) dst(%dma_wait3A_283 : memref<10112x16xf32, #tpu.memory_space<vmem_shared>>)
      %mul3A_284 = arith.constant 8 : i32
      %mul3A_285 = arith.muli %scan3A_127, %mul3A_284 : i32
      %add3A_286 = arith.constant 6 : i32
      %add3A_287 = arith.addi %mul3A_285, %add3A_286 : i32
      %dma_wait3A_288 = arith.constant 0 : i32
      %dma_wait3A_289 = tpu.memref_slice %arg6[%add3A_287, %dma_wait3A_288] : memref<80x128xi32, #tpu.memory_space<vmem>> -> memref<1x128xi32, #tpu.memory_space<vmem>>
      %dma_wait3A_290 = tpu.memref_squeeze %dma_wait3A_289 : memref<1x128xi32, #tpu.memory_space<vmem>> -> memref<128xi32, #tpu.memory_space<vmem>>
      %dma_wait3A_291 = arith.constant 0 : i32
      %dma_wait3A_292 = arith.constant 0 : i32
      %dma_wait3A_293 = tpu.memref_slice %arg8[%dma_wait3A_291, %dma_wait3A_292] : memref<10112x16xf32, #tpu.memory_space<vmem_shared>> -> memref<10112x16xf32, #tpu.memory_space<vmem_shared>>
      tpu.wait_indirect_dma semaphore(%arg9 : memref<!tpu.dma_semaphore, #tpu.memory_space<semaphore_mem>>) src(%arg7 : memref<128x16xf32, #tpu.memory_space<vmem>>) dst(%dma_wait3A_293 : memref<10112x16xf32, #tpu.memory_space<vmem_shared>>)
      %mul3A_294 = arith.constant 8 : i32
      %mul3A_295 = arith.muli %scan3A_127, %mul3A_294 : i32
      %add3A_296 = arith.constant 7 : i32
      %add3A_297 = arith.addi %mul3A_295, %add3A_296 : i32
      %dma_wait3A_298 = arith.constant 0 : i32
      %dma_wait3A_299 = tpu.memref_slice %arg6[%add3A_297, %dma_wait3A_298] : memref<80x128xi32, #tpu.memory_space<vmem>> -> memref<1x128xi32, #tpu.memory_space<vmem>>
      %dma_wait3A_300 = tpu.memref_squeeze %dma_wait3A_299 : memref<1x128xi32, #tpu.memory_space<vmem>> -> memref<128xi32, #tpu.memory_space<vmem>>
      %dma_wait3A_301 = arith.constant 0 : i32
      %dma_wait3A_302 = arith.constant 0 : i32
      %dma_wait3A_303 = tpu.memref_slice %arg8[%dma_wait3A_301, %dma_wait3A_302] : memref<10112x16xf32, #tpu.memory_space<vmem_shared>> -> memref<10112x16xf32, #tpu.memory_space<vmem_shared>>
      tpu.wait_indirect_dma semaphore(%arg9 : memref<!tpu.dma_semaphore, #tpu.memory_space<semaphore_mem>>) src(%arg7 : memref<128x16xf32, #tpu.memory_space<vmem>>) dst(%dma_wait3A_303 : memref<10112x16xf32, #tpu.memory_space<vmem_shared>>)
    }
    %scan3A_66 = arith.constant 9 : i32
    %dma_wait3A = arith.constant 72 : i32
    %dma_wait3A_67 = arith.constant 0 : i32
    %dma_wait3A_68 = tpu.memref_slice %arg6[%dma_wait3A, %dma_wait3A_67] : memref<80x128xi32, #tpu.memory_space<vmem>> -> memref<1x128xi32, #tpu.memory_space<vmem>>
    %dma_wait3A_69 = tpu.memref_squeeze %dma_wait3A_68 : memref<1x128xi32, #tpu.memory_space<vmem>> -> memref<128xi32, #tpu.memory_space<vmem>>
    %dma_wait3A_70 = arith.constant 0 : i32
    %dma_wait3A_71 = arith.constant 0 : i32
    %dma_wait3A_72 = tpu.memref_slice %arg8[%dma_wait3A_70, %dma_wait3A_71] : memref<10112x16xf32, #tpu.memory_space<vmem_shared>> -> memref<10112x16xf32, #tpu.memory_space<vmem_shared>>
    tpu.wait_indirect_dma semaphore(%arg9 : memref<!tpu.dma_semaphore, #tpu.memory_space<semaphore_mem>>) src(%arg7 : memref<128x16xf32, #tpu.memory_space<vmem>>) dst(%dma_wait3A_72 : memref<10112x16xf32, #tpu.memory_space<vmem_shared>>)
    %dma_wait3A_73 = arith.constant 73 : i32
    %dma_wait3A_74 = arith.constant 0 : i32
    %dma_wait3A_75 = tpu.memref_slice %arg6[%dma_wait3A_73, %dma_wait3A_74] : memref<80x128xi32, #tpu.memory_space<vmem>> -> memref<1x128xi32, #tpu.memory_space<vmem>>
    %dma_wait3A_76 = tpu.memref_squeeze %dma_wait3A_75 : memref<1x128xi32, #tpu.memory_space<vmem>> -> memref<128xi32, #tpu.memory_space<vmem>>
    %dma_wait3A_77 = arith.constant 0 : i32
    %dma_wait3A_78 = arith.constant 0 : i32
    %dma_wait3A_79 = tpu.memref_slice %arg8[%dma_wait3A_77, %dma_wait3A_78] : memref<10112x16xf32, #tpu.memory_space<vmem_shared>> -> memref<10112x16xf32, #tpu.memory_space<vmem_shared>>
    tpu.wait_indirect_dma semaphore(%arg9 : memref<!tpu.dma_semaphore, #tpu.memory_space<semaphore_mem>>) src(%arg7 : memref<128x16xf32, #tpu.memory_space<vmem>>) dst(%dma_wait3A_79 : memref<10112x16xf32, #tpu.memory_space<vmem_shared>>)
    %dma_wait3A_80 = arith.constant 74 : i32
    %dma_wait3A_81 = arith.constant 0 : i32
    %dma_wait3A_82 = tpu.memref_slice %arg6[%dma_wait3A_80, %dma_wait3A_81] : memref<80x128xi32, #tpu.memory_space<vmem>> -> memref<1x128xi32, #tpu.memory_space<vmem>>
    %dma_wait3A_83 = tpu.memref_squeeze %dma_wait3A_82 : memref<1x128xi32, #tpu.memory_space<vmem>> -> memref<128xi32, #tpu.memory_space<vmem>>
    %dma_wait3A_84 = arith.constant 0 : i32
    %dma_wait3A_85 = arith.constant 0 : i32
    %dma_wait3A_86 = tpu.memref_slice %arg8[%dma_wait3A_84, %dma_wait3A_85] : memref<10112x16xf32, #tpu.memory_space<vmem_shared>> -> memref<10112x16xf32, #tpu.memory_space<vmem_shared>>
    tpu.wait_indirect_dma semaphore(%arg9 : memref<!tpu.dma_semaphore, #tpu.memory_space<semaphore_mem>>) src(%arg7 : memref<128x16xf32, #tpu.memory_space<vmem>>) dst(%dma_wait3A_86 : memref<10112x16xf32, #tpu.memory_space<vmem_shared>>)
    %dma_wait3A_87 = arith.constant 75 : i32
    %dma_wait3A_88 = arith.constant 0 : i32
    %dma_wait3A_89 = tpu.memref_slice %arg6[%dma_wait3A_87, %dma_wait3A_88] : memref<80x128xi32, #tpu.memory_space<vmem>> -> memref<1x128xi32, #tpu.memory_space<vmem>>
    %dma_wait3A_90 = tpu.memref_squeeze %dma_wait3A_89 : memref<1x128xi32, #tpu.memory_space<vmem>> -> memref<128xi32, #tpu.memory_space<vmem>>
    %dma_wait3A_91 = arith.constant 0 : i32
    %dma_wait3A_92 = arith.constant 0 : i32
    %dma_wait3A_93 = tpu.memref_slice %arg8[%dma_wait3A_91, %dma_wait3A_92] : memref<10112x16xf32, #tpu.memory_space<vmem_shared>> -> memref<10112x16xf32, #tpu.memory_space<vmem_shared>>
    tpu.wait_indirect_dma semaphore(%arg9 : memref<!tpu.dma_semaphore, #tpu.memory_space<semaphore_mem>>) src(%arg7 : memref<128x16xf32, #tpu.memory_space<vmem>>) dst(%dma_wait3A_93 : memref<10112x16xf32, #tpu.memory_space<vmem_shared>>)
    %dma_wait3A_94 = arith.constant 76 : i32
    %dma_wait3A_95 = arith.constant 0 : i32
    %dma_wait3A_96 = tpu.memref_slice %arg6[%dma_wait3A_94, %dma_wait3A_95] : memref<80x128xi32, #tpu.memory_space<vmem>> -> memref<1x128xi32, #tpu.memory_space<vmem>>
    %dma_wait3A_97 = tpu.memref_squeeze %dma_wait3A_96 : memref<1x128xi32, #tpu.memory_space<vmem>> -> memref<128xi32, #tpu.memory_space<vmem>>
    %dma_wait3A_98 = arith.constant 0 : i32
    %dma_wait3A_99 = arith.constant 0 : i32
    %dma_wait3A_100 = tpu.memref_slice %arg8[%dma_wait3A_98, %dma_wait3A_99] : memref<10112x16xf32, #tpu.memory_space<vmem_shared>> -> memref<10112x16xf32, #tpu.memory_space<vmem_shared>>
    tpu.wait_indirect_dma semaphore(%arg9 : memref<!tpu.dma_semaphore, #tpu.memory_space<semaphore_mem>>) src(%arg7 : memref<128x16xf32, #tpu.memory_space<vmem>>) dst(%dma_wait3A_100 : memref<10112x16xf32, #tpu.memory_space<vmem_shared>>)
    %dma_wait3A_101 = arith.constant 77 : i32
    %dma_wait3A_102 = arith.constant 0 : i32
    %dma_wait3A_103 = tpu.memref_slice %arg6[%dma_wait3A_101, %dma_wait3A_102] : memref<80x128xi32, #tpu.memory_space<vmem>> -> memref<1x128xi32, #tpu.memory_space<vmem>>
    %dma_wait3A_104 = tpu.memref_squeeze %dma_wait3A_103 : memref<1x128xi32, #tpu.memory_space<vmem>> -> memref<128xi32, #tpu.memory_space<vmem>>
    %dma_wait3A_105 = arith.constant 0 : i32
    %dma_wait3A_106 = arith.constant 0 : i32
    %dma_wait3A_107 = tpu.memref_slice %arg8[%dma_wait3A_105, %dma_wait3A_106] : memref<10112x16xf32, #tpu.memory_space<vmem_shared>> -> memref<10112x16xf32, #tpu.memory_space<vmem_shared>>
    tpu.wait_indirect_dma semaphore(%arg9 : memref<!tpu.dma_semaphore, #tpu.memory_space<semaphore_mem>>) src(%arg7 : memref<128x16xf32, #tpu.memory_space<vmem>>) dst(%dma_wait3A_107 : memref<10112x16xf32, #tpu.memory_space<vmem_shared>>)
    %dma_wait3A_108 = arith.constant 78 : i32
    %dma_wait3A_109 = arith.constant 0 : i32
    %dma_wait3A_110 = tpu.memref_slice %arg6[%dma_wait3A_108, %dma_wait3A_109] : memref<80x128xi32, #tpu.memory_space<vmem>> -> memref<1x128xi32, #tpu.memory_space<vmem>>
    %dma_wait3A_111 = tpu.memref_squeeze %dma_wait3A_110 : memref<1x128xi32, #tpu.memory_space<vmem>> -> memref<128xi32, #tpu.memory_space<vmem>>
    %dma_wait3A_112 = arith.constant 0 : i32
    %dma_wait3A_113 = arith.constant 0 : i32
    %dma_wait3A_114 = tpu.memref_slice %arg8[%dma_wait3A_112, %dma_wait3A_113] : memref<10112x16xf32, #tpu.memory_space<vmem_shared>> -> memref<10112x16xf32, #tpu.memory_space<vmem_shared>>
    tpu.wait_indirect_dma semaphore(%arg9 : memref<!tpu.dma_semaphore, #tpu.memory_space<semaphore_mem>>) src(%arg7 : memref<128x16xf32, #tpu.memory_space<vmem>>) dst(%dma_wait3A_114 : memref<10112x16xf32, #tpu.memory_space<vmem_shared>>)
    %dma_wait3A_115 = arith.constant 79 : i32
    %dma_wait3A_116 = arith.constant 0 : i32
    %dma_wait3A_117 = tpu.memref_slice %arg6[%dma_wait3A_115, %dma_wait3A_116] : memref<80x128xi32, #tpu.memory_space<vmem>> -> memref<1x128xi32, #tpu.memory_space<vmem>>
    %dma_wait3A_118 = tpu.memref_squeeze %dma_wait3A_117 : memref<1x128xi32, #tpu.memory_space<vmem>> -> memref<128xi32, #tpu.memory_space<vmem>>
    %dma_wait3A_119 = arith.constant 0 : i32
    %dma_wait3A_120 = arith.constant 0 : i32
    %dma_wait3A_121 = tpu.memref_slice %arg8[%dma_wait3A_119, %dma_wait3A_120] : memref<10112x16xf32, #tpu.memory_space<vmem_shared>> -> memref<10112x16xf32, #tpu.memory_space<vmem_shared>>
    tpu.wait_indirect_dma semaphore(%arg9 : memref<!tpu.dma_semaphore, #tpu.memory_space<semaphore_mem>>) src(%arg7 : memref<128x16xf32, #tpu.memory_space<vmem>>) dst(%dma_wait3A_121 : memref<10112x16xf32, #tpu.memory_space<vmem_shared>>)
    %barrier3A_122 = arith.constant 0 : index
    tpu.barrier barrier_id(%barrier3A_122)
    %mul3A_123 = arith.constant 632 : i32
    %mul3A_124 = arith.muli %arg1, %mul3A_123 : i32
    %mul3A_125 = arith.constant 632 : i32
    %mul3A_126 = arith.muli %arg1, %mul3A_125 : i32
    "tpu.region"() ({
      %run_scoped3A_127 = tpu.sem_alloc : memref<!tpu.dma_semaphore, #tpu.memory_space<semaphore_mem>>
      %dma_start3A_128 = arith.constant 0 : i32
      %dma_start3A_129 = tpu.memref_slice %arg5[%arg0, %mul3A_126, %dma_start3A_128] : memref<2x10112x16xf32, #tpu.memory_space<hbm>> -> memref<1x632x16xf32, #tpu.memory_space<hbm>>
      %dma_start3A_130 = tpu.memref_squeeze %dma_start3A_129 : memref<1x632x16xf32, #tpu.memory_space<hbm>> -> memref<632x16xf32, #tpu.memory_space<hbm>>
      %dma_start3A_131 = arith.constant 0 : i32
      %dma_start3A_132 = tpu.memref_slice %arg8[%mul3A_124, %dma_start3A_131] : memref<10112x16xf32, #tpu.memory_space<vmem_shared>> -> memref<632x16xf32, #tpu.memory_space<vmem_shared>>
      tpu.enqueue_dma source(%dma_start3A_132 : memref<632x16xf32, #tpu.memory_space<vmem_shared>>) target(%dma_start3A_130 : memref<632x16xf32, #tpu.memory_space<hbm>>) target_semaphore(%run_scoped3A_127 : memref<!tpu.dma_semaphore, #tpu.memory_space<semaphore_mem>>)
      %dma_wait3A_133 = arith.constant 0 : i32
      %dma_wait3A_134 = tpu.memref_slice %arg5[%arg0, %mul3A_126, %dma_wait3A_133] : memref<2x10112x16xf32, #tpu.memory_space<hbm>> -> memref<1x632x16xf32, #tpu.memory_space<hbm>>
      %dma_wait3A_135 = tpu.memref_squeeze %dma_wait3A_134 : memref<1x632x16xf32, #tpu.memory_space<hbm>> -> memref<632x16xf32, #tpu.memory_space<hbm>>
      %dma_wait3A_136 = arith.constant 0 : i32
      %dma_wait3A_137 = tpu.memref_slice %arg8[%mul3A_124, %dma_wait3A_136] : memref<10112x16xf32, #tpu.memory_space<vmem_shared>> -> memref<632x16xf32, #tpu.memory_space<vmem_shared>>
      tpu.wait_dma2 semaphore(%run_scoped3A_127 : memref<!tpu.dma_semaphore, #tpu.memory_space<semaphore_mem>>) src(%dma_wait3A_137 : memref<632x16xf32, #tpu.memory_space<vmem_shared>>) dst(%dma_wait3A_135 : memref<632x16xf32, #tpu.memory_space<hbm>>)
      tpu.yield
    }) : () -> ()
    return
  }
}

#map = affine_map<(d0, d1) -> (0, 0)>
#map1 = affine_map<(d0, d1) -> (0, 0, 0)>
module attributes {stable_mosaic.version = 14 : i64} {
  func.func @_sc_prop_body(%arg0: i32, %arg1: i32, %arg2: memref<10112x16xf32, #tpu.memory_space<hbm>>, %arg3: memref<2x2560x128xi32, #tpu.memory_space<hbm>>, %arg4: memref<10112x16xf32, #tpu.memory_space<hbm>>, %arg5: memref<2x10112x16xf32, #tpu.memory_space<hbm>>, %arg6: memref<84x128xi32, #tpu.memory_space<vmem>>, %arg7: memref<80x128xi32, #tpu.memory_space<vmem>>, %arg8: memref<2x4x128x16xf32, #tpu.memory_space<vmem>>, %arg9: memref<10112x16xf32, #tpu.memory_space<vmem_shared>>, %arg10: memref<10112x16xf32, #tpu.memory_space<vmem_shared>>, %arg11: memref<!tpu.dma_semaphore, #tpu.memory_space<semaphore_mem>>, %arg12: memref<!tpu.dma_semaphore, #tpu.memory_space<semaphore_mem>>, %arg13: memref<!tpu.dma_semaphore, #tpu.memory_space<semaphore_mem>>, %arg14: memref<!tpu.dma_semaphore, #tpu.memory_space<semaphore_mem>>) attributes {dimension_semantics = [#tpu.dimension_semantics<core_parallel>, #tpu.dimension_semantics<subcore_parallel>], iteration_bounds = array<i64: 2, 16>, scalar_prefetch = 0 : i64, scratch_operands = 9 : i64, tpu.core_type = #tpu.core_type<sc_vector_subcore>, window_params = [{transform_indices = #map}, {transform_indices = #map1}, {transform_indices = #map}, {transform_indices = #map1}]} {
    %mul3A = arith.constant 2 : i32
    %mul3A_0 = arith.muli %arg1, %mul3A : i32
    %add3A = arith.addi %mul3A_0, %arg0 : i32
    %mul3A_1 = arith.constant 80 : i32
    %mul3A_2 = arith.muli %add3A, %mul3A_1 : i32
    %run_scoped3A = arith.constant 0 : i32
    "tpu.region"() ({
      %run_scoped3A_129 = tpu.sem_alloc : memref<!tpu.dma_semaphore, #tpu.memory_space<semaphore_mem>>
      %dma_start3A_130 = arith.constant 0 : i32
      %dma_start3A_131 = arith.constant 0 : i32
      %dma_start3A_132 = tpu.memref_slice %arg6[%dma_start3A_130, %dma_start3A_131] : memref<84x128xi32, #tpu.memory_space<vmem>> -> memref<80x128xi32, #tpu.memory_space<vmem>>
      %dma_start3A_133 = arith.constant 0 : i32
      %dma_start3A_134 = tpu.memref_slice %arg3[%run_scoped3A, %mul3A_2, %dma_start3A_133] : memref<2x2560x128xi32, #tpu.memory_space<hbm>> -> memref<1x80x128xi32, #tpu.memory_space<hbm>>
      %dma_start3A_135 = tpu.memref_squeeze %dma_start3A_134 : memref<1x80x128xi32, #tpu.memory_space<hbm>> -> memref<80x128xi32, #tpu.memory_space<hbm>>
      %dma_start3A_136 = arith.constant 0 : i32
      %dma_start3A_137 = arith.constant 0 : i32
      %dma_start3A_138 = tpu.memref_slice %arg6[%dma_start3A_136, %dma_start3A_137] : memref<84x128xi32, #tpu.memory_space<vmem>> -> memref<80x128xi32, #tpu.memory_space<vmem>>
      %dma_start3A_139 = arith.constant 0 : i32
      %dma_start3A_140 = tpu.memref_slice %arg3[%run_scoped3A, %mul3A_2, %dma_start3A_139] : memref<2x2560x128xi32, #tpu.memory_space<hbm>> -> memref<1x80x128xi32, #tpu.memory_space<hbm>>
      %dma_start3A_141 = tpu.memref_squeeze %dma_start3A_140 : memref<1x80x128xi32, #tpu.memory_space<hbm>> -> memref<80x128xi32, #tpu.memory_space<hbm>>
      tpu.enqueue_dma source(%dma_start3A_141 : memref<80x128xi32, #tpu.memory_space<hbm>>) target(%dma_start3A_138 : memref<80x128xi32, #tpu.memory_space<vmem>>) target_semaphore(%run_scoped3A_129 : memref<!tpu.dma_semaphore, #tpu.memory_space<semaphore_mem>>)
      %dma_wait3A_142 = arith.constant 0 : i32
      %dma_wait3A_143 = arith.constant 0 : i32
      %dma_wait3A_144 = tpu.memref_slice %arg6[%dma_wait3A_142, %dma_wait3A_143] : memref<84x128xi32, #tpu.memory_space<vmem>> -> memref<80x128xi32, #tpu.memory_space<vmem>>
      %dma_wait3A_145 = arith.constant 0 : i32
      %dma_wait3A_146 = tpu.memref_slice %arg3[%run_scoped3A, %mul3A_2, %dma_wait3A_145] : memref<2x2560x128xi32, #tpu.memory_space<hbm>> -> memref<1x80x128xi32, #tpu.memory_space<hbm>>
      %dma_wait3A_147 = tpu.memref_squeeze %dma_wait3A_146 : memref<1x80x128xi32, #tpu.memory_space<hbm>> -> memref<80x128xi32, #tpu.memory_space<hbm>>
      %dma_wait3A_148 = arith.constant 0 : i32
      %dma_wait3A_149 = arith.constant 0 : i32
      %dma_wait3A_150 = tpu.memref_slice %arg6[%dma_wait3A_148, %dma_wait3A_149] : memref<84x128xi32, #tpu.memory_space<vmem>> -> memref<80x128xi32, #tpu.memory_space<vmem>>
      %dma_wait3A_151 = arith.constant 0 : i32
      %dma_wait3A_152 = tpu.memref_slice %arg3[%run_scoped3A, %mul3A_2, %dma_wait3A_151] : memref<2x2560x128xi32, #tpu.memory_space<hbm>> -> memref<1x80x128xi32, #tpu.memory_space<hbm>>
      %dma_wait3A_153 = tpu.memref_squeeze %dma_wait3A_152 : memref<1x80x128xi32, #tpu.memory_space<hbm>> -> memref<80x128xi32, #tpu.memory_space<hbm>>
      tpu.wait_dma2 semaphore(%run_scoped3A_129 : memref<!tpu.dma_semaphore, #tpu.memory_space<semaphore_mem>>) src(%dma_wait3A_153 : memref<80x128xi32, #tpu.memory_space<hbm>>) dst(%dma_wait3A_150 : memref<80x128xi32, #tpu.memory_space<vmem>>)
      tpu.yield
    }) : () -> ()
    %mul3A_3 = arith.constant 80 : i32
    %mul3A_4 = arith.muli %add3A, %mul3A_3 : i32
    %run_scoped3A_5 = arith.constant 0 : i32
    "tpu.region"() ({
      %run_scoped3A_129 = tpu.sem_alloc : memref<!tpu.dma_semaphore, #tpu.memory_space<semaphore_mem>>
      %dma_start3A_130 = arith.constant 80 : i32
      %dma_start3A_131 = arith.constant 0 : i32
      %dma_start3A_132 = tpu.memref_slice %arg6[%dma_start3A_130, %dma_start3A_131] : memref<84x128xi32, #tpu.memory_space<vmem>> -> memref<4x128xi32, #tpu.memory_space<vmem>>
      %dma_start3A_133 = arith.constant 0 : i32
      %dma_start3A_134 = tpu.memref_slice %arg3[%run_scoped3A_5, %mul3A_4, %dma_start3A_133] : memref<2x2560x128xi32, #tpu.memory_space<hbm>> -> memref<1x4x128xi32, #tpu.memory_space<hbm>>
      %dma_start3A_135 = tpu.memref_squeeze %dma_start3A_134 : memref<1x4x128xi32, #tpu.memory_space<hbm>> -> memref<4x128xi32, #tpu.memory_space<hbm>>
      %dma_start3A_136 = arith.constant 80 : i32
      %dma_start3A_137 = arith.constant 0 : i32
      %dma_start3A_138 = tpu.memref_slice %arg6[%dma_start3A_136, %dma_start3A_137] : memref<84x128xi32, #tpu.memory_space<vmem>> -> memref<4x128xi32, #tpu.memory_space<vmem>>
      %dma_start3A_139 = arith.constant 0 : i32
      %dma_start3A_140 = tpu.memref_slice %arg3[%run_scoped3A_5, %mul3A_4, %dma_start3A_139] : memref<2x2560x128xi32, #tpu.memory_space<hbm>> -> memref<1x4x128xi32, #tpu.memory_space<hbm>>
      %dma_start3A_141 = tpu.memref_squeeze %dma_start3A_140 : memref<1x4x128xi32, #tpu.memory_space<hbm>> -> memref<4x128xi32, #tpu.memory_space<hbm>>
      tpu.enqueue_dma source(%dma_start3A_141 : memref<4x128xi32, #tpu.memory_space<hbm>>) target(%dma_start3A_138 : memref<4x128xi32, #tpu.memory_space<vmem>>) target_semaphore(%run_scoped3A_129 : memref<!tpu.dma_semaphore, #tpu.memory_space<semaphore_mem>>)
      %dma_wait3A_142 = arith.constant 80 : i32
      %dma_wait3A_143 = arith.constant 0 : i32
      %dma_wait3A_144 = tpu.memref_slice %arg6[%dma_wait3A_142, %dma_wait3A_143] : memref<84x128xi32, #tpu.memory_space<vmem>> -> memref<4x128xi32, #tpu.memory_space<vmem>>
      %dma_wait3A_145 = arith.constant 0 : i32
      %dma_wait3A_146 = tpu.memref_slice %arg3[%run_scoped3A_5, %mul3A_4, %dma_wait3A_145] : memref<2x2560x128xi32, #tpu.memory_space<hbm>> -> memref<1x4x128xi32, #tpu.memory_space<hbm>>
      %dma_wait3A_147 = tpu.memref_squeeze %dma_wait3A_146 : memref<1x4x128xi32, #tpu.memory_space<hbm>> -> memref<4x128xi32, #tpu.memory_space<hbm>>
      %dma_wait3A_148 = arith.constant 80 : i32
      %dma_wait3A_149 = arith.constant 0 : i32
      %dma_wait3A_150 = tpu.memref_slice %arg6[%dma_wait3A_148, %dma_wait3A_149] : memref<84x128xi32, #tpu.memory_space<vmem>> -> memref<4x128xi32, #tpu.memory_space<vmem>>
      %dma_wait3A_151 = arith.constant 0 : i32
      %dma_wait3A_152 = tpu.memref_slice %arg3[%run_scoped3A_5, %mul3A_4, %dma_wait3A_151] : memref<2x2560x128xi32, #tpu.memory_space<hbm>> -> memref<1x4x128xi32, #tpu.memory_space<hbm>>
      %dma_wait3A_153 = tpu.memref_squeeze %dma_wait3A_152 : memref<1x4x128xi32, #tpu.memory_space<hbm>> -> memref<4x128xi32, #tpu.memory_space<hbm>>
      tpu.wait_dma2 semaphore(%run_scoped3A_129 : memref<!tpu.dma_semaphore, #tpu.memory_space<semaphore_mem>>) src(%dma_wait3A_153 : memref<4x128xi32, #tpu.memory_space<hbm>>) dst(%dma_wait3A_150 : memref<4x128xi32, #tpu.memory_space<vmem>>)
      tpu.yield
    }) : () -> ()
    %mul3A_6 = arith.constant 80 : i32
    %mul3A_7 = arith.muli %add3A, %mul3A_6 : i32
    %run_scoped3A_8 = arith.constant 1 : i32
    "tpu.region"() ({
      %run_scoped3A_129 = tpu.sem_alloc : memref<!tpu.dma_semaphore, #tpu.memory_space<semaphore_mem>>
      %dma_start3A_130 = arith.constant 0 : i32
      %dma_start3A_131 = tpu.memref_slice %arg3[%run_scoped3A_8, %mul3A_7, %dma_start3A_130] : memref<2x2560x128xi32, #tpu.memory_space<hbm>> -> memref<1x80x128xi32, #tpu.memory_space<hbm>>
      %dma_start3A_132 = tpu.memref_squeeze %dma_start3A_131 : memref<1x80x128xi32, #tpu.memory_space<hbm>> -> memref<80x128xi32, #tpu.memory_space<hbm>>
      %dma_start3A_133 = arith.constant 0 : i32
      %dma_start3A_134 = tpu.memref_slice %arg3[%run_scoped3A_8, %mul3A_7, %dma_start3A_133] : memref<2x2560x128xi32, #tpu.memory_space<hbm>> -> memref<1x80x128xi32, #tpu.memory_space<hbm>>
      %dma_start3A_135 = tpu.memref_squeeze %dma_start3A_134 : memref<1x80x128xi32, #tpu.memory_space<hbm>> -> memref<80x128xi32, #tpu.memory_space<hbm>>
      tpu.enqueue_dma source(%dma_start3A_135 : memref<80x128xi32, #tpu.memory_space<hbm>>) target(%arg7 : memref<80x128xi32, #tpu.memory_space<vmem>>) target_semaphore(%run_scoped3A_129 : memref<!tpu.dma_semaphore, #tpu.memory_space<semaphore_mem>>)
      %dma_wait3A_136 = arith.constant 0 : i32
      %dma_wait3A_137 = tpu.memref_slice %arg3[%run_scoped3A_8, %mul3A_7, %dma_wait3A_136] : memref<2x2560x128xi32, #tpu.memory_space<hbm>> -> memref<1x80x128xi32, #tpu.memory_space<hbm>>
      %dma_wait3A_138 = tpu.memref_squeeze %dma_wait3A_137 : memref<1x80x128xi32, #tpu.memory_space<hbm>> -> memref<80x128xi32, #tpu.memory_space<hbm>>
      %dma_wait3A_139 = arith.constant 0 : i32
      %dma_wait3A_140 = tpu.memref_slice %arg3[%run_scoped3A_8, %mul3A_7, %dma_wait3A_139] : memref<2x2560x128xi32, #tpu.memory_space<hbm>> -> memref<1x80x128xi32, #tpu.memory_space<hbm>>
      %dma_wait3A_141 = tpu.memref_squeeze %dma_wait3A_140 : memref<1x80x128xi32, #tpu.memory_space<hbm>> -> memref<80x128xi32, #tpu.memory_space<hbm>>
      tpu.wait_dma2 semaphore(%run_scoped3A_129 : memref<!tpu.dma_semaphore, #tpu.memory_space<semaphore_mem>>) src(%dma_wait3A_141 : memref<80x128xi32, #tpu.memory_space<hbm>>) dst(%arg7 : memref<80x128xi32, #tpu.memory_space<vmem>>)
      tpu.yield
    }) : () -> ()
    %mul3A_9 = arith.constant 632 : i32
    %mul3A_10 = arith.muli %arg1, %mul3A_9 : i32
    %mul3A_11 = arith.constant 632 : i32
    %mul3A_12 = arith.muli %arg1, %mul3A_11 : i32
    "tpu.region"() ({
      %run_scoped3A_129 = tpu.sem_alloc : memref<!tpu.dma_semaphore, #tpu.memory_space<semaphore_mem>>
      %dma_start3A_130 = arith.constant 0 : i32
      %dma_start3A_131 = tpu.memref_slice %arg9[%mul3A_12, %dma_start3A_130] : memref<10112x16xf32, #tpu.memory_space<vmem_shared>> -> memref<632x16xf32, #tpu.memory_space<vmem_shared>>
      %dma_start3A_132 = arith.constant 0 : i32
      %dma_start3A_133 = tpu.memref_slice %arg2[%mul3A_10, %dma_start3A_132] : memref<10112x16xf32, #tpu.memory_space<hbm>> -> memref<632x16xf32, #tpu.memory_space<hbm>>
      tpu.enqueue_dma source(%dma_start3A_133 : memref<632x16xf32, #tpu.memory_space<hbm>>) target(%dma_start3A_131 : memref<632x16xf32, #tpu.memory_space<vmem_shared>>) target_semaphore(%run_scoped3A_129 : memref<!tpu.dma_semaphore, #tpu.memory_space<semaphore_mem>>)
      %dma_wait3A_134 = arith.constant 0 : i32
      %dma_wait3A_135 = tpu.memref_slice %arg9[%mul3A_12, %dma_wait3A_134] : memref<10112x16xf32, #tpu.memory_space<vmem_shared>> -> memref<632x16xf32, #tpu.memory_space<vmem_shared>>
      %dma_wait3A_136 = arith.constant 0 : i32
      %dma_wait3A_137 = tpu.memref_slice %arg2[%mul3A_10, %dma_wait3A_136] : memref<10112x16xf32, #tpu.memory_space<hbm>> -> memref<632x16xf32, #tpu.memory_space<hbm>>
      tpu.wait_dma2 semaphore(%run_scoped3A_129 : memref<!tpu.dma_semaphore, #tpu.memory_space<semaphore_mem>>) src(%dma_wait3A_137 : memref<632x16xf32, #tpu.memory_space<hbm>>) dst(%dma_wait3A_135 : memref<632x16xf32, #tpu.memory_space<vmem_shared>>)
      tpu.yield
    }) : () -> ()
    %mul3A_13 = arith.constant 632 : i32
    %mul3A_14 = arith.muli %arg1, %mul3A_13 : i32
    %mul3A_15 = arith.constant 632 : i32
    %mul3A_16 = arith.muli %arg1, %mul3A_15 : i32
    "tpu.region"() ({
      %run_scoped3A_129 = tpu.sem_alloc : memref<!tpu.dma_semaphore, #tpu.memory_space<semaphore_mem>>
      %dma_start3A_130 = arith.constant 0 : i32
      %dma_start3A_131 = tpu.memref_slice %arg10[%mul3A_16, %dma_start3A_130] : memref<10112x16xf32, #tpu.memory_space<vmem_shared>> -> memref<632x16xf32, #tpu.memory_space<vmem_shared>>
      %dma_start3A_132 = arith.constant 0 : i32
      %dma_start3A_133 = tpu.memref_slice %arg4[%mul3A_14, %dma_start3A_132] : memref<10112x16xf32, #tpu.memory_space<hbm>> -> memref<632x16xf32, #tpu.memory_space<hbm>>
      tpu.enqueue_dma source(%dma_start3A_133 : memref<632x16xf32, #tpu.memory_space<hbm>>) target(%dma_start3A_131 : memref<632x16xf32, #tpu.memory_space<vmem_shared>>) target_semaphore(%run_scoped3A_129 : memref<!tpu.dma_semaphore, #tpu.memory_space<semaphore_mem>>)
      %dma_wait3A_134 = arith.constant 0 : i32
      %dma_wait3A_135 = tpu.memref_slice %arg10[%mul3A_16, %dma_wait3A_134] : memref<10112x16xf32, #tpu.memory_space<vmem_shared>> -> memref<632x16xf32, #tpu.memory_space<vmem_shared>>
      %dma_wait3A_136 = arith.constant 0 : i32
      %dma_wait3A_137 = tpu.memref_slice %arg4[%mul3A_14, %dma_wait3A_136] : memref<10112x16xf32, #tpu.memory_space<hbm>> -> memref<632x16xf32, #tpu.memory_space<hbm>>
      tpu.wait_dma2 semaphore(%run_scoped3A_129 : memref<!tpu.dma_semaphore, #tpu.memory_space<semaphore_mem>>) src(%dma_wait3A_137 : memref<632x16xf32, #tpu.memory_space<hbm>>) dst(%dma_wait3A_135 : memref<632x16xf32, #tpu.memory_space<vmem_shared>>)
      tpu.yield
    }) : () -> ()
    %barrier3A = arith.constant 0 : index
    tpu.barrier barrier_id(%barrier3A)
    %dma_start3A = arith.constant 0 : i32
    %dma_start3A_17 = arith.constant 0 : i32
    %dma_start3A_18 = arith.constant 0 : i32
    %dma_start3A_19 = arith.constant 0 : i32
    %dma_start3A_20 = arith.constant 0 : i32
    %dma_start3A_21 = tpu.memref_slice %arg8[%dma_start3A_17, %dma_start3A_18, %dma_start3A_19, %dma_start3A_20] : memref<2x4x128x16xf32, #tpu.memory_space<vmem>> -> memref<1x1x128x16xf32, #tpu.memory_space<vmem>>
    %dma_start3A_22 = tpu.memref_squeeze %dma_start3A_21 : memref<1x1x128x16xf32, #tpu.memory_space<vmem>> -> memref<128x16xf32, #tpu.memory_space<vmem>>
    %dma_start3A_23 = arith.constant 0 : i32
    %dma_start3A_24 = tpu.memref_slice %arg6[%dma_start3A, %dma_start3A_23] : memref<84x128xi32, #tpu.memory_space<vmem>> -> memref<1x128xi32, #tpu.memory_space<vmem>>
    %dma_start3A_25 = tpu.memref_squeeze %dma_start3A_24 : memref<1x128xi32, #tpu.memory_space<vmem>> -> memref<128xi32, #tpu.memory_space<vmem>>
    %dma_start3A_26 = arith.constant 0 : i32
    %dma_start3A_27 = arith.constant 0 : i32
    %dma_start3A_28 = tpu.memref_slice %arg9[%dma_start3A_26, %dma_start3A_27] : memref<10112x16xf32, #tpu.memory_space<vmem_shared>> -> memref<10112x16xf32, #tpu.memory_space<vmem_shared>>
    tpu.enqueue_indirect_dma source(%dma_start3A_28 : memref<10112x16xf32, #tpu.memory_space<vmem_shared>>) target(%dma_start3A_22 : memref<128x16xf32, #tpu.memory_space<vmem>>) offsets(%dma_start3A_25 : memref<128xi32, #tpu.memory_space<vmem>>) semaphore(%arg11 : memref<!tpu.dma_semaphore, #tpu.memory_space<semaphore_mem>>)
    %dma_start3A_29 = arith.constant 1 : i32
    %dma_start3A_30 = arith.constant 0 : i32
    %dma_start3A_31 = arith.constant 1 : i32
    %dma_start3A_32 = arith.constant 0 : i32
    %dma_start3A_33 = arith.constant 0 : i32
    %dma_start3A_34 = tpu.memref_slice %arg8[%dma_start3A_30, %dma_start3A_31, %dma_start3A_32, %dma_start3A_33] : memref<2x4x128x16xf32, #tpu.memory_space<vmem>> -> memref<1x1x128x16xf32, #tpu.memory_space<vmem>>
    %dma_start3A_35 = tpu.memref_squeeze %dma_start3A_34 : memref<1x1x128x16xf32, #tpu.memory_space<vmem>> -> memref<128x16xf32, #tpu.memory_space<vmem>>
    %dma_start3A_36 = arith.constant 0 : i32
    %dma_start3A_37 = tpu.memref_slice %arg6[%dma_start3A_29, %dma_start3A_36] : memref<84x128xi32, #tpu.memory_space<vmem>> -> memref<1x128xi32, #tpu.memory_space<vmem>>
    %dma_start3A_38 = tpu.memref_squeeze %dma_start3A_37 : memref<1x128xi32, #tpu.memory_space<vmem>> -> memref<128xi32, #tpu.memory_space<vmem>>
    %dma_start3A_39 = arith.constant 0 : i32
    %dma_start3A_40 = arith.constant 0 : i32
    %dma_start3A_41 = tpu.memref_slice %arg9[%dma_start3A_39, %dma_start3A_40] : memref<10112x16xf32, #tpu.memory_space<vmem_shared>> -> memref<10112x16xf32, #tpu.memory_space<vmem_shared>>
    tpu.enqueue_indirect_dma source(%dma_start3A_41 : memref<10112x16xf32, #tpu.memory_space<vmem_shared>>) target(%dma_start3A_35 : memref<128x16xf32, #tpu.memory_space<vmem>>) offsets(%dma_start3A_38 : memref<128xi32, #tpu.memory_space<vmem>>) semaphore(%arg11 : memref<!tpu.dma_semaphore, #tpu.memory_space<semaphore_mem>>)
    %dma_start3A_42 = arith.constant 2 : i32
    %dma_start3A_43 = arith.constant 0 : i32
    %dma_start3A_44 = arith.constant 2 : i32
    %dma_start3A_45 = arith.constant 0 : i32
    %dma_start3A_46 = arith.constant 0 : i32
    %dma_start3A_47 = tpu.memref_slice %arg8[%dma_start3A_43, %dma_start3A_44, %dma_start3A_45, %dma_start3A_46] : memref<2x4x128x16xf32, #tpu.memory_space<vmem>> -> memref<1x1x128x16xf32, #tpu.memory_space<vmem>>
    %dma_start3A_48 = tpu.memref_squeeze %dma_start3A_47 : memref<1x1x128x16xf32, #tpu.memory_space<vmem>> -> memref<128x16xf32, #tpu.memory_space<vmem>>
    %dma_start3A_49 = arith.constant 0 : i32
    %dma_start3A_50 = tpu.memref_slice %arg6[%dma_start3A_42, %dma_start3A_49] : memref<84x128xi32, #tpu.memory_space<vmem>> -> memref<1x128xi32, #tpu.memory_space<vmem>>
    %dma_start3A_51 = tpu.memref_squeeze %dma_start3A_50 : memref<1x128xi32, #tpu.memory_space<vmem>> -> memref<128xi32, #tpu.memory_space<vmem>>
    %dma_start3A_52 = arith.constant 0 : i32
    %dma_start3A_53 = arith.constant 0 : i32
    %dma_start3A_54 = tpu.memref_slice %arg9[%dma_start3A_52, %dma_start3A_53] : memref<10112x16xf32, #tpu.memory_space<vmem_shared>> -> memref<10112x16xf32, #tpu.memory_space<vmem_shared>>
    tpu.enqueue_indirect_dma source(%dma_start3A_54 : memref<10112x16xf32, #tpu.memory_space<vmem_shared>>) target(%dma_start3A_48 : memref<128x16xf32, #tpu.memory_space<vmem>>) offsets(%dma_start3A_51 : memref<128xi32, #tpu.memory_space<vmem>>) semaphore(%arg11 : memref<!tpu.dma_semaphore, #tpu.memory_space<semaphore_mem>>)
    %dma_start3A_55 = arith.constant 3 : i32
    %dma_start3A_56 = arith.constant 0 : i32
    %dma_start3A_57 = arith.constant 3 : i32
    %dma_start3A_58 = arith.constant 0 : i32
    %dma_start3A_59 = arith.constant 0 : i32
    %dma_start3A_60 = tpu.memref_slice %arg8[%dma_start3A_56, %dma_start3A_57, %dma_start3A_58, %dma_start3A_59] : memref<2x4x128x16xf32, #tpu.memory_space<vmem>> -> memref<1x1x128x16xf32, #tpu.memory_space<vmem>>
    %dma_start3A_61 = tpu.memref_squeeze %dma_start3A_60 : memref<1x1x128x16xf32, #tpu.memory_space<vmem>> -> memref<128x16xf32, #tpu.memory_space<vmem>>
    %dma_start3A_62 = arith.constant 0 : i32
    %dma_start3A_63 = tpu.memref_slice %arg6[%dma_start3A_55, %dma_start3A_62] : memref<84x128xi32, #tpu.memory_space<vmem>> -> memref<1x128xi32, #tpu.memory_space<vmem>>
    %dma_start3A_64 = tpu.memref_squeeze %dma_start3A_63 : memref<1x128xi32, #tpu.memory_space<vmem>> -> memref<128xi32, #tpu.memory_space<vmem>>
    %dma_start3A_65 = arith.constant 0 : i32
    %dma_start3A_66 = arith.constant 0 : i32
    %dma_start3A_67 = tpu.memref_slice %arg9[%dma_start3A_65, %dma_start3A_66] : memref<10112x16xf32, #tpu.memory_space<vmem_shared>> -> memref<10112x16xf32, #tpu.memory_space<vmem_shared>>
    tpu.enqueue_indirect_dma source(%dma_start3A_67 : memref<10112x16xf32, #tpu.memory_space<vmem_shared>>) target(%dma_start3A_61 : memref<128x16xf32, #tpu.memory_space<vmem>>) offsets(%dma_start3A_64 : memref<128xi32, #tpu.memory_space<vmem>>) semaphore(%arg11 : memref<!tpu.dma_semaphore, #tpu.memory_space<semaphore_mem>>)
    %scan3A = arith.constant 0 : i32
    %scan3A_68 = arith.constant 0 : i32
    %scan3A_69 = arith.constant 10 : i32
    %scan3A_70 = arith.addi %scan3A_68, %scan3A_69 : i32
    %scan3A_71 = arith.constant 1 : i32
    scf.for %scan3A_129 = %scan3A_68 to %scan3A_70 step %scan3A_71  : i32 {
      %mul3A_130 = arith.constant 2 : i32
      %mul3A_131 = arith.muli %mul3A_130, %scan3A_129 : i32
      %mul3A_132 = arith.constant 2 : i32
      %mul3A_133 = arith.muli %mul3A_132, %scan3A_129 : i32
      %add3A_134 = arith.constant 1 : i32
      %add3A_135 = arith.addi %mul3A_133, %add3A_134 : i32
      %mul3A_136 = arith.constant 4 : i32
      %mul3A_137 = arith.muli %mul3A_131, %mul3A_136 : i32
      %add3A_138 = arith.constant 0 : i32
      %add3A_139 = arith.addi %mul3A_137, %add3A_138 : i32
      %dma_wait3A_140 = arith.constant 0 : i32
      %dma_wait3A_141 = arith.constant 0 : i32
      %dma_wait3A_142 = arith.constant 0 : i32
      %dma_wait3A_143 = arith.constant 0 : i32
      %dma_wait3A_144 = tpu.memref_slice %arg8[%dma_wait3A_140, %dma_wait3A_141, %dma_wait3A_142, %dma_wait3A_143] : memref<2x4x128x16xf32, #tpu.memory_space<vmem>> -> memref<1x1x128x16xf32, #tpu.memory_space<vmem>>
      %dma_wait3A_145 = tpu.memref_squeeze %dma_wait3A_144 : memref<1x1x128x16xf32, #tpu.memory_space<vmem>> -> memref<128x16xf32, #tpu.memory_space<vmem>>
      %dma_wait3A_146 = arith.constant 0 : i32
      %dma_wait3A_147 = tpu.memref_slice %arg6[%add3A_139, %dma_wait3A_146] : memref<84x128xi32, #tpu.memory_space<vmem>> -> memref<1x128xi32, #tpu.memory_space<vmem>>
      %dma_wait3A_148 = tpu.memref_squeeze %dma_wait3A_147 : memref<1x128xi32, #tpu.memory_space<vmem>> -> memref<128xi32, #tpu.memory_space<vmem>>
      %dma_wait3A_149 = arith.constant 0 : i32
      %dma_wait3A_150 = arith.constant 0 : i32
      %dma_wait3A_151 = tpu.memref_slice %arg9[%dma_wait3A_149, %dma_wait3A_150] : memref<10112x16xf32, #tpu.memory_space<vmem_shared>> -> memref<10112x16xf32, #tpu.memory_space<vmem_shared>>
      tpu.wait_indirect_dma semaphore(%arg11 : memref<!tpu.dma_semaphore, #tpu.memory_space<semaphore_mem>>) src(%dma_wait3A_151 : memref<10112x16xf32, #tpu.memory_space<vmem_shared>>) dst(%dma_wait3A_145 : memref<128x16xf32, #tpu.memory_space<vmem>>)
      %mul3A_152 = arith.constant 4 : i32
      %mul3A_153 = arith.muli %mul3A_131, %mul3A_152 : i32
      %add3A_154 = arith.constant 1 : i32
      %add3A_155 = arith.addi %mul3A_153, %add3A_154 : i32
      %dma_wait3A_156 = arith.constant 0 : i32
      %dma_wait3A_157 = arith.constant 1 : i32
      %dma_wait3A_158 = arith.constant 0 : i32
      %dma_wait3A_159 = arith.constant 0 : i32
      %dma_wait3A_160 = tpu.memref_slice %arg8[%dma_wait3A_156, %dma_wait3A_157, %dma_wait3A_158, %dma_wait3A_159] : memref<2x4x128x16xf32, #tpu.memory_space<vmem>> -> memref<1x1x128x16xf32, #tpu.memory_space<vmem>>
      %dma_wait3A_161 = tpu.memref_squeeze %dma_wait3A_160 : memref<1x1x128x16xf32, #tpu.memory_space<vmem>> -> memref<128x16xf32, #tpu.memory_space<vmem>>
      %dma_wait3A_162 = arith.constant 0 : i32
      %dma_wait3A_163 = tpu.memref_slice %arg6[%add3A_155, %dma_wait3A_162] : memref<84x128xi32, #tpu.memory_space<vmem>> -> memref<1x128xi32, #tpu.memory_space<vmem>>
      %dma_wait3A_164 = tpu.memref_squeeze %dma_wait3A_163 : memref<1x128xi32, #tpu.memory_space<vmem>> -> memref<128xi32, #tpu.memory_space<vmem>>
      %dma_wait3A_165 = arith.constant 0 : i32
      %dma_wait3A_166 = arith.constant 0 : i32
      %dma_wait3A_167 = tpu.memref_slice %arg9[%dma_wait3A_165, %dma_wait3A_166] : memref<10112x16xf32, #tpu.memory_space<vmem_shared>> -> memref<10112x16xf32, #tpu.memory_space<vmem_shared>>
      tpu.wait_indirect_dma semaphore(%arg11 : memref<!tpu.dma_semaphore, #tpu.memory_space<semaphore_mem>>) src(%dma_wait3A_167 : memref<10112x16xf32, #tpu.memory_space<vmem_shared>>) dst(%dma_wait3A_161 : memref<128x16xf32, #tpu.memory_space<vmem>>)
      %mul3A_168 = arith.constant 4 : i32
      %mul3A_169 = arith.muli %mul3A_131, %mul3A_168 : i32
      %add3A_170 = arith.constant 2 : i32
      %add3A_171 = arith.addi %mul3A_169, %add3A_170 : i32
      %dma_wait3A_172 = arith.constant 0 : i32
      %dma_wait3A_173 = arith.constant 2 : i32
      %dma_wait3A_174 = arith.constant 0 : i32
      %dma_wait3A_175 = arith.constant 0 : i32
      %dma_wait3A_176 = tpu.memref_slice %arg8[%dma_wait3A_172, %dma_wait3A_173, %dma_wait3A_174, %dma_wait3A_175] : memref<2x4x128x16xf32, #tpu.memory_space<vmem>> -> memref<1x1x128x16xf32, #tpu.memory_space<vmem>>
      %dma_wait3A_177 = tpu.memref_squeeze %dma_wait3A_176 : memref<1x1x128x16xf32, #tpu.memory_space<vmem>> -> memref<128x16xf32, #tpu.memory_space<vmem>>
      %dma_wait3A_178 = arith.constant 0 : i32
      %dma_wait3A_179 = tpu.memref_slice %arg6[%add3A_171, %dma_wait3A_178] : memref<84x128xi32, #tpu.memory_space<vmem>> -> memref<1x128xi32, #tpu.memory_space<vmem>>
      %dma_wait3A_180 = tpu.memref_squeeze %dma_wait3A_179 : memref<1x128xi32, #tpu.memory_space<vmem>> -> memref<128xi32, #tpu.memory_space<vmem>>
      %dma_wait3A_181 = arith.constant 0 : i32
      %dma_wait3A_182 = arith.constant 0 : i32
      %dma_wait3A_183 = tpu.memref_slice %arg9[%dma_wait3A_181, %dma_wait3A_182] : memref<10112x16xf32, #tpu.memory_space<vmem_shared>> -> memref<10112x16xf32, #tpu.memory_space<vmem_shared>>
      tpu.wait_indirect_dma semaphore(%arg11 : memref<!tpu.dma_semaphore, #tpu.memory_space<semaphore_mem>>) src(%dma_wait3A_183 : memref<10112x16xf32, #tpu.memory_space<vmem_shared>>) dst(%dma_wait3A_177 : memref<128x16xf32, #tpu.memory_space<vmem>>)
      %mul3A_184 = arith.constant 4 : i32
      %mul3A_185 = arith.muli %mul3A_131, %mul3A_184 : i32
      %add3A_186 = arith.constant 3 : i32
      %add3A_187 = arith.addi %mul3A_185, %add3A_186 : i32
      %dma_wait3A_188 = arith.constant 0 : i32
      %dma_wait3A_189 = arith.constant 3 : i32
      %dma_wait3A_190 = arith.constant 0 : i32
      %dma_wait3A_191 = arith.constant 0 : i32
      %dma_wait3A_192 = tpu.memref_slice %arg8[%dma_wait3A_188, %dma_wait3A_189, %dma_wait3A_190, %dma_wait3A_191] : memref<2x4x128x16xf32, #tpu.memory_space<vmem>> -> memref<1x1x128x16xf32, #tpu.memory_space<vmem>>
      %dma_wait3A_193 = tpu.memref_squeeze %dma_wait3A_192 : memref<1x1x128x16xf32, #tpu.memory_space<vmem>> -> memref<128x16xf32, #tpu.memory_space<vmem>>
      %dma_wait3A_194 = arith.constant 0 : i32
      %dma_wait3A_195 = tpu.memref_slice %arg6[%add3A_187, %dma_wait3A_194] : memref<84x128xi32, #tpu.memory_space<vmem>> -> memref<1x128xi32, #tpu.memory_space<vmem>>
      %dma_wait3A_196 = tpu.memref_squeeze %dma_wait3A_195 : memref<1x128xi32, #tpu.memory_space<vmem>> -> memref<128xi32, #tpu.memory_space<vmem>>
      %dma_wait3A_197 = arith.constant 0 : i32
      %dma_wait3A_198 = arith.constant 0 : i32
      %dma_wait3A_199 = tpu.memref_slice %arg9[%dma_wait3A_197, %dma_wait3A_198] : memref<10112x16xf32, #tpu.memory_space<vmem_shared>> -> memref<10112x16xf32, #tpu.memory_space<vmem_shared>>
      tpu.wait_indirect_dma semaphore(%arg11 : memref<!tpu.dma_semaphore, #tpu.memory_space<semaphore_mem>>) src(%dma_wait3A_199 : memref<10112x16xf32, #tpu.memory_space<vmem_shared>>) dst(%dma_wait3A_193 : memref<128x16xf32, #tpu.memory_space<vmem>>)
      %mul3A_200 = arith.constant 4 : i32
      %mul3A_201 = arith.muli %add3A_135, %mul3A_200 : i32
      %add3A_202 = arith.constant 0 : i32
      %add3A_203 = arith.addi %mul3A_201, %add3A_202 : i32
      %dma_start3A_204 = arith.constant 1 : i32
      %dma_start3A_205 = arith.constant 0 : i32
      %dma_start3A_206 = arith.constant 0 : i32
      %dma_start3A_207 = arith.constant 0 : i32
      %dma_start3A_208 = tpu.memref_slice %arg8[%dma_start3A_204, %dma_start3A_205, %dma_start3A_206, %dma_start3A_207] : memref<2x4x128x16xf32, #tpu.memory_space<vmem>> -> memref<1x1x128x16xf32, #tpu.memory_space<vmem>>
      %dma_start3A_209 = tpu.memref_squeeze %dma_start3A_208 : memref<1x1x128x16xf32, #tpu.memory_space<vmem>> -> memref<128x16xf32, #tpu.memory_space<vmem>>
      %dma_start3A_210 = arith.constant 0 : i32
      %dma_start3A_211 = tpu.memref_slice %arg6[%add3A_203, %dma_start3A_210] : memref<84x128xi32, #tpu.memory_space<vmem>> -> memref<1x128xi32, #tpu.memory_space<vmem>>
      %dma_start3A_212 = tpu.memref_squeeze %dma_start3A_211 : memref<1x128xi32, #tpu.memory_space<vmem>> -> memref<128xi32, #tpu.memory_space<vmem>>
      %dma_start3A_213 = arith.constant 0 : i32
      %dma_start3A_214 = arith.constant 0 : i32
      %dma_start3A_215 = tpu.memref_slice %arg9[%dma_start3A_213, %dma_start3A_214] : memref<10112x16xf32, #tpu.memory_space<vmem_shared>> -> memref<10112x16xf32, #tpu.memory_space<vmem_shared>>
      tpu.enqueue_indirect_dma source(%dma_start3A_215 : memref<10112x16xf32, #tpu.memory_space<vmem_shared>>) target(%dma_start3A_209 : memref<128x16xf32, #tpu.memory_space<vmem>>) offsets(%dma_start3A_212 : memref<128xi32, #tpu.memory_space<vmem>>) semaphore(%arg12 : memref<!tpu.dma_semaphore, #tpu.memory_space<semaphore_mem>>)
      %mul3A_216 = arith.constant 4 : i32
      %mul3A_217 = arith.muli %add3A_135, %mul3A_216 : i32
      %add3A_218 = arith.constant 1 : i32
      %add3A_219 = arith.addi %mul3A_217, %add3A_218 : i32
      %dma_start3A_220 = arith.constant 1 : i32
      %dma_start3A_221 = arith.constant 1 : i32
      %dma_start3A_222 = arith.constant 0 : i32
      %dma_start3A_223 = arith.constant 0 : i32
      %dma_start3A_224 = tpu.memref_slice %arg8[%dma_start3A_220, %dma_start3A_221, %dma_start3A_222, %dma_start3A_223] : memref<2x4x128x16xf32, #tpu.memory_space<vmem>> -> memref<1x1x128x16xf32, #tpu.memory_space<vmem>>
      %dma_start3A_225 = tpu.memref_squeeze %dma_start3A_224 : memref<1x1x128x16xf32, #tpu.memory_space<vmem>> -> memref<128x16xf32, #tpu.memory_space<vmem>>
      %dma_start3A_226 = arith.constant 0 : i32
      %dma_start3A_227 = tpu.memref_slice %arg6[%add3A_219, %dma_start3A_226] : memref<84x128xi32, #tpu.memory_space<vmem>> -> memref<1x128xi32, #tpu.memory_space<vmem>>
      %dma_start3A_228 = tpu.memref_squeeze %dma_start3A_227 : memref<1x128xi32, #tpu.memory_space<vmem>> -> memref<128xi32, #tpu.memory_space<vmem>>
      %dma_start3A_229 = arith.constant 0 : i32
      %dma_start3A_230 = arith.constant 0 : i32
      %dma_start3A_231 = tpu.memref_slice %arg9[%dma_start3A_229, %dma_start3A_230] : memref<10112x16xf32, #tpu.memory_space<vmem_shared>> -> memref<10112x16xf32, #tpu.memory_space<vmem_shared>>
      tpu.enqueue_indirect_dma source(%dma_start3A_231 : memref<10112x16xf32, #tpu.memory_space<vmem_shared>>) target(%dma_start3A_225 : memref<128x16xf32, #tpu.memory_space<vmem>>) offsets(%dma_start3A_228 : memref<128xi32, #tpu.memory_space<vmem>>) semaphore(%arg12 : memref<!tpu.dma_semaphore, #tpu.memory_space<semaphore_mem>>)
      %mul3A_232 = arith.constant 4 : i32
      %mul3A_233 = arith.muli %add3A_135, %mul3A_232 : i32
      %add3A_234 = arith.constant 2 : i32
      %add3A_235 = arith.addi %mul3A_233, %add3A_234 : i32
      %dma_start3A_236 = arith.constant 1 : i32
      %dma_start3A_237 = arith.constant 2 : i32
      %dma_start3A_238 = arith.constant 0 : i32
      %dma_start3A_239 = arith.constant 0 : i32
      %dma_start3A_240 = tpu.memref_slice %arg8[%dma_start3A_236, %dma_start3A_237, %dma_start3A_238, %dma_start3A_239] : memref<2x4x128x16xf32, #tpu.memory_space<vmem>> -> memref<1x1x128x16xf32, #tpu.memory_space<vmem>>
      %dma_start3A_241 = tpu.memref_squeeze %dma_start3A_240 : memref<1x1x128x16xf32, #tpu.memory_space<vmem>> -> memref<128x16xf32, #tpu.memory_space<vmem>>
      %dma_start3A_242 = arith.constant 0 : i32
      %dma_start3A_243 = tpu.memref_slice %arg6[%add3A_235, %dma_start3A_242] : memref<84x128xi32, #tpu.memory_space<vmem>> -> memref<1x128xi32, #tpu.memory_space<vmem>>
      %dma_start3A_244 = tpu.memref_squeeze %dma_start3A_243 : memref<1x128xi32, #tpu.memory_space<vmem>> -> memref<128xi32, #tpu.memory_space<vmem>>
      %dma_start3A_245 = arith.constant 0 : i32
      %dma_start3A_246 = arith.constant 0 : i32
      %dma_start3A_247 = tpu.memref_slice %arg9[%dma_start3A_245, %dma_start3A_246] : memref<10112x16xf32, #tpu.memory_space<vmem_shared>> -> memref<10112x16xf32, #tpu.memory_space<vmem_shared>>
      tpu.enqueue_indirect_dma source(%dma_start3A_247 : memref<10112x16xf32, #tpu.memory_space<vmem_shared>>) target(%dma_start3A_241 : memref<128x16xf32, #tpu.memory_space<vmem>>) offsets(%dma_start3A_244 : memref<128xi32, #tpu.memory_space<vmem>>) semaphore(%arg12 : memref<!tpu.dma_semaphore, #tpu.memory_space<semaphore_mem>>)
      %mul3A_248 = arith.constant 4 : i32
      %mul3A_249 = arith.muli %add3A_135, %mul3A_248 : i32
      %add3A_250 = arith.constant 3 : i32
      %add3A_251 = arith.addi %mul3A_249, %add3A_250 : i32
      %dma_start3A_252 = arith.constant 1 : i32
      %dma_start3A_253 = arith.constant 3 : i32
      %dma_start3A_254 = arith.constant 0 : i32
      %dma_start3A_255 = arith.constant 0 : i32
      %dma_start3A_256 = tpu.memref_slice %arg8[%dma_start3A_252, %dma_start3A_253, %dma_start3A_254, %dma_start3A_255] : memref<2x4x128x16xf32, #tpu.memory_space<vmem>> -> memref<1x1x128x16xf32, #tpu.memory_space<vmem>>
      %dma_start3A_257 = tpu.memref_squeeze %dma_start3A_256 : memref<1x1x128x16xf32, #tpu.memory_space<vmem>> -> memref<128x16xf32, #tpu.memory_space<vmem>>
      %dma_start3A_258 = arith.constant 0 : i32
      %dma_start3A_259 = tpu.memref_slice %arg6[%add3A_251, %dma_start3A_258] : memref<84x128xi32, #tpu.memory_space<vmem>> -> memref<1x128xi32, #tpu.memory_space<vmem>>
      %dma_start3A_260 = tpu.memref_squeeze %dma_start3A_259 : memref<1x128xi32, #tpu.memory_space<vmem>> -> memref<128xi32, #tpu.memory_space<vmem>>
      %dma_start3A_261 = arith.constant 0 : i32
      %dma_start3A_262 = arith.constant 0 : i32
      %dma_start3A_263 = tpu.memref_slice %arg9[%dma_start3A_261, %dma_start3A_262] : memref<10112x16xf32, #tpu.memory_space<vmem_shared>> -> memref<10112x16xf32, #tpu.memory_space<vmem_shared>>
      tpu.enqueue_indirect_dma source(%dma_start3A_263 : memref<10112x16xf32, #tpu.memory_space<vmem_shared>>) target(%dma_start3A_257 : memref<128x16xf32, #tpu.memory_space<vmem>>) offsets(%dma_start3A_260 : memref<128xi32, #tpu.memory_space<vmem>>) semaphore(%arg12 : memref<!tpu.dma_semaphore, #tpu.memory_space<semaphore_mem>>)
      %mul3A_264 = arith.constant 4 : i32
      %mul3A_265 = arith.muli %mul3A_131, %mul3A_264 : i32
      %add3A_266 = arith.constant 0 : i32
      %add3A_267 = arith.addi %mul3A_265, %add3A_266 : i32
      %dma_start3A_268 = arith.constant 0 : i32
      %dma_start3A_269 = arith.constant 0 : i32
      %dma_start3A_270 = arith.constant 0 : i32
      %dma_start3A_271 = arith.constant 0 : i32
      %dma_start3A_272 = tpu.memref_slice %arg8[%dma_start3A_268, %dma_start3A_269, %dma_start3A_270, %dma_start3A_271] : memref<2x4x128x16xf32, #tpu.memory_space<vmem>> -> memref<1x1x128x16xf32, #tpu.memory_space<vmem>>
      %dma_start3A_273 = tpu.memref_squeeze %dma_start3A_272 : memref<1x1x128x16xf32, #tpu.memory_space<vmem>> -> memref<128x16xf32, #tpu.memory_space<vmem>>
      %dma_start3A_274 = arith.constant 0 : i32
      %dma_start3A_275 = tpu.memref_slice %arg7[%add3A_267, %dma_start3A_274] : memref<80x128xi32, #tpu.memory_space<vmem>> -> memref<1x128xi32, #tpu.memory_space<vmem>>
      %dma_start3A_276 = tpu.memref_squeeze %dma_start3A_275 : memref<1x128xi32, #tpu.memory_space<vmem>> -> memref<128xi32, #tpu.memory_space<vmem>>
      %dma_start3A_277 = arith.constant 0 : i32
      %dma_start3A_278 = arith.constant 0 : i32
      %dma_start3A_279 = tpu.memref_slice %arg10[%dma_start3A_277, %dma_start3A_278] : memref<10112x16xf32, #tpu.memory_space<vmem_shared>> -> memref<10112x16xf32, #tpu.memory_space<vmem_shared>>
      tpu.enqueue_indirect_dma source(%dma_start3A_273 : memref<128x16xf32, #tpu.memory_space<vmem>>) target(%dma_start3A_279 : memref<10112x16xf32, #tpu.memory_space<vmem_shared>>) offsets(%dma_start3A_276 : memref<128xi32, #tpu.memory_space<vmem>>) semaphore(%arg13 : memref<!tpu.dma_semaphore, #tpu.memory_space<semaphore_mem>>) {add = true}
      %mul3A_280 = arith.constant 4 : i32
      %mul3A_281 = arith.muli %mul3A_131, %mul3A_280 : i32
      %add3A_282 = arith.constant 1 : i32
      %add3A_283 = arith.addi %mul3A_281, %add3A_282 : i32
      %dma_start3A_284 = arith.constant 0 : i32
      %dma_start3A_285 = arith.constant 1 : i32
      %dma_start3A_286 = arith.constant 0 : i32
      %dma_start3A_287 = arith.constant 0 : i32
      %dma_start3A_288 = tpu.memref_slice %arg8[%dma_start3A_284, %dma_start3A_285, %dma_start3A_286, %dma_start3A_287] : memref<2x4x128x16xf32, #tpu.memory_space<vmem>> -> memref<1x1x128x16xf32, #tpu.memory_space<vmem>>
      %dma_start3A_289 = tpu.memref_squeeze %dma_start3A_288 : memref<1x1x128x16xf32, #tpu.memory_space<vmem>> -> memref<128x16xf32, #tpu.memory_space<vmem>>
      %dma_start3A_290 = arith.constant 0 : i32
      %dma_start3A_291 = tpu.memref_slice %arg7[%add3A_283, %dma_start3A_290] : memref<80x128xi32, #tpu.memory_space<vmem>> -> memref<1x128xi32, #tpu.memory_space<vmem>>
      %dma_start3A_292 = tpu.memref_squeeze %dma_start3A_291 : memref<1x128xi32, #tpu.memory_space<vmem>> -> memref<128xi32, #tpu.memory_space<vmem>>
      %dma_start3A_293 = arith.constant 0 : i32
      %dma_start3A_294 = arith.constant 0 : i32
      %dma_start3A_295 = tpu.memref_slice %arg10[%dma_start3A_293, %dma_start3A_294] : memref<10112x16xf32, #tpu.memory_space<vmem_shared>> -> memref<10112x16xf32, #tpu.memory_space<vmem_shared>>
      tpu.enqueue_indirect_dma source(%dma_start3A_289 : memref<128x16xf32, #tpu.memory_space<vmem>>) target(%dma_start3A_295 : memref<10112x16xf32, #tpu.memory_space<vmem_shared>>) offsets(%dma_start3A_292 : memref<128xi32, #tpu.memory_space<vmem>>) semaphore(%arg13 : memref<!tpu.dma_semaphore, #tpu.memory_space<semaphore_mem>>) {add = true}
      %mul3A_296 = arith.constant 4 : i32
      %mul3A_297 = arith.muli %mul3A_131, %mul3A_296 : i32
      %add3A_298 = arith.constant 2 : i32
      %add3A_299 = arith.addi %mul3A_297, %add3A_298 : i32
      %dma_start3A_300 = arith.constant 0 : i32
      %dma_start3A_301 = arith.constant 2 : i32
      %dma_start3A_302 = arith.constant 0 : i32
      %dma_start3A_303 = arith.constant 0 : i32
      %dma_start3A_304 = tpu.memref_slice %arg8[%dma_start3A_300, %dma_start3A_301, %dma_start3A_302, %dma_start3A_303] : memref<2x4x128x16xf32, #tpu.memory_space<vmem>> -> memref<1x1x128x16xf32, #tpu.memory_space<vmem>>
      %dma_start3A_305 = tpu.memref_squeeze %dma_start3A_304 : memref<1x1x128x16xf32, #tpu.memory_space<vmem>> -> memref<128x16xf32, #tpu.memory_space<vmem>>
      %dma_start3A_306 = arith.constant 0 : i32
      %dma_start3A_307 = tpu.memref_slice %arg7[%add3A_299, %dma_start3A_306] : memref<80x128xi32, #tpu.memory_space<vmem>> -> memref<1x128xi32, #tpu.memory_space<vmem>>
      %dma_start3A_308 = tpu.memref_squeeze %dma_start3A_307 : memref<1x128xi32, #tpu.memory_space<vmem>> -> memref<128xi32, #tpu.memory_space<vmem>>
      %dma_start3A_309 = arith.constant 0 : i32
      %dma_start3A_310 = arith.constant 0 : i32
      %dma_start3A_311 = tpu.memref_slice %arg10[%dma_start3A_309, %dma_start3A_310] : memref<10112x16xf32, #tpu.memory_space<vmem_shared>> -> memref<10112x16xf32, #tpu.memory_space<vmem_shared>>
      tpu.enqueue_indirect_dma source(%dma_start3A_305 : memref<128x16xf32, #tpu.memory_space<vmem>>) target(%dma_start3A_311 : memref<10112x16xf32, #tpu.memory_space<vmem_shared>>) offsets(%dma_start3A_308 : memref<128xi32, #tpu.memory_space<vmem>>) semaphore(%arg13 : memref<!tpu.dma_semaphore, #tpu.memory_space<semaphore_mem>>) {add = true}
      %mul3A_312 = arith.constant 4 : i32
      %mul3A_313 = arith.muli %mul3A_131, %mul3A_312 : i32
      %add3A_314 = arith.constant 3 : i32
      %add3A_315 = arith.addi %mul3A_313, %add3A_314 : i32
      %dma_start3A_316 = arith.constant 0 : i32
      %dma_start3A_317 = arith.constant 3 : i32
      %dma_start3A_318 = arith.constant 0 : i32
      %dma_start3A_319 = arith.constant 0 : i32
      %dma_start3A_320 = tpu.memref_slice %arg8[%dma_start3A_316, %dma_start3A_317, %dma_start3A_318, %dma_start3A_319] : memref<2x4x128x16xf32, #tpu.memory_space<vmem>> -> memref<1x1x128x16xf32, #tpu.memory_space<vmem>>
      %dma_start3A_321 = tpu.memref_squeeze %dma_start3A_320 : memref<1x1x128x16xf32, #tpu.memory_space<vmem>> -> memref<128x16xf32, #tpu.memory_space<vmem>>
      %dma_start3A_322 = arith.constant 0 : i32
      %dma_start3A_323 = tpu.memref_slice %arg7[%add3A_315, %dma_start3A_322] : memref<80x128xi32, #tpu.memory_space<vmem>> -> memref<1x128xi32, #tpu.memory_space<vmem>>
      %dma_start3A_324 = tpu.memref_squeeze %dma_start3A_323 : memref<1x128xi32, #tpu.memory_space<vmem>> -> memref<128xi32, #tpu.memory_space<vmem>>
      %dma_start3A_325 = arith.constant 0 : i32
      %dma_start3A_326 = arith.constant 0 : i32
      %dma_start3A_327 = tpu.memref_slice %arg10[%dma_start3A_325, %dma_start3A_326] : memref<10112x16xf32, #tpu.memory_space<vmem_shared>> -> memref<10112x16xf32, #tpu.memory_space<vmem_shared>>
      tpu.enqueue_indirect_dma source(%dma_start3A_321 : memref<128x16xf32, #tpu.memory_space<vmem>>) target(%dma_start3A_327 : memref<10112x16xf32, #tpu.memory_space<vmem_shared>>) offsets(%dma_start3A_324 : memref<128xi32, #tpu.memory_space<vmem>>) semaphore(%arg13 : memref<!tpu.dma_semaphore, #tpu.memory_space<semaphore_mem>>) {add = true}
      %mul3A_328 = arith.constant 4 : i32
      %mul3A_329 = arith.muli %add3A_135, %mul3A_328 : i32
      %add3A_330 = arith.constant 0 : i32
      %add3A_331 = arith.addi %mul3A_329, %add3A_330 : i32
      %dma_wait3A_332 = arith.constant 1 : i32
      %dma_wait3A_333 = arith.constant 0 : i32
      %dma_wait3A_334 = arith.constant 0 : i32
      %dma_wait3A_335 = arith.constant 0 : i32
      %dma_wait3A_336 = tpu.memref_slice %arg8[%dma_wait3A_332, %dma_wait3A_333, %dma_wait3A_334, %dma_wait3A_335] : memref<2x4x128x16xf32, #tpu.memory_space<vmem>> -> memref<1x1x128x16xf32, #tpu.memory_space<vmem>>
      %dma_wait3A_337 = tpu.memref_squeeze %dma_wait3A_336 : memref<1x1x128x16xf32, #tpu.memory_space<vmem>> -> memref<128x16xf32, #tpu.memory_space<vmem>>
      %dma_wait3A_338 = arith.constant 0 : i32
      %dma_wait3A_339 = tpu.memref_slice %arg6[%add3A_331, %dma_wait3A_338] : memref<84x128xi32, #tpu.memory_space<vmem>> -> memref<1x128xi32, #tpu.memory_space<vmem>>
      %dma_wait3A_340 = tpu.memref_squeeze %dma_wait3A_339 : memref<1x128xi32, #tpu.memory_space<vmem>> -> memref<128xi32, #tpu.memory_space<vmem>>
      %dma_wait3A_341 = arith.constant 0 : i32
      %dma_wait3A_342 = arith.constant 0 : i32
      %dma_wait3A_343 = tpu.memref_slice %arg9[%dma_wait3A_341, %dma_wait3A_342] : memref<10112x16xf32, #tpu.memory_space<vmem_shared>> -> memref<10112x16xf32, #tpu.memory_space<vmem_shared>>
      tpu.wait_indirect_dma semaphore(%arg12 : memref<!tpu.dma_semaphore, #tpu.memory_space<semaphore_mem>>) src(%dma_wait3A_343 : memref<10112x16xf32, #tpu.memory_space<vmem_shared>>) dst(%dma_wait3A_337 : memref<128x16xf32, #tpu.memory_space<vmem>>)
      %mul3A_344 = arith.constant 4 : i32
      %mul3A_345 = arith.muli %add3A_135, %mul3A_344 : i32
      %add3A_346 = arith.constant 1 : i32
      %add3A_347 = arith.addi %mul3A_345, %add3A_346 : i32
      %dma_wait3A_348 = arith.constant 1 : i32
      %dma_wait3A_349 = arith.constant 1 : i32
      %dma_wait3A_350 = arith.constant 0 : i32
      %dma_wait3A_351 = arith.constant 0 : i32
      %dma_wait3A_352 = tpu.memref_slice %arg8[%dma_wait3A_348, %dma_wait3A_349, %dma_wait3A_350, %dma_wait3A_351] : memref<2x4x128x16xf32, #tpu.memory_space<vmem>> -> memref<1x1x128x16xf32, #tpu.memory_space<vmem>>
      %dma_wait3A_353 = tpu.memref_squeeze %dma_wait3A_352 : memref<1x1x128x16xf32, #tpu.memory_space<vmem>> -> memref<128x16xf32, #tpu.memory_space<vmem>>
      %dma_wait3A_354 = arith.constant 0 : i32
      %dma_wait3A_355 = tpu.memref_slice %arg6[%add3A_347, %dma_wait3A_354] : memref<84x128xi32, #tpu.memory_space<vmem>> -> memref<1x128xi32, #tpu.memory_space<vmem>>
      %dma_wait3A_356 = tpu.memref_squeeze %dma_wait3A_355 : memref<1x128xi32, #tpu.memory_space<vmem>> -> memref<128xi32, #tpu.memory_space<vmem>>
      %dma_wait3A_357 = arith.constant 0 : i32
      %dma_wait3A_358 = arith.constant 0 : i32
      %dma_wait3A_359 = tpu.memref_slice %arg9[%dma_wait3A_357, %dma_wait3A_358] : memref<10112x16xf32, #tpu.memory_space<vmem_shared>> -> memref<10112x16xf32, #tpu.memory_space<vmem_shared>>
      tpu.wait_indirect_dma semaphore(%arg12 : memref<!tpu.dma_semaphore, #tpu.memory_space<semaphore_mem>>) src(%dma_wait3A_359 : memref<10112x16xf32, #tpu.memory_space<vmem_shared>>) dst(%dma_wait3A_353 : memref<128x16xf32, #tpu.memory_space<vmem>>)
      %mul3A_360 = arith.constant 4 : i32
      %mul3A_361 = arith.muli %add3A_135, %mul3A_360 : i32
      %add3A_362 = arith.constant 2 : i32
      %add3A_363 = arith.addi %mul3A_361, %add3A_362 : i32
      %dma_wait3A_364 = arith.constant 1 : i32
      %dma_wait3A_365 = arith.constant 2 : i32
      %dma_wait3A_366 = arith.constant 0 : i32
      %dma_wait3A_367 = arith.constant 0 : i32
      %dma_wait3A_368 = tpu.memref_slice %arg8[%dma_wait3A_364, %dma_wait3A_365, %dma_wait3A_366, %dma_wait3A_367] : memref<2x4x128x16xf32, #tpu.memory_space<vmem>> -> memref<1x1x128x16xf32, #tpu.memory_space<vmem>>
      %dma_wait3A_369 = tpu.memref_squeeze %dma_wait3A_368 : memref<1x1x128x16xf32, #tpu.memory_space<vmem>> -> memref<128x16xf32, #tpu.memory_space<vmem>>
      %dma_wait3A_370 = arith.constant 0 : i32
      %dma_wait3A_371 = tpu.memref_slice %arg6[%add3A_363, %dma_wait3A_370] : memref<84x128xi32, #tpu.memory_space<vmem>> -> memref<1x128xi32, #tpu.memory_space<vmem>>
      %dma_wait3A_372 = tpu.memref_squeeze %dma_wait3A_371 : memref<1x128xi32, #tpu.memory_space<vmem>> -> memref<128xi32, #tpu.memory_space<vmem>>
      %dma_wait3A_373 = arith.constant 0 : i32
      %dma_wait3A_374 = arith.constant 0 : i32
      %dma_wait3A_375 = tpu.memref_slice %arg9[%dma_wait3A_373, %dma_wait3A_374] : memref<10112x16xf32, #tpu.memory_space<vmem_shared>> -> memref<10112x16xf32, #tpu.memory_space<vmem_shared>>
      tpu.wait_indirect_dma semaphore(%arg12 : memref<!tpu.dma_semaphore, #tpu.memory_space<semaphore_mem>>) src(%dma_wait3A_375 : memref<10112x16xf32, #tpu.memory_space<vmem_shared>>) dst(%dma_wait3A_369 : memref<128x16xf32, #tpu.memory_space<vmem>>)
      %mul3A_376 = arith.constant 4 : i32
      %mul3A_377 = arith.muli %add3A_135, %mul3A_376 : i32
      %add3A_378 = arith.constant 3 : i32
      %add3A_379 = arith.addi %mul3A_377, %add3A_378 : i32
      %dma_wait3A_380 = arith.constant 1 : i32
      %dma_wait3A_381 = arith.constant 3 : i32
      %dma_wait3A_382 = arith.constant 0 : i32
      %dma_wait3A_383 = arith.constant 0 : i32
      %dma_wait3A_384 = tpu.memref_slice %arg8[%dma_wait3A_380, %dma_wait3A_381, %dma_wait3A_382, %dma_wait3A_383] : memref<2x4x128x16xf32, #tpu.memory_space<vmem>> -> memref<1x1x128x16xf32, #tpu.memory_space<vmem>>
      %dma_wait3A_385 = tpu.memref_squeeze %dma_wait3A_384 : memref<1x1x128x16xf32, #tpu.memory_space<vmem>> -> memref<128x16xf32, #tpu.memory_space<vmem>>
      %dma_wait3A_386 = arith.constant 0 : i32
      %dma_wait3A_387 = tpu.memref_slice %arg6[%add3A_379, %dma_wait3A_386] : memref<84x128xi32, #tpu.memory_space<vmem>> -> memref<1x128xi32, #tpu.memory_space<vmem>>
      %dma_wait3A_388 = tpu.memref_squeeze %dma_wait3A_387 : memref<1x128xi32, #tpu.memory_space<vmem>> -> memref<128xi32, #tpu.memory_space<vmem>>
      %dma_wait3A_389 = arith.constant 0 : i32
      %dma_wait3A_390 = arith.constant 0 : i32
      %dma_wait3A_391 = tpu.memref_slice %arg9[%dma_wait3A_389, %dma_wait3A_390] : memref<10112x16xf32, #tpu.memory_space<vmem_shared>> -> memref<10112x16xf32, #tpu.memory_space<vmem_shared>>
      tpu.wait_indirect_dma semaphore(%arg12 : memref<!tpu.dma_semaphore, #tpu.memory_space<semaphore_mem>>) src(%dma_wait3A_391 : memref<10112x16xf32, #tpu.memory_space<vmem_shared>>) dst(%dma_wait3A_385 : memref<128x16xf32, #tpu.memory_space<vmem>>)
      %mul3A_392 = arith.constant 4 : i32
      %mul3A_393 = arith.muli %mul3A_131, %mul3A_392 : i32
      %add3A_394 = arith.constant 0 : i32
      %add3A_395 = arith.addi %mul3A_393, %add3A_394 : i32
      %dma_wait3A_396 = arith.constant 0 : i32
      %dma_wait3A_397 = arith.constant 0 : i32
      %dma_wait3A_398 = arith.constant 0 : i32
      %dma_wait3A_399 = arith.constant 0 : i32
      %dma_wait3A_400 = tpu.memref_slice %arg8[%dma_wait3A_396, %dma_wait3A_397, %dma_wait3A_398, %dma_wait3A_399] : memref<2x4x128x16xf32, #tpu.memory_space<vmem>> -> memref<1x1x128x16xf32, #tpu.memory_space<vmem>>
      %dma_wait3A_401 = tpu.memref_squeeze %dma_wait3A_400 : memref<1x1x128x16xf32, #tpu.memory_space<vmem>> -> memref<128x16xf32, #tpu.memory_space<vmem>>
      %dma_wait3A_402 = arith.constant 0 : i32
      %dma_wait3A_403 = tpu.memref_slice %arg7[%add3A_395, %dma_wait3A_402] : memref<80x128xi32, #tpu.memory_space<vmem>> -> memref<1x128xi32, #tpu.memory_space<vmem>>
      %dma_wait3A_404 = tpu.memref_squeeze %dma_wait3A_403 : memref<1x128xi32, #tpu.memory_space<vmem>> -> memref<128xi32, #tpu.memory_space<vmem>>
      %dma_wait3A_405 = arith.constant 0 : i32
      %dma_wait3A_406 = arith.constant 0 : i32
      %dma_wait3A_407 = tpu.memref_slice %arg10[%dma_wait3A_405, %dma_wait3A_406] : memref<10112x16xf32, #tpu.memory_space<vmem_shared>> -> memref<10112x16xf32, #tpu.memory_space<vmem_shared>>
      tpu.wait_indirect_dma semaphore(%arg13 : memref<!tpu.dma_semaphore, #tpu.memory_space<semaphore_mem>>) src(%dma_wait3A_401 : memref<128x16xf32, #tpu.memory_space<vmem>>) dst(%dma_wait3A_407 : memref<10112x16xf32, #tpu.memory_space<vmem_shared>>)
      %mul3A_408 = arith.constant 4 : i32
      %mul3A_409 = arith.muli %mul3A_131, %mul3A_408 : i32
      %add3A_410 = arith.constant 1 : i32
      %add3A_411 = arith.addi %mul3A_409, %add3A_410 : i32
      %dma_wait3A_412 = arith.constant 0 : i32
      %dma_wait3A_413 = arith.constant 1 : i32
      %dma_wait3A_414 = arith.constant 0 : i32
      %dma_wait3A_415 = arith.constant 0 : i32
      %dma_wait3A_416 = tpu.memref_slice %arg8[%dma_wait3A_412, %dma_wait3A_413, %dma_wait3A_414, %dma_wait3A_415] : memref<2x4x128x16xf32, #tpu.memory_space<vmem>> -> memref<1x1x128x16xf32, #tpu.memory_space<vmem>>
      %dma_wait3A_417 = tpu.memref_squeeze %dma_wait3A_416 : memref<1x1x128x16xf32, #tpu.memory_space<vmem>> -> memref<128x16xf32, #tpu.memory_space<vmem>>
      %dma_wait3A_418 = arith.constant 0 : i32
      %dma_wait3A_419 = tpu.memref_slice %arg7[%add3A_411, %dma_wait3A_418] : memref<80x128xi32, #tpu.memory_space<vmem>> -> memref<1x128xi32, #tpu.memory_space<vmem>>
      %dma_wait3A_420 = tpu.memref_squeeze %dma_wait3A_419 : memref<1x128xi32, #tpu.memory_space<vmem>> -> memref<128xi32, #tpu.memory_space<vmem>>
      %dma_wait3A_421 = arith.constant 0 : i32
      %dma_wait3A_422 = arith.constant 0 : i32
      %dma_wait3A_423 = tpu.memref_slice %arg10[%dma_wait3A_421, %dma_wait3A_422] : memref<10112x16xf32, #tpu.memory_space<vmem_shared>> -> memref<10112x16xf32, #tpu.memory_space<vmem_shared>>
      tpu.wait_indirect_dma semaphore(%arg13 : memref<!tpu.dma_semaphore, #tpu.memory_space<semaphore_mem>>) src(%dma_wait3A_417 : memref<128x16xf32, #tpu.memory_space<vmem>>) dst(%dma_wait3A_423 : memref<10112x16xf32, #tpu.memory_space<vmem_shared>>)
      %mul3A_424 = arith.constant 4 : i32
      %mul3A_425 = arith.muli %mul3A_131, %mul3A_424 : i32
      %add3A_426 = arith.constant 2 : i32
      %add3A_427 = arith.addi %mul3A_425, %add3A_426 : i32
      %dma_wait3A_428 = arith.constant 0 : i32
      %dma_wait3A_429 = arith.constant 2 : i32
      %dma_wait3A_430 = arith.constant 0 : i32
      %dma_wait3A_431 = arith.constant 0 : i32
      %dma_wait3A_432 = tpu.memref_slice %arg8[%dma_wait3A_428, %dma_wait3A_429, %dma_wait3A_430, %dma_wait3A_431] : memref<2x4x128x16xf32, #tpu.memory_space<vmem>> -> memref<1x1x128x16xf32, #tpu.memory_space<vmem>>
      %dma_wait3A_433 = tpu.memref_squeeze %dma_wait3A_432 : memref<1x1x128x16xf32, #tpu.memory_space<vmem>> -> memref<128x16xf32, #tpu.memory_space<vmem>>
      %dma_wait3A_434 = arith.constant 0 : i32
      %dma_wait3A_435 = tpu.memref_slice %arg7[%add3A_427, %dma_wait3A_434] : memref<80x128xi32, #tpu.memory_space<vmem>> -> memref<1x128xi32, #tpu.memory_space<vmem>>
      %dma_wait3A_436 = tpu.memref_squeeze %dma_wait3A_435 : memref<1x128xi32, #tpu.memory_space<vmem>> -> memref<128xi32, #tpu.memory_space<vmem>>
      %dma_wait3A_437 = arith.constant 0 : i32
      %dma_wait3A_438 = arith.constant 0 : i32
      %dma_wait3A_439 = tpu.memref_slice %arg10[%dma_wait3A_437, %dma_wait3A_438] : memref<10112x16xf32, #tpu.memory_space<vmem_shared>> -> memref<10112x16xf32, #tpu.memory_space<vmem_shared>>
      tpu.wait_indirect_dma semaphore(%arg13 : memref<!tpu.dma_semaphore, #tpu.memory_space<semaphore_mem>>) src(%dma_wait3A_433 : memref<128x16xf32, #tpu.memory_space<vmem>>) dst(%dma_wait3A_439 : memref<10112x16xf32, #tpu.memory_space<vmem_shared>>)
      %mul3A_440 = arith.constant 4 : i32
      %mul3A_441 = arith.muli %mul3A_131, %mul3A_440 : i32
      %add3A_442 = arith.constant 3 : i32
      %add3A_443 = arith.addi %mul3A_441, %add3A_442 : i32
      %dma_wait3A_444 = arith.constant 0 : i32
      %dma_wait3A_445 = arith.constant 3 : i32
      %dma_wait3A_446 = arith.constant 0 : i32
      %dma_wait3A_447 = arith.constant 0 : i32
      %dma_wait3A_448 = tpu.memref_slice %arg8[%dma_wait3A_444, %dma_wait3A_445, %dma_wait3A_446, %dma_wait3A_447] : memref<2x4x128x16xf32, #tpu.memory_space<vmem>> -> memref<1x1x128x16xf32, #tpu.memory_space<vmem>>
      %dma_wait3A_449 = tpu.memref_squeeze %dma_wait3A_448 : memref<1x1x128x16xf32, #tpu.memory_space<vmem>> -> memref<128x16xf32, #tpu.memory_space<vmem>>
      %dma_wait3A_450 = arith.constant 0 : i32
      %dma_wait3A_451 = tpu.memref_slice %arg7[%add3A_443, %dma_wait3A_450] : memref<80x128xi32, #tpu.memory_space<vmem>> -> memref<1x128xi32, #tpu.memory_space<vmem>>
      %dma_wait3A_452 = tpu.memref_squeeze %dma_wait3A_451 : memref<1x128xi32, #tpu.memory_space<vmem>> -> memref<128xi32, #tpu.memory_space<vmem>>
      %dma_wait3A_453 = arith.constant 0 : i32
      %dma_wait3A_454 = arith.constant 0 : i32
      %dma_wait3A_455 = tpu.memref_slice %arg10[%dma_wait3A_453, %dma_wait3A_454] : memref<10112x16xf32, #tpu.memory_space<vmem_shared>> -> memref<10112x16xf32, #tpu.memory_space<vmem_shared>>
      tpu.wait_indirect_dma semaphore(%arg13 : memref<!tpu.dma_semaphore, #tpu.memory_space<semaphore_mem>>) src(%dma_wait3A_449 : memref<128x16xf32, #tpu.memory_space<vmem>>) dst(%dma_wait3A_455 : memref<10112x16xf32, #tpu.memory_space<vmem_shared>>)
      %add3A_456 = arith.constant 2 : i32
      %add3A_457 = arith.addi %mul3A_131, %add3A_456 : i32
      %mul3A_458 = arith.constant 4 : i32
      %mul3A_459 = arith.muli %add3A_457, %mul3A_458 : i32
      %add3A_460 = arith.constant 0 : i32
      %add3A_461 = arith.addi %mul3A_459, %add3A_460 : i32
      %dma_start3A_462 = arith.constant 0 : i32
      %dma_start3A_463 = arith.constant 0 : i32
      %dma_start3A_464 = arith.constant 0 : i32
      %dma_start3A_465 = arith.constant 0 : i32
      %dma_start3A_466 = tpu.memref_slice %arg8[%dma_start3A_462, %dma_start3A_463, %dma_start3A_464, %dma_start3A_465] : memref<2x4x128x16xf32, #tpu.memory_space<vmem>> -> memref<1x1x128x16xf32, #tpu.memory_space<vmem>>
      %dma_start3A_467 = tpu.memref_squeeze %dma_start3A_466 : memref<1x1x128x16xf32, #tpu.memory_space<vmem>> -> memref<128x16xf32, #tpu.memory_space<vmem>>
      %dma_start3A_468 = arith.constant 0 : i32
      %dma_start3A_469 = tpu.memref_slice %arg6[%add3A_461, %dma_start3A_468] : memref<84x128xi32, #tpu.memory_space<vmem>> -> memref<1x128xi32, #tpu.memory_space<vmem>>
      %dma_start3A_470 = tpu.memref_squeeze %dma_start3A_469 : memref<1x128xi32, #tpu.memory_space<vmem>> -> memref<128xi32, #tpu.memory_space<vmem>>
      %dma_start3A_471 = arith.constant 0 : i32
      %dma_start3A_472 = arith.constant 0 : i32
      %dma_start3A_473 = tpu.memref_slice %arg9[%dma_start3A_471, %dma_start3A_472] : memref<10112x16xf32, #tpu.memory_space<vmem_shared>> -> memref<10112x16xf32, #tpu.memory_space<vmem_shared>>
      tpu.enqueue_indirect_dma source(%dma_start3A_473 : memref<10112x16xf32, #tpu.memory_space<vmem_shared>>) target(%dma_start3A_467 : memref<128x16xf32, #tpu.memory_space<vmem>>) offsets(%dma_start3A_470 : memref<128xi32, #tpu.memory_space<vmem>>) semaphore(%arg11 : memref<!tpu.dma_semaphore, #tpu.memory_space<semaphore_mem>>)
      %add3A_474 = arith.constant 2 : i32
      %add3A_475 = arith.addi %mul3A_131, %add3A_474 : i32
      %mul3A_476 = arith.constant 4 : i32
      %mul3A_477 = arith.muli %add3A_475, %mul3A_476 : i32
      %add3A_478 = arith.constant 1 : i32
      %add3A_479 = arith.addi %mul3A_477, %add3A_478 : i32
      %dma_start3A_480 = arith.constant 0 : i32
      %dma_start3A_481 = arith.constant 1 : i32
      %dma_start3A_482 = arith.constant 0 : i32
      %dma_start3A_483 = arith.constant 0 : i32
      %dma_start3A_484 = tpu.memref_slice %arg8[%dma_start3A_480, %dma_start3A_481, %dma_start3A_482, %dma_start3A_483] : memref<2x4x128x16xf32, #tpu.memory_space<vmem>> -> memref<1x1x128x16xf32, #tpu.memory_space<vmem>>
      %dma_start3A_485 = tpu.memref_squeeze %dma_start3A_484 : memref<1x1x128x16xf32, #tpu.memory_space<vmem>> -> memref<128x16xf32, #tpu.memory_space<vmem>>
      %dma_start3A_486 = arith.constant 0 : i32
      %dma_start3A_487 = tpu.memref_slice %arg6[%add3A_479, %dma_start3A_486] : memref<84x128xi32, #tpu.memory_space<vmem>> -> memref<1x128xi32, #tpu.memory_space<vmem>>
      %dma_start3A_488 = tpu.memref_squeeze %dma_start3A_487 : memref<1x128xi32, #tpu.memory_space<vmem>> -> memref<128xi32, #tpu.memory_space<vmem>>
      %dma_start3A_489 = arith.constant 0 : i32
      %dma_start3A_490 = arith.constant 0 : i32
      %dma_start3A_491 = tpu.memref_slice %arg9[%dma_start3A_489, %dma_start3A_490] : memref<10112x16xf32, #tpu.memory_space<vmem_shared>> -> memref<10112x16xf32, #tpu.memory_space<vmem_shared>>
      tpu.enqueue_indirect_dma source(%dma_start3A_491 : memref<10112x16xf32, #tpu.memory_space<vmem_shared>>) target(%dma_start3A_485 : memref<128x16xf32, #tpu.memory_space<vmem>>) offsets(%dma_start3A_488 : memref<128xi32, #tpu.memory_space<vmem>>) semaphore(%arg11 : memref<!tpu.dma_semaphore, #tpu.memory_space<semaphore_mem>>)
      %add3A_492 = arith.constant 2 : i32
      %add3A_493 = arith.addi %mul3A_131, %add3A_492 : i32
      %mul3A_494 = arith.constant 4 : i32
      %mul3A_495 = arith.muli %add3A_493, %mul3A_494 : i32
      %add3A_496 = arith.constant 2 : i32
      %add3A_497 = arith.addi %mul3A_495, %add3A_496 : i32
      %dma_start3A_498 = arith.constant 0 : i32
      %dma_start3A_499 = arith.constant 2 : i32
      %dma_start3A_500 = arith.constant 0 : i32
      %dma_start3A_501 = arith.constant 0 : i32
      %dma_start3A_502 = tpu.memref_slice %arg8[%dma_start3A_498, %dma_start3A_499, %dma_start3A_500, %dma_start3A_501] : memref<2x4x128x16xf32, #tpu.memory_space<vmem>> -> memref<1x1x128x16xf32, #tpu.memory_space<vmem>>
      %dma_start3A_503 = tpu.memref_squeeze %dma_start3A_502 : memref<1x1x128x16xf32, #tpu.memory_space<vmem>> -> memref<128x16xf32, #tpu.memory_space<vmem>>
      %dma_start3A_504 = arith.constant 0 : i32
      %dma_start3A_505 = tpu.memref_slice %arg6[%add3A_497, %dma_start3A_504] : memref<84x128xi32, #tpu.memory_space<vmem>> -> memref<1x128xi32, #tpu.memory_space<vmem>>
      %dma_start3A_506 = tpu.memref_squeeze %dma_start3A_505 : memref<1x128xi32, #tpu.memory_space<vmem>> -> memref<128xi32, #tpu.memory_space<vmem>>
      %dma_start3A_507 = arith.constant 0 : i32
      %dma_start3A_508 = arith.constant 0 : i32
      %dma_start3A_509 = tpu.memref_slice %arg9[%dma_start3A_507, %dma_start3A_508] : memref<10112x16xf32, #tpu.memory_space<vmem_shared>> -> memref<10112x16xf32, #tpu.memory_space<vmem_shared>>
      tpu.enqueue_indirect_dma source(%dma_start3A_509 : memref<10112x16xf32, #tpu.memory_space<vmem_shared>>) target(%dma_start3A_503 : memref<128x16xf32, #tpu.memory_space<vmem>>) offsets(%dma_start3A_506 : memref<128xi32, #tpu.memory_space<vmem>>) semaphore(%arg11 : memref<!tpu.dma_semaphore, #tpu.memory_space<semaphore_mem>>)
      %add3A_510 = arith.constant 2 : i32
      %add3A_511 = arith.addi %mul3A_131, %add3A_510 : i32
      %mul3A_512 = arith.constant 4 : i32
      %mul3A_513 = arith.muli %add3A_511, %mul3A_512 : i32
      %add3A_514 = arith.constant 3 : i32
      %add3A_515 = arith.addi %mul3A_513, %add3A_514 : i32
      %dma_start3A_516 = arith.constant 0 : i32
      %dma_start3A_517 = arith.constant 3 : i32
      %dma_start3A_518 = arith.constant 0 : i32
      %dma_start3A_519 = arith.constant 0 : i32
      %dma_start3A_520 = tpu.memref_slice %arg8[%dma_start3A_516, %dma_start3A_517, %dma_start3A_518, %dma_start3A_519] : memref<2x4x128x16xf32, #tpu.memory_space<vmem>> -> memref<1x1x128x16xf32, #tpu.memory_space<vmem>>
      %dma_start3A_521 = tpu.memref_squeeze %dma_start3A_520 : memref<1x1x128x16xf32, #tpu.memory_space<vmem>> -> memref<128x16xf32, #tpu.memory_space<vmem>>
      %dma_start3A_522 = arith.constant 0 : i32
      %dma_start3A_523 = tpu.memref_slice %arg6[%add3A_515, %dma_start3A_522] : memref<84x128xi32, #tpu.memory_space<vmem>> -> memref<1x128xi32, #tpu.memory_space<vmem>>
      %dma_start3A_524 = tpu.memref_squeeze %dma_start3A_523 : memref<1x128xi32, #tpu.memory_space<vmem>> -> memref<128xi32, #tpu.memory_space<vmem>>
      %dma_start3A_525 = arith.constant 0 : i32
      %dma_start3A_526 = arith.constant 0 : i32
      %dma_start3A_527 = tpu.memref_slice %arg9[%dma_start3A_525, %dma_start3A_526] : memref<10112x16xf32, #tpu.memory_space<vmem_shared>> -> memref<10112x16xf32, #tpu.memory_space<vmem_shared>>
      tpu.enqueue_indirect_dma source(%dma_start3A_527 : memref<10112x16xf32, #tpu.memory_space<vmem_shared>>) target(%dma_start3A_521 : memref<128x16xf32, #tpu.memory_space<vmem>>) offsets(%dma_start3A_524 : memref<128xi32, #tpu.memory_space<vmem>>) semaphore(%arg11 : memref<!tpu.dma_semaphore, #tpu.memory_space<semaphore_mem>>)
      %mul3A_528 = arith.constant 4 : i32
      %mul3A_529 = arith.muli %add3A_135, %mul3A_528 : i32
      %add3A_530 = arith.constant 0 : i32
      %add3A_531 = arith.addi %mul3A_529, %add3A_530 : i32
      %dma_start3A_532 = arith.constant 1 : i32
      %dma_start3A_533 = arith.constant 0 : i32
      %dma_start3A_534 = arith.constant 0 : i32
      %dma_start3A_535 = arith.constant 0 : i32
      %dma_start3A_536 = tpu.memref_slice %arg8[%dma_start3A_532, %dma_start3A_533, %dma_start3A_534, %dma_start3A_535] : memref<2x4x128x16xf32, #tpu.memory_space<vmem>> -> memref<1x1x128x16xf32, #tpu.memory_space<vmem>>
      %dma_start3A_537 = tpu.memref_squeeze %dma_start3A_536 : memref<1x1x128x16xf32, #tpu.memory_space<vmem>> -> memref<128x16xf32, #tpu.memory_space<vmem>>
      %dma_start3A_538 = arith.constant 0 : i32
      %dma_start3A_539 = tpu.memref_slice %arg7[%add3A_531, %dma_start3A_538] : memref<80x128xi32, #tpu.memory_space<vmem>> -> memref<1x128xi32, #tpu.memory_space<vmem>>
      %dma_start3A_540 = tpu.memref_squeeze %dma_start3A_539 : memref<1x128xi32, #tpu.memory_space<vmem>> -> memref<128xi32, #tpu.memory_space<vmem>>
      %dma_start3A_541 = arith.constant 0 : i32
      %dma_start3A_542 = arith.constant 0 : i32
      %dma_start3A_543 = tpu.memref_slice %arg10[%dma_start3A_541, %dma_start3A_542] : memref<10112x16xf32, #tpu.memory_space<vmem_shared>> -> memref<10112x16xf32, #tpu.memory_space<vmem_shared>>
      tpu.enqueue_indirect_dma source(%dma_start3A_537 : memref<128x16xf32, #tpu.memory_space<vmem>>) target(%dma_start3A_543 : memref<10112x16xf32, #tpu.memory_space<vmem_shared>>) offsets(%dma_start3A_540 : memref<128xi32, #tpu.memory_space<vmem>>) semaphore(%arg14 : memref<!tpu.dma_semaphore, #tpu.memory_space<semaphore_mem>>) {add = true}
      %mul3A_544 = arith.constant 4 : i32
      %mul3A_545 = arith.muli %add3A_135, %mul3A_544 : i32
      %add3A_546 = arith.constant 1 : i32
      %add3A_547 = arith.addi %mul3A_545, %add3A_546 : i32
      %dma_start3A_548 = arith.constant 1 : i32
      %dma_start3A_549 = arith.constant 1 : i32
      %dma_start3A_550 = arith.constant 0 : i32
      %dma_start3A_551 = arith.constant 0 : i32
      %dma_start3A_552 = tpu.memref_slice %arg8[%dma_start3A_548, %dma_start3A_549, %dma_start3A_550, %dma_start3A_551] : memref<2x4x128x16xf32, #tpu.memory_space<vmem>> -> memref<1x1x128x16xf32, #tpu.memory_space<vmem>>
      %dma_start3A_553 = tpu.memref_squeeze %dma_start3A_552 : memref<1x1x128x16xf32, #tpu.memory_space<vmem>> -> memref<128x16xf32, #tpu.memory_space<vmem>>
      %dma_start3A_554 = arith.constant 0 : i32
      %dma_start3A_555 = tpu.memref_slice %arg7[%add3A_547, %dma_start3A_554] : memref<80x128xi32, #tpu.memory_space<vmem>> -> memref<1x128xi32, #tpu.memory_space<vmem>>
      %dma_start3A_556 = tpu.memref_squeeze %dma_start3A_555 : memref<1x128xi32, #tpu.memory_space<vmem>> -> memref<128xi32, #tpu.memory_space<vmem>>
      %dma_start3A_557 = arith.constant 0 : i32
      %dma_start3A_558 = arith.constant 0 : i32
      %dma_start3A_559 = tpu.memref_slice %arg10[%dma_start3A_557, %dma_start3A_558] : memref<10112x16xf32, #tpu.memory_space<vmem_shared>> -> memref<10112x16xf32, #tpu.memory_space<vmem_shared>>
      tpu.enqueue_indirect_dma source(%dma_start3A_553 : memref<128x16xf32, #tpu.memory_space<vmem>>) target(%dma_start3A_559 : memref<10112x16xf32, #tpu.memory_space<vmem_shared>>) offsets(%dma_start3A_556 : memref<128xi32, #tpu.memory_space<vmem>>) semaphore(%arg14 : memref<!tpu.dma_semaphore, #tpu.memory_space<semaphore_mem>>) {add = true}
      %mul3A_560 = arith.constant 4 : i32
      %mul3A_561 = arith.muli %add3A_135, %mul3A_560 : i32
      %add3A_562 = arith.constant 2 : i32
      %add3A_563 = arith.addi %mul3A_561, %add3A_562 : i32
      %dma_start3A_564 = arith.constant 1 : i32
      %dma_start3A_565 = arith.constant 2 : i32
      %dma_start3A_566 = arith.constant 0 : i32
      %dma_start3A_567 = arith.constant 0 : i32
      %dma_start3A_568 = tpu.memref_slice %arg8[%dma_start3A_564, %dma_start3A_565, %dma_start3A_566, %dma_start3A_567] : memref<2x4x128x16xf32, #tpu.memory_space<vmem>> -> memref<1x1x128x16xf32, #tpu.memory_space<vmem>>
      %dma_start3A_569 = tpu.memref_squeeze %dma_start3A_568 : memref<1x1x128x16xf32, #tpu.memory_space<vmem>> -> memref<128x16xf32, #tpu.memory_space<vmem>>
      %dma_start3A_570 = arith.constant 0 : i32
      %dma_start3A_571 = tpu.memref_slice %arg7[%add3A_563, %dma_start3A_570] : memref<80x128xi32, #tpu.memory_space<vmem>> -> memref<1x128xi32, #tpu.memory_space<vmem>>
      %dma_start3A_572 = tpu.memref_squeeze %dma_start3A_571 : memref<1x128xi32, #tpu.memory_space<vmem>> -> memref<128xi32, #tpu.memory_space<vmem>>
      %dma_start3A_573 = arith.constant 0 : i32
      %dma_start3A_574 = arith.constant 0 : i32
      %dma_start3A_575 = tpu.memref_slice %arg10[%dma_start3A_573, %dma_start3A_574] : memref<10112x16xf32, #tpu.memory_space<vmem_shared>> -> memref<10112x16xf32, #tpu.memory_space<vmem_shared>>
      tpu.enqueue_indirect_dma source(%dma_start3A_569 : memref<128x16xf32, #tpu.memory_space<vmem>>) target(%dma_start3A_575 : memref<10112x16xf32, #tpu.memory_space<vmem_shared>>) offsets(%dma_start3A_572 : memref<128xi32, #tpu.memory_space<vmem>>) semaphore(%arg14 : memref<!tpu.dma_semaphore, #tpu.memory_space<semaphore_mem>>) {add = true}
      %mul3A_576 = arith.constant 4 : i32
      %mul3A_577 = arith.muli %add3A_135, %mul3A_576 : i32
      %add3A_578 = arith.constant 3 : i32
      %add3A_579 = arith.addi %mul3A_577, %add3A_578 : i32
      %dma_start3A_580 = arith.constant 1 : i32
      %dma_start3A_581 = arith.constant 3 : i32
      %dma_start3A_582 = arith.constant 0 : i32
      %dma_start3A_583 = arith.constant 0 : i32
      %dma_start3A_584 = tpu.memref_slice %arg8[%dma_start3A_580, %dma_start3A_581, %dma_start3A_582, %dma_start3A_583] : memref<2x4x128x16xf32, #tpu.memory_space<vmem>> -> memref<1x1x128x16xf32, #tpu.memory_space<vmem>>
      %dma_start3A_585 = tpu.memref_squeeze %dma_start3A_584 : memref<1x1x128x16xf32, #tpu.memory_space<vmem>> -> memref<128x16xf32, #tpu.memory_space<vmem>>
      %dma_start3A_586 = arith.constant 0 : i32
      %dma_start3A_587 = tpu.memref_slice %arg7[%add3A_579, %dma_start3A_586] : memref<80x128xi32, #tpu.memory_space<vmem>> -> memref<1x128xi32, #tpu.memory_space<vmem>>
      %dma_start3A_588 = tpu.memref_squeeze %dma_start3A_587 : memref<1x128xi32, #tpu.memory_space<vmem>> -> memref<128xi32, #tpu.memory_space<vmem>>
      %dma_start3A_589 = arith.constant 0 : i32
      %dma_start3A_590 = arith.constant 0 : i32
      %dma_start3A_591 = tpu.memref_slice %arg10[%dma_start3A_589, %dma_start3A_590] : memref<10112x16xf32, #tpu.memory_space<vmem_shared>> -> memref<10112x16xf32, #tpu.memory_space<vmem_shared>>
      tpu.enqueue_indirect_dma source(%dma_start3A_585 : memref<128x16xf32, #tpu.memory_space<vmem>>) target(%dma_start3A_591 : memref<10112x16xf32, #tpu.memory_space<vmem_shared>>) offsets(%dma_start3A_588 : memref<128xi32, #tpu.memory_space<vmem>>) semaphore(%arg14 : memref<!tpu.dma_semaphore, #tpu.memory_space<semaphore_mem>>) {add = true}
      %mul3A_592 = arith.constant 4 : i32
      %mul3A_593 = arith.muli %add3A_135, %mul3A_592 : i32
      %add3A_594 = arith.constant 0 : i32
      %add3A_595 = arith.addi %mul3A_593, %add3A_594 : i32
      %dma_wait3A_596 = arith.constant 1 : i32
      %dma_wait3A_597 = arith.constant 0 : i32
      %dma_wait3A_598 = arith.constant 0 : i32
      %dma_wait3A_599 = arith.constant 0 : i32
      %dma_wait3A_600 = tpu.memref_slice %arg8[%dma_wait3A_596, %dma_wait3A_597, %dma_wait3A_598, %dma_wait3A_599] : memref<2x4x128x16xf32, #tpu.memory_space<vmem>> -> memref<1x1x128x16xf32, #tpu.memory_space<vmem>>
      %dma_wait3A_601 = tpu.memref_squeeze %dma_wait3A_600 : memref<1x1x128x16xf32, #tpu.memory_space<vmem>> -> memref<128x16xf32, #tpu.memory_space<vmem>>
      %dma_wait3A_602 = arith.constant 0 : i32
      %dma_wait3A_603 = tpu.memref_slice %arg7[%add3A_595, %dma_wait3A_602] : memref<80x128xi32, #tpu.memory_space<vmem>> -> memref<1x128xi32, #tpu.memory_space<vmem>>
      %dma_wait3A_604 = tpu.memref_squeeze %dma_wait3A_603 : memref<1x128xi32, #tpu.memory_space<vmem>> -> memref<128xi32, #tpu.memory_space<vmem>>
      %dma_wait3A_605 = arith.constant 0 : i32
      %dma_wait3A_606 = arith.constant 0 : i32
      %dma_wait3A_607 = tpu.memref_slice %arg10[%dma_wait3A_605, %dma_wait3A_606] : memref<10112x16xf32, #tpu.memory_space<vmem_shared>> -> memref<10112x16xf32, #tpu.memory_space<vmem_shared>>
      tpu.wait_indirect_dma semaphore(%arg14 : memref<!tpu.dma_semaphore, #tpu.memory_space<semaphore_mem>>) src(%dma_wait3A_601 : memref<128x16xf32, #tpu.memory_space<vmem>>) dst(%dma_wait3A_607 : memref<10112x16xf32, #tpu.memory_space<vmem_shared>>)
      %mul3A_608 = arith.constant 4 : i32
      %mul3A_609 = arith.muli %add3A_135, %mul3A_608 : i32
      %add3A_610 = arith.constant 1 : i32
      %add3A_611 = arith.addi %mul3A_609, %add3A_610 : i32
      %dma_wait3A_612 = arith.constant 1 : i32
      %dma_wait3A_613 = arith.constant 1 : i32
      %dma_wait3A_614 = arith.constant 0 : i32
      %dma_wait3A_615 = arith.constant 0 : i32
      %dma_wait3A_616 = tpu.memref_slice %arg8[%dma_wait3A_612, %dma_wait3A_613, %dma_wait3A_614, %dma_wait3A_615] : memref<2x4x128x16xf32, #tpu.memory_space<vmem>> -> memref<1x1x128x16xf32, #tpu.memory_space<vmem>>
      %dma_wait3A_617 = tpu.memref_squeeze %dma_wait3A_616 : memref<1x1x128x16xf32, #tpu.memory_space<vmem>> -> memref<128x16xf32, #tpu.memory_space<vmem>>
      %dma_wait3A_618 = arith.constant 0 : i32
      %dma_wait3A_619 = tpu.memref_slice %arg7[%add3A_611, %dma_wait3A_618] : memref<80x128xi32, #tpu.memory_space<vmem>> -> memref<1x128xi32, #tpu.memory_space<vmem>>
      %dma_wait3A_620 = tpu.memref_squeeze %dma_wait3A_619 : memref<1x128xi32, #tpu.memory_space<vmem>> -> memref<128xi32, #tpu.memory_space<vmem>>
      %dma_wait3A_621 = arith.constant 0 : i32
      %dma_wait3A_622 = arith.constant 0 : i32
      %dma_wait3A_623 = tpu.memref_slice %arg10[%dma_wait3A_621, %dma_wait3A_622] : memref<10112x16xf32, #tpu.memory_space<vmem_shared>> -> memref<10112x16xf32, #tpu.memory_space<vmem_shared>>
      tpu.wait_indirect_dma semaphore(%arg14 : memref<!tpu.dma_semaphore, #tpu.memory_space<semaphore_mem>>) src(%dma_wait3A_617 : memref<128x16xf32, #tpu.memory_space<vmem>>) dst(%dma_wait3A_623 : memref<10112x16xf32, #tpu.memory_space<vmem_shared>>)
      %mul3A_624 = arith.constant 4 : i32
      %mul3A_625 = arith.muli %add3A_135, %mul3A_624 : i32
      %add3A_626 = arith.constant 2 : i32
      %add3A_627 = arith.addi %mul3A_625, %add3A_626 : i32
      %dma_wait3A_628 = arith.constant 1 : i32
      %dma_wait3A_629 = arith.constant 2 : i32
      %dma_wait3A_630 = arith.constant 0 : i32
      %dma_wait3A_631 = arith.constant 0 : i32
      %dma_wait3A_632 = tpu.memref_slice %arg8[%dma_wait3A_628, %dma_wait3A_629, %dma_wait3A_630, %dma_wait3A_631] : memref<2x4x128x16xf32, #tpu.memory_space<vmem>> -> memref<1x1x128x16xf32, #tpu.memory_space<vmem>>
      %dma_wait3A_633 = tpu.memref_squeeze %dma_wait3A_632 : memref<1x1x128x16xf32, #tpu.memory_space<vmem>> -> memref<128x16xf32, #tpu.memory_space<vmem>>
      %dma_wait3A_634 = arith.constant 0 : i32
      %dma_wait3A_635 = tpu.memref_slice %arg7[%add3A_627, %dma_wait3A_634] : memref<80x128xi32, #tpu.memory_space<vmem>> -> memref<1x128xi32, #tpu.memory_space<vmem>>
      %dma_wait3A_636 = tpu.memref_squeeze %dma_wait3A_635 : memref<1x128xi32, #tpu.memory_space<vmem>> -> memref<128xi32, #tpu.memory_space<vmem>>
      %dma_wait3A_637 = arith.constant 0 : i32
      %dma_wait3A_638 = arith.constant 0 : i32
      %dma_wait3A_639 = tpu.memref_slice %arg10[%dma_wait3A_637, %dma_wait3A_638] : memref<10112x16xf32, #tpu.memory_space<vmem_shared>> -> memref<10112x16xf32, #tpu.memory_space<vmem_shared>>
      tpu.wait_indirect_dma semaphore(%arg14 : memref<!tpu.dma_semaphore, #tpu.memory_space<semaphore_mem>>) src(%dma_wait3A_633 : memref<128x16xf32, #tpu.memory_space<vmem>>) dst(%dma_wait3A_639 : memref<10112x16xf32, #tpu.memory_space<vmem_shared>>)
      %mul3A_640 = arith.constant 4 : i32
      %mul3A_641 = arith.muli %add3A_135, %mul3A_640 : i32
      %add3A_642 = arith.constant 3 : i32
      %add3A_643 = arith.addi %mul3A_641, %add3A_642 : i32
      %dma_wait3A_644 = arith.constant 1 : i32
      %dma_wait3A_645 = arith.constant 3 : i32
      %dma_wait3A_646 = arith.constant 0 : i32
      %dma_wait3A_647 = arith.constant 0 : i32
      %dma_wait3A_648 = tpu.memref_slice %arg8[%dma_wait3A_644, %dma_wait3A_645, %dma_wait3A_646, %dma_wait3A_647] : memref<2x4x128x16xf32, #tpu.memory_space<vmem>> -> memref<1x1x128x16xf32, #tpu.memory_space<vmem>>
      %dma_wait3A_649 = tpu.memref_squeeze %dma_wait3A_648 : memref<1x1x128x16xf32, #tpu.memory_space<vmem>> -> memref<128x16xf32, #tpu.memory_space<vmem>>
      %dma_wait3A_650 = arith.constant 0 : i32
      %dma_wait3A_651 = tpu.memref_slice %arg7[%add3A_643, %dma_wait3A_650] : memref<80x128xi32, #tpu.memory_space<vmem>> -> memref<1x128xi32, #tpu.memory_space<vmem>>
      %dma_wait3A_652 = tpu.memref_squeeze %dma_wait3A_651 : memref<1x128xi32, #tpu.memory_space<vmem>> -> memref<128xi32, #tpu.memory_space<vmem>>
      %dma_wait3A_653 = arith.constant 0 : i32
      %dma_wait3A_654 = arith.constant 0 : i32
      %dma_wait3A_655 = tpu.memref_slice %arg10[%dma_wait3A_653, %dma_wait3A_654] : memref<10112x16xf32, #tpu.memory_space<vmem_shared>> -> memref<10112x16xf32, #tpu.memory_space<vmem_shared>>
      tpu.wait_indirect_dma semaphore(%arg14 : memref<!tpu.dma_semaphore, #tpu.memory_space<semaphore_mem>>) src(%dma_wait3A_649 : memref<128x16xf32, #tpu.memory_space<vmem>>) dst(%dma_wait3A_655 : memref<10112x16xf32, #tpu.memory_space<vmem_shared>>)
    }
    %scan3A_72 = arith.constant 10 : i32
    %dma_wait3A = arith.constant 80 : i32
    %dma_wait3A_73 = arith.constant 0 : i32
    %dma_wait3A_74 = arith.constant 0 : i32
    %dma_wait3A_75 = arith.constant 0 : i32
    %dma_wait3A_76 = arith.constant 0 : i32
    %dma_wait3A_77 = tpu.memref_slice %arg8[%dma_wait3A_73, %dma_wait3A_74, %dma_wait3A_75, %dma_wait3A_76] : memref<2x4x128x16xf32, #tpu.memory_space<vmem>> -> memref<1x1x128x16xf32, #tpu.memory_space<vmem>>
    %dma_wait3A_78 = tpu.memref_squeeze %dma_wait3A_77 : memref<1x1x128x16xf32, #tpu.memory_space<vmem>> -> memref<128x16xf32, #tpu.memory_space<vmem>>
    %dma_wait3A_79 = arith.constant 0 : i32
    %dma_wait3A_80 = tpu.memref_slice %arg6[%dma_wait3A, %dma_wait3A_79] : memref<84x128xi32, #tpu.memory_space<vmem>> -> memref<1x128xi32, #tpu.memory_space<vmem>>
    %dma_wait3A_81 = tpu.memref_squeeze %dma_wait3A_80 : memref<1x128xi32, #tpu.memory_space<vmem>> -> memref<128xi32, #tpu.memory_space<vmem>>
    %dma_wait3A_82 = arith.constant 0 : i32
    %dma_wait3A_83 = arith.constant 0 : i32
    %dma_wait3A_84 = tpu.memref_slice %arg9[%dma_wait3A_82, %dma_wait3A_83] : memref<10112x16xf32, #tpu.memory_space<vmem_shared>> -> memref<10112x16xf32, #tpu.memory_space<vmem_shared>>
    tpu.wait_indirect_dma semaphore(%arg11 : memref<!tpu.dma_semaphore, #tpu.memory_space<semaphore_mem>>) src(%dma_wait3A_84 : memref<10112x16xf32, #tpu.memory_space<vmem_shared>>) dst(%dma_wait3A_78 : memref<128x16xf32, #tpu.memory_space<vmem>>)
    %dma_wait3A_85 = arith.constant 81 : i32
    %dma_wait3A_86 = arith.constant 0 : i32
    %dma_wait3A_87 = arith.constant 1 : i32
    %dma_wait3A_88 = arith.constant 0 : i32
    %dma_wait3A_89 = arith.constant 0 : i32
    %dma_wait3A_90 = tpu.memref_slice %arg8[%dma_wait3A_86, %dma_wait3A_87, %dma_wait3A_88, %dma_wait3A_89] : memref<2x4x128x16xf32, #tpu.memory_space<vmem>> -> memref<1x1x128x16xf32, #tpu.memory_space<vmem>>
    %dma_wait3A_91 = tpu.memref_squeeze %dma_wait3A_90 : memref<1x1x128x16xf32, #tpu.memory_space<vmem>> -> memref<128x16xf32, #tpu.memory_space<vmem>>
    %dma_wait3A_92 = arith.constant 0 : i32
    %dma_wait3A_93 = tpu.memref_slice %arg6[%dma_wait3A_85, %dma_wait3A_92] : memref<84x128xi32, #tpu.memory_space<vmem>> -> memref<1x128xi32, #tpu.memory_space<vmem>>
    %dma_wait3A_94 = tpu.memref_squeeze %dma_wait3A_93 : memref<1x128xi32, #tpu.memory_space<vmem>> -> memref<128xi32, #tpu.memory_space<vmem>>
    %dma_wait3A_95 = arith.constant 0 : i32
    %dma_wait3A_96 = arith.constant 0 : i32
    %dma_wait3A_97 = tpu.memref_slice %arg9[%dma_wait3A_95, %dma_wait3A_96] : memref<10112x16xf32, #tpu.memory_space<vmem_shared>> -> memref<10112x16xf32, #tpu.memory_space<vmem_shared>>
    tpu.wait_indirect_dma semaphore(%arg11 : memref<!tpu.dma_semaphore, #tpu.memory_space<semaphore_mem>>) src(%dma_wait3A_97 : memref<10112x16xf32, #tpu.memory_space<vmem_shared>>) dst(%dma_wait3A_91 : memref<128x16xf32, #tpu.memory_space<vmem>>)
    %dma_wait3A_98 = arith.constant 82 : i32
    %dma_wait3A_99 = arith.constant 0 : i32
    %dma_wait3A_100 = arith.constant 2 : i32
    %dma_wait3A_101 = arith.constant 0 : i32
    %dma_wait3A_102 = arith.constant 0 : i32
    %dma_wait3A_103 = tpu.memref_slice %arg8[%dma_wait3A_99, %dma_wait3A_100, %dma_wait3A_101, %dma_wait3A_102] : memref<2x4x128x16xf32, #tpu.memory_space<vmem>> -> memref<1x1x128x16xf32, #tpu.memory_space<vmem>>
    %dma_wait3A_104 = tpu.memref_squeeze %dma_wait3A_103 : memref<1x1x128x16xf32, #tpu.memory_space<vmem>> -> memref<128x16xf32, #tpu.memory_space<vmem>>
    %dma_wait3A_105 = arith.constant 0 : i32
    %dma_wait3A_106 = tpu.memref_slice %arg6[%dma_wait3A_98, %dma_wait3A_105] : memref<84x128xi32, #tpu.memory_space<vmem>> -> memref<1x128xi32, #tpu.memory_space<vmem>>
    %dma_wait3A_107 = tpu.memref_squeeze %dma_wait3A_106 : memref<1x128xi32, #tpu.memory_space<vmem>> -> memref<128xi32, #tpu.memory_space<vmem>>
    %dma_wait3A_108 = arith.constant 0 : i32
    %dma_wait3A_109 = arith.constant 0 : i32
    %dma_wait3A_110 = tpu.memref_slice %arg9[%dma_wait3A_108, %dma_wait3A_109] : memref<10112x16xf32, #tpu.memory_space<vmem_shared>> -> memref<10112x16xf32, #tpu.memory_space<vmem_shared>>
    tpu.wait_indirect_dma semaphore(%arg11 : memref<!tpu.dma_semaphore, #tpu.memory_space<semaphore_mem>>) src(%dma_wait3A_110 : memref<10112x16xf32, #tpu.memory_space<vmem_shared>>) dst(%dma_wait3A_104 : memref<128x16xf32, #tpu.memory_space<vmem>>)
    %dma_wait3A_111 = arith.constant 83 : i32
    %dma_wait3A_112 = arith.constant 0 : i32
    %dma_wait3A_113 = arith.constant 3 : i32
    %dma_wait3A_114 = arith.constant 0 : i32
    %dma_wait3A_115 = arith.constant 0 : i32
    %dma_wait3A_116 = tpu.memref_slice %arg8[%dma_wait3A_112, %dma_wait3A_113, %dma_wait3A_114, %dma_wait3A_115] : memref<2x4x128x16xf32, #tpu.memory_space<vmem>> -> memref<1x1x128x16xf32, #tpu.memory_space<vmem>>
    %dma_wait3A_117 = tpu.memref_squeeze %dma_wait3A_116 : memref<1x1x128x16xf32, #tpu.memory_space<vmem>> -> memref<128x16xf32, #tpu.memory_space<vmem>>
    %dma_wait3A_118 = arith.constant 0 : i32
    %dma_wait3A_119 = tpu.memref_slice %arg6[%dma_wait3A_111, %dma_wait3A_118] : memref<84x128xi32, #tpu.memory_space<vmem>> -> memref<1x128xi32, #tpu.memory_space<vmem>>
    %dma_wait3A_120 = tpu.memref_squeeze %dma_wait3A_119 : memref<1x128xi32, #tpu.memory_space<vmem>> -> memref<128xi32, #tpu.memory_space<vmem>>
    %dma_wait3A_121 = arith.constant 0 : i32
    %dma_wait3A_122 = arith.constant 0 : i32
    %dma_wait3A_123 = tpu.memref_slice %arg9[%dma_wait3A_121, %dma_wait3A_122] : memref<10112x16xf32, #tpu.memory_space<vmem_shared>> -> memref<10112x16xf32, #tpu.memory_space<vmem_shared>>
    tpu.wait_indirect_dma semaphore(%arg11 : memref<!tpu.dma_semaphore, #tpu.memory_space<semaphore_mem>>) src(%dma_wait3A_123 : memref<10112x16xf32, #tpu.memory_space<vmem_shared>>) dst(%dma_wait3A_117 : memref<128x16xf32, #tpu.memory_space<vmem>>)
    %barrier3A_124 = arith.constant 0 : index
    tpu.barrier barrier_id(%barrier3A_124)
    %mul3A_125 = arith.constant 632 : i32
    %mul3A_126 = arith.muli %arg1, %mul3A_125 : i32
    %mul3A_127 = arith.constant 632 : i32
    %mul3A_128 = arith.muli %arg1, %mul3A_127 : i32
    "tpu.region"() ({
      %run_scoped3A_129 = tpu.sem_alloc : memref<!tpu.dma_semaphore, #tpu.memory_space<semaphore_mem>>
      %dma_start3A_130 = arith.constant 0 : i32
      %dma_start3A_131 = tpu.memref_slice %arg5[%arg0, %mul3A_128, %dma_start3A_130] : memref<2x10112x16xf32, #tpu.memory_space<hbm>> -> memref<1x632x16xf32, #tpu.memory_space<hbm>>
      %dma_start3A_132 = tpu.memref_squeeze %dma_start3A_131 : memref<1x632x16xf32, #tpu.memory_space<hbm>> -> memref<632x16xf32, #tpu.memory_space<hbm>>
      %dma_start3A_133 = arith.constant 0 : i32
      %dma_start3A_134 = tpu.memref_slice %arg10[%mul3A_126, %dma_start3A_133] : memref<10112x16xf32, #tpu.memory_space<vmem_shared>> -> memref<632x16xf32, #tpu.memory_space<vmem_shared>>
      tpu.enqueue_dma source(%dma_start3A_134 : memref<632x16xf32, #tpu.memory_space<vmem_shared>>) target(%dma_start3A_132 : memref<632x16xf32, #tpu.memory_space<hbm>>) target_semaphore(%run_scoped3A_129 : memref<!tpu.dma_semaphore, #tpu.memory_space<semaphore_mem>>)
      %dma_wait3A_135 = arith.constant 0 : i32
      %dma_wait3A_136 = tpu.memref_slice %arg5[%arg0, %mul3A_128, %dma_wait3A_135] : memref<2x10112x16xf32, #tpu.memory_space<hbm>> -> memref<1x632x16xf32, #tpu.memory_space<hbm>>
      %dma_wait3A_137 = tpu.memref_squeeze %dma_wait3A_136 : memref<1x632x16xf32, #tpu.memory_space<hbm>> -> memref<632x16xf32, #tpu.memory_space<hbm>>
      %dma_wait3A_138 = arith.constant 0 : i32
      %dma_wait3A_139 = tpu.memref_slice %arg10[%mul3A_126, %dma_wait3A_138] : memref<10112x16xf32, #tpu.memory_space<vmem_shared>> -> memref<632x16xf32, #tpu.memory_space<vmem_shared>>
      tpu.wait_dma2 semaphore(%run_scoped3A_129 : memref<!tpu.dma_semaphore, #tpu.memory_space<semaphore_mem>>) src(%dma_wait3A_139 : memref<632x16xf32, #tpu.memory_space<vmem_shared>>) dst(%dma_wait3A_137 : memref<632x16xf32, #tpu.memory_space<hbm>>)
      tpu.yield
    }) : () -> ()
    return
  }
}

#map = affine_map<(d0, d1) -> (0, 0)>
#map1 = affine_map<(d0, d1) -> (0, 0, 0)>
module attributes {stable_mosaic.version = 14 : i64} {
  func.func @_sc_prop_body(%arg0: i32, %arg1: i32, %arg2: memref<10112x16xf32, #tpu.memory_space<hbm>>, %arg3: memref<2x2560x128xi32, #tpu.memory_space<hbm>>, %arg4: memref<10112x16xf32, #tpu.memory_space<hbm>>, %arg5: memref<2x10112x16xf32, #tpu.memory_space<hbm>>, %arg6: memref<84x128xi32, #tpu.memory_space<vmem>>, %arg7: memref<80x128xi32, #tpu.memory_space<vmem>>, %arg8: memref<2x4x128x16xf32, #tpu.memory_space<vmem>>, %arg9: memref<10112x16xf32, #tpu.memory_space<vmem_shared>>, %arg10: memref<10112x16xf32, #tpu.memory_space<vmem_shared>>, %arg11: memref<!tpu.dma_semaphore, #tpu.memory_space<semaphore_mem>>, %arg12: memref<!tpu.dma_semaphore, #tpu.memory_space<semaphore_mem>>, %arg13: memref<!tpu.dma_semaphore, #tpu.memory_space<semaphore_mem>>, %arg14: memref<!tpu.dma_semaphore, #tpu.memory_space<semaphore_mem>>) attributes {dimension_semantics = [#tpu.dimension_semantics<core_parallel>, #tpu.dimension_semantics<subcore_parallel>], iteration_bounds = array<i64: 2, 16>, scalar_prefetch = 0 : i64, scratch_operands = 9 : i64, tpu.core_type = #tpu.core_type<sc_vector_subcore>, window_params = [{transform_indices = #map}, {transform_indices = #map1}, {transform_indices = #map}, {transform_indices = #map1}]} {
    %mul3A = arith.constant 2 : i32
    %mul3A_0 = arith.muli %arg1, %mul3A : i32
    %add3A = arith.addi %mul3A_0, %arg0 : i32
    %mul3A_1 = arith.constant 80 : i32
    %mul3A_2 = arith.muli %add3A, %mul3A_1 : i32
    %run_scoped3A = arith.constant 0 : i32
    "tpu.region"() ({
      %run_scoped3A_129 = tpu.sem_alloc : memref<!tpu.dma_semaphore, #tpu.memory_space<semaphore_mem>>
      %dma_start3A_130 = arith.constant 0 : i32
      %dma_start3A_131 = arith.constant 0 : i32
      %dma_start3A_132 = tpu.memref_slice %arg6[%dma_start3A_130, %dma_start3A_131] : memref<84x128xi32, #tpu.memory_space<vmem>> -> memref<80x128xi32, #tpu.memory_space<vmem>>
      %dma_start3A_133 = arith.constant 0 : i32
      %dma_start3A_134 = tpu.memref_slice %arg3[%run_scoped3A, %mul3A_2, %dma_start3A_133] : memref<2x2560x128xi32, #tpu.memory_space<hbm>> -> memref<1x80x128xi32, #tpu.memory_space<hbm>>
      %dma_start3A_135 = tpu.memref_squeeze %dma_start3A_134 : memref<1x80x128xi32, #tpu.memory_space<hbm>> -> memref<80x128xi32, #tpu.memory_space<hbm>>
      %dma_start3A_136 = arith.constant 0 : i32
      %dma_start3A_137 = arith.constant 0 : i32
      %dma_start3A_138 = tpu.memref_slice %arg6[%dma_start3A_136, %dma_start3A_137] : memref<84x128xi32, #tpu.memory_space<vmem>> -> memref<80x128xi32, #tpu.memory_space<vmem>>
      %dma_start3A_139 = arith.constant 0 : i32
      %dma_start3A_140 = tpu.memref_slice %arg3[%run_scoped3A, %mul3A_2, %dma_start3A_139] : memref<2x2560x128xi32, #tpu.memory_space<hbm>> -> memref<1x80x128xi32, #tpu.memory_space<hbm>>
      %dma_start3A_141 = tpu.memref_squeeze %dma_start3A_140 : memref<1x80x128xi32, #tpu.memory_space<hbm>> -> memref<80x128xi32, #tpu.memory_space<hbm>>
      tpu.enqueue_dma source(%dma_start3A_141 : memref<80x128xi32, #tpu.memory_space<hbm>>) target(%dma_start3A_138 : memref<80x128xi32, #tpu.memory_space<vmem>>) target_semaphore(%run_scoped3A_129 : memref<!tpu.dma_semaphore, #tpu.memory_space<semaphore_mem>>)
      %dma_wait3A_142 = arith.constant 0 : i32
      %dma_wait3A_143 = arith.constant 0 : i32
      %dma_wait3A_144 = tpu.memref_slice %arg6[%dma_wait3A_142, %dma_wait3A_143] : memref<84x128xi32, #tpu.memory_space<vmem>> -> memref<80x128xi32, #tpu.memory_space<vmem>>
      %dma_wait3A_145 = arith.constant 0 : i32
      %dma_wait3A_146 = tpu.memref_slice %arg3[%run_scoped3A, %mul3A_2, %dma_wait3A_145] : memref<2x2560x128xi32, #tpu.memory_space<hbm>> -> memref<1x80x128xi32, #tpu.memory_space<hbm>>
      %dma_wait3A_147 = tpu.memref_squeeze %dma_wait3A_146 : memref<1x80x128xi32, #tpu.memory_space<hbm>> -> memref<80x128xi32, #tpu.memory_space<hbm>>
      %dma_wait3A_148 = arith.constant 0 : i32
      %dma_wait3A_149 = arith.constant 0 : i32
      %dma_wait3A_150 = tpu.memref_slice %arg6[%dma_wait3A_148, %dma_wait3A_149] : memref<84x128xi32, #tpu.memory_space<vmem>> -> memref<80x128xi32, #tpu.memory_space<vmem>>
      %dma_wait3A_151 = arith.constant 0 : i32
      %dma_wait3A_152 = tpu.memref_slice %arg3[%run_scoped3A, %mul3A_2, %dma_wait3A_151] : memref<2x2560x128xi32, #tpu.memory_space<hbm>> -> memref<1x80x128xi32, #tpu.memory_space<hbm>>
      %dma_wait3A_153 = tpu.memref_squeeze %dma_wait3A_152 : memref<1x80x128xi32, #tpu.memory_space<hbm>> -> memref<80x128xi32, #tpu.memory_space<hbm>>
      tpu.wait_dma2 semaphore(%run_scoped3A_129 : memref<!tpu.dma_semaphore, #tpu.memory_space<semaphore_mem>>) src(%dma_wait3A_153 : memref<80x128xi32, #tpu.memory_space<hbm>>) dst(%dma_wait3A_150 : memref<80x128xi32, #tpu.memory_space<vmem>>)
      tpu.yield
    }) : () -> ()
    %mul3A_3 = arith.constant 80 : i32
    %mul3A_4 = arith.muli %add3A, %mul3A_3 : i32
    %run_scoped3A_5 = arith.constant 0 : i32
    "tpu.region"() ({
      %run_scoped3A_129 = tpu.sem_alloc : memref<!tpu.dma_semaphore, #tpu.memory_space<semaphore_mem>>
      %dma_start3A_130 = arith.constant 80 : i32
      %dma_start3A_131 = arith.constant 0 : i32
      %dma_start3A_132 = tpu.memref_slice %arg6[%dma_start3A_130, %dma_start3A_131] : memref<84x128xi32, #tpu.memory_space<vmem>> -> memref<4x128xi32, #tpu.memory_space<vmem>>
      %dma_start3A_133 = arith.constant 0 : i32
      %dma_start3A_134 = tpu.memref_slice %arg3[%run_scoped3A_5, %mul3A_4, %dma_start3A_133] : memref<2x2560x128xi32, #tpu.memory_space<hbm>> -> memref<1x4x128xi32, #tpu.memory_space<hbm>>
      %dma_start3A_135 = tpu.memref_squeeze %dma_start3A_134 : memref<1x4x128xi32, #tpu.memory_space<hbm>> -> memref<4x128xi32, #tpu.memory_space<hbm>>
      %dma_start3A_136 = arith.constant 80 : i32
      %dma_start3A_137 = arith.constant 0 : i32
      %dma_start3A_138 = tpu.memref_slice %arg6[%dma_start3A_136, %dma_start3A_137] : memref<84x128xi32, #tpu.memory_space<vmem>> -> memref<4x128xi32, #tpu.memory_space<vmem>>
      %dma_start3A_139 = arith.constant 0 : i32
      %dma_start3A_140 = tpu.memref_slice %arg3[%run_scoped3A_5, %mul3A_4, %dma_start3A_139] : memref<2x2560x128xi32, #tpu.memory_space<hbm>> -> memref<1x4x128xi32, #tpu.memory_space<hbm>>
      %dma_start3A_141 = tpu.memref_squeeze %dma_start3A_140 : memref<1x4x128xi32, #tpu.memory_space<hbm>> -> memref<4x128xi32, #tpu.memory_space<hbm>>
      tpu.enqueue_dma source(%dma_start3A_141 : memref<4x128xi32, #tpu.memory_space<hbm>>) target(%dma_start3A_138 : memref<4x128xi32, #tpu.memory_space<vmem>>) target_semaphore(%run_scoped3A_129 : memref<!tpu.dma_semaphore, #tpu.memory_space<semaphore_mem>>)
      %dma_wait3A_142 = arith.constant 80 : i32
      %dma_wait3A_143 = arith.constant 0 : i32
      %dma_wait3A_144 = tpu.memref_slice %arg6[%dma_wait3A_142, %dma_wait3A_143] : memref<84x128xi32, #tpu.memory_space<vmem>> -> memref<4x128xi32, #tpu.memory_space<vmem>>
      %dma_wait3A_145 = arith.constant 0 : i32
      %dma_wait3A_146 = tpu.memref_slice %arg3[%run_scoped3A_5, %mul3A_4, %dma_wait3A_145] : memref<2x2560x128xi32, #tpu.memory_space<hbm>> -> memref<1x4x128xi32, #tpu.memory_space<hbm>>
      %dma_wait3A_147 = tpu.memref_squeeze %dma_wait3A_146 : memref<1x4x128xi32, #tpu.memory_space<hbm>> -> memref<4x128xi32, #tpu.memory_space<hbm>>
      %dma_wait3A_148 = arith.constant 80 : i32
      %dma_wait3A_149 = arith.constant 0 : i32
      %dma_wait3A_150 = tpu.memref_slice %arg6[%dma_wait3A_148, %dma_wait3A_149] : memref<84x128xi32, #tpu.memory_space<vmem>> -> memref<4x128xi32, #tpu.memory_space<vmem>>
      %dma_wait3A_151 = arith.constant 0 : i32
      %dma_wait3A_152 = tpu.memref_slice %arg3[%run_scoped3A_5, %mul3A_4, %dma_wait3A_151] : memref<2x2560x128xi32, #tpu.memory_space<hbm>> -> memref<1x4x128xi32, #tpu.memory_space<hbm>>
      %dma_wait3A_153 = tpu.memref_squeeze %dma_wait3A_152 : memref<1x4x128xi32, #tpu.memory_space<hbm>> -> memref<4x128xi32, #tpu.memory_space<hbm>>
      tpu.wait_dma2 semaphore(%run_scoped3A_129 : memref<!tpu.dma_semaphore, #tpu.memory_space<semaphore_mem>>) src(%dma_wait3A_153 : memref<4x128xi32, #tpu.memory_space<hbm>>) dst(%dma_wait3A_150 : memref<4x128xi32, #tpu.memory_space<vmem>>)
      tpu.yield
    }) : () -> ()
    %mul3A_6 = arith.constant 80 : i32
    %mul3A_7 = arith.muli %add3A, %mul3A_6 : i32
    %run_scoped3A_8 = arith.constant 1 : i32
    "tpu.region"() ({
      %run_scoped3A_129 = tpu.sem_alloc : memref<!tpu.dma_semaphore, #tpu.memory_space<semaphore_mem>>
      %dma_start3A_130 = arith.constant 0 : i32
      %dma_start3A_131 = tpu.memref_slice %arg3[%run_scoped3A_8, %mul3A_7, %dma_start3A_130] : memref<2x2560x128xi32, #tpu.memory_space<hbm>> -> memref<1x80x128xi32, #tpu.memory_space<hbm>>
      %dma_start3A_132 = tpu.memref_squeeze %dma_start3A_131 : memref<1x80x128xi32, #tpu.memory_space<hbm>> -> memref<80x128xi32, #tpu.memory_space<hbm>>
      %dma_start3A_133 = arith.constant 0 : i32
      %dma_start3A_134 = tpu.memref_slice %arg3[%run_scoped3A_8, %mul3A_7, %dma_start3A_133] : memref<2x2560x128xi32, #tpu.memory_space<hbm>> -> memref<1x80x128xi32, #tpu.memory_space<hbm>>
      %dma_start3A_135 = tpu.memref_squeeze %dma_start3A_134 : memref<1x80x128xi32, #tpu.memory_space<hbm>> -> memref<80x128xi32, #tpu.memory_space<hbm>>
      tpu.enqueue_dma source(%dma_start3A_135 : memref<80x128xi32, #tpu.memory_space<hbm>>) target(%arg7 : memref<80x128xi32, #tpu.memory_space<vmem>>) target_semaphore(%run_scoped3A_129 : memref<!tpu.dma_semaphore, #tpu.memory_space<semaphore_mem>>)
      %dma_wait3A_136 = arith.constant 0 : i32
      %dma_wait3A_137 = tpu.memref_slice %arg3[%run_scoped3A_8, %mul3A_7, %dma_wait3A_136] : memref<2x2560x128xi32, #tpu.memory_space<hbm>> -> memref<1x80x128xi32, #tpu.memory_space<hbm>>
      %dma_wait3A_138 = tpu.memref_squeeze %dma_wait3A_137 : memref<1x80x128xi32, #tpu.memory_space<hbm>> -> memref<80x128xi32, #tpu.memory_space<hbm>>
      %dma_wait3A_139 = arith.constant 0 : i32
      %dma_wait3A_140 = tpu.memref_slice %arg3[%run_scoped3A_8, %mul3A_7, %dma_wait3A_139] : memref<2x2560x128xi32, #tpu.memory_space<hbm>> -> memref<1x80x128xi32, #tpu.memory_space<hbm>>
      %dma_wait3A_141 = tpu.memref_squeeze %dma_wait3A_140 : memref<1x80x128xi32, #tpu.memory_space<hbm>> -> memref<80x128xi32, #tpu.memory_space<hbm>>
      tpu.wait_dma2 semaphore(%run_scoped3A_129 : memref<!tpu.dma_semaphore, #tpu.memory_space<semaphore_mem>>) src(%dma_wait3A_141 : memref<80x128xi32, #tpu.memory_space<hbm>>) dst(%arg7 : memref<80x128xi32, #tpu.memory_space<vmem>>)
      tpu.yield
    }) : () -> ()
    %mul3A_9 = arith.constant 632 : i32
    %mul3A_10 = arith.muli %arg1, %mul3A_9 : i32
    %mul3A_11 = arith.constant 632 : i32
    %mul3A_12 = arith.muli %arg1, %mul3A_11 : i32
    "tpu.region"() ({
      %run_scoped3A_129 = tpu.sem_alloc : memref<!tpu.dma_semaphore, #tpu.memory_space<semaphore_mem>>
      %dma_start3A_130 = arith.constant 0 : i32
      %dma_start3A_131 = tpu.memref_slice %arg9[%mul3A_12, %dma_start3A_130] : memref<10112x16xf32, #tpu.memory_space<vmem_shared>> -> memref<632x16xf32, #tpu.memory_space<vmem_shared>>
      %dma_start3A_132 = arith.constant 0 : i32
      %dma_start3A_133 = tpu.memref_slice %arg2[%mul3A_10, %dma_start3A_132] : memref<10112x16xf32, #tpu.memory_space<hbm>> -> memref<632x16xf32, #tpu.memory_space<hbm>>
      tpu.enqueue_dma source(%dma_start3A_133 : memref<632x16xf32, #tpu.memory_space<hbm>>) target(%dma_start3A_131 : memref<632x16xf32, #tpu.memory_space<vmem_shared>>) target_semaphore(%run_scoped3A_129 : memref<!tpu.dma_semaphore, #tpu.memory_space<semaphore_mem>>)
      %dma_wait3A_134 = arith.constant 0 : i32
      %dma_wait3A_135 = tpu.memref_slice %arg9[%mul3A_12, %dma_wait3A_134] : memref<10112x16xf32, #tpu.memory_space<vmem_shared>> -> memref<632x16xf32, #tpu.memory_space<vmem_shared>>
      %dma_wait3A_136 = arith.constant 0 : i32
      %dma_wait3A_137 = tpu.memref_slice %arg2[%mul3A_10, %dma_wait3A_136] : memref<10112x16xf32, #tpu.memory_space<hbm>> -> memref<632x16xf32, #tpu.memory_space<hbm>>
      tpu.wait_dma2 semaphore(%run_scoped3A_129 : memref<!tpu.dma_semaphore, #tpu.memory_space<semaphore_mem>>) src(%dma_wait3A_137 : memref<632x16xf32, #tpu.memory_space<hbm>>) dst(%dma_wait3A_135 : memref<632x16xf32, #tpu.memory_space<vmem_shared>>)
      tpu.yield
    }) : () -> ()
    %mul3A_13 = arith.constant 632 : i32
    %mul3A_14 = arith.muli %arg1, %mul3A_13 : i32
    %mul3A_15 = arith.constant 632 : i32
    %mul3A_16 = arith.muli %arg1, %mul3A_15 : i32
    "tpu.region"() ({
      %run_scoped3A_129 = tpu.sem_alloc : memref<!tpu.dma_semaphore, #tpu.memory_space<semaphore_mem>>
      %dma_start3A_130 = arith.constant 0 : i32
      %dma_start3A_131 = tpu.memref_slice %arg10[%mul3A_16, %dma_start3A_130] : memref<10112x16xf32, #tpu.memory_space<vmem_shared>> -> memref<632x16xf32, #tpu.memory_space<vmem_shared>>
      %dma_start3A_132 = arith.constant 0 : i32
      %dma_start3A_133 = tpu.memref_slice %arg4[%mul3A_14, %dma_start3A_132] : memref<10112x16xf32, #tpu.memory_space<hbm>> -> memref<632x16xf32, #tpu.memory_space<hbm>>
      tpu.enqueue_dma source(%dma_start3A_133 : memref<632x16xf32, #tpu.memory_space<hbm>>) target(%dma_start3A_131 : memref<632x16xf32, #tpu.memory_space<vmem_shared>>) target_semaphore(%run_scoped3A_129 : memref<!tpu.dma_semaphore, #tpu.memory_space<semaphore_mem>>)
      %dma_wait3A_134 = arith.constant 0 : i32
      %dma_wait3A_135 = tpu.memref_slice %arg10[%mul3A_16, %dma_wait3A_134] : memref<10112x16xf32, #tpu.memory_space<vmem_shared>> -> memref<632x16xf32, #tpu.memory_space<vmem_shared>>
      %dma_wait3A_136 = arith.constant 0 : i32
      %dma_wait3A_137 = tpu.memref_slice %arg4[%mul3A_14, %dma_wait3A_136] : memref<10112x16xf32, #tpu.memory_space<hbm>> -> memref<632x16xf32, #tpu.memory_space<hbm>>
      tpu.wait_dma2 semaphore(%run_scoped3A_129 : memref<!tpu.dma_semaphore, #tpu.memory_space<semaphore_mem>>) src(%dma_wait3A_137 : memref<632x16xf32, #tpu.memory_space<hbm>>) dst(%dma_wait3A_135 : memref<632x16xf32, #tpu.memory_space<vmem_shared>>)
      tpu.yield
    }) : () -> ()
    %barrier3A = arith.constant 0 : index
    tpu.barrier barrier_id(%barrier3A)
    %dma_start3A = arith.constant 0 : i32
    %dma_start3A_17 = arith.constant 0 : i32
    %dma_start3A_18 = arith.constant 0 : i32
    %dma_start3A_19 = arith.constant 0 : i32
    %dma_start3A_20 = arith.constant 0 : i32
    %dma_start3A_21 = tpu.memref_slice %arg8[%dma_start3A_17, %dma_start3A_18, %dma_start3A_19, %dma_start3A_20] : memref<2x4x128x16xf32, #tpu.memory_space<vmem>> -> memref<1x1x128x16xf32, #tpu.memory_space<vmem>>
    %dma_start3A_22 = tpu.memref_squeeze %dma_start3A_21 : memref<1x1x128x16xf32, #tpu.memory_space<vmem>> -> memref<128x16xf32, #tpu.memory_space<vmem>>
    %dma_start3A_23 = arith.constant 0 : i32
    %dma_start3A_24 = tpu.memref_slice %arg6[%dma_start3A, %dma_start3A_23] : memref<84x128xi32, #tpu.memory_space<vmem>> -> memref<1x128xi32, #tpu.memory_space<vmem>>
    %dma_start3A_25 = tpu.memref_squeeze %dma_start3A_24 : memref<1x128xi32, #tpu.memory_space<vmem>> -> memref<128xi32, #tpu.memory_space<vmem>>
    %dma_start3A_26 = arith.constant 0 : i32
    %dma_start3A_27 = arith.constant 0 : i32
    %dma_start3A_28 = tpu.memref_slice %arg9[%dma_start3A_26, %dma_start3A_27] : memref<10112x16xf32, #tpu.memory_space<vmem_shared>> -> memref<10112x16xf32, #tpu.memory_space<vmem_shared>>
    tpu.enqueue_indirect_dma source(%dma_start3A_28 : memref<10112x16xf32, #tpu.memory_space<vmem_shared>>) target(%dma_start3A_22 : memref<128x16xf32, #tpu.memory_space<vmem>>) offsets(%dma_start3A_25 : memref<128xi32, #tpu.memory_space<vmem>>) semaphore(%arg11 : memref<!tpu.dma_semaphore, #tpu.memory_space<semaphore_mem>>)
    %dma_start3A_29 = arith.constant 1 : i32
    %dma_start3A_30 = arith.constant 0 : i32
    %dma_start3A_31 = arith.constant 1 : i32
    %dma_start3A_32 = arith.constant 0 : i32
    %dma_start3A_33 = arith.constant 0 : i32
    %dma_start3A_34 = tpu.memref_slice %arg8[%dma_start3A_30, %dma_start3A_31, %dma_start3A_32, %dma_start3A_33] : memref<2x4x128x16xf32, #tpu.memory_space<vmem>> -> memref<1x1x128x16xf32, #tpu.memory_space<vmem>>
    %dma_start3A_35 = tpu.memref_squeeze %dma_start3A_34 : memref<1x1x128x16xf32, #tpu.memory_space<vmem>> -> memref<128x16xf32, #tpu.memory_space<vmem>>
    %dma_start3A_36 = arith.constant 0 : i32
    %dma_start3A_37 = tpu.memref_slice %arg6[%dma_start3A_29, %dma_start3A_36] : memref<84x128xi32, #tpu.memory_space<vmem>> -> memref<1x128xi32, #tpu.memory_space<vmem>>
    %dma_start3A_38 = tpu.memref_squeeze %dma_start3A_37 : memref<1x128xi32, #tpu.memory_space<vmem>> -> memref<128xi32, #tpu.memory_space<vmem>>
    %dma_start3A_39 = arith.constant 0 : i32
    %dma_start3A_40 = arith.constant 0 : i32
    %dma_start3A_41 = tpu.memref_slice %arg9[%dma_start3A_39, %dma_start3A_40] : memref<10112x16xf32, #tpu.memory_space<vmem_shared>> -> memref<10112x16xf32, #tpu.memory_space<vmem_shared>>
    tpu.enqueue_indirect_dma source(%dma_start3A_41 : memref<10112x16xf32, #tpu.memory_space<vmem_shared>>) target(%dma_start3A_35 : memref<128x16xf32, #tpu.memory_space<vmem>>) offsets(%dma_start3A_38 : memref<128xi32, #tpu.memory_space<vmem>>) semaphore(%arg11 : memref<!tpu.dma_semaphore, #tpu.memory_space<semaphore_mem>>)
    %dma_start3A_42 = arith.constant 2 : i32
    %dma_start3A_43 = arith.constant 0 : i32
    %dma_start3A_44 = arith.constant 2 : i32
    %dma_start3A_45 = arith.constant 0 : i32
    %dma_start3A_46 = arith.constant 0 : i32
    %dma_start3A_47 = tpu.memref_slice %arg8[%dma_start3A_43, %dma_start3A_44, %dma_start3A_45, %dma_start3A_46] : memref<2x4x128x16xf32, #tpu.memory_space<vmem>> -> memref<1x1x128x16xf32, #tpu.memory_space<vmem>>
    %dma_start3A_48 = tpu.memref_squeeze %dma_start3A_47 : memref<1x1x128x16xf32, #tpu.memory_space<vmem>> -> memref<128x16xf32, #tpu.memory_space<vmem>>
    %dma_start3A_49 = arith.constant 0 : i32
    %dma_start3A_50 = tpu.memref_slice %arg6[%dma_start3A_42, %dma_start3A_49] : memref<84x128xi32, #tpu.memory_space<vmem>> -> memref<1x128xi32, #tpu.memory_space<vmem>>
    %dma_start3A_51 = tpu.memref_squeeze %dma_start3A_50 : memref<1x128xi32, #tpu.memory_space<vmem>> -> memref<128xi32, #tpu.memory_space<vmem>>
    %dma_start3A_52 = arith.constant 0 : i32
    %dma_start3A_53 = arith.constant 0 : i32
    %dma_start3A_54 = tpu.memref_slice %arg9[%dma_start3A_52, %dma_start3A_53] : memref<10112x16xf32, #tpu.memory_space<vmem_shared>> -> memref<10112x16xf32, #tpu.memory_space<vmem_shared>>
    tpu.enqueue_indirect_dma source(%dma_start3A_54 : memref<10112x16xf32, #tpu.memory_space<vmem_shared>>) target(%dma_start3A_48 : memref<128x16xf32, #tpu.memory_space<vmem>>) offsets(%dma_start3A_51 : memref<128xi32, #tpu.memory_space<vmem>>) semaphore(%arg11 : memref<!tpu.dma_semaphore, #tpu.memory_space<semaphore_mem>>)
    %dma_start3A_55 = arith.constant 3 : i32
    %dma_start3A_56 = arith.constant 0 : i32
    %dma_start3A_57 = arith.constant 3 : i32
    %dma_start3A_58 = arith.constant 0 : i32
    %dma_start3A_59 = arith.constant 0 : i32
    %dma_start3A_60 = tpu.memref_slice %arg8[%dma_start3A_56, %dma_start3A_57, %dma_start3A_58, %dma_start3A_59] : memref<2x4x128x16xf32, #tpu.memory_space<vmem>> -> memref<1x1x128x16xf32, #tpu.memory_space<vmem>>
    %dma_start3A_61 = tpu.memref_squeeze %dma_start3A_60 : memref<1x1x128x16xf32, #tpu.memory_space<vmem>> -> memref<128x16xf32, #tpu.memory_space<vmem>>
    %dma_start3A_62 = arith.constant 0 : i32
    %dma_start3A_63 = tpu.memref_slice %arg6[%dma_start3A_55, %dma_start3A_62] : memref<84x128xi32, #tpu.memory_space<vmem>> -> memref<1x128xi32, #tpu.memory_space<vmem>>
    %dma_start3A_64 = tpu.memref_squeeze %dma_start3A_63 : memref<1x128xi32, #tpu.memory_space<vmem>> -> memref<128xi32, #tpu.memory_space<vmem>>
    %dma_start3A_65 = arith.constant 0 : i32
    %dma_start3A_66 = arith.constant 0 : i32
    %dma_start3A_67 = tpu.memref_slice %arg9[%dma_start3A_65, %dma_start3A_66] : memref<10112x16xf32, #tpu.memory_space<vmem_shared>> -> memref<10112x16xf32, #tpu.memory_space<vmem_shared>>
    tpu.enqueue_indirect_dma source(%dma_start3A_67 : memref<10112x16xf32, #tpu.memory_space<vmem_shared>>) target(%dma_start3A_61 : memref<128x16xf32, #tpu.memory_space<vmem>>) offsets(%dma_start3A_64 : memref<128xi32, #tpu.memory_space<vmem>>) semaphore(%arg11 : memref<!tpu.dma_semaphore, #tpu.memory_space<semaphore_mem>>)
    %scan3A = arith.constant 0 : i32
    %scan3A_68 = arith.constant 0 : i32
    %scan3A_69 = arith.constant 10 : i32
    %scan3A_70 = arith.addi %scan3A_68, %scan3A_69 : i32
    %scan3A_71 = arith.constant 1 : i32
    scf.for %scan3A_129 = %scan3A_68 to %scan3A_70 step %scan3A_71  : i32 {
      %mul3A_130 = arith.constant 2 : i32
      %mul3A_131 = arith.muli %mul3A_130, %scan3A_129 : i32
      %mul3A_132 = arith.constant 2 : i32
      %mul3A_133 = arith.muli %mul3A_132, %scan3A_129 : i32
      %add3A_134 = arith.constant 1 : i32
      %add3A_135 = arith.addi %mul3A_133, %add3A_134 : i32
      %mul3A_136 = arith.constant 4 : i32
      %mul3A_137 = arith.muli %mul3A_131, %mul3A_136 : i32
      %add3A_138 = arith.constant 0 : i32
      %add3A_139 = arith.addi %mul3A_137, %add3A_138 : i32
      %dma_wait3A_140 = arith.constant 0 : i32
      %dma_wait3A_141 = arith.constant 0 : i32
      %dma_wait3A_142 = arith.constant 0 : i32
      %dma_wait3A_143 = arith.constant 0 : i32
      %dma_wait3A_144 = tpu.memref_slice %arg8[%dma_wait3A_140, %dma_wait3A_141, %dma_wait3A_142, %dma_wait3A_143] : memref<2x4x128x16xf32, #tpu.memory_space<vmem>> -> memref<1x1x128x16xf32, #tpu.memory_space<vmem>>
      %dma_wait3A_145 = tpu.memref_squeeze %dma_wait3A_144 : memref<1x1x128x16xf32, #tpu.memory_space<vmem>> -> memref<128x16xf32, #tpu.memory_space<vmem>>
      %dma_wait3A_146 = arith.constant 0 : i32
      %dma_wait3A_147 = tpu.memref_slice %arg6[%add3A_139, %dma_wait3A_146] : memref<84x128xi32, #tpu.memory_space<vmem>> -> memref<1x128xi32, #tpu.memory_space<vmem>>
      %dma_wait3A_148 = tpu.memref_squeeze %dma_wait3A_147 : memref<1x128xi32, #tpu.memory_space<vmem>> -> memref<128xi32, #tpu.memory_space<vmem>>
      %dma_wait3A_149 = arith.constant 0 : i32
      %dma_wait3A_150 = arith.constant 0 : i32
      %dma_wait3A_151 = tpu.memref_slice %arg9[%dma_wait3A_149, %dma_wait3A_150] : memref<10112x16xf32, #tpu.memory_space<vmem_shared>> -> memref<10112x16xf32, #tpu.memory_space<vmem_shared>>
      tpu.wait_indirect_dma semaphore(%arg11 : memref<!tpu.dma_semaphore, #tpu.memory_space<semaphore_mem>>) src(%dma_wait3A_151 : memref<10112x16xf32, #tpu.memory_space<vmem_shared>>) dst(%dma_wait3A_145 : memref<128x16xf32, #tpu.memory_space<vmem>>)
      %mul3A_152 = arith.constant 4 : i32
      %mul3A_153 = arith.muli %mul3A_131, %mul3A_152 : i32
      %add3A_154 = arith.constant 1 : i32
      %add3A_155 = arith.addi %mul3A_153, %add3A_154 : i32
      %dma_wait3A_156 = arith.constant 0 : i32
      %dma_wait3A_157 = arith.constant 1 : i32
      %dma_wait3A_158 = arith.constant 0 : i32
      %dma_wait3A_159 = arith.constant 0 : i32
      %dma_wait3A_160 = tpu.memref_slice %arg8[%dma_wait3A_156, %dma_wait3A_157, %dma_wait3A_158, %dma_wait3A_159] : memref<2x4x128x16xf32, #tpu.memory_space<vmem>> -> memref<1x1x128x16xf32, #tpu.memory_space<vmem>>
      %dma_wait3A_161 = tpu.memref_squeeze %dma_wait3A_160 : memref<1x1x128x16xf32, #tpu.memory_space<vmem>> -> memref<128x16xf32, #tpu.memory_space<vmem>>
      %dma_wait3A_162 = arith.constant 0 : i32
      %dma_wait3A_163 = tpu.memref_slice %arg6[%add3A_155, %dma_wait3A_162] : memref<84x128xi32, #tpu.memory_space<vmem>> -> memref<1x128xi32, #tpu.memory_space<vmem>>
      %dma_wait3A_164 = tpu.memref_squeeze %dma_wait3A_163 : memref<1x128xi32, #tpu.memory_space<vmem>> -> memref<128xi32, #tpu.memory_space<vmem>>
      %dma_wait3A_165 = arith.constant 0 : i32
      %dma_wait3A_166 = arith.constant 0 : i32
      %dma_wait3A_167 = tpu.memref_slice %arg9[%dma_wait3A_165, %dma_wait3A_166] : memref<10112x16xf32, #tpu.memory_space<vmem_shared>> -> memref<10112x16xf32, #tpu.memory_space<vmem_shared>>
      tpu.wait_indirect_dma semaphore(%arg11 : memref<!tpu.dma_semaphore, #tpu.memory_space<semaphore_mem>>) src(%dma_wait3A_167 : memref<10112x16xf32, #tpu.memory_space<vmem_shared>>) dst(%dma_wait3A_161 : memref<128x16xf32, #tpu.memory_space<vmem>>)
      %mul3A_168 = arith.constant 4 : i32
      %mul3A_169 = arith.muli %mul3A_131, %mul3A_168 : i32
      %add3A_170 = arith.constant 2 : i32
      %add3A_171 = arith.addi %mul3A_169, %add3A_170 : i32
      %dma_wait3A_172 = arith.constant 0 : i32
      %dma_wait3A_173 = arith.constant 2 : i32
      %dma_wait3A_174 = arith.constant 0 : i32
      %dma_wait3A_175 = arith.constant 0 : i32
      %dma_wait3A_176 = tpu.memref_slice %arg8[%dma_wait3A_172, %dma_wait3A_173, %dma_wait3A_174, %dma_wait3A_175] : memref<2x4x128x16xf32, #tpu.memory_space<vmem>> -> memref<1x1x128x16xf32, #tpu.memory_space<vmem>>
      %dma_wait3A_177 = tpu.memref_squeeze %dma_wait3A_176 : memref<1x1x128x16xf32, #tpu.memory_space<vmem>> -> memref<128x16xf32, #tpu.memory_space<vmem>>
      %dma_wait3A_178 = arith.constant 0 : i32
      %dma_wait3A_179 = tpu.memref_slice %arg6[%add3A_171, %dma_wait3A_178] : memref<84x128xi32, #tpu.memory_space<vmem>> -> memref<1x128xi32, #tpu.memory_space<vmem>>
      %dma_wait3A_180 = tpu.memref_squeeze %dma_wait3A_179 : memref<1x128xi32, #tpu.memory_space<vmem>> -> memref<128xi32, #tpu.memory_space<vmem>>
      %dma_wait3A_181 = arith.constant 0 : i32
      %dma_wait3A_182 = arith.constant 0 : i32
      %dma_wait3A_183 = tpu.memref_slice %arg9[%dma_wait3A_181, %dma_wait3A_182] : memref<10112x16xf32, #tpu.memory_space<vmem_shared>> -> memref<10112x16xf32, #tpu.memory_space<vmem_shared>>
      tpu.wait_indirect_dma semaphore(%arg11 : memref<!tpu.dma_semaphore, #tpu.memory_space<semaphore_mem>>) src(%dma_wait3A_183 : memref<10112x16xf32, #tpu.memory_space<vmem_shared>>) dst(%dma_wait3A_177 : memref<128x16xf32, #tpu.memory_space<vmem>>)
      %mul3A_184 = arith.constant 4 : i32
      %mul3A_185 = arith.muli %mul3A_131, %mul3A_184 : i32
      %add3A_186 = arith.constant 3 : i32
      %add3A_187 = arith.addi %mul3A_185, %add3A_186 : i32
      %dma_wait3A_188 = arith.constant 0 : i32
      %dma_wait3A_189 = arith.constant 3 : i32
      %dma_wait3A_190 = arith.constant 0 : i32
      %dma_wait3A_191 = arith.constant 0 : i32
      %dma_wait3A_192 = tpu.memref_slice %arg8[%dma_wait3A_188, %dma_wait3A_189, %dma_wait3A_190, %dma_wait3A_191] : memref<2x4x128x16xf32, #tpu.memory_space<vmem>> -> memref<1x1x128x16xf32, #tpu.memory_space<vmem>>
      %dma_wait3A_193 = tpu.memref_squeeze %dma_wait3A_192 : memref<1x1x128x16xf32, #tpu.memory_space<vmem>> -> memref<128x16xf32, #tpu.memory_space<vmem>>
      %dma_wait3A_194 = arith.constant 0 : i32
      %dma_wait3A_195 = tpu.memref_slice %arg6[%add3A_187, %dma_wait3A_194] : memref<84x128xi32, #tpu.memory_space<vmem>> -> memref<1x128xi32, #tpu.memory_space<vmem>>
      %dma_wait3A_196 = tpu.memref_squeeze %dma_wait3A_195 : memref<1x128xi32, #tpu.memory_space<vmem>> -> memref<128xi32, #tpu.memory_space<vmem>>
      %dma_wait3A_197 = arith.constant 0 : i32
      %dma_wait3A_198 = arith.constant 0 : i32
      %dma_wait3A_199 = tpu.memref_slice %arg9[%dma_wait3A_197, %dma_wait3A_198] : memref<10112x16xf32, #tpu.memory_space<vmem_shared>> -> memref<10112x16xf32, #tpu.memory_space<vmem_shared>>
      tpu.wait_indirect_dma semaphore(%arg11 : memref<!tpu.dma_semaphore, #tpu.memory_space<semaphore_mem>>) src(%dma_wait3A_199 : memref<10112x16xf32, #tpu.memory_space<vmem_shared>>) dst(%dma_wait3A_193 : memref<128x16xf32, #tpu.memory_space<vmem>>)
      %mul3A_200 = arith.constant 4 : i32
      %mul3A_201 = arith.muli %add3A_135, %mul3A_200 : i32
      %add3A_202 = arith.constant 0 : i32
      %add3A_203 = arith.addi %mul3A_201, %add3A_202 : i32
      %dma_start3A_204 = arith.constant 1 : i32
      %dma_start3A_205 = arith.constant 0 : i32
      %dma_start3A_206 = arith.constant 0 : i32
      %dma_start3A_207 = arith.constant 0 : i32
      %dma_start3A_208 = tpu.memref_slice %arg8[%dma_start3A_204, %dma_start3A_205, %dma_start3A_206, %dma_start3A_207] : memref<2x4x128x16xf32, #tpu.memory_space<vmem>> -> memref<1x1x128x16xf32, #tpu.memory_space<vmem>>
      %dma_start3A_209 = tpu.memref_squeeze %dma_start3A_208 : memref<1x1x128x16xf32, #tpu.memory_space<vmem>> -> memref<128x16xf32, #tpu.memory_space<vmem>>
      %dma_start3A_210 = arith.constant 0 : i32
      %dma_start3A_211 = tpu.memref_slice %arg6[%add3A_203, %dma_start3A_210] : memref<84x128xi32, #tpu.memory_space<vmem>> -> memref<1x128xi32, #tpu.memory_space<vmem>>
      %dma_start3A_212 = tpu.memref_squeeze %dma_start3A_211 : memref<1x128xi32, #tpu.memory_space<vmem>> -> memref<128xi32, #tpu.memory_space<vmem>>
      %dma_start3A_213 = arith.constant 0 : i32
      %dma_start3A_214 = arith.constant 0 : i32
      %dma_start3A_215 = tpu.memref_slice %arg9[%dma_start3A_213, %dma_start3A_214] : memref<10112x16xf32, #tpu.memory_space<vmem_shared>> -> memref<10112x16xf32, #tpu.memory_space<vmem_shared>>
      tpu.enqueue_indirect_dma source(%dma_start3A_215 : memref<10112x16xf32, #tpu.memory_space<vmem_shared>>) target(%dma_start3A_209 : memref<128x16xf32, #tpu.memory_space<vmem>>) offsets(%dma_start3A_212 : memref<128xi32, #tpu.memory_space<vmem>>) semaphore(%arg12 : memref<!tpu.dma_semaphore, #tpu.memory_space<semaphore_mem>>)
      %mul3A_216 = arith.constant 4 : i32
      %mul3A_217 = arith.muli %add3A_135, %mul3A_216 : i32
      %add3A_218 = arith.constant 1 : i32
      %add3A_219 = arith.addi %mul3A_217, %add3A_218 : i32
      %dma_start3A_220 = arith.constant 1 : i32
      %dma_start3A_221 = arith.constant 1 : i32
      %dma_start3A_222 = arith.constant 0 : i32
      %dma_start3A_223 = arith.constant 0 : i32
      %dma_start3A_224 = tpu.memref_slice %arg8[%dma_start3A_220, %dma_start3A_221, %dma_start3A_222, %dma_start3A_223] : memref<2x4x128x16xf32, #tpu.memory_space<vmem>> -> memref<1x1x128x16xf32, #tpu.memory_space<vmem>>
      %dma_start3A_225 = tpu.memref_squeeze %dma_start3A_224 : memref<1x1x128x16xf32, #tpu.memory_space<vmem>> -> memref<128x16xf32, #tpu.memory_space<vmem>>
      %dma_start3A_226 = arith.constant 0 : i32
      %dma_start3A_227 = tpu.memref_slice %arg6[%add3A_219, %dma_start3A_226] : memref<84x128xi32, #tpu.memory_space<vmem>> -> memref<1x128xi32, #tpu.memory_space<vmem>>
      %dma_start3A_228 = tpu.memref_squeeze %dma_start3A_227 : memref<1x128xi32, #tpu.memory_space<vmem>> -> memref<128xi32, #tpu.memory_space<vmem>>
      %dma_start3A_229 = arith.constant 0 : i32
      %dma_start3A_230 = arith.constant 0 : i32
      %dma_start3A_231 = tpu.memref_slice %arg9[%dma_start3A_229, %dma_start3A_230] : memref<10112x16xf32, #tpu.memory_space<vmem_shared>> -> memref<10112x16xf32, #tpu.memory_space<vmem_shared>>
      tpu.enqueue_indirect_dma source(%dma_start3A_231 : memref<10112x16xf32, #tpu.memory_space<vmem_shared>>) target(%dma_start3A_225 : memref<128x16xf32, #tpu.memory_space<vmem>>) offsets(%dma_start3A_228 : memref<128xi32, #tpu.memory_space<vmem>>) semaphore(%arg12 : memref<!tpu.dma_semaphore, #tpu.memory_space<semaphore_mem>>)
      %mul3A_232 = arith.constant 4 : i32
      %mul3A_233 = arith.muli %add3A_135, %mul3A_232 : i32
      %add3A_234 = arith.constant 2 : i32
      %add3A_235 = arith.addi %mul3A_233, %add3A_234 : i32
      %dma_start3A_236 = arith.constant 1 : i32
      %dma_start3A_237 = arith.constant 2 : i32
      %dma_start3A_238 = arith.constant 0 : i32
      %dma_start3A_239 = arith.constant 0 : i32
      %dma_start3A_240 = tpu.memref_slice %arg8[%dma_start3A_236, %dma_start3A_237, %dma_start3A_238, %dma_start3A_239] : memref<2x4x128x16xf32, #tpu.memory_space<vmem>> -> memref<1x1x128x16xf32, #tpu.memory_space<vmem>>
      %dma_start3A_241 = tpu.memref_squeeze %dma_start3A_240 : memref<1x1x128x16xf32, #tpu.memory_space<vmem>> -> memref<128x16xf32, #tpu.memory_space<vmem>>
      %dma_start3A_242 = arith.constant 0 : i32
      %dma_start3A_243 = tpu.memref_slice %arg6[%add3A_235, %dma_start3A_242] : memref<84x128xi32, #tpu.memory_space<vmem>> -> memref<1x128xi32, #tpu.memory_space<vmem>>
      %dma_start3A_244 = tpu.memref_squeeze %dma_start3A_243 : memref<1x128xi32, #tpu.memory_space<vmem>> -> memref<128xi32, #tpu.memory_space<vmem>>
      %dma_start3A_245 = arith.constant 0 : i32
      %dma_start3A_246 = arith.constant 0 : i32
      %dma_start3A_247 = tpu.memref_slice %arg9[%dma_start3A_245, %dma_start3A_246] : memref<10112x16xf32, #tpu.memory_space<vmem_shared>> -> memref<10112x16xf32, #tpu.memory_space<vmem_shared>>
      tpu.enqueue_indirect_dma source(%dma_start3A_247 : memref<10112x16xf32, #tpu.memory_space<vmem_shared>>) target(%dma_start3A_241 : memref<128x16xf32, #tpu.memory_space<vmem>>) offsets(%dma_start3A_244 : memref<128xi32, #tpu.memory_space<vmem>>) semaphore(%arg12 : memref<!tpu.dma_semaphore, #tpu.memory_space<semaphore_mem>>)
      %mul3A_248 = arith.constant 4 : i32
      %mul3A_249 = arith.muli %add3A_135, %mul3A_248 : i32
      %add3A_250 = arith.constant 3 : i32
      %add3A_251 = arith.addi %mul3A_249, %add3A_250 : i32
      %dma_start3A_252 = arith.constant 1 : i32
      %dma_start3A_253 = arith.constant 3 : i32
      %dma_start3A_254 = arith.constant 0 : i32
      %dma_start3A_255 = arith.constant 0 : i32
      %dma_start3A_256 = tpu.memref_slice %arg8[%dma_start3A_252, %dma_start3A_253, %dma_start3A_254, %dma_start3A_255] : memref<2x4x128x16xf32, #tpu.memory_space<vmem>> -> memref<1x1x128x16xf32, #tpu.memory_space<vmem>>
      %dma_start3A_257 = tpu.memref_squeeze %dma_start3A_256 : memref<1x1x128x16xf32, #tpu.memory_space<vmem>> -> memref<128x16xf32, #tpu.memory_space<vmem>>
      %dma_start3A_258 = arith.constant 0 : i32
      %dma_start3A_259 = tpu.memref_slice %arg6[%add3A_251, %dma_start3A_258] : memref<84x128xi32, #tpu.memory_space<vmem>> -> memref<1x128xi32, #tpu.memory_space<vmem>>
      %dma_start3A_260 = tpu.memref_squeeze %dma_start3A_259 : memref<1x128xi32, #tpu.memory_space<vmem>> -> memref<128xi32, #tpu.memory_space<vmem>>
      %dma_start3A_261 = arith.constant 0 : i32
      %dma_start3A_262 = arith.constant 0 : i32
      %dma_start3A_263 = tpu.memref_slice %arg9[%dma_start3A_261, %dma_start3A_262] : memref<10112x16xf32, #tpu.memory_space<vmem_shared>> -> memref<10112x16xf32, #tpu.memory_space<vmem_shared>>
      tpu.enqueue_indirect_dma source(%dma_start3A_263 : memref<10112x16xf32, #tpu.memory_space<vmem_shared>>) target(%dma_start3A_257 : memref<128x16xf32, #tpu.memory_space<vmem>>) offsets(%dma_start3A_260 : memref<128xi32, #tpu.memory_space<vmem>>) semaphore(%arg12 : memref<!tpu.dma_semaphore, #tpu.memory_space<semaphore_mem>>)
      %mul3A_264 = arith.constant 4 : i32
      %mul3A_265 = arith.muli %mul3A_131, %mul3A_264 : i32
      %add3A_266 = arith.constant 0 : i32
      %add3A_267 = arith.addi %mul3A_265, %add3A_266 : i32
      %dma_start3A_268 = arith.constant 0 : i32
      %dma_start3A_269 = arith.constant 0 : i32
      %dma_start3A_270 = arith.constant 0 : i32
      %dma_start3A_271 = arith.constant 0 : i32
      %dma_start3A_272 = tpu.memref_slice %arg8[%dma_start3A_268, %dma_start3A_269, %dma_start3A_270, %dma_start3A_271] : memref<2x4x128x16xf32, #tpu.memory_space<vmem>> -> memref<1x1x128x16xf32, #tpu.memory_space<vmem>>
      %dma_start3A_273 = tpu.memref_squeeze %dma_start3A_272 : memref<1x1x128x16xf32, #tpu.memory_space<vmem>> -> memref<128x16xf32, #tpu.memory_space<vmem>>
      %dma_start3A_274 = arith.constant 0 : i32
      %dma_start3A_275 = tpu.memref_slice %arg7[%add3A_267, %dma_start3A_274] : memref<80x128xi32, #tpu.memory_space<vmem>> -> memref<1x128xi32, #tpu.memory_space<vmem>>
      %dma_start3A_276 = tpu.memref_squeeze %dma_start3A_275 : memref<1x128xi32, #tpu.memory_space<vmem>> -> memref<128xi32, #tpu.memory_space<vmem>>
      %dma_start3A_277 = arith.constant 0 : i32
      %dma_start3A_278 = arith.constant 0 : i32
      %dma_start3A_279 = tpu.memref_slice %arg10[%dma_start3A_277, %dma_start3A_278] : memref<10112x16xf32, #tpu.memory_space<vmem_shared>> -> memref<10112x16xf32, #tpu.memory_space<vmem_shared>>
      tpu.enqueue_indirect_dma source(%dma_start3A_273 : memref<128x16xf32, #tpu.memory_space<vmem>>) target(%dma_start3A_279 : memref<10112x16xf32, #tpu.memory_space<vmem_shared>>) offsets(%dma_start3A_276 : memref<128xi32, #tpu.memory_space<vmem>>) semaphore(%arg13 : memref<!tpu.dma_semaphore, #tpu.memory_space<semaphore_mem>>) {add = true}
      %mul3A_280 = arith.constant 4 : i32
      %mul3A_281 = arith.muli %mul3A_131, %mul3A_280 : i32
      %add3A_282 = arith.constant 1 : i32
      %add3A_283 = arith.addi %mul3A_281, %add3A_282 : i32
      %dma_start3A_284 = arith.constant 0 : i32
      %dma_start3A_285 = arith.constant 1 : i32
      %dma_start3A_286 = arith.constant 0 : i32
      %dma_start3A_287 = arith.constant 0 : i32
      %dma_start3A_288 = tpu.memref_slice %arg8[%dma_start3A_284, %dma_start3A_285, %dma_start3A_286, %dma_start3A_287] : memref<2x4x128x16xf32, #tpu.memory_space<vmem>> -> memref<1x1x128x16xf32, #tpu.memory_space<vmem>>
      %dma_start3A_289 = tpu.memref_squeeze %dma_start3A_288 : memref<1x1x128x16xf32, #tpu.memory_space<vmem>> -> memref<128x16xf32, #tpu.memory_space<vmem>>
      %dma_start3A_290 = arith.constant 0 : i32
      %dma_start3A_291 = tpu.memref_slice %arg7[%add3A_283, %dma_start3A_290] : memref<80x128xi32, #tpu.memory_space<vmem>> -> memref<1x128xi32, #tpu.memory_space<vmem>>
      %dma_start3A_292 = tpu.memref_squeeze %dma_start3A_291 : memref<1x128xi32, #tpu.memory_space<vmem>> -> memref<128xi32, #tpu.memory_space<vmem>>
      %dma_start3A_293 = arith.constant 0 : i32
      %dma_start3A_294 = arith.constant 0 : i32
      %dma_start3A_295 = tpu.memref_slice %arg10[%dma_start3A_293, %dma_start3A_294] : memref<10112x16xf32, #tpu.memory_space<vmem_shared>> -> memref<10112x16xf32, #tpu.memory_space<vmem_shared>>
      tpu.enqueue_indirect_dma source(%dma_start3A_289 : memref<128x16xf32, #tpu.memory_space<vmem>>) target(%dma_start3A_295 : memref<10112x16xf32, #tpu.memory_space<vmem_shared>>) offsets(%dma_start3A_292 : memref<128xi32, #tpu.memory_space<vmem>>) semaphore(%arg13 : memref<!tpu.dma_semaphore, #tpu.memory_space<semaphore_mem>>) {add = true}
      %mul3A_296 = arith.constant 4 : i32
      %mul3A_297 = arith.muli %mul3A_131, %mul3A_296 : i32
      %add3A_298 = arith.constant 2 : i32
      %add3A_299 = arith.addi %mul3A_297, %add3A_298 : i32
      %dma_start3A_300 = arith.constant 0 : i32
      %dma_start3A_301 = arith.constant 2 : i32
      %dma_start3A_302 = arith.constant 0 : i32
      %dma_start3A_303 = arith.constant 0 : i32
      %dma_start3A_304 = tpu.memref_slice %arg8[%dma_start3A_300, %dma_start3A_301, %dma_start3A_302, %dma_start3A_303] : memref<2x4x128x16xf32, #tpu.memory_space<vmem>> -> memref<1x1x128x16xf32, #tpu.memory_space<vmem>>
      %dma_start3A_305 = tpu.memref_squeeze %dma_start3A_304 : memref<1x1x128x16xf32, #tpu.memory_space<vmem>> -> memref<128x16xf32, #tpu.memory_space<vmem>>
      %dma_start3A_306 = arith.constant 0 : i32
      %dma_start3A_307 = tpu.memref_slice %arg7[%add3A_299, %dma_start3A_306] : memref<80x128xi32, #tpu.memory_space<vmem>> -> memref<1x128xi32, #tpu.memory_space<vmem>>
      %dma_start3A_308 = tpu.memref_squeeze %dma_start3A_307 : memref<1x128xi32, #tpu.memory_space<vmem>> -> memref<128xi32, #tpu.memory_space<vmem>>
      %dma_start3A_309 = arith.constant 0 : i32
      %dma_start3A_310 = arith.constant 0 : i32
      %dma_start3A_311 = tpu.memref_slice %arg10[%dma_start3A_309, %dma_start3A_310] : memref<10112x16xf32, #tpu.memory_space<vmem_shared>> -> memref<10112x16xf32, #tpu.memory_space<vmem_shared>>
      tpu.enqueue_indirect_dma source(%dma_start3A_305 : memref<128x16xf32, #tpu.memory_space<vmem>>) target(%dma_start3A_311 : memref<10112x16xf32, #tpu.memory_space<vmem_shared>>) offsets(%dma_start3A_308 : memref<128xi32, #tpu.memory_space<vmem>>) semaphore(%arg13 : memref<!tpu.dma_semaphore, #tpu.memory_space<semaphore_mem>>) {add = true}
      %mul3A_312 = arith.constant 4 : i32
      %mul3A_313 = arith.muli %mul3A_131, %mul3A_312 : i32
      %add3A_314 = arith.constant 3 : i32
      %add3A_315 = arith.addi %mul3A_313, %add3A_314 : i32
      %dma_start3A_316 = arith.constant 0 : i32
      %dma_start3A_317 = arith.constant 3 : i32
      %dma_start3A_318 = arith.constant 0 : i32
      %dma_start3A_319 = arith.constant 0 : i32
      %dma_start3A_320 = tpu.memref_slice %arg8[%dma_start3A_316, %dma_start3A_317, %dma_start3A_318, %dma_start3A_319] : memref<2x4x128x16xf32, #tpu.memory_space<vmem>> -> memref<1x1x128x16xf32, #tpu.memory_space<vmem>>
      %dma_start3A_321 = tpu.memref_squeeze %dma_start3A_320 : memref<1x1x128x16xf32, #tpu.memory_space<vmem>> -> memref<128x16xf32, #tpu.memory_space<vmem>>
      %dma_start3A_322 = arith.constant 0 : i32
      %dma_start3A_323 = tpu.memref_slice %arg7[%add3A_315, %dma_start3A_322] : memref<80x128xi32, #tpu.memory_space<vmem>> -> memref<1x128xi32, #tpu.memory_space<vmem>>
      %dma_start3A_324 = tpu.memref_squeeze %dma_start3A_323 : memref<1x128xi32, #tpu.memory_space<vmem>> -> memref<128xi32, #tpu.memory_space<vmem>>
      %dma_start3A_325 = arith.constant 0 : i32
      %dma_start3A_326 = arith.constant 0 : i32
      %dma_start3A_327 = tpu.memref_slice %arg10[%dma_start3A_325, %dma_start3A_326] : memref<10112x16xf32, #tpu.memory_space<vmem_shared>> -> memref<10112x16xf32, #tpu.memory_space<vmem_shared>>
      tpu.enqueue_indirect_dma source(%dma_start3A_321 : memref<128x16xf32, #tpu.memory_space<vmem>>) target(%dma_start3A_327 : memref<10112x16xf32, #tpu.memory_space<vmem_shared>>) offsets(%dma_start3A_324 : memref<128xi32, #tpu.memory_space<vmem>>) semaphore(%arg13 : memref<!tpu.dma_semaphore, #tpu.memory_space<semaphore_mem>>) {add = true}
      %mul3A_328 = arith.constant 4 : i32
      %mul3A_329 = arith.muli %add3A_135, %mul3A_328 : i32
      %add3A_330 = arith.constant 0 : i32
      %add3A_331 = arith.addi %mul3A_329, %add3A_330 : i32
      %dma_wait3A_332 = arith.constant 1 : i32
      %dma_wait3A_333 = arith.constant 0 : i32
      %dma_wait3A_334 = arith.constant 0 : i32
      %dma_wait3A_335 = arith.constant 0 : i32
      %dma_wait3A_336 = tpu.memref_slice %arg8[%dma_wait3A_332, %dma_wait3A_333, %dma_wait3A_334, %dma_wait3A_335] : memref<2x4x128x16xf32, #tpu.memory_space<vmem>> -> memref<1x1x128x16xf32, #tpu.memory_space<vmem>>
      %dma_wait3A_337 = tpu.memref_squeeze %dma_wait3A_336 : memref<1x1x128x16xf32, #tpu.memory_space<vmem>> -> memref<128x16xf32, #tpu.memory_space<vmem>>
      %dma_wait3A_338 = arith.constant 0 : i32
      %dma_wait3A_339 = tpu.memref_slice %arg6[%add3A_331, %dma_wait3A_338] : memref<84x128xi32, #tpu.memory_space<vmem>> -> memref<1x128xi32, #tpu.memory_space<vmem>>
      %dma_wait3A_340 = tpu.memref_squeeze %dma_wait3A_339 : memref<1x128xi32, #tpu.memory_space<vmem>> -> memref<128xi32, #tpu.memory_space<vmem>>
      %dma_wait3A_341 = arith.constant 0 : i32
      %dma_wait3A_342 = arith.constant 0 : i32
      %dma_wait3A_343 = tpu.memref_slice %arg9[%dma_wait3A_341, %dma_wait3A_342] : memref<10112x16xf32, #tpu.memory_space<vmem_shared>> -> memref<10112x16xf32, #tpu.memory_space<vmem_shared>>
      tpu.wait_indirect_dma semaphore(%arg12 : memref<!tpu.dma_semaphore, #tpu.memory_space<semaphore_mem>>) src(%dma_wait3A_343 : memref<10112x16xf32, #tpu.memory_space<vmem_shared>>) dst(%dma_wait3A_337 : memref<128x16xf32, #tpu.memory_space<vmem>>)
      %mul3A_344 = arith.constant 4 : i32
      %mul3A_345 = arith.muli %add3A_135, %mul3A_344 : i32
      %add3A_346 = arith.constant 1 : i32
      %add3A_347 = arith.addi %mul3A_345, %add3A_346 : i32
      %dma_wait3A_348 = arith.constant 1 : i32
      %dma_wait3A_349 = arith.constant 1 : i32
      %dma_wait3A_350 = arith.constant 0 : i32
      %dma_wait3A_351 = arith.constant 0 : i32
      %dma_wait3A_352 = tpu.memref_slice %arg8[%dma_wait3A_348, %dma_wait3A_349, %dma_wait3A_350, %dma_wait3A_351] : memref<2x4x128x16xf32, #tpu.memory_space<vmem>> -> memref<1x1x128x16xf32, #tpu.memory_space<vmem>>
      %dma_wait3A_353 = tpu.memref_squeeze %dma_wait3A_352 : memref<1x1x128x16xf32, #tpu.memory_space<vmem>> -> memref<128x16xf32, #tpu.memory_space<vmem>>
      %dma_wait3A_354 = arith.constant 0 : i32
      %dma_wait3A_355 = tpu.memref_slice %arg6[%add3A_347, %dma_wait3A_354] : memref<84x128xi32, #tpu.memory_space<vmem>> -> memref<1x128xi32, #tpu.memory_space<vmem>>
      %dma_wait3A_356 = tpu.memref_squeeze %dma_wait3A_355 : memref<1x128xi32, #tpu.memory_space<vmem>> -> memref<128xi32, #tpu.memory_space<vmem>>
      %dma_wait3A_357 = arith.constant 0 : i32
      %dma_wait3A_358 = arith.constant 0 : i32
      %dma_wait3A_359 = tpu.memref_slice %arg9[%dma_wait3A_357, %dma_wait3A_358] : memref<10112x16xf32, #tpu.memory_space<vmem_shared>> -> memref<10112x16xf32, #tpu.memory_space<vmem_shared>>
      tpu.wait_indirect_dma semaphore(%arg12 : memref<!tpu.dma_semaphore, #tpu.memory_space<semaphore_mem>>) src(%dma_wait3A_359 : memref<10112x16xf32, #tpu.memory_space<vmem_shared>>) dst(%dma_wait3A_353 : memref<128x16xf32, #tpu.memory_space<vmem>>)
      %mul3A_360 = arith.constant 4 : i32
      %mul3A_361 = arith.muli %add3A_135, %mul3A_360 : i32
      %add3A_362 = arith.constant 2 : i32
      %add3A_363 = arith.addi %mul3A_361, %add3A_362 : i32
      %dma_wait3A_364 = arith.constant 1 : i32
      %dma_wait3A_365 = arith.constant 2 : i32
      %dma_wait3A_366 = arith.constant 0 : i32
      %dma_wait3A_367 = arith.constant 0 : i32
      %dma_wait3A_368 = tpu.memref_slice %arg8[%dma_wait3A_364, %dma_wait3A_365, %dma_wait3A_366, %dma_wait3A_367] : memref<2x4x128x16xf32, #tpu.memory_space<vmem>> -> memref<1x1x128x16xf32, #tpu.memory_space<vmem>>
      %dma_wait3A_369 = tpu.memref_squeeze %dma_wait3A_368 : memref<1x1x128x16xf32, #tpu.memory_space<vmem>> -> memref<128x16xf32, #tpu.memory_space<vmem>>
      %dma_wait3A_370 = arith.constant 0 : i32
      %dma_wait3A_371 = tpu.memref_slice %arg6[%add3A_363, %dma_wait3A_370] : memref<84x128xi32, #tpu.memory_space<vmem>> -> memref<1x128xi32, #tpu.memory_space<vmem>>
      %dma_wait3A_372 = tpu.memref_squeeze %dma_wait3A_371 : memref<1x128xi32, #tpu.memory_space<vmem>> -> memref<128xi32, #tpu.memory_space<vmem>>
      %dma_wait3A_373 = arith.constant 0 : i32
      %dma_wait3A_374 = arith.constant 0 : i32
      %dma_wait3A_375 = tpu.memref_slice %arg9[%dma_wait3A_373, %dma_wait3A_374] : memref<10112x16xf32, #tpu.memory_space<vmem_shared>> -> memref<10112x16xf32, #tpu.memory_space<vmem_shared>>
      tpu.wait_indirect_dma semaphore(%arg12 : memref<!tpu.dma_semaphore, #tpu.memory_space<semaphore_mem>>) src(%dma_wait3A_375 : memref<10112x16xf32, #tpu.memory_space<vmem_shared>>) dst(%dma_wait3A_369 : memref<128x16xf32, #tpu.memory_space<vmem>>)
      %mul3A_376 = arith.constant 4 : i32
      %mul3A_377 = arith.muli %add3A_135, %mul3A_376 : i32
      %add3A_378 = arith.constant 3 : i32
      %add3A_379 = arith.addi %mul3A_377, %add3A_378 : i32
      %dma_wait3A_380 = arith.constant 1 : i32
      %dma_wait3A_381 = arith.constant 3 : i32
      %dma_wait3A_382 = arith.constant 0 : i32
      %dma_wait3A_383 = arith.constant 0 : i32
      %dma_wait3A_384 = tpu.memref_slice %arg8[%dma_wait3A_380, %dma_wait3A_381, %dma_wait3A_382, %dma_wait3A_383] : memref<2x4x128x16xf32, #tpu.memory_space<vmem>> -> memref<1x1x128x16xf32, #tpu.memory_space<vmem>>
      %dma_wait3A_385 = tpu.memref_squeeze %dma_wait3A_384 : memref<1x1x128x16xf32, #tpu.memory_space<vmem>> -> memref<128x16xf32, #tpu.memory_space<vmem>>
      %dma_wait3A_386 = arith.constant 0 : i32
      %dma_wait3A_387 = tpu.memref_slice %arg6[%add3A_379, %dma_wait3A_386] : memref<84x128xi32, #tpu.memory_space<vmem>> -> memref<1x128xi32, #tpu.memory_space<vmem>>
      %dma_wait3A_388 = tpu.memref_squeeze %dma_wait3A_387 : memref<1x128xi32, #tpu.memory_space<vmem>> -> memref<128xi32, #tpu.memory_space<vmem>>
      %dma_wait3A_389 = arith.constant 0 : i32
      %dma_wait3A_390 = arith.constant 0 : i32
      %dma_wait3A_391 = tpu.memref_slice %arg9[%dma_wait3A_389, %dma_wait3A_390] : memref<10112x16xf32, #tpu.memory_space<vmem_shared>> -> memref<10112x16xf32, #tpu.memory_space<vmem_shared>>
      tpu.wait_indirect_dma semaphore(%arg12 : memref<!tpu.dma_semaphore, #tpu.memory_space<semaphore_mem>>) src(%dma_wait3A_391 : memref<10112x16xf32, #tpu.memory_space<vmem_shared>>) dst(%dma_wait3A_385 : memref<128x16xf32, #tpu.memory_space<vmem>>)
      %mul3A_392 = arith.constant 4 : i32
      %mul3A_393 = arith.muli %mul3A_131, %mul3A_392 : i32
      %add3A_394 = arith.constant 0 : i32
      %add3A_395 = arith.addi %mul3A_393, %add3A_394 : i32
      %dma_wait3A_396 = arith.constant 0 : i32
      %dma_wait3A_397 = arith.constant 0 : i32
      %dma_wait3A_398 = arith.constant 0 : i32
      %dma_wait3A_399 = arith.constant 0 : i32
      %dma_wait3A_400 = tpu.memref_slice %arg8[%dma_wait3A_396, %dma_wait3A_397, %dma_wait3A_398, %dma_wait3A_399] : memref<2x4x128x16xf32, #tpu.memory_space<vmem>> -> memref<1x1x128x16xf32, #tpu.memory_space<vmem>>
      %dma_wait3A_401 = tpu.memref_squeeze %dma_wait3A_400 : memref<1x1x128x16xf32, #tpu.memory_space<vmem>> -> memref<128x16xf32, #tpu.memory_space<vmem>>
      %dma_wait3A_402 = arith.constant 0 : i32
      %dma_wait3A_403 = tpu.memref_slice %arg7[%add3A_395, %dma_wait3A_402] : memref<80x128xi32, #tpu.memory_space<vmem>> -> memref<1x128xi32, #tpu.memory_space<vmem>>
      %dma_wait3A_404 = tpu.memref_squeeze %dma_wait3A_403 : memref<1x128xi32, #tpu.memory_space<vmem>> -> memref<128xi32, #tpu.memory_space<vmem>>
      %dma_wait3A_405 = arith.constant 0 : i32
      %dma_wait3A_406 = arith.constant 0 : i32
      %dma_wait3A_407 = tpu.memref_slice %arg10[%dma_wait3A_405, %dma_wait3A_406] : memref<10112x16xf32, #tpu.memory_space<vmem_shared>> -> memref<10112x16xf32, #tpu.memory_space<vmem_shared>>
      tpu.wait_indirect_dma semaphore(%arg13 : memref<!tpu.dma_semaphore, #tpu.memory_space<semaphore_mem>>) src(%dma_wait3A_401 : memref<128x16xf32, #tpu.memory_space<vmem>>) dst(%dma_wait3A_407 : memref<10112x16xf32, #tpu.memory_space<vmem_shared>>)
      %mul3A_408 = arith.constant 4 : i32
      %mul3A_409 = arith.muli %mul3A_131, %mul3A_408 : i32
      %add3A_410 = arith.constant 1 : i32
      %add3A_411 = arith.addi %mul3A_409, %add3A_410 : i32
      %dma_wait3A_412 = arith.constant 0 : i32
      %dma_wait3A_413 = arith.constant 1 : i32
      %dma_wait3A_414 = arith.constant 0 : i32
      %dma_wait3A_415 = arith.constant 0 : i32
      %dma_wait3A_416 = tpu.memref_slice %arg8[%dma_wait3A_412, %dma_wait3A_413, %dma_wait3A_414, %dma_wait3A_415] : memref<2x4x128x16xf32, #tpu.memory_space<vmem>> -> memref<1x1x128x16xf32, #tpu.memory_space<vmem>>
      %dma_wait3A_417 = tpu.memref_squeeze %dma_wait3A_416 : memref<1x1x128x16xf32, #tpu.memory_space<vmem>> -> memref<128x16xf32, #tpu.memory_space<vmem>>
      %dma_wait3A_418 = arith.constant 0 : i32
      %dma_wait3A_419 = tpu.memref_slice %arg7[%add3A_411, %dma_wait3A_418] : memref<80x128xi32, #tpu.memory_space<vmem>> -> memref<1x128xi32, #tpu.memory_space<vmem>>
      %dma_wait3A_420 = tpu.memref_squeeze %dma_wait3A_419 : memref<1x128xi32, #tpu.memory_space<vmem>> -> memref<128xi32, #tpu.memory_space<vmem>>
      %dma_wait3A_421 = arith.constant 0 : i32
      %dma_wait3A_422 = arith.constant 0 : i32
      %dma_wait3A_423 = tpu.memref_slice %arg10[%dma_wait3A_421, %dma_wait3A_422] : memref<10112x16xf32, #tpu.memory_space<vmem_shared>> -> memref<10112x16xf32, #tpu.memory_space<vmem_shared>>
      tpu.wait_indirect_dma semaphore(%arg13 : memref<!tpu.dma_semaphore, #tpu.memory_space<semaphore_mem>>) src(%dma_wait3A_417 : memref<128x16xf32, #tpu.memory_space<vmem>>) dst(%dma_wait3A_423 : memref<10112x16xf32, #tpu.memory_space<vmem_shared>>)
      %mul3A_424 = arith.constant 4 : i32
      %mul3A_425 = arith.muli %mul3A_131, %mul3A_424 : i32
      %add3A_426 = arith.constant 2 : i32
      %add3A_427 = arith.addi %mul3A_425, %add3A_426 : i32
      %dma_wait3A_428 = arith.constant 0 : i32
      %dma_wait3A_429 = arith.constant 2 : i32
      %dma_wait3A_430 = arith.constant 0 : i32
      %dma_wait3A_431 = arith.constant 0 : i32
      %dma_wait3A_432 = tpu.memref_slice %arg8[%dma_wait3A_428, %dma_wait3A_429, %dma_wait3A_430, %dma_wait3A_431] : memref<2x4x128x16xf32, #tpu.memory_space<vmem>> -> memref<1x1x128x16xf32, #tpu.memory_space<vmem>>
      %dma_wait3A_433 = tpu.memref_squeeze %dma_wait3A_432 : memref<1x1x128x16xf32, #tpu.memory_space<vmem>> -> memref<128x16xf32, #tpu.memory_space<vmem>>
      %dma_wait3A_434 = arith.constant 0 : i32
      %dma_wait3A_435 = tpu.memref_slice %arg7[%add3A_427, %dma_wait3A_434] : memref<80x128xi32, #tpu.memory_space<vmem>> -> memref<1x128xi32, #tpu.memory_space<vmem>>
      %dma_wait3A_436 = tpu.memref_squeeze %dma_wait3A_435 : memref<1x128xi32, #tpu.memory_space<vmem>> -> memref<128xi32, #tpu.memory_space<vmem>>
      %dma_wait3A_437 = arith.constant 0 : i32
      %dma_wait3A_438 = arith.constant 0 : i32
      %dma_wait3A_439 = tpu.memref_slice %arg10[%dma_wait3A_437, %dma_wait3A_438] : memref<10112x16xf32, #tpu.memory_space<vmem_shared>> -> memref<10112x16xf32, #tpu.memory_space<vmem_shared>>
      tpu.wait_indirect_dma semaphore(%arg13 : memref<!tpu.dma_semaphore, #tpu.memory_space<semaphore_mem>>) src(%dma_wait3A_433 : memref<128x16xf32, #tpu.memory_space<vmem>>) dst(%dma_wait3A_439 : memref<10112x16xf32, #tpu.memory_space<vmem_shared>>)
      %mul3A_440 = arith.constant 4 : i32
      %mul3A_441 = arith.muli %mul3A_131, %mul3A_440 : i32
      %add3A_442 = arith.constant 3 : i32
      %add3A_443 = arith.addi %mul3A_441, %add3A_442 : i32
      %dma_wait3A_444 = arith.constant 0 : i32
      %dma_wait3A_445 = arith.constant 3 : i32
      %dma_wait3A_446 = arith.constant 0 : i32
      %dma_wait3A_447 = arith.constant 0 : i32
      %dma_wait3A_448 = tpu.memref_slice %arg8[%dma_wait3A_444, %dma_wait3A_445, %dma_wait3A_446, %dma_wait3A_447] : memref<2x4x128x16xf32, #tpu.memory_space<vmem>> -> memref<1x1x128x16xf32, #tpu.memory_space<vmem>>
      %dma_wait3A_449 = tpu.memref_squeeze %dma_wait3A_448 : memref<1x1x128x16xf32, #tpu.memory_space<vmem>> -> memref<128x16xf32, #tpu.memory_space<vmem>>
      %dma_wait3A_450 = arith.constant 0 : i32
      %dma_wait3A_451 = tpu.memref_slice %arg7[%add3A_443, %dma_wait3A_450] : memref<80x128xi32, #tpu.memory_space<vmem>> -> memref<1x128xi32, #tpu.memory_space<vmem>>
      %dma_wait3A_452 = tpu.memref_squeeze %dma_wait3A_451 : memref<1x128xi32, #tpu.memory_space<vmem>> -> memref<128xi32, #tpu.memory_space<vmem>>
      %dma_wait3A_453 = arith.constant 0 : i32
      %dma_wait3A_454 = arith.constant 0 : i32
      %dma_wait3A_455 = tpu.memref_slice %arg10[%dma_wait3A_453, %dma_wait3A_454] : memref<10112x16xf32, #tpu.memory_space<vmem_shared>> -> memref<10112x16xf32, #tpu.memory_space<vmem_shared>>
      tpu.wait_indirect_dma semaphore(%arg13 : memref<!tpu.dma_semaphore, #tpu.memory_space<semaphore_mem>>) src(%dma_wait3A_449 : memref<128x16xf32, #tpu.memory_space<vmem>>) dst(%dma_wait3A_455 : memref<10112x16xf32, #tpu.memory_space<vmem_shared>>)
      %add3A_456 = arith.constant 2 : i32
      %add3A_457 = arith.addi %mul3A_131, %add3A_456 : i32
      %mul3A_458 = arith.constant 4 : i32
      %mul3A_459 = arith.muli %add3A_457, %mul3A_458 : i32
      %add3A_460 = arith.constant 0 : i32
      %add3A_461 = arith.addi %mul3A_459, %add3A_460 : i32
      %dma_start3A_462 = arith.constant 0 : i32
      %dma_start3A_463 = arith.constant 0 : i32
      %dma_start3A_464 = arith.constant 0 : i32
      %dma_start3A_465 = arith.constant 0 : i32
      %dma_start3A_466 = tpu.memref_slice %arg8[%dma_start3A_462, %dma_start3A_463, %dma_start3A_464, %dma_start3A_465] : memref<2x4x128x16xf32, #tpu.memory_space<vmem>> -> memref<1x1x128x16xf32, #tpu.memory_space<vmem>>
      %dma_start3A_467 = tpu.memref_squeeze %dma_start3A_466 : memref<1x1x128x16xf32, #tpu.memory_space<vmem>> -> memref<128x16xf32, #tpu.memory_space<vmem>>
      %dma_start3A_468 = arith.constant 0 : i32
      %dma_start3A_469 = tpu.memref_slice %arg6[%add3A_461, %dma_start3A_468] : memref<84x128xi32, #tpu.memory_space<vmem>> -> memref<1x128xi32, #tpu.memory_space<vmem>>
      %dma_start3A_470 = tpu.memref_squeeze %dma_start3A_469 : memref<1x128xi32, #tpu.memory_space<vmem>> -> memref<128xi32, #tpu.memory_space<vmem>>
      %dma_start3A_471 = arith.constant 0 : i32
      %dma_start3A_472 = arith.constant 0 : i32
      %dma_start3A_473 = tpu.memref_slice %arg9[%dma_start3A_471, %dma_start3A_472] : memref<10112x16xf32, #tpu.memory_space<vmem_shared>> -> memref<10112x16xf32, #tpu.memory_space<vmem_shared>>
      tpu.enqueue_indirect_dma source(%dma_start3A_473 : memref<10112x16xf32, #tpu.memory_space<vmem_shared>>) target(%dma_start3A_467 : memref<128x16xf32, #tpu.memory_space<vmem>>) offsets(%dma_start3A_470 : memref<128xi32, #tpu.memory_space<vmem>>) semaphore(%arg11 : memref<!tpu.dma_semaphore, #tpu.memory_space<semaphore_mem>>)
      %add3A_474 = arith.constant 2 : i32
      %add3A_475 = arith.addi %mul3A_131, %add3A_474 : i32
      %mul3A_476 = arith.constant 4 : i32
      %mul3A_477 = arith.muli %add3A_475, %mul3A_476 : i32
      %add3A_478 = arith.constant 1 : i32
      %add3A_479 = arith.addi %mul3A_477, %add3A_478 : i32
      %dma_start3A_480 = arith.constant 0 : i32
      %dma_start3A_481 = arith.constant 1 : i32
      %dma_start3A_482 = arith.constant 0 : i32
      %dma_start3A_483 = arith.constant 0 : i32
      %dma_start3A_484 = tpu.memref_slice %arg8[%dma_start3A_480, %dma_start3A_481, %dma_start3A_482, %dma_start3A_483] : memref<2x4x128x16xf32, #tpu.memory_space<vmem>> -> memref<1x1x128x16xf32, #tpu.memory_space<vmem>>
      %dma_start3A_485 = tpu.memref_squeeze %dma_start3A_484 : memref<1x1x128x16xf32, #tpu.memory_space<vmem>> -> memref<128x16xf32, #tpu.memory_space<vmem>>
      %dma_start3A_486 = arith.constant 0 : i32
      %dma_start3A_487 = tpu.memref_slice %arg6[%add3A_479, %dma_start3A_486] : memref<84x128xi32, #tpu.memory_space<vmem>> -> memref<1x128xi32, #tpu.memory_space<vmem>>
      %dma_start3A_488 = tpu.memref_squeeze %dma_start3A_487 : memref<1x128xi32, #tpu.memory_space<vmem>> -> memref<128xi32, #tpu.memory_space<vmem>>
      %dma_start3A_489 = arith.constant 0 : i32
      %dma_start3A_490 = arith.constant 0 : i32
      %dma_start3A_491 = tpu.memref_slice %arg9[%dma_start3A_489, %dma_start3A_490] : memref<10112x16xf32, #tpu.memory_space<vmem_shared>> -> memref<10112x16xf32, #tpu.memory_space<vmem_shared>>
      tpu.enqueue_indirect_dma source(%dma_start3A_491 : memref<10112x16xf32, #tpu.memory_space<vmem_shared>>) target(%dma_start3A_485 : memref<128x16xf32, #tpu.memory_space<vmem>>) offsets(%dma_start3A_488 : memref<128xi32, #tpu.memory_space<vmem>>) semaphore(%arg11 : memref<!tpu.dma_semaphore, #tpu.memory_space<semaphore_mem>>)
      %add3A_492 = arith.constant 2 : i32
      %add3A_493 = arith.addi %mul3A_131, %add3A_492 : i32
      %mul3A_494 = arith.constant 4 : i32
      %mul3A_495 = arith.muli %add3A_493, %mul3A_494 : i32
      %add3A_496 = arith.constant 2 : i32
      %add3A_497 = arith.addi %mul3A_495, %add3A_496 : i32
      %dma_start3A_498 = arith.constant 0 : i32
      %dma_start3A_499 = arith.constant 2 : i32
      %dma_start3A_500 = arith.constant 0 : i32
      %dma_start3A_501 = arith.constant 0 : i32
      %dma_start3A_502 = tpu.memref_slice %arg8[%dma_start3A_498, %dma_start3A_499, %dma_start3A_500, %dma_start3A_501] : memref<2x4x128x16xf32, #tpu.memory_space<vmem>> -> memref<1x1x128x16xf32, #tpu.memory_space<vmem>>
      %dma_start3A_503 = tpu.memref_squeeze %dma_start3A_502 : memref<1x1x128x16xf32, #tpu.memory_space<vmem>> -> memref<128x16xf32, #tpu.memory_space<vmem>>
      %dma_start3A_504 = arith.constant 0 : i32
      %dma_start3A_505 = tpu.memref_slice %arg6[%add3A_497, %dma_start3A_504] : memref<84x128xi32, #tpu.memory_space<vmem>> -> memref<1x128xi32, #tpu.memory_space<vmem>>
      %dma_start3A_506 = tpu.memref_squeeze %dma_start3A_505 : memref<1x128xi32, #tpu.memory_space<vmem>> -> memref<128xi32, #tpu.memory_space<vmem>>
      %dma_start3A_507 = arith.constant 0 : i32
      %dma_start3A_508 = arith.constant 0 : i32
      %dma_start3A_509 = tpu.memref_slice %arg9[%dma_start3A_507, %dma_start3A_508] : memref<10112x16xf32, #tpu.memory_space<vmem_shared>> -> memref<10112x16xf32, #tpu.memory_space<vmem_shared>>
      tpu.enqueue_indirect_dma source(%dma_start3A_509 : memref<10112x16xf32, #tpu.memory_space<vmem_shared>>) target(%dma_start3A_503 : memref<128x16xf32, #tpu.memory_space<vmem>>) offsets(%dma_start3A_506 : memref<128xi32, #tpu.memory_space<vmem>>) semaphore(%arg11 : memref<!tpu.dma_semaphore, #tpu.memory_space<semaphore_mem>>)
      %add3A_510 = arith.constant 2 : i32
      %add3A_511 = arith.addi %mul3A_131, %add3A_510 : i32
      %mul3A_512 = arith.constant 4 : i32
      %mul3A_513 = arith.muli %add3A_511, %mul3A_512 : i32
      %add3A_514 = arith.constant 3 : i32
      %add3A_515 = arith.addi %mul3A_513, %add3A_514 : i32
      %dma_start3A_516 = arith.constant 0 : i32
      %dma_start3A_517 = arith.constant 3 : i32
      %dma_start3A_518 = arith.constant 0 : i32
      %dma_start3A_519 = arith.constant 0 : i32
      %dma_start3A_520 = tpu.memref_slice %arg8[%dma_start3A_516, %dma_start3A_517, %dma_start3A_518, %dma_start3A_519] : memref<2x4x128x16xf32, #tpu.memory_space<vmem>> -> memref<1x1x128x16xf32, #tpu.memory_space<vmem>>
      %dma_start3A_521 = tpu.memref_squeeze %dma_start3A_520 : memref<1x1x128x16xf32, #tpu.memory_space<vmem>> -> memref<128x16xf32, #tpu.memory_space<vmem>>
      %dma_start3A_522 = arith.constant 0 : i32
      %dma_start3A_523 = tpu.memref_slice %arg6[%add3A_515, %dma_start3A_522] : memref<84x128xi32, #tpu.memory_space<vmem>> -> memref<1x128xi32, #tpu.memory_space<vmem>>
      %dma_start3A_524 = tpu.memref_squeeze %dma_start3A_523 : memref<1x128xi32, #tpu.memory_space<vmem>> -> memref<128xi32, #tpu.memory_space<vmem>>
      %dma_start3A_525 = arith.constant 0 : i32
      %dma_start3A_526 = arith.constant 0 : i32
      %dma_start3A_527 = tpu.memref_slice %arg9[%dma_start3A_525, %dma_start3A_526] : memref<10112x16xf32, #tpu.memory_space<vmem_shared>> -> memref<10112x16xf32, #tpu.memory_space<vmem_shared>>
      tpu.enqueue_indirect_dma source(%dma_start3A_527 : memref<10112x16xf32, #tpu.memory_space<vmem_shared>>) target(%dma_start3A_521 : memref<128x16xf32, #tpu.memory_space<vmem>>) offsets(%dma_start3A_524 : memref<128xi32, #tpu.memory_space<vmem>>) semaphore(%arg11 : memref<!tpu.dma_semaphore, #tpu.memory_space<semaphore_mem>>)
      %mul3A_528 = arith.constant 4 : i32
      %mul3A_529 = arith.muli %add3A_135, %mul3A_528 : i32
      %add3A_530 = arith.constant 0 : i32
      %add3A_531 = arith.addi %mul3A_529, %add3A_530 : i32
      %dma_start3A_532 = arith.constant 1 : i32
      %dma_start3A_533 = arith.constant 0 : i32
      %dma_start3A_534 = arith.constant 0 : i32
      %dma_start3A_535 = arith.constant 0 : i32
      %dma_start3A_536 = tpu.memref_slice %arg8[%dma_start3A_532, %dma_start3A_533, %dma_start3A_534, %dma_start3A_535] : memref<2x4x128x16xf32, #tpu.memory_space<vmem>> -> memref<1x1x128x16xf32, #tpu.memory_space<vmem>>
      %dma_start3A_537 = tpu.memref_squeeze %dma_start3A_536 : memref<1x1x128x16xf32, #tpu.memory_space<vmem>> -> memref<128x16xf32, #tpu.memory_space<vmem>>
      %dma_start3A_538 = arith.constant 0 : i32
      %dma_start3A_539 = tpu.memref_slice %arg7[%add3A_531, %dma_start3A_538] : memref<80x128xi32, #tpu.memory_space<vmem>> -> memref<1x128xi32, #tpu.memory_space<vmem>>
      %dma_start3A_540 = tpu.memref_squeeze %dma_start3A_539 : memref<1x128xi32, #tpu.memory_space<vmem>> -> memref<128xi32, #tpu.memory_space<vmem>>
      %dma_start3A_541 = arith.constant 0 : i32
      %dma_start3A_542 = arith.constant 0 : i32
      %dma_start3A_543 = tpu.memref_slice %arg10[%dma_start3A_541, %dma_start3A_542] : memref<10112x16xf32, #tpu.memory_space<vmem_shared>> -> memref<10112x16xf32, #tpu.memory_space<vmem_shared>>
      tpu.enqueue_indirect_dma source(%dma_start3A_537 : memref<128x16xf32, #tpu.memory_space<vmem>>) target(%dma_start3A_543 : memref<10112x16xf32, #tpu.memory_space<vmem_shared>>) offsets(%dma_start3A_540 : memref<128xi32, #tpu.memory_space<vmem>>) semaphore(%arg14 : memref<!tpu.dma_semaphore, #tpu.memory_space<semaphore_mem>>) {add = true}
      %mul3A_544 = arith.constant 4 : i32
      %mul3A_545 = arith.muli %add3A_135, %mul3A_544 : i32
      %add3A_546 = arith.constant 1 : i32
      %add3A_547 = arith.addi %mul3A_545, %add3A_546 : i32
      %dma_start3A_548 = arith.constant 1 : i32
      %dma_start3A_549 = arith.constant 1 : i32
      %dma_start3A_550 = arith.constant 0 : i32
      %dma_start3A_551 = arith.constant 0 : i32
      %dma_start3A_552 = tpu.memref_slice %arg8[%dma_start3A_548, %dma_start3A_549, %dma_start3A_550, %dma_start3A_551] : memref<2x4x128x16xf32, #tpu.memory_space<vmem>> -> memref<1x1x128x16xf32, #tpu.memory_space<vmem>>
      %dma_start3A_553 = tpu.memref_squeeze %dma_start3A_552 : memref<1x1x128x16xf32, #tpu.memory_space<vmem>> -> memref<128x16xf32, #tpu.memory_space<vmem>>
      %dma_start3A_554 = arith.constant 0 : i32
      %dma_start3A_555 = tpu.memref_slice %arg7[%add3A_547, %dma_start3A_554] : memref<80x128xi32, #tpu.memory_space<vmem>> -> memref<1x128xi32, #tpu.memory_space<vmem>>
      %dma_start3A_556 = tpu.memref_squeeze %dma_start3A_555 : memref<1x128xi32, #tpu.memory_space<vmem>> -> memref<128xi32, #tpu.memory_space<vmem>>
      %dma_start3A_557 = arith.constant 0 : i32
      %dma_start3A_558 = arith.constant 0 : i32
      %dma_start3A_559 = tpu.memref_slice %arg10[%dma_start3A_557, %dma_start3A_558] : memref<10112x16xf32, #tpu.memory_space<vmem_shared>> -> memref<10112x16xf32, #tpu.memory_space<vmem_shared>>
      tpu.enqueue_indirect_dma source(%dma_start3A_553 : memref<128x16xf32, #tpu.memory_space<vmem>>) target(%dma_start3A_559 : memref<10112x16xf32, #tpu.memory_space<vmem_shared>>) offsets(%dma_start3A_556 : memref<128xi32, #tpu.memory_space<vmem>>) semaphore(%arg14 : memref<!tpu.dma_semaphore, #tpu.memory_space<semaphore_mem>>) {add = true}
      %mul3A_560 = arith.constant 4 : i32
      %mul3A_561 = arith.muli %add3A_135, %mul3A_560 : i32
      %add3A_562 = arith.constant 2 : i32
      %add3A_563 = arith.addi %mul3A_561, %add3A_562 : i32
      %dma_start3A_564 = arith.constant 1 : i32
      %dma_start3A_565 = arith.constant 2 : i32
      %dma_start3A_566 = arith.constant 0 : i32
      %dma_start3A_567 = arith.constant 0 : i32
      %dma_start3A_568 = tpu.memref_slice %arg8[%dma_start3A_564, %dma_start3A_565, %dma_start3A_566, %dma_start3A_567] : memref<2x4x128x16xf32, #tpu.memory_space<vmem>> -> memref<1x1x128x16xf32, #tpu.memory_space<vmem>>
      %dma_start3A_569 = tpu.memref_squeeze %dma_start3A_568 : memref<1x1x128x16xf32, #tpu.memory_space<vmem>> -> memref<128x16xf32, #tpu.memory_space<vmem>>
      %dma_start3A_570 = arith.constant 0 : i32
      %dma_start3A_571 = tpu.memref_slice %arg7[%add3A_563, %dma_start3A_570] : memref<80x128xi32, #tpu.memory_space<vmem>> -> memref<1x128xi32, #tpu.memory_space<vmem>>
      %dma_start3A_572 = tpu.memref_squeeze %dma_start3A_571 : memref<1x128xi32, #tpu.memory_space<vmem>> -> memref<128xi32, #tpu.memory_space<vmem>>
      %dma_start3A_573 = arith.constant 0 : i32
      %dma_start3A_574 = arith.constant 0 : i32
      %dma_start3A_575 = tpu.memref_slice %arg10[%dma_start3A_573, %dma_start3A_574] : memref<10112x16xf32, #tpu.memory_space<vmem_shared>> -> memref<10112x16xf32, #tpu.memory_space<vmem_shared>>
      tpu.enqueue_indirect_dma source(%dma_start3A_569 : memref<128x16xf32, #tpu.memory_space<vmem>>) target(%dma_start3A_575 : memref<10112x16xf32, #tpu.memory_space<vmem_shared>>) offsets(%dma_start3A_572 : memref<128xi32, #tpu.memory_space<vmem>>) semaphore(%arg14 : memref<!tpu.dma_semaphore, #tpu.memory_space<semaphore_mem>>) {add = true}
      %mul3A_576 = arith.constant 4 : i32
      %mul3A_577 = arith.muli %add3A_135, %mul3A_576 : i32
      %add3A_578 = arith.constant 3 : i32
      %add3A_579 = arith.addi %mul3A_577, %add3A_578 : i32
      %dma_start3A_580 = arith.constant 1 : i32
      %dma_start3A_581 = arith.constant 3 : i32
      %dma_start3A_582 = arith.constant 0 : i32
      %dma_start3A_583 = arith.constant 0 : i32
      %dma_start3A_584 = tpu.memref_slice %arg8[%dma_start3A_580, %dma_start3A_581, %dma_start3A_582, %dma_start3A_583] : memref<2x4x128x16xf32, #tpu.memory_space<vmem>> -> memref<1x1x128x16xf32, #tpu.memory_space<vmem>>
      %dma_start3A_585 = tpu.memref_squeeze %dma_start3A_584 : memref<1x1x128x16xf32, #tpu.memory_space<vmem>> -> memref<128x16xf32, #tpu.memory_space<vmem>>
      %dma_start3A_586 = arith.constant 0 : i32
      %dma_start3A_587 = tpu.memref_slice %arg7[%add3A_579, %dma_start3A_586] : memref<80x128xi32, #tpu.memory_space<vmem>> -> memref<1x128xi32, #tpu.memory_space<vmem>>
      %dma_start3A_588 = tpu.memref_squeeze %dma_start3A_587 : memref<1x128xi32, #tpu.memory_space<vmem>> -> memref<128xi32, #tpu.memory_space<vmem>>
      %dma_start3A_589 = arith.constant 0 : i32
      %dma_start3A_590 = arith.constant 0 : i32
      %dma_start3A_591 = tpu.memref_slice %arg10[%dma_start3A_589, %dma_start3A_590] : memref<10112x16xf32, #tpu.memory_space<vmem_shared>> -> memref<10112x16xf32, #tpu.memory_space<vmem_shared>>
      tpu.enqueue_indirect_dma source(%dma_start3A_585 : memref<128x16xf32, #tpu.memory_space<vmem>>) target(%dma_start3A_591 : memref<10112x16xf32, #tpu.memory_space<vmem_shared>>) offsets(%dma_start3A_588 : memref<128xi32, #tpu.memory_space<vmem>>) semaphore(%arg14 : memref<!tpu.dma_semaphore, #tpu.memory_space<semaphore_mem>>) {add = true}
      %mul3A_592 = arith.constant 4 : i32
      %mul3A_593 = arith.muli %add3A_135, %mul3A_592 : i32
      %add3A_594 = arith.constant 0 : i32
      %add3A_595 = arith.addi %mul3A_593, %add3A_594 : i32
      %dma_wait3A_596 = arith.constant 1 : i32
      %dma_wait3A_597 = arith.constant 0 : i32
      %dma_wait3A_598 = arith.constant 0 : i32
      %dma_wait3A_599 = arith.constant 0 : i32
      %dma_wait3A_600 = tpu.memref_slice %arg8[%dma_wait3A_596, %dma_wait3A_597, %dma_wait3A_598, %dma_wait3A_599] : memref<2x4x128x16xf32, #tpu.memory_space<vmem>> -> memref<1x1x128x16xf32, #tpu.memory_space<vmem>>
      %dma_wait3A_601 = tpu.memref_squeeze %dma_wait3A_600 : memref<1x1x128x16xf32, #tpu.memory_space<vmem>> -> memref<128x16xf32, #tpu.memory_space<vmem>>
      %dma_wait3A_602 = arith.constant 0 : i32
      %dma_wait3A_603 = tpu.memref_slice %arg7[%add3A_595, %dma_wait3A_602] : memref<80x128xi32, #tpu.memory_space<vmem>> -> memref<1x128xi32, #tpu.memory_space<vmem>>
      %dma_wait3A_604 = tpu.memref_squeeze %dma_wait3A_603 : memref<1x128xi32, #tpu.memory_space<vmem>> -> memref<128xi32, #tpu.memory_space<vmem>>
      %dma_wait3A_605 = arith.constant 0 : i32
      %dma_wait3A_606 = arith.constant 0 : i32
      %dma_wait3A_607 = tpu.memref_slice %arg10[%dma_wait3A_605, %dma_wait3A_606] : memref<10112x16xf32, #tpu.memory_space<vmem_shared>> -> memref<10112x16xf32, #tpu.memory_space<vmem_shared>>
      tpu.wait_indirect_dma semaphore(%arg14 : memref<!tpu.dma_semaphore, #tpu.memory_space<semaphore_mem>>) src(%dma_wait3A_601 : memref<128x16xf32, #tpu.memory_space<vmem>>) dst(%dma_wait3A_607 : memref<10112x16xf32, #tpu.memory_space<vmem_shared>>)
      %mul3A_608 = arith.constant 4 : i32
      %mul3A_609 = arith.muli %add3A_135, %mul3A_608 : i32
      %add3A_610 = arith.constant 1 : i32
      %add3A_611 = arith.addi %mul3A_609, %add3A_610 : i32
      %dma_wait3A_612 = arith.constant 1 : i32
      %dma_wait3A_613 = arith.constant 1 : i32
      %dma_wait3A_614 = arith.constant 0 : i32
      %dma_wait3A_615 = arith.constant 0 : i32
      %dma_wait3A_616 = tpu.memref_slice %arg8[%dma_wait3A_612, %dma_wait3A_613, %dma_wait3A_614, %dma_wait3A_615] : memref<2x4x128x16xf32, #tpu.memory_space<vmem>> -> memref<1x1x128x16xf32, #tpu.memory_space<vmem>>
      %dma_wait3A_617 = tpu.memref_squeeze %dma_wait3A_616 : memref<1x1x128x16xf32, #tpu.memory_space<vmem>> -> memref<128x16xf32, #tpu.memory_space<vmem>>
      %dma_wait3A_618 = arith.constant 0 : i32
      %dma_wait3A_619 = tpu.memref_slice %arg7[%add3A_611, %dma_wait3A_618] : memref<80x128xi32, #tpu.memory_space<vmem>> -> memref<1x128xi32, #tpu.memory_space<vmem>>
      %dma_wait3A_620 = tpu.memref_squeeze %dma_wait3A_619 : memref<1x128xi32, #tpu.memory_space<vmem>> -> memref<128xi32, #tpu.memory_space<vmem>>
      %dma_wait3A_621 = arith.constant 0 : i32
      %dma_wait3A_622 = arith.constant 0 : i32
      %dma_wait3A_623 = tpu.memref_slice %arg10[%dma_wait3A_621, %dma_wait3A_622] : memref<10112x16xf32, #tpu.memory_space<vmem_shared>> -> memref<10112x16xf32, #tpu.memory_space<vmem_shared>>
      tpu.wait_indirect_dma semaphore(%arg14 : memref<!tpu.dma_semaphore, #tpu.memory_space<semaphore_mem>>) src(%dma_wait3A_617 : memref<128x16xf32, #tpu.memory_space<vmem>>) dst(%dma_wait3A_623 : memref<10112x16xf32, #tpu.memory_space<vmem_shared>>)
      %mul3A_624 = arith.constant 4 : i32
      %mul3A_625 = arith.muli %add3A_135, %mul3A_624 : i32
      %add3A_626 = arith.constant 2 : i32
      %add3A_627 = arith.addi %mul3A_625, %add3A_626 : i32
      %dma_wait3A_628 = arith.constant 1 : i32
      %dma_wait3A_629 = arith.constant 2 : i32
      %dma_wait3A_630 = arith.constant 0 : i32
      %dma_wait3A_631 = arith.constant 0 : i32
      %dma_wait3A_632 = tpu.memref_slice %arg8[%dma_wait3A_628, %dma_wait3A_629, %dma_wait3A_630, %dma_wait3A_631] : memref<2x4x128x16xf32, #tpu.memory_space<vmem>> -> memref<1x1x128x16xf32, #tpu.memory_space<vmem>>
      %dma_wait3A_633 = tpu.memref_squeeze %dma_wait3A_632 : memref<1x1x128x16xf32, #tpu.memory_space<vmem>> -> memref<128x16xf32, #tpu.memory_space<vmem>>
      %dma_wait3A_634 = arith.constant 0 : i32
      %dma_wait3A_635 = tpu.memref_slice %arg7[%add3A_627, %dma_wait3A_634] : memref<80x128xi32, #tpu.memory_space<vmem>> -> memref<1x128xi32, #tpu.memory_space<vmem>>
      %dma_wait3A_636 = tpu.memref_squeeze %dma_wait3A_635 : memref<1x128xi32, #tpu.memory_space<vmem>> -> memref<128xi32, #tpu.memory_space<vmem>>
      %dma_wait3A_637 = arith.constant 0 : i32
      %dma_wait3A_638 = arith.constant 0 : i32
      %dma_wait3A_639 = tpu.memref_slice %arg10[%dma_wait3A_637, %dma_wait3A_638] : memref<10112x16xf32, #tpu.memory_space<vmem_shared>> -> memref<10112x16xf32, #tpu.memory_space<vmem_shared>>
      tpu.wait_indirect_dma semaphore(%arg14 : memref<!tpu.dma_semaphore, #tpu.memory_space<semaphore_mem>>) src(%dma_wait3A_633 : memref<128x16xf32, #tpu.memory_space<vmem>>) dst(%dma_wait3A_639 : memref<10112x16xf32, #tpu.memory_space<vmem_shared>>)
      %mul3A_640 = arith.constant 4 : i32
      %mul3A_641 = arith.muli %add3A_135, %mul3A_640 : i32
      %add3A_642 = arith.constant 3 : i32
      %add3A_643 = arith.addi %mul3A_641, %add3A_642 : i32
      %dma_wait3A_644 = arith.constant 1 : i32
      %dma_wait3A_645 = arith.constant 3 : i32
      %dma_wait3A_646 = arith.constant 0 : i32
      %dma_wait3A_647 = arith.constant 0 : i32
      %dma_wait3A_648 = tpu.memref_slice %arg8[%dma_wait3A_644, %dma_wait3A_645, %dma_wait3A_646, %dma_wait3A_647] : memref<2x4x128x16xf32, #tpu.memory_space<vmem>> -> memref<1x1x128x16xf32, #tpu.memory_space<vmem>>
      %dma_wait3A_649 = tpu.memref_squeeze %dma_wait3A_648 : memref<1x1x128x16xf32, #tpu.memory_space<vmem>> -> memref<128x16xf32, #tpu.memory_space<vmem>>
      %dma_wait3A_650 = arith.constant 0 : i32
      %dma_wait3A_651 = tpu.memref_slice %arg7[%add3A_643, %dma_wait3A_650] : memref<80x128xi32, #tpu.memory_space<vmem>> -> memref<1x128xi32, #tpu.memory_space<vmem>>
      %dma_wait3A_652 = tpu.memref_squeeze %dma_wait3A_651 : memref<1x128xi32, #tpu.memory_space<vmem>> -> memref<128xi32, #tpu.memory_space<vmem>>
      %dma_wait3A_653 = arith.constant 0 : i32
      %dma_wait3A_654 = arith.constant 0 : i32
      %dma_wait3A_655 = tpu.memref_slice %arg10[%dma_wait3A_653, %dma_wait3A_654] : memref<10112x16xf32, #tpu.memory_space<vmem_shared>> -> memref<10112x16xf32, #tpu.memory_space<vmem_shared>>
      tpu.wait_indirect_dma semaphore(%arg14 : memref<!tpu.dma_semaphore, #tpu.memory_space<semaphore_mem>>) src(%dma_wait3A_649 : memref<128x16xf32, #tpu.memory_space<vmem>>) dst(%dma_wait3A_655 : memref<10112x16xf32, #tpu.memory_space<vmem_shared>>)
    }
    %scan3A_72 = arith.constant 10 : i32
    %dma_wait3A = arith.constant 80 : i32
    %dma_wait3A_73 = arith.constant 0 : i32
    %dma_wait3A_74 = arith.constant 0 : i32
    %dma_wait3A_75 = arith.constant 0 : i32
    %dma_wait3A_76 = arith.constant 0 : i32
    %dma_wait3A_77 = tpu.memref_slice %arg8[%dma_wait3A_73, %dma_wait3A_74, %dma_wait3A_75, %dma_wait3A_76] : memref<2x4x128x16xf32, #tpu.memory_space<vmem>> -> memref<1x1x128x16xf32, #tpu.memory_space<vmem>>
    %dma_wait3A_78 = tpu.memref_squeeze %dma_wait3A_77 : memref<1x1x128x16xf32, #tpu.memory_space<vmem>> -> memref<128x16xf32, #tpu.memory_space<vmem>>
    %dma_wait3A_79 = arith.constant 0 : i32
    %dma_wait3A_80 = tpu.memref_slice %arg6[%dma_wait3A, %dma_wait3A_79] : memref<84x128xi32, #tpu.memory_space<vmem>> -> memref<1x128xi32, #tpu.memory_space<vmem>>
    %dma_wait3A_81 = tpu.memref_squeeze %dma_wait3A_80 : memref<1x128xi32, #tpu.memory_space<vmem>> -> memref<128xi32, #tpu.memory_space<vmem>>
    %dma_wait3A_82 = arith.constant 0 : i32
    %dma_wait3A_83 = arith.constant 0 : i32
    %dma_wait3A_84 = tpu.memref_slice %arg9[%dma_wait3A_82, %dma_wait3A_83] : memref<10112x16xf32, #tpu.memory_space<vmem_shared>> -> memref<10112x16xf32, #tpu.memory_space<vmem_shared>>
    tpu.wait_indirect_dma semaphore(%arg11 : memref<!tpu.dma_semaphore, #tpu.memory_space<semaphore_mem>>) src(%dma_wait3A_84 : memref<10112x16xf32, #tpu.memory_space<vmem_shared>>) dst(%dma_wait3A_78 : memref<128x16xf32, #tpu.memory_space<vmem>>)
    %dma_wait3A_85 = arith.constant 81 : i32
    %dma_wait3A_86 = arith.constant 0 : i32
    %dma_wait3A_87 = arith.constant 1 : i32
    %dma_wait3A_88 = arith.constant 0 : i32
    %dma_wait3A_89 = arith.constant 0 : i32
    %dma_wait3A_90 = tpu.memref_slice %arg8[%dma_wait3A_86, %dma_wait3A_87, %dma_wait3A_88, %dma_wait3A_89] : memref<2x4x128x16xf32, #tpu.memory_space<vmem>> -> memref<1x1x128x16xf32, #tpu.memory_space<vmem>>
    %dma_wait3A_91 = tpu.memref_squeeze %dma_wait3A_90 : memref<1x1x128x16xf32, #tpu.memory_space<vmem>> -> memref<128x16xf32, #tpu.memory_space<vmem>>
    %dma_wait3A_92 = arith.constant 0 : i32
    %dma_wait3A_93 = tpu.memref_slice %arg6[%dma_wait3A_85, %dma_wait3A_92] : memref<84x128xi32, #tpu.memory_space<vmem>> -> memref<1x128xi32, #tpu.memory_space<vmem>>
    %dma_wait3A_94 = tpu.memref_squeeze %dma_wait3A_93 : memref<1x128xi32, #tpu.memory_space<vmem>> -> memref<128xi32, #tpu.memory_space<vmem>>
    %dma_wait3A_95 = arith.constant 0 : i32
    %dma_wait3A_96 = arith.constant 0 : i32
    %dma_wait3A_97 = tpu.memref_slice %arg9[%dma_wait3A_95, %dma_wait3A_96] : memref<10112x16xf32, #tpu.memory_space<vmem_shared>> -> memref<10112x16xf32, #tpu.memory_space<vmem_shared>>
    tpu.wait_indirect_dma semaphore(%arg11 : memref<!tpu.dma_semaphore, #tpu.memory_space<semaphore_mem>>) src(%dma_wait3A_97 : memref<10112x16xf32, #tpu.memory_space<vmem_shared>>) dst(%dma_wait3A_91 : memref<128x16xf32, #tpu.memory_space<vmem>>)
    %dma_wait3A_98 = arith.constant 82 : i32
    %dma_wait3A_99 = arith.constant 0 : i32
    %dma_wait3A_100 = arith.constant 2 : i32
    %dma_wait3A_101 = arith.constant 0 : i32
    %dma_wait3A_102 = arith.constant 0 : i32
    %dma_wait3A_103 = tpu.memref_slice %arg8[%dma_wait3A_99, %dma_wait3A_100, %dma_wait3A_101, %dma_wait3A_102] : memref<2x4x128x16xf32, #tpu.memory_space<vmem>> -> memref<1x1x128x16xf32, #tpu.memory_space<vmem>>
    %dma_wait3A_104 = tpu.memref_squeeze %dma_wait3A_103 : memref<1x1x128x16xf32, #tpu.memory_space<vmem>> -> memref<128x16xf32, #tpu.memory_space<vmem>>
    %dma_wait3A_105 = arith.constant 0 : i32
    %dma_wait3A_106 = tpu.memref_slice %arg6[%dma_wait3A_98, %dma_wait3A_105] : memref<84x128xi32, #tpu.memory_space<vmem>> -> memref<1x128xi32, #tpu.memory_space<vmem>>
    %dma_wait3A_107 = tpu.memref_squeeze %dma_wait3A_106 : memref<1x128xi32, #tpu.memory_space<vmem>> -> memref<128xi32, #tpu.memory_space<vmem>>
    %dma_wait3A_108 = arith.constant 0 : i32
    %dma_wait3A_109 = arith.constant 0 : i32
    %dma_wait3A_110 = tpu.memref_slice %arg9[%dma_wait3A_108, %dma_wait3A_109] : memref<10112x16xf32, #tpu.memory_space<vmem_shared>> -> memref<10112x16xf32, #tpu.memory_space<vmem_shared>>
    tpu.wait_indirect_dma semaphore(%arg11 : memref<!tpu.dma_semaphore, #tpu.memory_space<semaphore_mem>>) src(%dma_wait3A_110 : memref<10112x16xf32, #tpu.memory_space<vmem_shared>>) dst(%dma_wait3A_104 : memref<128x16xf32, #tpu.memory_space<vmem>>)
    %dma_wait3A_111 = arith.constant 83 : i32
    %dma_wait3A_112 = arith.constant 0 : i32
    %dma_wait3A_113 = arith.constant 3 : i32
    %dma_wait3A_114 = arith.constant 0 : i32
    %dma_wait3A_115 = arith.constant 0 : i32
    %dma_wait3A_116 = tpu.memref_slice %arg8[%dma_wait3A_112, %dma_wait3A_113, %dma_wait3A_114, %dma_wait3A_115] : memref<2x4x128x16xf32, #tpu.memory_space<vmem>> -> memref<1x1x128x16xf32, #tpu.memory_space<vmem>>
    %dma_wait3A_117 = tpu.memref_squeeze %dma_wait3A_116 : memref<1x1x128x16xf32, #tpu.memory_space<vmem>> -> memref<128x16xf32, #tpu.memory_space<vmem>>
    %dma_wait3A_118 = arith.constant 0 : i32
    %dma_wait3A_119 = tpu.memref_slice %arg6[%dma_wait3A_111, %dma_wait3A_118] : memref<84x128xi32, #tpu.memory_space<vmem>> -> memref<1x128xi32, #tpu.memory_space<vmem>>
    %dma_wait3A_120 = tpu.memref_squeeze %dma_wait3A_119 : memref<1x128xi32, #tpu.memory_space<vmem>> -> memref<128xi32, #tpu.memory_space<vmem>>
    %dma_wait3A_121 = arith.constant 0 : i32
    %dma_wait3A_122 = arith.constant 0 : i32
    %dma_wait3A_123 = tpu.memref_slice %arg9[%dma_wait3A_121, %dma_wait3A_122] : memref<10112x16xf32, #tpu.memory_space<vmem_shared>> -> memref<10112x16xf32, #tpu.memory_space<vmem_shared>>
    tpu.wait_indirect_dma semaphore(%arg11 : memref<!tpu.dma_semaphore, #tpu.memory_space<semaphore_mem>>) src(%dma_wait3A_123 : memref<10112x16xf32, #tpu.memory_space<vmem_shared>>) dst(%dma_wait3A_117 : memref<128x16xf32, #tpu.memory_space<vmem>>)
    %barrier3A_124 = arith.constant 0 : index
    tpu.barrier barrier_id(%barrier3A_124)
    %mul3A_125 = arith.constant 632 : i32
    %mul3A_126 = arith.muli %arg1, %mul3A_125 : i32
    %mul3A_127 = arith.constant 632 : i32
    %mul3A_128 = arith.muli %arg1, %mul3A_127 : i32
    "tpu.region"() ({
      %run_scoped3A_129 = tpu.sem_alloc : memref<!tpu.dma_semaphore, #tpu.memory_space<semaphore_mem>>
      %dma_start3A_130 = arith.constant 0 : i32
      %dma_start3A_131 = tpu.memref_slice %arg5[%arg0, %mul3A_128, %dma_start3A_130] : memref<2x10112x16xf32, #tpu.memory_space<hbm>> -> memref<1x632x16xf32, #tpu.memory_space<hbm>>
      %dma_start3A_132 = tpu.memref_squeeze %dma_start3A_131 : memref<1x632x16xf32, #tpu.memory_space<hbm>> -> memref<632x16xf32, #tpu.memory_space<hbm>>
      %dma_start3A_133 = arith.constant 0 : i32
      %dma_start3A_134 = tpu.memref_slice %arg10[%mul3A_126, %dma_start3A_133] : memref<10112x16xf32, #tpu.memory_space<vmem_shared>> -> memref<632x16xf32, #tpu.memory_space<vmem_shared>>
      tpu.enqueue_dma source(%dma_start3A_134 : memref<632x16xf32, #tpu.memory_space<vmem_shared>>) target(%dma_start3A_132 : memref<632x16xf32, #tpu.memory_space<hbm>>) target_semaphore(%run_scoped3A_129 : memref<!tpu.dma_semaphore, #tpu.memory_space<semaphore_mem>>)
      %dma_wait3A_135 = arith.constant 0 : i32
      %dma_wait3A_136 = tpu.memref_slice %arg5[%arg0, %mul3A_128, %dma_wait3A_135] : memref<2x10112x16xf32, #tpu.memory_space<hbm>> -> memref<1x632x16xf32, #tpu.memory_space<hbm>>
      %dma_wait3A_137 = tpu.memref_squeeze %dma_wait3A_136 : memref<1x632x16xf32, #tpu.memory_space<hbm>> -> memref<632x16xf32, #tpu.memory_space<hbm>>
      %dma_wait3A_138 = arith.constant 0 : i32
      %dma_wait3A_139 = tpu.memref_slice %arg10[%mul3A_126, %dma_wait3A_138] : memref<10112x16xf32, #tpu.memory_space<vmem_shared>> -> memref<632x16xf32, #tpu.memory_space<vmem_shared>>
      tpu.wait_dma2 semaphore(%run_scoped3A_129 : memref<!tpu.dma_semaphore, #tpu.memory_space<semaphore_mem>>) src(%dma_wait3A_139 : memref<632x16xf32, #tpu.memory_space<vmem_shared>>) dst(%dma_wait3A_137 : memref<632x16xf32, #tpu.memory_space<hbm>>)
      tpu.yield
    }) : () -> ()
    return
  }
}

module attributes {stable_mosaic.version = 14 : i64} {
  func.func @_mlp_body(%arg0: memref<10000x128xf32, #tpu.memory_space<vmem>>, %arg1: memref<128x64xf32, #tpu.memory_space<vmem>>, %arg2: memref<1x64xf32, #tpu.memory_space<vmem>>, %arg3: memref<64x16xf32, #tpu.memory_space<vmem>>, %arg4: memref<1x16xf32, #tpu.memory_space<vmem>>, %arg5: memref<1264x128xf32, #tpu.memory_space<vmem>>) attributes {dimension_semantics = [], scalar_prefetch = 0 : i64, scratch_operands = 0 : i64, tpu.core_type = #tpu.core_type<tc>} {
    %get3A = arith.constant 0 : index
    %get3A_0 = arith.constant 0 : index
    %get3A_1 = vector.load %arg0[%get3A, %get3A_0] : memref<10000x128xf32, #tpu.memory_space<vmem>>, vector<1264x128xf32>
    %get3A_2 = arith.constant 0 : index
    %get3A_3 = arith.constant 0 : index
    %get3A_4 = vector.load %arg1[%get3A_2, %get3A_3] : memref<128x64xf32, #tpu.memory_space<vmem>>, vector<128x64xf32>
    %dot_general3A = arith.constant dense<0.000000e+00> : vector<1264x64xf32>
    %dot_general3A_5 = tpu.matmul %get3A_1, %get3A_4, %dot_general3A {dimension_numbers = #tpu.dot_dimension_numbers<[1], [0], [0], [1], [0, 0, 1, 1], [], []>, transpose_lhs_hint = false} : vector<1264x128xf32>, vector<128x64xf32>, vector<1264x64xf32> -> vector<1264x64xf32>
    %get3A_6 = arith.constant 0 : index
    %get3A_7 = arith.constant 0 : index
    %get3A_8 = vector.load %arg2[%get3A_6, %get3A_7] : memref<1x64xf32, #tpu.memory_space<vmem>>, vector<1x64xf32>
    %add3A = vector.broadcast %get3A_8 : vector<1x64xf32> to vector<1264x64xf32>
    %add3A_9 = arith.addf %dot_general3A_5, %add3A : vector<1264x64xf32>
    %max3A = arith.constant 0.000000e+00 : f32
    %max3A_10 = vector.broadcast %max3A : f32 to vector<1264x64xf32>
    %max3A_11 = arith.maximumf %add3A_9, %max3A_10 : vector<1264x64xf32>
    %get3A_12 = arith.constant 0 : index
    %get3A_13 = arith.constant 0 : index
    %get3A_14 = vector.load %arg3[%get3A_12, %get3A_13] : memref<64x16xf32, #tpu.memory_space<vmem>>, vector<64x16xf32>
    %dot_general3A_15 = arith.constant dense<0.000000e+00> : vector<1264x16xf32>
    %dot_general3A_16 = tpu.matmul %max3A_11, %get3A_14, %dot_general3A_15 {dimension_numbers = #tpu.dot_dimension_numbers<[1], [0], [0], [1], [0, 0, 1, 1], [], []>, transpose_lhs_hint = false} : vector<1264x64xf32>, vector<64x16xf32>, vector<1264x16xf32> -> vector<1264x16xf32>
    %get3A_17 = arith.constant 0 : index
    %get3A_18 = arith.constant 0 : index
    %get3A_19 = vector.load %arg4[%get3A_17, %get3A_18] : memref<1x16xf32, #tpu.memory_space<vmem>>, vector<1x16xf32>
    %add3A_20 = vector.broadcast %get3A_19 : vector<1x16xf32> to vector<1264x16xf32>
    %add3A_21 = arith.addf %dot_general3A_16, %add3A_20 : vector<1264x16xf32>
    %swap3A = arith.constant 0 : index
    %swap3A_22 = arith.constant 0 : index
    %swap3A_23 = vector.load %arg5[%swap3A, %swap3A_22] : memref<1264x128xf32, #tpu.memory_space<vmem>>, vector<1264x16xf32>
    tpu.vector_store %arg5[%swap3A, %swap3A_22], %add3A_21 {strides = array<i32>} : memref<1264x128xf32, #tpu.memory_space<vmem>>, vector<1264x16xf32>,
    %get3A_24 = arith.constant 1264 : index
    %get3A_25 = arith.constant 0 : index
    %get3A_26 = vector.load %arg0[%get3A_24, %get3A_25] : memref<10000x128xf32, #tpu.memory_space<vmem>>, vector<1264x128xf32>
    %get3A_27 = arith.constant 0 : index
    %get3A_28 = arith.constant 0 : index
    %get3A_29 = vector.load %arg1[%get3A_27, %get3A_28] : memref<128x64xf32, #tpu.memory_space<vmem>>, vector<128x64xf32>
    %dot_general3A_30 = arith.constant dense<0.000000e+00> : vector<1264x64xf32>
    %dot_general3A_31 = tpu.matmul %get3A_26, %get3A_29, %dot_general3A_30 {dimension_numbers = #tpu.dot_dimension_numbers<[1], [0], [0], [1], [0, 0, 1, 1], [], []>, transpose_lhs_hint = false} : vector<1264x128xf32>, vector<128x64xf32>, vector<1264x64xf32> -> vector<1264x64xf32>
    %get3A_32 = arith.constant 0 : index
    %get3A_33 = arith.constant 0 : index
    %get3A_34 = vector.load %arg2[%get3A_32, %get3A_33] : memref<1x64xf32, #tpu.memory_space<vmem>>, vector<1x64xf32>
    %add3A_35 = vector.broadcast %get3A_34 : vector<1x64xf32> to vector<1264x64xf32>
    %add3A_36 = arith.addf %dot_general3A_31, %add3A_35 : vector<1264x64xf32>
    %max3A_37 = arith.constant 0.000000e+00 : f32
    %max3A_38 = vector.broadcast %max3A_37 : f32 to vector<1264x64xf32>
    %max3A_39 = arith.maximumf %add3A_36, %max3A_38 : vector<1264x64xf32>
    %get3A_40 = arith.constant 0 : index
    %get3A_41 = arith.constant 0 : index
    %get3A_42 = vector.load %arg3[%get3A_40, %get3A_41] : memref<64x16xf32, #tpu.memory_space<vmem>>, vector<64x16xf32>
    %dot_general3A_43 = arith.constant dense<0.000000e+00> : vector<1264x16xf32>
    %dot_general3A_44 = tpu.matmul %max3A_39, %get3A_42, %dot_general3A_43 {dimension_numbers = #tpu.dot_dimension_numbers<[1], [0], [0], [1], [0, 0, 1, 1], [], []>, transpose_lhs_hint = false} : vector<1264x64xf32>, vector<64x16xf32>, vector<1264x16xf32> -> vector<1264x16xf32>
    %get3A_45 = arith.constant 0 : index
    %get3A_46 = arith.constant 0 : index
    %get3A_47 = vector.load %arg4[%get3A_45, %get3A_46] : memref<1x16xf32, #tpu.memory_space<vmem>>, vector<1x16xf32>
    %add3A_48 = vector.broadcast %get3A_47 : vector<1x16xf32> to vector<1264x16xf32>
    %add3A_49 = arith.addf %dot_general3A_44, %add3A_48 : vector<1264x16xf32>
    %swap3A_50 = arith.constant 0 : index
    %swap3A_51 = arith.constant 16 : index
    %swap3A_52 = vector.load %arg5[%swap3A_50, %swap3A_51] : memref<1264x128xf32, #tpu.memory_space<vmem>>, vector<1264x16xf32>
    tpu.vector_store %arg5[%swap3A_50, %swap3A_51], %add3A_49 {strides = array<i32>} : memref<1264x128xf32, #tpu.memory_space<vmem>>, vector<1264x16xf32>,
    %get3A_53 = arith.constant 2528 : index
    %get3A_54 = arith.constant 0 : index
    %get3A_55 = vector.load %arg0[%get3A_53, %get3A_54] : memref<10000x128xf32, #tpu.memory_space<vmem>>, vector<1264x128xf32>
    %get3A_56 = arith.constant 0 : index
    %get3A_57 = arith.constant 0 : index
    %get3A_58 = vector.load %arg1[%get3A_56, %get3A_57] : memref<128x64xf32, #tpu.memory_space<vmem>>, vector<128x64xf32>
    %dot_general3A_59 = arith.constant dense<0.000000e+00> : vector<1264x64xf32>
    %dot_general3A_60 = tpu.matmul %get3A_55, %get3A_58, %dot_general3A_59 {dimension_numbers = #tpu.dot_dimension_numbers<[1], [0], [0], [1], [0, 0, 1, 1], [], []>, transpose_lhs_hint = false} : vector<1264x128xf32>, vector<128x64xf32>, vector<1264x64xf32> -> vector<1264x64xf32>
    %get3A_61 = arith.constant 0 : index
    %get3A_62 = arith.constant 0 : index
    %get3A_63 = vector.load %arg2[%get3A_61, %get3A_62] : memref<1x64xf32, #tpu.memory_space<vmem>>, vector<1x64xf32>
    %add3A_64 = vector.broadcast %get3A_63 : vector<1x64xf32> to vector<1264x64xf32>
    %add3A_65 = arith.addf %dot_general3A_60, %add3A_64 : vector<1264x64xf32>
    %max3A_66 = arith.constant 0.000000e+00 : f32
    %max3A_67 = vector.broadcast %max3A_66 : f32 to vector<1264x64xf32>
    %max3A_68 = arith.maximumf %add3A_65, %max3A_67 : vector<1264x64xf32>
    %get3A_69 = arith.constant 0 : index
    %get3A_70 = arith.constant 0 : index
    %get3A_71 = vector.load %arg3[%get3A_69, %get3A_70] : memref<64x16xf32, #tpu.memory_space<vmem>>, vector<64x16xf32>
    %dot_general3A_72 = arith.constant dense<0.000000e+00> : vector<1264x16xf32>
    %dot_general3A_73 = tpu.matmul %max3A_68, %get3A_71, %dot_general3A_72 {dimension_numbers = #tpu.dot_dimension_numbers<[1], [0], [0], [1], [0, 0, 1, 1], [], []>, transpose_lhs_hint = false} : vector<1264x64xf32>, vector<64x16xf32>, vector<1264x16xf32> -> vector<1264x16xf32>
    %get3A_74 = arith.constant 0 : index
    %get3A_75 = arith.constant 0 : index
    %get3A_76 = vector.load %arg4[%get3A_74, %get3A_75] : memref<1x16xf32, #tpu.memory_space<vmem>>, vector<1x16xf32>
    %add3A_77 = vector.broadcast %get3A_76 : vector<1x16xf32> to vector<1264x16xf32>
    %add3A_78 = arith.addf %dot_general3A_73, %add3A_77 : vector<1264x16xf32>
    %swap3A_79 = arith.constant 0 : index
    %swap3A_80 = arith.constant 32 : index
    %swap3A_81 = vector.load %arg5[%swap3A_79, %swap3A_80] : memref<1264x128xf32, #tpu.memory_space<vmem>>, vector<1264x16xf32>
    tpu.vector_store %arg5[%swap3A_79, %swap3A_80], %add3A_78 {strides = array<i32>} : memref<1264x128xf32, #tpu.memory_space<vmem>>, vector<1264x16xf32>,
    %get3A_82 = arith.constant 3792 : index
    %get3A_83 = arith.constant 0 : index
    %get3A_84 = vector.load %arg0[%get3A_82, %get3A_83] : memref<10000x128xf32, #tpu.memory_space<vmem>>, vector<1264x128xf32>
    %get3A_85 = arith.constant 0 : index
    %get3A_86 = arith.constant 0 : index
    %get3A_87 = vector.load %arg1[%get3A_85, %get3A_86] : memref<128x64xf32, #tpu.memory_space<vmem>>, vector<128x64xf32>
    %dot_general3A_88 = arith.constant dense<0.000000e+00> : vector<1264x64xf32>
    %dot_general3A_89 = tpu.matmul %get3A_84, %get3A_87, %dot_general3A_88 {dimension_numbers = #tpu.dot_dimension_numbers<[1], [0], [0], [1], [0, 0, 1, 1], [], []>, transpose_lhs_hint = false} : vector<1264x128xf32>, vector<128x64xf32>, vector<1264x64xf32> -> vector<1264x64xf32>
    %get3A_90 = arith.constant 0 : index
    %get3A_91 = arith.constant 0 : index
    %get3A_92 = vector.load %arg2[%get3A_90, %get3A_91] : memref<1x64xf32, #tpu.memory_space<vmem>>, vector<1x64xf32>
    %add3A_93 = vector.broadcast %get3A_92 : vector<1x64xf32> to vector<1264x64xf32>
    %add3A_94 = arith.addf %dot_general3A_89, %add3A_93 : vector<1264x64xf32>
    %max3A_95 = arith.constant 0.000000e+00 : f32
    %max3A_96 = vector.broadcast %max3A_95 : f32 to vector<1264x64xf32>
    %max3A_97 = arith.maximumf %add3A_94, %max3A_96 : vector<1264x64xf32>
    %get3A_98 = arith.constant 0 : index
    %get3A_99 = arith.constant 0 : index
    %get3A_100 = vector.load %arg3[%get3A_98, %get3A_99] : memref<64x16xf32, #tpu.memory_space<vmem>>, vector<64x16xf32>
    %dot_general3A_101 = arith.constant dense<0.000000e+00> : vector<1264x16xf32>
    %dot_general3A_102 = tpu.matmul %max3A_97, %get3A_100, %dot_general3A_101 {dimension_numbers = #tpu.dot_dimension_numbers<[1], [0], [0], [1], [0, 0, 1, 1], [], []>, transpose_lhs_hint = false} : vector<1264x64xf32>, vector<64x16xf32>, vector<1264x16xf32> -> vector<1264x16xf32>
    %get3A_103 = arith.constant 0 : index
    %get3A_104 = arith.constant 0 : index
    %get3A_105 = vector.load %arg4[%get3A_103, %get3A_104] : memref<1x16xf32, #tpu.memory_space<vmem>>, vector<1x16xf32>
    %add3A_106 = vector.broadcast %get3A_105 : vector<1x16xf32> to vector<1264x16xf32>
    %add3A_107 = arith.addf %dot_general3A_102, %add3A_106 : vector<1264x16xf32>
    %swap3A_108 = arith.constant 0 : index
    %swap3A_109 = arith.constant 48 : index
    %swap3A_110 = vector.load %arg5[%swap3A_108, %swap3A_109] : memref<1264x128xf32, #tpu.memory_space<vmem>>, vector<1264x16xf32>
    tpu.vector_store %arg5[%swap3A_108, %swap3A_109], %add3A_107 {strides = array<i32>} : memref<1264x128xf32, #tpu.memory_space<vmem>>, vector<1264x16xf32>,
    %get3A_111 = arith.constant 5056 : index
    %get3A_112 = arith.constant 0 : index
    %get3A_113 = vector.load %arg0[%get3A_111, %get3A_112] : memref<10000x128xf32, #tpu.memory_space<vmem>>, vector<1264x128xf32>
    %get3A_114 = arith.constant 0 : index
    %get3A_115 = arith.constant 0 : index
    %get3A_116 = vector.load %arg1[%get3A_114, %get3A_115] : memref<128x64xf32, #tpu.memory_space<vmem>>, vector<128x64xf32>
    %dot_general3A_117 = arith.constant dense<0.000000e+00> : vector<1264x64xf32>
    %dot_general3A_118 = tpu.matmul %get3A_113, %get3A_116, %dot_general3A_117 {dimension_numbers = #tpu.dot_dimension_numbers<[1], [0], [0], [1], [0, 0, 1, 1], [], []>, transpose_lhs_hint = false} : vector<1264x128xf32>, vector<128x64xf32>, vector<1264x64xf32> -> vector<1264x64xf32>
    %get3A_119 = arith.constant 0 : index
    %get3A_120 = arith.constant 0 : index
    %get3A_121 = vector.load %arg2[%get3A_119, %get3A_120] : memref<1x64xf32, #tpu.memory_space<vmem>>, vector<1x64xf32>
    %add3A_122 = vector.broadcast %get3A_121 : vector<1x64xf32> to vector<1264x64xf32>
    %add3A_123 = arith.addf %dot_general3A_118, %add3A_122 : vector<1264x64xf32>
    %max3A_124 = arith.constant 0.000000e+00 : f32
    %max3A_125 = vector.broadcast %max3A_124 : f32 to vector<1264x64xf32>
    %max3A_126 = arith.maximumf %add3A_123, %max3A_125 : vector<1264x64xf32>
    %get3A_127 = arith.constant 0 : index
    %get3A_128 = arith.constant 0 : index
    %get3A_129 = vector.load %arg3[%get3A_127, %get3A_128] : memref<64x16xf32, #tpu.memory_space<vmem>>, vector<64x16xf32>
    %dot_general3A_130 = arith.constant dense<0.000000e+00> : vector<1264x16xf32>
    %dot_general3A_131 = tpu.matmul %max3A_126, %get3A_129, %dot_general3A_130 {dimension_numbers = #tpu.dot_dimension_numbers<[1], [0], [0], [1], [0, 0, 1, 1], [], []>, transpose_lhs_hint = false} : vector<1264x64xf32>, vector<64x16xf32>, vector<1264x16xf32> -> vector<1264x16xf32>
    %get3A_132 = arith.constant 0 : index
    %get3A_133 = arith.constant 0 : index
    %get3A_134 = vector.load %arg4[%get3A_132, %get3A_133] : memref<1x16xf32, #tpu.memory_space<vmem>>, vector<1x16xf32>
    %add3A_135 = vector.broadcast %get3A_134 : vector<1x16xf32> to vector<1264x16xf32>
    %add3A_136 = arith.addf %dot_general3A_131, %add3A_135 : vector<1264x16xf32>
    %swap3A_137 = arith.constant 0 : index
    %swap3A_138 = arith.constant 64 : index
    %swap3A_139 = vector.load %arg5[%swap3A_137, %swap3A_138] : memref<1264x128xf32, #tpu.memory_space<vmem>>, vector<1264x16xf32>
    tpu.vector_store %arg5[%swap3A_137, %swap3A_138], %add3A_136 {strides = array<i32>} : memref<1264x128xf32, #tpu.memory_space<vmem>>, vector<1264x16xf32>,
    %get3A_140 = arith.constant 6320 : index
    %get3A_141 = arith.constant 0 : index
    %get3A_142 = vector.load %arg0[%get3A_140, %get3A_141] : memref<10000x128xf32, #tpu.memory_space<vmem>>, vector<1264x128xf32>
    %get3A_143 = arith.constant 0 : index
    %get3A_144 = arith.constant 0 : index
    %get3A_145 = vector.load %arg1[%get3A_143, %get3A_144] : memref<128x64xf32, #tpu.memory_space<vmem>>, vector<128x64xf32>
    %dot_general3A_146 = arith.constant dense<0.000000e+00> : vector<1264x64xf32>
    %dot_general3A_147 = tpu.matmul %get3A_142, %get3A_145, %dot_general3A_146 {dimension_numbers = #tpu.dot_dimension_numbers<[1], [0], [0], [1], [0, 0, 1, 1], [], []>, transpose_lhs_hint = false} : vector<1264x128xf32>, vector<128x64xf32>, vector<1264x64xf32> -> vector<1264x64xf32>
    %get3A_148 = arith.constant 0 : index
    %get3A_149 = arith.constant 0 : index
    %get3A_150 = vector.load %arg2[%get3A_148, %get3A_149] : memref<1x64xf32, #tpu.memory_space<vmem>>, vector<1x64xf32>
    %add3A_151 = vector.broadcast %get3A_150 : vector<1x64xf32> to vector<1264x64xf32>
    %add3A_152 = arith.addf %dot_general3A_147, %add3A_151 : vector<1264x64xf32>
    %max3A_153 = arith.constant 0.000000e+00 : f32
    %max3A_154 = vector.broadcast %max3A_153 : f32 to vector<1264x64xf32>
    %max3A_155 = arith.maximumf %add3A_152, %max3A_154 : vector<1264x64xf32>
    %get3A_156 = arith.constant 0 : index
    %get3A_157 = arith.constant 0 : index
    %get3A_158 = vector.load %arg3[%get3A_156, %get3A_157] : memref<64x16xf32, #tpu.memory_space<vmem>>, vector<64x16xf32>
    %dot_general3A_159 = arith.constant dense<0.000000e+00> : vector<1264x16xf32>
    %dot_general3A_160 = tpu.matmul %max3A_155, %get3A_158, %dot_general3A_159 {dimension_numbers = #tpu.dot_dimension_numbers<[1], [0], [0], [1], [0, 0, 1, 1], [], []>, transpose_lhs_hint = false} : vector<1264x64xf32>, vector<64x16xf32>, vector<1264x16xf32> -> vector<1264x16xf32>
    %get3A_161 = arith.constant 0 : index
    %get3A_162 = arith.constant 0 : index
    %get3A_163 = vector.load %arg4[%get3A_161, %get3A_162] : memref<1x16xf32, #tpu.memory_space<vmem>>, vector<1x16xf32>
    %add3A_164 = vector.broadcast %get3A_163 : vector<1x16xf32> to vector<1264x16xf32>
    %add3A_165 = arith.addf %dot_general3A_160, %add3A_164 : vector<1264x16xf32>
    %swap3A_166 = arith.constant 0 : index
    %swap3A_167 = arith.constant 80 : index
    %swap3A_168 = vector.load %arg5[%swap3A_166, %swap3A_167] : memref<1264x128xf32, #tpu.memory_space<vmem>>, vector<1264x16xf32>
    tpu.vector_store %arg5[%swap3A_166, %swap3A_167], %add3A_165 {strides = array<i32>} : memref<1264x128xf32, #tpu.memory_space<vmem>>, vector<1264x16xf32>,
    %get3A_169 = arith.constant 7584 : index
    %get3A_170 = arith.constant 0 : index
    %get3A_171 = vector.load %arg0[%get3A_169, %get3A_170] : memref<10000x128xf32, #tpu.memory_space<vmem>>, vector<1264x128xf32>
    %get3A_172 = arith.constant 0 : index
    %get3A_173 = arith.constant 0 : index
    %get3A_174 = vector.load %arg1[%get3A_172, %get3A_173] : memref<128x64xf32, #tpu.memory_space<vmem>>, vector<128x64xf32>
    %dot_general3A_175 = arith.constant dense<0.000000e+00> : vector<1264x64xf32>
    %dot_general3A_176 = tpu.matmul %get3A_171, %get3A_174, %dot_general3A_175 {dimension_numbers = #tpu.dot_dimension_numbers<[1], [0], [0], [1], [0, 0, 1, 1], [], []>, transpose_lhs_hint = false} : vector<1264x128xf32>, vector<128x64xf32>, vector<1264x64xf32> -> vector<1264x64xf32>
    %get3A_177 = arith.constant 0 : index
    %get3A_178 = arith.constant 0 : index
    %get3A_179 = vector.load %arg2[%get3A_177, %get3A_178] : memref<1x64xf32, #tpu.memory_space<vmem>>, vector<1x64xf32>
    %add3A_180 = vector.broadcast %get3A_179 : vector<1x64xf32> to vector<1264x64xf32>
    %add3A_181 = arith.addf %dot_general3A_176, %add3A_180 : vector<1264x64xf32>
    %max3A_182 = arith.constant 0.000000e+00 : f32
    %max3A_183 = vector.broadcast %max3A_182 : f32 to vector<1264x64xf32>
    %max3A_184 = arith.maximumf %add3A_181, %max3A_183 : vector<1264x64xf32>
    %get3A_185 = arith.constant 0 : index
    %get3A_186 = arith.constant 0 : index
    %get3A_187 = vector.load %arg3[%get3A_185, %get3A_186] : memref<64x16xf32, #tpu.memory_space<vmem>>, vector<64x16xf32>
    %dot_general3A_188 = arith.constant dense<0.000000e+00> : vector<1264x16xf32>
    %dot_general3A_189 = tpu.matmul %max3A_184, %get3A_187, %dot_general3A_188 {dimension_numbers = #tpu.dot_dimension_numbers<[1], [0], [0], [1], [0, 0, 1, 1], [], []>, transpose_lhs_hint = false} : vector<1264x64xf32>, vector<64x16xf32>, vector<1264x16xf32> -> vector<1264x16xf32>
    %get3A_190 = arith.constant 0 : index
    %get3A_191 = arith.constant 0 : index
    %get3A_192 = vector.load %arg4[%get3A_190, %get3A_191] : memref<1x16xf32, #tpu.memory_space<vmem>>, vector<1x16xf32>
    %add3A_193 = vector.broadcast %get3A_192 : vector<1x16xf32> to vector<1264x16xf32>
    %add3A_194 = arith.addf %dot_general3A_189, %add3A_193 : vector<1264x16xf32>
    %swap3A_195 = arith.constant 0 : index
    %swap3A_196 = arith.constant 96 : index
    %swap3A_197 = vector.load %arg5[%swap3A_195, %swap3A_196] : memref<1264x128xf32, #tpu.memory_space<vmem>>, vector<1264x16xf32>
    tpu.vector_store %arg5[%swap3A_195, %swap3A_196], %add3A_194 {strides = array<i32>} : memref<1264x128xf32, #tpu.memory_space<vmem>>, vector<1264x16xf32>,
    %get3A_198 = arith.constant 8848 : index
    %get3A_199 = arith.constant 0 : index
    %get3A_200 = vector.load %arg0[%get3A_198, %get3A_199] : memref<10000x128xf32, #tpu.memory_space<vmem>>, vector<1152x128xf32>
    %get3A_201 = arith.constant 0 : index
    %get3A_202 = arith.constant 0 : index
    %get3A_203 = vector.load %arg1[%get3A_201, %get3A_202] : memref<128x64xf32, #tpu.memory_space<vmem>>, vector<128x64xf32>
    %dot_general3A_204 = arith.constant dense<0.000000e+00> : vector<1152x64xf32>
    %dot_general3A_205 = tpu.matmul %get3A_200, %get3A_203, %dot_general3A_204 {dimension_numbers = #tpu.dot_dimension_numbers<[1], [0], [0], [1], [0, 0, 1, 1], [], []>, transpose_lhs_hint = false} : vector<1152x128xf32>, vector<128x64xf32>, vector<1152x64xf32> -> vector<1152x64xf32>
    %get3A_206 = arith.constant 0 : index
    %get3A_207 = arith.constant 0 : index
    %get3A_208 = vector.load %arg2[%get3A_206, %get3A_207] : memref<1x64xf32, #tpu.memory_space<vmem>>, vector<1x64xf32>
    %add3A_209 = vector.broadcast %get3A_208 : vector<1x64xf32> to vector<1152x64xf32>
    %add3A_210 = arith.addf %dot_general3A_205, %add3A_209 : vector<1152x64xf32>
    %max3A_211 = arith.constant 0.000000e+00 : f32
    %max3A_212 = vector.broadcast %max3A_211 : f32 to vector<1152x64xf32>
    %max3A_213 = arith.maximumf %add3A_210, %max3A_212 : vector<1152x64xf32>
    %get3A_214 = arith.constant 0 : index
    %get3A_215 = arith.constant 0 : index
    %get3A_216 = vector.load %arg3[%get3A_214, %get3A_215] : memref<64x16xf32, #tpu.memory_space<vmem>>, vector<64x16xf32>
    %dot_general3A_217 = arith.constant dense<0.000000e+00> : vector<1152x16xf32>
    %dot_general3A_218 = tpu.matmul %max3A_213, %get3A_216, %dot_general3A_217 {dimension_numbers = #tpu.dot_dimension_numbers<[1], [0], [0], [1], [0, 0, 1, 1], [], []>, transpose_lhs_hint = false} : vector<1152x64xf32>, vector<64x16xf32>, vector<1152x16xf32> -> vector<1152x16xf32>
    %get3A_219 = arith.constant 0 : index
    %get3A_220 = arith.constant 0 : index
    %get3A_221 = vector.load %arg4[%get3A_219, %get3A_220] : memref<1x16xf32, #tpu.memory_space<vmem>>, vector<1x16xf32>
    %add3A_222 = vector.broadcast %get3A_221 : vector<1x16xf32> to vector<1152x16xf32>
    %add3A_223 = arith.addf %dot_general3A_218, %add3A_222 : vector<1152x16xf32>
    %swap3A_224 = arith.constant 0 : index
    %swap3A_225 = arith.constant 112 : index
    %swap3A_226 = vector.load %arg5[%swap3A_224, %swap3A_225] : memref<1264x128xf32, #tpu.memory_space<vmem>>, vector<1152x16xf32>
    tpu.vector_store %arg5[%swap3A_224, %swap3A_225], %add3A_223 {strides = array<i32>} : memref<1264x128xf32, #tpu.memory_space<vmem>>, vector<1152x16xf32>,
    %broadcast_in_dim3A = arith.constant 0.000000e+00 : f32
    %broadcast_in_dim3A_227 = vector.broadcast %broadcast_in_dim3A : f32 to vector<112x16xf32>
    %swap3A_228 = arith.constant 1152 : index
    %swap3A_229 = arith.constant 112 : index
    %swap3A_230 = vector.load %arg5[%swap3A_228, %swap3A_229] : memref<1264x128xf32, #tpu.memory_space<vmem>>, vector<112x16xf32>
    tpu.vector_store %arg5[%swap3A_228, %swap3A_229], %broadcast_in_dim3A_227 {strides = array<i32>} : memref<1264x128xf32, #tpu.memory_space<vmem>>, vector<112x16xf32>,
    return
  }
}

module attributes {stable_mosaic.version = 14 : i64} {
  func.func @_prep_body(%arg0: memref<2x1264x128xf32, #tpu.memory_space<vmem>>, %arg1: memref<1264x128xf32, #tpu.memory_space<vmem>>, %arg2: memref<1264x128xf32, #tpu.memory_space<vmem>>, %arg3: memref<1264x128xf32, #tpu.memory_space<vmem>>) attributes {dimension_semantics = [], scalar_prefetch = 0 : i64, scratch_operands = 0 : i64, tpu.core_type = #tpu.core_type<tc>} {
    %get3A = arith.constant 0 : index
    %get3A_0 = arith.constant 0 : index
    %get3A_1 = arith.constant 0 : index
    %get3A_2 = vector.load %arg0[%get3A, %get3A_0, %get3A_1] : memref<2x1264x128xf32, #tpu.memory_space<vmem>>, vector<2x1264x128xf32>
    %slice3A = vector.extract_strided_slice %get3A_2 {offsets = [0, 0, 0], sizes = [1, 1264, 128], strides = [1, 1, 1]} : vector<2x1264x128xf32> to vector<1x1264x128xf32>
    %squeeze3A = vector.shape_cast %slice3A : vector<1x1264x128xf32> to vector<1264x128xf32>
    %add3A = arith.constant 1.000000e+00 : f32
    %add3A_3 = vector.broadcast %add3A : f32 to vector<1264x128xf32>
    %add3A_4 = arith.addf %add3A_3, %squeeze3A : vector<1264x128xf32>
    %slice3A_5 = vector.extract_strided_slice %get3A_2 {offsets = [1, 0, 0], sizes = [1, 1264, 128], strides = [1, 1, 1]} : vector<2x1264x128xf32> to vector<1x1264x128xf32>
    %squeeze3A_6 = vector.shape_cast %slice3A_5 : vector<1x1264x128xf32> to vector<1264x128xf32>
    %add3A_7 = arith.addf %add3A_4, %squeeze3A_6 : vector<1264x128xf32>
    %rsqrt3A = math.rsqrt %add3A_7 : vector<1264x128xf32>
    %swap3A = arith.constant 0 : index
    %swap3A_8 = arith.constant 0 : index
    %swap3A_9 = vector.load %arg2[%swap3A, %swap3A_8] : memref<1264x128xf32, #tpu.memory_space<vmem>>, vector<1264x128xf32>
    tpu.vector_store %arg2[%swap3A, %swap3A_8], %rsqrt3A {strides = array<i32>} : memref<1264x128xf32, #tpu.memory_space<vmem>>, vector<1264x128xf32>,
    %get3A_10 = arith.constant 0 : index
    %get3A_11 = arith.constant 0 : index
    %get3A_12 = vector.load %arg1[%get3A_10, %get3A_11] : memref<1264x128xf32, #tpu.memory_space<vmem>>, vector<1264x128xf32>
    %mul3A = arith.mulf %rsqrt3A, %get3A_12 : vector<1264x128xf32>
    %swap3A_13 = arith.constant 0 : index
    %swap3A_14 = arith.constant 0 : index
    %swap3A_15 = vector.load %arg3[%swap3A_13, %swap3A_14] : memref<1264x128xf32, #tpu.memory_space<vmem>>, vector<1264x128xf32>
    tpu.vector_store %arg3[%swap3A_13, %swap3A_14], %mul3A {strides = array<i32>} : memref<1264x128xf32, #tpu.memory_space<vmem>>, vector<1264x128xf32>,
    return
  }
}

module attributes {stable_mosaic.version = 14 : i64} {
  func.func @_step_body(%arg0: memref<2x1264x128xf32, #tpu.memory_space<vmem>>, %arg1: memref<1264x128xf32, #tpu.memory_space<vmem>>, %arg2: memref<1264x128xf32, #tpu.memory_space<vmem>>, %arg3: memref<1264x128xf32, #tpu.memory_space<vmem>>, %arg4: memref<128x128xf32, #tpu.memory_space<vmem>>, %arg5: memref<1264x128xf32, #tpu.memory_space<vmem>>, %arg6: memref<1264x128xf32, #tpu.memory_space<vmem>>) attributes {dimension_semantics = [], scalar_prefetch = 0 : i64, scratch_operands = 0 : i64, tpu.core_type = #tpu.core_type<tc>} {
    %get3A = arith.constant 0 : index
    %get3A_0 = arith.constant 0 : index
    %get3A_1 = arith.constant 0 : index
    %get3A_2 = vector.load %arg0[%get3A, %get3A_0, %get3A_1] : memref<2x1264x128xf32, #tpu.memory_space<vmem>>, vector<2x1264x128xf32>
    %slice3A = vector.extract_strided_slice %get3A_2 {offsets = [0, 0, 0], sizes = [1, 1264, 128], strides = [1, 1, 1]} : vector<2x1264x128xf32> to vector<1x1264x128xf32>
    %squeeze3A = vector.shape_cast %slice3A : vector<1x1264x128xf32> to vector<1264x128xf32>
    %slice3A_3 = vector.extract_strided_slice %get3A_2 {offsets = [1, 0, 0], sizes = [1, 1264, 128], strides = [1, 1, 1]} : vector<2x1264x128xf32> to vector<1x1264x128xf32>
    %squeeze3A_4 = vector.shape_cast %slice3A_3 : vector<1x1264x128xf32> to vector<1264x128xf32>
    %add3A = arith.addf %squeeze3A, %squeeze3A_4 : vector<1264x128xf32>
    %get3A_5 = arith.constant 0 : index
    %get3A_6 = arith.constant 0 : index
    %get3A_7 = vector.load %arg3[%get3A_5, %get3A_6] : memref<1264x128xf32, #tpu.memory_space<vmem>>, vector<1264x128xf32>
    %get3A_8 = arith.constant 0 : index
    %get3A_9 = arith.constant 0 : index
    %get3A_10 = vector.load %arg1[%get3A_8, %get3A_9] : memref<1264x128xf32, #tpu.memory_space<vmem>>, vector<1264x128xf32>
    %get3A_11 = arith.constant 0 : index
    %get3A_12 = arith.constant 0 : index
    %get3A_13 = vector.load %arg2[%get3A_11, %get3A_12] : memref<1264x128xf32, #tpu.memory_space<vmem>>, vector<1264x128xf32>
    %mul3A = arith.constant 0.000000e+00 : f32
    %mul3A_14 = vector.broadcast %mul3A : f32 to vector<1264x128xf32>
    %mul3A_15 = arith.mulf %mul3A_14, %get3A_10 : vector<1264x128xf32>
    %mul3A_16 = arith.mulf %get3A_7, %add3A : vector<1264x128xf32>
    %mul3A_17 = arith.mulf %get3A_7, %get3A_7 : vector<1264x128xf32>
    %mul3A_18 = arith.mulf %mul3A_17, %get3A_10 : vector<1264x128xf32>
    %add3A_19 = arith.addf %mul3A_16, %mul3A_18 : vector<1264x128xf32>
    %mul3A_20 = arith.constant 1.000000e+00 : f32
    %mul3A_21 = vector.broadcast %mul3A_20 : f32 to vector<1264x128xf32>
    %mul3A_22 = arith.mulf %mul3A_21, %add3A_19 : vector<1264x128xf32>
    %add3A_23 = arith.addf %mul3A_15, %mul3A_22 : vector<1264x128xf32>
    %sub3A = arith.subf %add3A_23, %get3A_13 : vector<1264x128xf32>
    %mul3A_24 = arith.mulf %sub3A, %sub3A : vector<1264x128xf32>
    %get3A_25 = arith.constant 0 : index
    %get3A_26 = arith.constant 0 : index
    %get3A_27 = vector.load %arg4[%get3A_25, %get3A_26] : memref<128x128xf32, #tpu.memory_space<vmem>>, vector<128x128xf32>
    %dot_general3A = arith.constant dense<0.000000e+00> : vector<1264x128xf32>
    %dot_general3A_28 = tpu.matmul %mul3A_24, %get3A_27, %dot_general3A {dimension_numbers = #tpu.dot_dimension_numbers<[1], [0], [0], [1], [0, 0, 1, 1], [], []>, transpose_lhs_hint = false} : vector<1264x128xf32>, vector<128x128xf32>, vector<1264x128xf32> -> vector<1264x128xf32>
    %max3A = arith.constant 1.000000e-30 : f32
    %max3A_29 = vector.broadcast %max3A : f32 to vector<1264x128xf32>
    %max3A_30 = arith.maximumf %dot_general3A_28, %max3A_29 : vector<1264x128xf32>
    %rsqrt3A = math.rsqrt %max3A_30 : vector<1264x128xf32>
    %mul3A_31 = arith.constant 5.000000e-01 : f32
    %mul3A_32 = vector.broadcast %mul3A_31 : f32 to vector<1264x128xf32>
    %mul3A_33 = arith.mulf %mul3A_32, %rsqrt3A : vector<1264x128xf32>
    %sub3A_34 = arith.constant 1.000000e+00 : f32
    %sub3A_35 = vector.broadcast %sub3A_34 : f32 to vector<1264x128xf32>
    %sub3A_36 = arith.subf %sub3A_35, %mul3A_33 : vector<1264x128xf32>
    %max3A_37 = arith.constant 0.000000e+00 : f32
    %max3A_38 = vector.broadcast %max3A_37 : f32 to vector<1264x128xf32>
    %max3A_39 = arith.maximumf %sub3A_36, %max3A_38 : vector<1264x128xf32>
    %mul3A_40 = arith.mulf %max3A_39, %sub3A : vector<1264x128xf32>
    %add3A_41 = arith.addf %get3A_13, %mul3A_40 : vector<1264x128xf32>
    %swap3A = arith.constant 0 : index
    %swap3A_42 = arith.constant 0 : index
    %swap3A_43 = vector.load %arg5[%swap3A, %swap3A_42] : memref<1264x128xf32, #tpu.memory_space<vmem>>, vector<1264x128xf32>
    tpu.vector_store %arg5[%swap3A, %swap3A_42], %add3A_41 {strides = array<i32>} : memref<1264x128xf32, #tpu.memory_space<vmem>>, vector<1264x128xf32>,
    %mul3A_44 = arith.mulf %get3A_7, %add3A_41 : vector<1264x128xf32>
    %swap3A_45 = arith.constant 0 : index
    %swap3A_46 = arith.constant 0 : index
    %swap3A_47 = vector.load %arg6[%swap3A_45, %swap3A_46] : memref<1264x128xf32, #tpu.memory_space<vmem>>, vector<1264x128xf32>
    tpu.vector_store %arg6[%swap3A_45, %swap3A_46], %mul3A_44 {strides = array<i32>} : memref<1264x128xf32, #tpu.memory_space<vmem>>, vector<1264x128xf32>,
    return
  }
}

module attributes {stable_mosaic.version = 14 : i64} {
  func.func @_stepf_body(%arg0: memref<2x1264x128xf32, #tpu.memory_space<vmem>>, %arg1: memref<1264x128xf32, #tpu.memory_space<vmem>>, %arg2: memref<1264x128xf32, #tpu.memory_space<vmem>>, %arg3: memref<1264x128xf32, #tpu.memory_space<vmem>>, %arg4: memref<128x128xf32, #tpu.memory_space<vmem>>, %arg5: memref<1264x128xf32, #tpu.memory_space<vmem>>) attributes {dimension_semantics = [], scalar_prefetch = 0 : i64, scratch_operands = 0 : i64, tpu.core_type = #tpu.core_type<tc>} {
    %get3A = arith.constant 0 : index
    %get3A_0 = arith.constant 0 : index
    %get3A_1 = arith.constant 0 : index
    %get3A_2 = vector.load %arg0[%get3A, %get3A_0, %get3A_1] : memref<2x1264x128xf32, #tpu.memory_space<vmem>>, vector<2x1264x128xf32>
    %slice3A = vector.extract_strided_slice %get3A_2 {offsets = [0, 0, 0], sizes = [1, 1264, 128], strides = [1, 1, 1]} : vector<2x1264x128xf32> to vector<1x1264x128xf32>
    %squeeze3A = vector.shape_cast %slice3A : vector<1x1264x128xf32> to vector<1264x128xf32>
    %slice3A_3 = vector.extract_strided_slice %get3A_2 {offsets = [1, 0, 0], sizes = [1, 1264, 128], strides = [1, 1, 1]} : vector<2x1264x128xf32> to vector<1x1264x128xf32>
    %squeeze3A_4 = vector.shape_cast %slice3A_3 : vector<1x1264x128xf32> to vector<1264x128xf32>
    %add3A = arith.addf %squeeze3A, %squeeze3A_4 : vector<1264x128xf32>
    %get3A_5 = arith.constant 0 : index
    %get3A_6 = arith.constant 0 : index
    %get3A_7 = vector.load %arg3[%get3A_5, %get3A_6] : memref<1264x128xf32, #tpu.memory_space<vmem>>, vector<1264x128xf32>
    %get3A_8 = arith.constant 0 : index
    %get3A_9 = arith.constant 0 : index
    %get3A_10 = vector.load %arg1[%get3A_8, %get3A_9] : memref<1264x128xf32, #tpu.memory_space<vmem>>, vector<1264x128xf32>
    %get3A_11 = arith.constant 0 : index
    %get3A_12 = arith.constant 0 : index
    %get3A_13 = vector.load %arg2[%get3A_11, %get3A_12] : memref<1264x128xf32, #tpu.memory_space<vmem>>, vector<1264x128xf32>
    %mul3A = arith.constant 0.000000e+00 : f32
    %mul3A_14 = vector.broadcast %mul3A : f32 to vector<1264x128xf32>
    %mul3A_15 = arith.mulf %mul3A_14, %get3A_10 : vector<1264x128xf32>
    %mul3A_16 = arith.mulf %get3A_7, %add3A : vector<1264x128xf32>
    %mul3A_17 = arith.mulf %get3A_7, %get3A_7 : vector<1264x128xf32>
    %mul3A_18 = arith.mulf %mul3A_17, %get3A_10 : vector<1264x128xf32>
    %add3A_19 = arith.addf %mul3A_16, %mul3A_18 : vector<1264x128xf32>
    %mul3A_20 = arith.constant 1.000000e+00 : f32
    %mul3A_21 = vector.broadcast %mul3A_20 : f32 to vector<1264x128xf32>
    %mul3A_22 = arith.mulf %mul3A_21, %add3A_19 : vector<1264x128xf32>
    %add3A_23 = arith.addf %mul3A_15, %mul3A_22 : vector<1264x128xf32>
    %sub3A = arith.subf %add3A_23, %get3A_13 : vector<1264x128xf32>
    %mul3A_24 = arith.mulf %sub3A, %sub3A : vector<1264x128xf32>
    %get3A_25 = arith.constant 0 : index
    %get3A_26 = arith.constant 0 : index
    %get3A_27 = vector.load %arg4[%get3A_25, %get3A_26] : memref<128x128xf32, #tpu.memory_space<vmem>>, vector<128x128xf32>
    %dot_general3A = arith.constant dense<0.000000e+00> : vector<1264x128xf32>
    %dot_general3A_28 = tpu.matmul %mul3A_24, %get3A_27, %dot_general3A {dimension_numbers = #tpu.dot_dimension_numbers<[1], [0], [0], [1], [0, 0, 1, 1], [], []>, transpose_lhs_hint = false} : vector<1264x128xf32>, vector<128x128xf32>, vector<1264x128xf32> -> vector<1264x128xf32>
    %max3A = arith.constant 1.000000e-30 : f32
    %max3A_29 = vector.broadcast %max3A : f32 to vector<1264x128xf32>
    %max3A_30 = arith.maximumf %dot_general3A_28, %max3A_29 : vector<1264x128xf32>
    %rsqrt3A = math.rsqrt %max3A_30 : vector<1264x128xf32>
    %mul3A_31 = arith.constant 5.000000e-01 : f32
    %mul3A_32 = vector.broadcast %mul3A_31 : f32 to vector<1264x128xf32>
    %mul3A_33 = arith.mulf %mul3A_32, %rsqrt3A : vector<1264x128xf32>
    %sub3A_34 = arith.constant 1.000000e+00 : f32
    %sub3A_35 = vector.broadcast %sub3A_34 : f32 to vector<1264x128xf32>
    %sub3A_36 = arith.subf %sub3A_35, %mul3A_33 : vector<1264x128xf32>
    %max3A_37 = arith.constant 0.000000e+00 : f32
    %max3A_38 = vector.broadcast %max3A_37 : f32 to vector<1264x128xf32>
    %max3A_39 = arith.maximumf %sub3A_36, %max3A_38 : vector<1264x128xf32>
    %mul3A_40 = arith.mulf %max3A_39, %sub3A : vector<1264x128xf32>
    %add3A_41 = arith.addf %get3A_13, %mul3A_40 : vector<1264x128xf32>
    %swap3A = arith.constant 0 : index
    %swap3A_42 = arith.constant 0 : index
    %swap3A_43 = vector.load %arg5[%swap3A, %swap3A_42] : memref<1264x128xf32, #tpu.memory_space<vmem>>, vector<1264x128xf32>
    tpu.vector_store %arg5[%swap3A, %swap3A_42], %add3A_41 {strides = array<i32>} : memref<1264x128xf32, #tpu.memory_space<vmem>>, vector<1264x128xf32>,
    return
  }
}

</mosaic_0001>

<sc_bundles>
// kernel: kernel.11.cloned.1.call-start
scs
__scs_entry_jumppad:
0x0: {  	(pc) =	sbr.rel $0x88, $3  }
0x1: {  	(tag) =	ssettag $0x0;
	lr =	simm.s32 $0x1  }
0x2: {  	[smem:$0x3F9B] =	sst lr;
	_ =	strace $0xD0000000  }
0x3: {  	_ = 	snop  }
0x4: {  	_ = 	snop  }
0x5: {  	_ = 	snop  }
0x6: {  	_ = 	snop  }
0x7: {  	_ = 	snop  }
__scs_overlays_trampoline_lowered:
0x8: {  	[smem:$0x3FAA] =	sst s0  }
0x9: {  	[smem:$0x3FAB] =	sst s1  }
0xa: {  	[smem:$0x3FAC] =	sst s2  }
0xb: {  	[smem:$0x3FAD] =	sst s3  }
0xc: {  	[smem:$0x3FAE] =	sst s4  }
0xd: {  	[smem:$0x3FAF] =	sst s5  }
0xe: {  	[smem:$0x3FB0] =	sst s6  }
0xf: {  	[smem:$0x3FB1] =	sst s7  }
0x10: {  	[smem:$0x3FB2] =	sst s8  }
0x11: {  	[smem:$0x3FB3] =	sst s9;
	s0 =	simm.s32 @!p0 $0x0  }
0x12: {  	s1 =	sld [smem:$0x3F99];
	s0 =	simm.s32 @p0 $0x1  }
0x13: {  	[smem:$0x3FB4] =	sst s0;
	s0 =	simm.s32 @!p1 $0x0  }
0x14: {  	s2 =	sld [smem:$0x3F98];
	s0 =	simm.s32 @p1 $0x1  }
0x15: {  	[smem:$0x3FB5] =	sst s0;
	s0 =	simm.s32 @!p2 $0x0  }
0x16: {  	s3 =	sld [smem:$0x3FDB];
	s0 =	simm.s32 @p2 $0x1  }
0x17: {  	s4 =	simm.s32 $0x1BF5;
	[smem:$0x3FB7] =	sst s0  }
0x18: {  	s0 =	sld [smem:$0x3F9A];
	_ =	swait.ge [sflag:s4], $0x0  }
0x19: {  	s7 =	sld [smem:$0x3F9B]  }
0x1a: {  	s8 =	sadd.s32 $0xFFFFE003, lr  }
0x1b: {  	s9 =	sadd.s32 $0xFFFFFEF7, lr;
	s5 =	simm.s32 $0xFFFFFFFF;
	p2 =	slt.u32 s8, $0xFFFFF086  }
0x1c: {  	p1 =	slt.u32 s9, $0xF7A;
	s5 =	simm.s32 @!p2 $0x0  }
0x1d: {  	s5 =	simm.s32 @p1 $0x1;
	p0 =	seq.s32 s7, s2  }
0x1e: {  	s7 =	smul.u32 @!p0 $0xF7A, s2;
	p2 =	seq.s32 @!p0 s5, $0x0  }
0x1f: {  	s9 =	smul.u32 $0xF7A, s1;
	s8 =	simm.s32 @!p0 $0x1BF5;
	p2 =	por !p2, p0  }
0x20: {  	[sflag:s8] =	ssyncset.s32 @!p0 $0xFFFFF086;
	s6 =	sadd.s32 @!p0 s3, s7;
	s7 =	simm.s32 @!p0 $0x108  }
0x21: {  	s3 =	sadd.s32 s3, s9;
	s6 =	sadd.s32 @!p0 $0x88, s6;
	s7 =	simm.s32 @p2 $0x1082  }
0x22: {  	[simem:s7], [sflag:s8] =	dma.local @!p0 [hbm:s6], $0xF7A  }
0x23: {  	s9 =	sor.u32 $0xD0000000, s2;
	s6 =	simm.s32 $0x108;
	_ =	swait.ge @!p0 [sflag:s8], $0x0  }
0x24: {  	s3 =	sadd.s32 $0x88, s3;
	s6 =	simm.s32 @!p1 $0x1082;
	[sflag:s4] =	ssyncset.s32 $0xFFFFF086  }
0x25: {  	[simem:s6], [sflag:s4] =	dma.local [hbm:s3], $0xF7A  }
0x26: {  	[smem:$0x3F9B] =	sst s1;
	(tag) =	ssettag s2;
	_ =	strace s9  }
0x27: {  	s1 =	sld [smem:$0x3FAB]  }
0x28: {  	s2 =	sld [smem:$0x3FAC]  }
0x29: {  	s4 =	sld [smem:$0x3FAE]  }
0x2a: {  	p0 =	seq.s32 s5, $0x0;
	s5 =	sld [smem:$0x3FAF]  }
0x2b: {  	s6 =	sld [smem:$0x3FB0]  }
0x2c: {  	s7 =	sld [smem:$0x3FB1]  }
0x2d: {  	s3 =	simm.s32 $0x108;
	s8 =	sld [smem:$0x3FB2]  }
0x2e: {  	s3 =	simm.s32 @!p0 $0x1082;
	s9 =	sld [smem:$0x3FB3]  }
0x2f: {  	lr =	sadd.s32 s0, s3;
	s0 =	sld [smem:$0x3FAA]  }
0x30: {  	s3 =	sld [smem:$0x3FAD]  }
0x31: {  	[smem:$0x3FB6] =	sst s10  }
0x32: {  	s10 =	sld [smem:$0x3FB4];
	_ =	sdelay $0x3  }
0x33: {  	p0 =	seq.s32 s10, $0x1;
	s10 =	sld [smem:$0x3FB6];
	_ =	sdelay $0x3  }
0x34: {  	[smem:$0x3FB6] =	sst s10  }
0x35: {  	s10 =	sld [smem:$0x3FB5];
	_ =	sdelay $0x3  }
0x36: {  	p1 =	seq.s32 s10, $0x1;
	s10 =	sld [smem:$0x3FB6];
	_ =	sdelay $0x3  }
0x37: {  	[smem:$0x3FB6] =	sst s10  }
0x38: {  	s10 =	sld [smem:$0x3FB7]  }
0x39: {  	_ = 	snop;
	(pc) =	sbr.ind lr, $3  }
0x3a: {  	_ = 	snop  }
0x3b: {  	_ = 	snop  }
0x3c: {  	p2 =	seq.s32 s10, $0x1;
	s10 =	sld [smem:$0x3FB6]  }
0x3d: {  	_ =	shalt  }
0x3e: {  	_ =	shalt  }
0x3f: {  	_ =	shalt  }
0x40: {  	_ =	shalt  }
0x41: {  	_ =	shalt  }
0x42: {  	_ =	shalt  }
0x43: {  	_ =	shalt  }
0x44: {  	_ =	shalt  }
0x45: {  	_ =	shalt  }
0x46: {  	_ =	shalt  }
0x47: {  	_ =	shalt  }
0x48: {  	_ =	shalt  }
0x49: {  	_ =	shalt  }
0x4a: {  	_ =	shalt  }
0x4b: {  	_ =	shalt  }
0x4c: {  	_ =	shalt  }
0x4d: {  	_ =	shalt  }
0x4e: {  	_ =	shalt  }
0x4f: {  	_ =	shalt  }
0x50: {  	_ =	shalt  }
0x51: {  	_ =	shalt  }
0x52: {  	_ =	shalt  }
0x53: {  	_ =	shalt  }
0x54: {  	_ =	shalt  }
0x55: {  	_ =	shalt  }
0x56: {  	_ =	shalt  }
0x57: {  	_ =	shalt  }
0x58: {  	_ =	shalt  }
0x59: {  	_ =	shalt  }
0x5a: {  	_ =	shalt  }
0x5b: {  	_ =	shalt  }
0x5c: {  	_ =	shalt  }
0x5d: {  	_ =	shalt  }
0x5e: {  	_ =	shalt  }
0x5f: {  	_ =	shalt  }
0x60: {  	_ =	shalt  }
0x61: {  	_ =	shalt  }
0x62: {  	_ =	shalt  }
0x63: {  	_ =	shalt  }
0x64: {  	_ =	shalt  }
0x65: {  	_ =	shalt  }
0x66: {  	_ =	shalt  }
0x67: {  	_ =	shalt  }
0x68: {  	_ =	shalt  }
0x69: {  	_ =	shalt  }
0x6a: {  	_ =	shalt  }
0x6b: {  	_ =	shalt  }
0x6c: {  	_ =	shalt  }
0x6d: {  	_ =	shalt  }
0x6e: {  	_ =	shalt  }
0x6f: {  	_ =	shalt  }
0x70: {  	_ =	shalt  }
0x71: {  	_ =	shalt  }
0x72: {  	_ =	shalt  }
0x73: {  	_ =	shalt  }
0x74: {  	_ =	shalt  }
0x75: {  	_ =	shalt  }
0x76: {  	_ =	shalt  }
0x77: {  	_ =	shalt  }
0x78: {  	_ =	shalt  }
0x79: {  	_ =	shalt  }
0x7a: {  	_ =	shalt  }
0x7b: {  	_ =	shalt  }
0x7c: {  	_ =	shalt  }
0x7d: {  	_ =	shalt  }
0x7e: {  	_ =	shalt  }
0x7f: {  	_ =	shalt  }
0x80: {  	_ =	shalt  }
0x81: {  	_ =	shalt  }
0x82: {  	_ =	shalt  }
0x83: {  	_ =	shalt  }
0x84: {  	_ =	shalt  }
0x85: {  	_ =	shalt  }
0x86: {  	_ =	shalt  }
0x87: {  	_ =	shalt  }
.Lfunc_end0:
.L_simem_size_0:
called_computation_lowered:
.L_overlay_start_0:
0x88: {  	s2 =	sld [smem:$0x3FD9]  }
0x89: {  	s3 =	sld [smem:$0x3FFE];
	_ =	sdelay $0x1  }
0x8a: {  	s1 =	srdreg.scid  }
0x8b: {  	s0 =	sand.u32 $0x1, s1  }
0x8c: {  	s17 =	sshll.u32 s0, $0xA;
	s2 =	sadd.s32 s3, s2  }
0x8d: {  	s2 =	sadd.s32 s2, s17  }
0x8e: {  	[smem:$0x3FC2] =	sst s2  }
0x8f: {  	_ = 	snop  }
0x90: {  	s2 =	sld [smem:$0x3FD0];
	(tm) =	ssettm $0x1  }
0x91: {  	s18 =	sld [smem:$0x3FFB];
	_ =	sdelay $0x3  }
0x92: {  	_ =	strace s18  }
0x93: {  	s3 =	sld [smem:$0x3FFC];
	_ =	sdelay $0x3  }
0x94: {  	_ =	strace s3  }
0x95: {  	s3 =	sld [smem:$0x3FFD];
	_ =	sdelay $0x3  }
0x96: {  	_ =	strace s3  }
0x97: {  	_ =	strace $0x8FFFFFFF  }
0x98: {  	s19 =	sld [smem:$0x3FDB];
	_ =	sdelay $0x1  }
0x99: {  	s4 =	simm.s32 $_scs_section_size  }
0x9a: {  	s5 =	simm.s32 $_size__tile_overlayer_lowered;
	s6 =	simm.s32 $_tile_overlayer_lowered  }
0x9b: {  	s22 =	simm.s32 $0x1BFF;
	s21 =	sshll.u32 s6, $0x1;
	s3 =	sadd.s32 s4, s19  }
0x9c: {  	s7 =	simm.s32 $0x0;
	s20 =	sshll.u32 s5, $0x1;
	s5 =	sadd.s32 s21, s3  }
0x9d: {  	[timem:s7], [sflag:s22] =	dma.local [hbm:s5], s20  }
0x9e: {  	_ =	swait.ge [sflag:s22], s20  }
0x9f: {  	s4 =	ssub.s32 $0x0, s20;
	[sflag:s22] =	ssyncset.done $0x0  }
0xa0: {  	[sflag:s22] =	ssyncadd.s32 s4;
	_ =	sdelay $0x1  }
0xa1: {  	s23 =	simm.s32 $0x1B8B  }
0xa2: {  	_ =	swait.ge [sflag:s23], $0x1  }
0xa3: {  	[sflag:s23] =	ssyncset.done $0x0  }
0xa4: {  	s25 =	simm.s32 $0x1B8E;
	s24 =	sld [smem:$0x3FFE];
	[sflag:s23] =	ssyncadd.s32 $0xFFFFFFFF  }
0xa5: {  	s26 =	simm.s32 $execute0_lowered;
	[smem:$0x3FD2] =	sst s25  }
0xa6: {  	s5 =	sshll.u32 s26, $0x1;
	_ =	strace $0x80000046;
	[dreg:$0x1] =	wrdreg $0xFFFFFFFF  }
0xa7: {  	s28 =	simm.s32 $_size_execute0_lowered;
	s3 =	sadd.s32 s3, s5;
	[dreg:$0x0] =	wrdreg $0x0  }
0xa8: {  	s5 =	sshll.u32 s28, $0x1;
	[dreg:$0x2] =	wrdreg s3  }
0xa9: {  	[dreg:$0x3] =	wrdreg s5  }
0xaa: {  	[dreg:$0x4] =	wrdreg $0xC0  }
0xab: {  	_ =	task [dreg:s7], $0x5FFFF  }
0xac: {  	[dreg:$0x1] =	wrdreg $0xFFFFFFFF  }
0xad: {  	[dreg:$0x0] =	wrdreg $0x60  }
0xae: {  	[dreg:$0x2] =	wrdreg s24  }
0xaf: {  	[dreg:$0x3] =	wrdreg s2  }
0xb0: {  	[dreg:$0x4] =	wrdreg $0x30000  }
0xb1: {  	[dreg:$0x5] =	wrdreg $0x9  }
0xb2: {  	_ =	task.clear_ibuf [dreg:s7], $0x6FFFF;
	_ =	strace $0x90000046  }
0xb3: {  	s29 =	simm.s32 $0x9;
	_ =	strace $0x80000048  }
0xb4: {  	_ =	swait.ge [sflag:s29], $0x1  }
0xb5: {  	[sflag:s29] =	ssyncadd.s32 $0xFFFFFFFF  }
0xb6: {  	_ =	strace $0x90000048  }
0xb7: {  	_ =	sfence  }
0xb8: {  	s30 =	sld [smem:$0x0];
	_ =	sdelay $0x2  }
0xb9: {  	s31 =	sshll.u32 s1, $0xD;
	s1 =	sshrl.u32 s1, $0x2  }
0xba: {  	s3 =	sand.u32 $0x4000, s31;
	s1 =	sadd.s32 s1, s30  }
0xbb: {  	s0 =	sor.u32 s3, s0;
	s1 =	sshll.u32 s1, $0x11  }
0xbc: {  	s0 =	sor.u32 s1, s0  }
0xbd: {  	s0 =	sadd.s32 $0x8F2B, s0  }
0xbe: {  	[sflag:s0] =	ssyncadd.remote.s32 $0x1  }
0xbf: {  	_ =	sfence.sel $0xFFFF  }
0xc0: {  	[dreg:$0x0] =	wrdreg $0xFFFFFFFF;
	(pc) =	sbr.abs _section_cstart, $3  }
0xc1: {  	[dreg:$0x1] =	wrdreg $0xFFFFFFFF  }
0xc2: {  	_ =	task.clear_ibuf [dreg:s7], $0x2FFFF;
	_ =	strace $0x9FFFFFFF  }
0xc3: {  	(tm) =	ssettm $0x7FFFFFFF  }
tec
execute0_lowered:
.L_overlay_start_1:
0x0: {  	(tag) =	ssettag $0x1  }
0x1: {  	s5 =	rddreg [dreg:$0x0]  }
0x2: {  	s6 =	rddreg [dreg:$0x1]  }
0x3: {  	s2 =	rddreg [dreg:$0x2]  }
0x4: {  	s0 =	rddreg [dreg:$0x3];
	s3 =	srdreg.scid  }
0x5: {  	s1 =	stileid.u32;
	s13 =	simm.s32 $0x80;
	s14 =	simm.s32 $0x100  }
0x6: {  	s15 =	simm.s32 $0x180;
	s16 =	simm.s32 $0x200;
	s17 =	simm.s32 $0x280  }
0x7: {  	s18 =	simm.s32 $0x300;
	s19 =	simm.s32 $0x380;
	s20 =	simm.s32 $0x1  }
0x8: {  	s21 =	simm.s32 $0x0;
	s7 =	sand.u32 $0x1, s3;
	s8 =	smul.u32 $0x2780, s1  }
0x9: {  	s4 =	sshll.u32 s1, $0x1;
	s3 =	simm.s32 $0x0;
	s31 =	sshll.u32 s1, $0x6  }
0xa: {  	s9 =	smul.u32 $0x27800, s7;
	s4 =	sor.u32 s7, s4;
	[smem:$0x7FF] =	sst s3  }
0xb: {  	s7 =	ssub.s32 $0x2, s7;
	s10 =	smul.u32 $0x2800, s4;
	_ =	strace $0x80000047  }
0xc: {  	s4 =	sadd.s32 $0x17600, s5;
	s11 =	sshrl.u32 s7, $0x1;
	s30 =	sshrl.u32 s8, $0x3  }
0xd: {  	s12 =	sadd.s32 s8, s2;
	s9 =	sadd.s32 s8, s9;
	s29 =	ssub.s32 s7, s11  }
0xe: {  	s6 =	sadd.s32 s6, s30;
	s11 =	sor.u32 $0x1C02, s31;
	s12 =	sshrl.u32 s12, $0x3  }
0xf: {  	s9 =	sshrl.u32 s9, $0x3;
	s10 =	sshrl.u32 s10, $0x3;
	s8 =	smax.u32 s29, $0x1  }
0x10: {  	s9 =	sadd.s32 s9, s5;
	s5 =	sadd.s32 s5, s10;
	s10 =	simm.s32 $0x2  }
0x11: {  	s5 =	sadd.s32 $0xD600, s5;
	s7 =	sadd.s32 $0x17800, s9;
	s9 =	simm.s32 $0x2800  }
.LBB2_1:
0x12: {  	[tilespmem:s9], [sflag:$0x2] =	stream.linear.gather [hbm4b:s4+s3], $0x800, $0x38;
	[tilespmem:$0x5780] =	vst v63  }
0x13: {  	_ =	swait.ge [sflag:s10], $0x800  }
0x14: {  	[sflag:s10] =	ssyncset.done $0x0  }
0x15: {  	[sflag:s10] =	ssyncadd.s32 $0xFFFFF800  }
0x16: {  	[tilespmem:s3], [sflag:$0x2] =	stream.linear.gather [hbm4b:s5+s3], $0x2800, $0x38;
	[tilespmem:$0x5780] =	vst v63  }
0x17: {  	_ =	swait.ge [sflag:s10], $0x2800  }
0x18: {  	[sflag:s10] =	ssyncset.done $0x0  }
0x19: {  	[sflag:s10] =	ssyncadd.s32 $0xFFFFD800  }
0x1a: {  	[spmem:s12], [sflag:s11] =	dma.local [hbm:s6], $0x4F0  }
0x1b: {  	_ =	swait.ge [sflag:s10], $0x4F0  }
0x1c: {  	[sflag:s10] =	ssyncset.done $0x0  }
0x1d: {  	[sflag:s10] =	ssyncadd.s32 $0xFFFFFB10  }
0x1e: {  	[bflag:$0x0] =	sbarrier.arrive $0xFFFF  }
0x1f: {  	[spmem:s2] =	stream.indirect.scatter.add.f32 [tilespmem:s9], [sflag:$0x1], $0x10, s3, s13, $0xb8;
	[tilespmem:$0x5780] =	vst v63  }
0x20: {  	_ = 	snop  }
0x21: {  	[spmem:s2] =	stream.indirect.scatter.add.f32 [tilespmem:s9], [sflag:$0x1], $0x10, s13, s13, $0xb8;
	[tilespmem:$0x5780] =	vst v63  }
0x22: {  	_ = 	snop  }
0x23: {  	[spmem:s2] =	stream.indirect.scatter.add.f32 [tilespmem:s9], [sflag:$0x1], $0x10, s14, s13, $0xb8;
	[tilespmem:$0x5780] =	vst v63  }
0x24: {  	_ = 	snop  }
0x25: {  	[spmem:s2] =	stream.indirect.scatter.add.f32 [tilespmem:s9], [sflag:$0x1], $0x10, s15, s13, $0xb8;
	[tilespmem:$0x5780] =	vst v63  }
0x26: {  	_ = 	snop  }
0x27: {  	[spmem:s2] =	stream.indirect.scatter.add.f32 [tilespmem:s9], [sflag:$0x1], $0x10, s16, s13, $0xb8;
	[tilespmem:$0x5780] =	vst v63  }
0x28: {  	_ = 	snop  }
0x29: {  	[spmem:s2] =	stream.indirect.scatter.add.f32 [tilespmem:s9], [sflag:$0x1], $0x10, s17, s13, $0xb8;
	[tilespmem:$0x5780] =	vst v63  }
0x2a: {  	_ = 	snop  }
0x2b: {  	[spmem:s2] =	stream.indirect.scatter.add.f32 [tilespmem:s9], [sflag:$0x1], $0x10, s18, s13, $0xb8;
	[tilespmem:$0x5780] =	vst v63  }
0x2c: {  	_ = 	snop  }
0x2d: {  	[spmem:s2] =	stream.indirect.scatter.add.f32 [tilespmem:s9], [sflag:$0x1], $0x10, s19, s13, $0xb8;
	[tilespmem:$0x5780] =	vst v63  }
0x2e: {  	s22 =	simm.s32 $0x400  }
0x2f: {  	[spmem:s2] =	stream.indirect.scatter.add.f32 [tilespmem:s9], [sflag:$0x1], $0x10, s22, s13, $0xb8;
	[tilespmem:$0x5780] =	vst v63  }
0x30: {  	s24 =	simm.s32 $0x480  }
0x31: {  	[spmem:s2] =	stream.indirect.scatter.add.f32 [tilespmem:s9], [sflag:$0x1], $0x10, s24, s13, $0xb8;
	[tilespmem:$0x5780] =	vst v63  }
0x32: {  	s25 =	simm.s32 $0x500  }
0x33: {  	[spmem:s2] =	stream.indirect.scatter.add.f32 [tilespmem:s9], [sflag:$0x1], $0x10, s25, s13, $0xb8;
	[tilespmem:$0x5780] =	vst v63  }
0x34: {  	s26 =	simm.s32 $0x580  }
0x35: {  	[spmem:s2] =	stream.indirect.scatter.add.f32 [tilespmem:s9], [sflag:$0x1], $0x10, s26, s13, $0xb8;
	[tilespmem:$0x5780] =	vst v63  }
0x36: {  	s28 =	simm.s32 $0x600  }
0x37: {  	[spmem:s2] =	stream.indirect.scatter.add.f32 [tilespmem:s9], [sflag:$0x1], $0x10, s28, s13, $0xb8;
	[tilespmem:$0x5780] =	vst v63  }
0x38: {  	s29 =	simm.s32 $0x680  }
0x39: {  	[spmem:s2] =	stream.indirect.scatter.add.f32 [tilespmem:s9], [sflag:$0x1], $0x10, s29, s13, $0xb8;
	[tilespmem:$0x5780] =	vst v63  }
0x3a: {  	s30 =	simm.s32 $0x700  }
0x3b: {  	[spmem:s2] =	stream.indirect.scatter.add.f32 [tilespmem:s9], [sflag:$0x1], $0x10, s30, s13, $0xb8;
	[tilespmem:$0x5780] =	vst v63  }
0x3c: {  	s31 =	simm.s32 $0x780  }
0x3d: {  	[spmem:s2] =	stream.indirect.scatter.add.f32 [tilespmem:s9], [sflag:$0x1], $0x10, s31, s13, $0xb8;
	[tilespmem:$0x5780] =	vst v63  }
0x3e: {  	_ =	swait.ge [sflag:s20], $0x800  }
0x3f: {  	[sflag:s20] =	ssyncset.done $0x0  }
0x40: {  	[sflag:s20] =	ssyncadd.s32 $0xFFFFF800  }
0x41: {  	_ =	swait.ge [sflag:s20], $0x800  }
0x42: {  	[sflag:s20] =	ssyncset.done $0x0  }
0x43: {  	[sflag:s20] =	ssyncadd.s32 $0xFFFFF800  }
0x44: {  	_ =	swait.ge [sflag:s20], $0x800  }
0x45: {  	[sflag:s20] =	ssyncset.done $0x0  }
0x46: {  	[sflag:s20] =	ssyncadd.s32 $0xFFFFF800  }
0x47: {  	_ =	swait.ge [sflag:s20], $0x800  }
0x48: {  	[sflag:s20] =	ssyncset.done $0x0  }
0x49: {  	[sflag:s20] =	ssyncadd.s32 $0xFFFFF800  }
0x4a: {  	_ =	swait.ge [sflag:s20], $0x800  }
0x4b: {  	[sflag:s20] =	ssyncset.done $0x0  }
0x4c: {  	[sflag:s20] =	ssyncadd.s32 $0xFFFFF800  }
0x4d: {  	_ =	swait.ge [sflag:s20], $0x800  }
0x4e: {  	[sflag:s20] =	ssyncset.done $0x0  }
0x4f: {  	[sflag:s20] =	ssyncadd.s32 $0xFFFFF800  }
0x50: {  	_ =	swait.ge [sflag:s20], $0x800  }
0x51: {  	[sflag:s20] =	ssyncset.done $0x0  }
0x52: {  	[sflag:s20] =	ssyncadd.s32 $0xFFFFF800  }
0x53: {  	_ =	swait.ge [sflag:s20], $0x800  }
0x54: {  	s24 =	simm.s32 $0x400;
	s25 =	simm.s32 $0x2000;
	[sflag:s20] =	ssyncset.done $0x0  }
.LBB2_2:
0x55: {  	s26 =	sadd.s32 $0x400, s24  }
0x56: {  	[sflag:s20] =	ssyncadd.s32 $0xFFFFF800;
	s23 =	smov.u32 s25;
	s22 =	sadd.s32 $0x1000, s25  }
0x57: {  	[spmem:s2] =	stream.indirect.scatter.add.f32 [tilespmem:s9], [sflag:$0x1], $0x10, s26, s13, $0xb8;
	[tilespmem:$0x5780] =	vst v63  }
0x58: {  	p0 =	sne.s32 s25, $0x8000;
	s25 =	sadd.s32 $0x480, s24  }
0x59: {  	[spmem:s2] =	stream.indirect.scatter.add.f32 [tilespmem:s9], [sflag:$0x1], $0x10, s25, s13, $0xb8;
	[tilespmem:$0x5780] =	vst v63  }
0x5a: {  	s25 =	sadd.s32 $0x500, s24  }
0x5b: {  	[spmem:s2] =	stream.indirect.scatter.add.f32 [tilespmem:s9], [sflag:$0x1], $0x10, s25, s13, $0xb8;
	[tilespmem:$0x5780] =	vst v63  }
0x5c: {  	s25 =	sadd.s32 $0x580, s24  }
0x5d: {  	[spmem:s2] =	stream.indirect.scatter.add.f32 [tilespmem:s9], [sflag:$0x1], $0x10, s25, s13, $0xb8;
	[tilespmem:$0x5780] =	vst v63  }
0x5e: {  	s25 =	sadd.s32 $0x600, s24  }
0x5f: {  	[spmem:s2] =	stream.indirect.scatter.add.f32 [tilespmem:s9], [sflag:$0x1], $0x10, s25, s13, $0xb8;
	[tilespmem:$0x5780] =	vst v63  }
0x60: {  	s25 =	sadd.s32 $0x680, s24  }
0x61: {  	[spmem:s2] =	stream.indirect.scatter.add.f32 [tilespmem:s9], [sflag:$0x1], $0x10, s25, s13, $0xb8;
	[tilespmem:$0x5780] =	vst v63  }
0x62: {  	s25 =	sadd.s32 $0x700, s24  }
0x63: {  	[spmem:s2] =	stream.indirect.scatter.add.f32 [tilespmem:s9], [sflag:$0x1], $0x10, s25, s13, $0xb8;
	[tilespmem:$0x5780] =	vst v63  }
0x64: {  	s24 =	sadd.s32 $0x780, s24  }
0x65: {  	[spmem:s2] =	stream.indirect.scatter.add.f32 [tilespmem:s9], [sflag:$0x1], $0x10, s24, s13, $0xb8;
	[tilespmem:$0x5780] =	vst v63  }
0x66: {  	_ =	swait.ge [sflag:s20], $0x800  }
0x67: {  	[sflag:s20] =	ssyncset.done $0x0  }
0x68: {  	[sflag:s20] =	ssyncadd.s32 $0xFFFFF800  }
0x69: {  	_ =	swait.ge [sflag:s20], $0x800  }
0x6a: {  	[sflag:s20] =	ssyncset.done $0x0  }
0x6b: {  	[sflag:s20] =	ssyncadd.s32 $0xFFFFF800  }
0x6c: {  	_ =	swait.ge [sflag:s20], $0x800  }
0x6d: {  	[sflag:s20] =	ssyncset.done $0x0  }
0x6e: {  	[sflag:s20] =	ssyncadd.s32 $0xFFFFF800  }
0x6f: {  	_ =	swait.ge [sflag:s20], $0x800  }
0x70: {  	[sflag:s20] =	ssyncset.done $0x0  }
0x71: {  	[sflag:s20] =	ssyncadd.s32 $0xFFFFF800  }
0x72: {  	_ =	swait.ge [sflag:s20], $0x800  }
0x73: {  	[sflag:s20] =	ssyncset.done $0x0  }
0x74: {  	[sflag:s20] =	ssyncadd.s32 $0xFFFFF800  }
0x75: {  	_ =	swait.ge [sflag:s20], $0x800  }
0x76: {  	[sflag:s20] =	ssyncset.done $0x0  }
0x77: {  	[sflag:s20] =	ssyncadd.s32 $0xFFFFF800  }
.Ltmp0:
0x78: {  	_ =	swait.ge [sflag:s20], $0x800;
	(pc) =	sbr.rel @p0 .LBB2_2-.Ltmp0, $4  }
0x79: {  	[sflag:s20] =	ssyncset.done $0x0  }
0x7a: {  	[sflag:s20] =	ssyncadd.s32 $0xFFFFF800  }
0x7b: {  	_ =	swait.ge [sflag:s20], $0x800  }
0x7c: {  	s25 =	smov.u32 s22;
	s24 =	sshra.s32 s23, $0x2;
	[sflag:s20] =	ssyncset.done $0x0  }
0x7d: {  	s22 =	sadd.s32 $0x400, s24;
	[sflag:s20] =	ssyncadd.s32 $0xFFFFF800  }
0x7e: {  	[spmem:s2] =	stream.indirect.scatter.add.f32 [tilespmem:s9], [sflag:$0x1], $0x10, s22, s13, $0xb8;
	[tilespmem:$0x5780] =	vst v63  }
0x7f: {  	s23 =	sadd.s32 $0x480, s24  }
0x80: {  	[spmem:s2] =	stream.indirect.scatter.add.f32 [tilespmem:s9], [sflag:$0x1], $0x10, s23, s13, $0xb8;
	[tilespmem:$0x5780] =	vst v63  }
0x81: {  	s25 =	sadd.s32 $0x500, s24  }
0x82: {  	[spmem:s2] =	stream.indirect.scatter.add.f32 [tilespmem:s9], [sflag:$0x1], $0x10, s25, s13, $0xb8;
	[tilespmem:$0x5780] =	vst v63  }
0x83: {  	s26 =	sadd.s32 $0x580, s24  }
0x84: {  	[spmem:s2] =	stream.indirect.scatter.add.f32 [tilespmem:s9], [sflag:$0x1], $0x10, s26, s13, $0xb8;
	[tilespmem:$0x5780] =	vst v63  }
0x85: {  	s28 =	sadd.s32 $0x600, s24  }
0x86: {  	[spmem:s2] =	stream.indirect.scatter.add.f32 [tilespmem:s9], [sflag:$0x1], $0x10, s28, s13, $0xb8;
	[tilespmem:$0x5780] =	vst v63  }
0x87: {  	s29 =	sadd.s32 $0x680, s24  }
0x88: {  	[spmem:s2] =	stream.indirect.scatter.add.f32 [tilespmem:s9], [sflag:$0x1], $0x10, s29, s13, $0xb8;
	[tilespmem:$0x5780] =	vst v63  }
0x89: {  	s30 =	sadd.s32 $0x700, s24  }
0x8a: {  	[spmem:s2] =	stream.indirect.scatter.add.f32 [tilespmem:s9], [sflag:$0x1], $0x10, s30, s13, $0xb8;
	[tilespmem:$0x5780] =	vst v63  }
0x8b: {  	s31 =	sadd.s32 $0x780, s24  }
0x8c: {  	[spmem:s2] =	stream.indirect.scatter.add.f32 [tilespmem:s9], [sflag:$0x1], $0x10, s31, s13, $0xb8;
	[tilespmem:$0x5780] =	vst v63  }
0x8d: {  	_ =	swait.ge [sflag:s20], $0x800  }
0x8e: {  	[sflag:s20] =	ssyncset.done $0x0  }
0x8f: {  	[sflag:s20] =	ssyncadd.s32 $0xFFFFF800  }
0x90: {  	_ =	swait.ge [sflag:s20], $0x800  }
0x91: {  	[sflag:s20] =	ssyncset.done $0x0  }
0x92: {  	[sflag:s20] =	ssyncadd.s32 $0xFFFFF800  }
0x93: {  	_ =	swait.ge [sflag:s20], $0x800  }
0x94: {  	[sflag:s20] =	ssyncset.done $0x0  }
0x95: {  	[sflag:s20] =	ssyncadd.s32 $0xFFFFF800  }
0x96: {  	_ =	swait.ge [sflag:s20], $0x800  }
0x97: {  	[sflag:s20] =	ssyncset.done $0x0  }
0x98: {  	[sflag:s20] =	ssyncadd.s32 $0xFFFFF800  }
0x99: {  	_ =	swait.ge [sflag:s20], $0x800  }
0x9a: {  	[sflag:s20] =	ssyncset.done $0x0  }
0x9b: {  	[sflag:s20] =	ssyncadd.s32 $0xFFFFF800  }
0x9c: {  	_ =	swait.ge [sflag:s20], $0x800  }
0x9d: {  	[sflag:s20] =	ssyncset.done $0x0  }
0x9e: {  	[sflag:s20] =	ssyncadd.s32 $0xFFFFF800  }
0x9f: {  	_ =	swait.ge [sflag:s20], $0x800  }
0xa0: {  	[sflag:s20] =	ssyncset.done $0x0  }
0xa1: {  	[sflag:s20] =	ssyncadd.s32 $0xFFFFF800  }
0xa2: {  	_ =	swait.ge [sflag:s20], $0x800  }
0xa3: {  	[sflag:s20] =	ssyncset.done $0x0  }
0xa4: {  	[sflag:s20] =	ssyncadd.s32 $0xFFFFF800  }
0xa5: {  	_ =	swait.ge [sflag:s20], $0x800  }
0xa6: {  	[sflag:s20] =	ssyncset.done $0x0  }
0xa7: {  	[sflag:s20] =	ssyncadd.s32 $0xFFFFF800  }
0xa8: {  	_ =	swait.ge [sflag:s20], $0x800  }
0xa9: {  	[sflag:s20] =	ssyncset.done $0x0  }
0xaa: {  	[sflag:s20] =	ssyncadd.s32 $0xFFFFF800  }
0xab: {  	_ =	swait.ge [sflag:s20], $0x800  }
0xac: {  	[sflag:s20] =	ssyncset.done $0x0  }
0xad: {  	[sflag:s20] =	ssyncadd.s32 $0xFFFFF800  }
0xae: {  	_ =	swait.ge [sflag:s20], $0x800  }
0xaf: {  	[sflag:s20] =	ssyncset.done $0x0  }
0xb0: {  	[sflag:s20] =	ssyncadd.s32 $0xFFFFF800  }
0xb1: {  	_ =	swait.ge [sflag:s20], $0x800  }
0xb2: {  	[sflag:s20] =	ssyncset.done $0x0  }
0xb3: {  	[sflag:s20] =	ssyncadd.s32 $0xFFFFF800  }
0xb4: {  	_ =	swait.ge [sflag:s20], $0x800  }
0xb5: {  	[sflag:s20] =	ssyncset.done $0x0  }
0xb6: {  	[sflag:s20] =	ssyncadd.s32 $0xFFFFF800  }
0xb7: {  	_ =	swait.ge [sflag:s20], $0x800  }
0xb8: {  	[sflag:s20] =	ssyncset.done $0x0  }
0xb9: {  	[sflag:s20] =	ssyncadd.s32 $0xFFFFF800  }
0xba: {  	_ =	swait.ge [sflag:s20], $0x800  }
0xbb: {  	s21 =	sadd.s32 $0x1, s21;
	[sflag:s20] =	ssyncset.done $0x0  }
0xbc: {  	p0 =	sne.s32 s21, s8;
	[sflag:s20] =	ssyncadd.s32 $0xFFFFF800  }
.Ltmp1:
0xbd: {  	[bflag:$0x0] =	sbarrier.arrive $0xFFFF;
	(pc) =	sbr.rel @p0 .LBB2_1-.Ltmp1, $4  }
0xbe: {  	[hbm:s7], [sflag:s11] =	dma.local [spmem:s12], $0x4F0  }
0xbf: {  	_ =	swait.ge [sflag:s10], $0x4F0  }
0xc0: {  	[sflag:s10] =	ssyncset.done $0x0  }
0xc1: {  	[sflag:s10] =	ssyncadd.s32 $0xFFFFFB10  }
0xc2: {  	_ =	sfence.sel $0x180000  }
0xc3: {  	[bflag:$0x0] =	sbarrier.arrive $0xFFFF  }
0xc4: {  	p0 =	sne.s32 s1, $0x0;
	_ =	strace $0x90000047  }
0xc5: {  	s0 =	sadd.s32 @!p0 $0x100000, s0;
	[bflag:$0x2] =	sbarrier.arrive $0xFFFF  }
0xc6: {  	[sflag:s0] =	ssyncadd.tile.s32 @!p0 $0x1;
	_ =	shalt  }
.Lfunc_end2:
_tile_overlayer_lowered:
.L_overlay_start_2:
0xc7: {  	(tag) =	ssettag $0x2  }
0xc8: {  	s0 =	rddreg [dreg:$0x0];
	s2 =	stileid.u32  }
0xc9: {  	s1 =	rddreg [dreg:$0x1];
	p0 =	sne.s32 s2, $0x0  }
0xca: {  	s3 =	rddreg [dreg:$0x2];
	[bflag:$0x3] =	sbarrier.arrive $0xFFFF;
	s2 =	simm.s32 @!p0 $0x1C02  }
0xcb: {  	[timem:s3], [sflag:s2] =	dma.local @!p0 [hbm:s0], s1  }
0xcc: {  	s0 =	simm.s32 @!p0 $0x2  }
0xcd: {  	_ =	swait.ge @!p0 [sflag:s0], s1  }
0xce: {  	s1 =	ssub.s32 @!p0 $0x0, s1;
	[sflag:s0] =	ssyncset.done @!p0 $0x0  }
0xcf: {  	[sflag:s0] =	ssyncadd.s32 @!p0 s1  }
0xd0: {  	[bflag:$0x3] =	sbarrier.arrive $0xFFFF  }
0xd1: {  	_ =	shalt  }

// kernel: kernel.14.cloned.1.call-start
scs
__scs_entry_jumppad:
0x0: {  	(pc) =	sbr.rel $0x88, $3  }
0x1: {  	(tag) =	ssettag $0x0;
	lr =	simm.s32 $0x1  }
0x2: {  	[smem:$0x3F9B] =	sst lr;
	_ =	strace $0xD0000000  }
0x3: {  	_ = 	snop  }
0x4: {  	_ = 	snop  }
0x5: {  	_ = 	snop  }
0x6: {  	_ = 	snop  }
0x7: {  	_ = 	snop  }
__scs_overlays_trampoline_lowered:
0x8: {  	[smem:$0x3FAA] =	sst s0  }
0x9: {  	[smem:$0x3FAB] =	sst s1  }
0xa: {  	[smem:$0x3FAC] =	sst s2  }
0xb: {  	[smem:$0x3FAD] =	sst s3  }
0xc: {  	[smem:$0x3FAE] =	sst s4  }
0xd: {  	[smem:$0x3FAF] =	sst s5  }
0xe: {  	[smem:$0x3FB0] =	sst s6  }
0xf: {  	[smem:$0x3FB1] =	sst s7  }
0x10: {  	[smem:$0x3FB2] =	sst s8  }
0x11: {  	[smem:$0x3FB3] =	sst s9;
	s0 =	simm.s32 @!p0 $0x0  }
0x12: {  	s1 =	sld [smem:$0x3F99];
	s0 =	simm.s32 @p0 $0x1  }
0x13: {  	[smem:$0x3FB4] =	sst s0;
	s0 =	simm.s32 @!p1 $0x0  }
0x14: {  	s2 =	sld [smem:$0x3F98];
	s0 =	simm.s32 @p1 $0x1  }
0x15: {  	[smem:$0x3FB5] =	sst s0;
	s0 =	simm.s32 @!p2 $0x0  }
0x16: {  	s3 =	sld [smem:$0x3FDB];
	s0 =	simm.s32 @p2 $0x1  }
0x17: {  	s4 =	simm.s32 $0x1BF5;
	[smem:$0x3FB7] =	sst s0  }
0x18: {  	s0 =	sld [smem:$0x3F9A];
	_ =	swait.ge [sflag:s4], $0x0  }
0x19: {  	s7 =	sld [smem:$0x3F9B]  }
0x1a: {  	s8 =	sadd.s32 $0xFFFFE003, lr  }
0x1b: {  	s9 =	sadd.s32 $0xFFFFFEF7, lr;
	s5 =	simm.s32 $0xFFFFFFFF;
	p2 =	slt.u32 s8, $0xFFFFF086  }
0x1c: {  	p1 =	slt.u32 s9, $0xF7A;
	s5 =	simm.s32 @!p2 $0x0  }
0x1d: {  	s5 =	simm.s32 @p1 $0x1;
	p0 =	seq.s32 s7, s2  }
0x1e: {  	s7 =	smul.u32 @!p0 $0xF7A, s2;
	p2 =	seq.s32 @!p0 s5, $0x0  }
0x1f: {  	s9 =	smul.u32 $0xF7A, s1;
	s8 =	simm.s32 @!p0 $0x1BF5;
	p2 =	por !p2, p0  }
0x20: {  	[sflag:s8] =	ssyncset.s32 @!p0 $0xFFFFF086;
	s6 =	sadd.s32 @!p0 s3, s7;
	s7 =	simm.s32 @!p0 $0x108  }
0x21: {  	s3 =	sadd.s32 s3, s9;
	s6 =	sadd.s32 @!p0 $0x88, s6;
	s7 =	simm.s32 @p2 $0x1082  }
0x22: {  	[simem:s7], [sflag:s8] =	dma.local @!p0 [hbm:s6], $0xF7A  }
0x23: {  	s9 =	sor.u32 $0xD0000000, s2;
	s6 =	simm.s32 $0x108;
	_ =	swait.ge @!p0 [sflag:s8], $0x0  }
0x24: {  	s3 =	sadd.s32 $0x88, s3;
	s6 =	simm.s32 @!p1 $0x1082;
	[sflag:s4] =	ssyncset.s32 $0xFFFFF086  }
0x25: {  	[simem:s6], [sflag:s4] =	dma.local [hbm:s3], $0xF7A  }
0x26: {  	[smem:$0x3F9B] =	sst s1;
	(tag) =	ssettag s2;
	_ =	strace s9  }
0x27: {  	s1 =	sld [smem:$0x3FAB]  }
0x28: {  	s2 =	sld [smem:$0x3FAC]  }
0x29: {  	s4 =	sld [smem:$0x3FAE]  }
0x2a: {  	p0 =	seq.s32 s5, $0x0;
	s5 =	sld [smem:$0x3FAF]  }
0x2b: {  	s6 =	sld [smem:$0x3FB0]  }
0x2c: {  	s7 =	sld [smem:$0x3FB1]  }
0x2d: {  	s3 =	simm.s32 $0x108;
	s8 =	sld [smem:$0x3FB2]  }
0x2e: {  	s3 =	simm.s32 @!p0 $0x1082;
	s9 =	sld [smem:$0x3FB3]  }
0x2f: {  	lr =	sadd.s32 s0, s3;
	s0 =	sld [smem:$0x3FAA]  }
0x30: {  	s3 =	sld [smem:$0x3FAD]  }
0x31: {  	[smem:$0x3FB6] =	sst s10  }
0x32: {  	s10 =	sld [smem:$0x3FB4];
	_ =	sdelay $0x3  }
0x33: {  	p0 =	seq.s32 s10, $0x1;
	s10 =	sld [smem:$0x3FB6];
	_ =	sdelay $0x3  }
0x34: {  	[smem:$0x3FB6] =	sst s10  }
0x35: {  	s10 =	sld [smem:$0x3FB5];
	_ =	sdelay $0x3  }
0x36: {  	p1 =	seq.s32 s10, $0x1;
	s10 =	sld [smem:$0x3FB6];
	_ =	sdelay $0x3  }
0x37: {  	[smem:$0x3FB6] =	sst s10  }
0x38: {  	s10 =	sld [smem:$0x3FB7]  }
0x39: {  	_ = 	snop;
	(pc) =	sbr.ind lr, $3  }
0x3a: {  	_ = 	snop  }
0x3b: {  	_ = 	snop  }
0x3c: {  	p2 =	seq.s32 s10, $0x1;
	s10 =	sld [smem:$0x3FB6]  }
0x3d: {  	_ =	shalt  }
0x3e: {  	_ =	shalt  }
0x3f: {  	_ =	shalt  }
0x40: {  	_ =	shalt  }
0x41: {  	_ =	shalt  }
0x42: {  	_ =	shalt  }
0x43: {  	_ =	shalt  }
0x44: {  	_ =	shalt  }
0x45: {  	_ =	shalt  }
0x46: {  	_ =	shalt  }
0x47: {  	_ =	shalt  }
0x48: {  	_ =	shalt  }
0x49: {  	_ =	shalt  }
0x4a: {  	_ =	shalt  }
0x4b: {  	_ =	shalt  }
0x4c: {  	_ =	shalt  }
0x4d: {  	_ =	shalt  }
0x4e: {  	_ =	shalt  }
0x4f: {  	_ =	shalt  }
0x50: {  	_ =	shalt  }
0x51: {  	_ =	shalt  }
0x52: {  	_ =	shalt  }
0x53: {  	_ =	shalt  }
0x54: {  	_ =	shalt  }
0x55: {  	_ =	shalt  }
0x56: {  	_ =	shalt  }
0x57: {  	_ =	shalt  }
0x58: {  	_ =	shalt  }
0x59: {  	_ =	shalt  }
0x5a: {  	_ =	shalt  }
0x5b: {  	_ =	shalt  }
0x5c: {  	_ =	shalt  }
0x5d: {  	_ =	shalt  }
0x5e: {  	_ =	shalt  }
0x5f: {  	_ =	shalt  }
0x60: {  	_ =	shalt  }
0x61: {  	_ =	shalt  }
0x62: {  	_ =	shalt  }
0x63: {  	_ =	shalt  }
0x64: {  	_ =	shalt  }
0x65: {  	_ =	shalt  }
0x66: {  	_ =	shalt  }
0x67: {  	_ =	shalt  }
0x68: {  	_ =	shalt  }
0x69: {  	_ =	shalt  }
0x6a: {  	_ =	shalt  }
0x6b: {  	_ =	shalt  }
0x6c: {  	_ =	shalt  }
0x6d: {  	_ =	shalt  }
0x6e: {  	_ =	shalt  }
0x6f: {  	_ =	shalt  }
0x70: {  	_ =	shalt  }
0x71: {  	_ =	shalt  }
0x72: {  	_ =	shalt  }
0x73: {  	_ =	shalt  }
0x74: {  	_ =	shalt  }
0x75: {  	_ =	shalt  }
0x76: {  	_ =	shalt  }
0x77: {  	_ =	shalt  }
0x78: {  	_ =	shalt  }
0x79: {  	_ =	shalt  }
0x7a: {  	_ =	shalt  }
0x7b: {  	_ =	shalt  }
0x7c: {  	_ =	shalt  }
0x7d: {  	_ =	shalt  }
0x7e: {  	_ =	shalt  }
0x7f: {  	_ =	shalt  }
0x80: {  	_ =	shalt  }
0x81: {  	_ =	shalt  }
0x82: {  	_ =	shalt  }
0x83: {  	_ =	shalt  }
0x84: {  	_ =	shalt  }
0x85: {  	_ =	shalt  }
0x86: {  	_ =	shalt  }
0x87: {  	_ =	shalt  }
.Lfunc_end0:
.L_simem_size_0:
called_computation.1_lowered:
.L_overlay_start_0:
0x88: {  	s2 =	sld [smem:$0x3FD9]  }
0x89: {  	s3 =	sld [smem:$0x3FFE];
	_ =	sdelay $0x1  }
0x8a: {  	s1 =	srdreg.scid  }
0x8b: {  	s0 =	sand.u32 $0x1, s1  }
0x8c: {  	s17 =	sshll.u32 s0, $0xA;
	s2 =	sadd.s32 s3, s2  }
0x8d: {  	s2 =	sadd.s32 s2, s17  }
0x8e: {  	[smem:$0x3FC2] =	sst s2  }
0x8f: {  	_ = 	snop  }
0x90: {  	s2 =	sld [smem:$0x3FD0];
	(tm) =	ssettm $0x1  }
0x91: {  	s18 =	sld [smem:$0x3FFB];
	_ =	sdelay $0x3  }
0x92: {  	_ =	strace s18  }
0x93: {  	s3 =	sld [smem:$0x3FFC];
	_ =	sdelay $0x3  }
0x94: {  	_ =	strace s3  }
0x95: {  	s3 =	sld [smem:$0x3FFD];
	_ =	sdelay $0x3  }
0x96: {  	_ =	strace s3  }
0x97: {  	_ =	strace $0x8FFFFFFF  }
0x98: {  	s19 =	sld [smem:$0x3FDB];
	_ =	sdelay $0x1  }
0x99: {  	s4 =	simm.s32 $_scs_section_size  }
0x9a: {  	s5 =	simm.s32 $_size__tile_overlayer_lowered;
	s6 =	simm.s32 $_tile_overlayer_lowered  }
0x9b: {  	s22 =	simm.s32 $0x1BFF;
	s21 =	sshll.u32 s6, $0x1;
	s3 =	sadd.s32 s4, s19  }
0x9c: {  	s7 =	simm.s32 $0x0;
	s20 =	sshll.u32 s5, $0x1;
	s5 =	sadd.s32 s21, s3  }
0x9d: {  	[timem:s7], [sflag:s22] =	dma.local [hbm:s5], s20  }
0x9e: {  	_ =	swait.ge [sflag:s22], s20  }
0x9f: {  	s4 =	ssub.s32 $0x0, s20;
	[sflag:s22] =	ssyncset.done $0x0  }
0xa0: {  	[sflag:s22] =	ssyncadd.s32 s4;
	_ =	sdelay $0x1  }
0xa1: {  	s23 =	simm.s32 $0x1B8B  }
0xa2: {  	_ =	swait.ge [sflag:s23], $0x1  }
0xa3: {  	[sflag:s23] =	ssyncset.done $0x0  }
0xa4: {  	s25 =	simm.s32 $0x1B8E;
	s24 =	sld [smem:$0x3FFE];
	[sflag:s23] =	ssyncadd.s32 $0xFFFFFFFF  }
0xa5: {  	s26 =	simm.s32 $execute0_lowered;
	[smem:$0x3FD2] =	sst s25  }
0xa6: {  	s5 =	sshll.u32 s26, $0x1;
	_ =	strace $0x80000049;
	[dreg:$0x1] =	wrdreg $0xFFFFFFFF  }
0xa7: {  	s28 =	simm.s32 $_size_execute0_lowered;
	s3 =	sadd.s32 s3, s5;
	[dreg:$0x0] =	wrdreg $0x0  }
0xa8: {  	s5 =	sshll.u32 s28, $0x1;
	[dreg:$0x2] =	wrdreg s3  }
0xa9: {  	[dreg:$0x3] =	wrdreg s5  }
0xaa: {  	[dreg:$0x4] =	wrdreg $0xC0  }
0xab: {  	_ =	task [dreg:s7], $0x5FFFF  }
0xac: {  	[dreg:$0x1] =	wrdreg $0xFFFFFFFF  }
0xad: {  	[dreg:$0x0] =	wrdreg $0x60  }
0xae: {  	[dreg:$0x2] =	wrdreg s24  }
0xaf: {  	[dreg:$0x3] =	wrdreg s2  }
0xb0: {  	[dreg:$0x4] =	wrdreg $0x92000  }
0xb1: {  	[dreg:$0x5] =	wrdreg $0xB9800  }
0xb2: {  	[dreg:$0x6] =	wrdreg $0x9  }
0xb3: {  	_ =	task.clear_ibuf [dreg:s7], $0x7FFFF;
	_ =	strace $0x90000049  }
0xb4: {  	s29 =	simm.s32 $0x9;
	_ =	strace $0x8000004B  }
0xb5: {  	_ =	swait.ge [sflag:s29], $0x1  }
0xb6: {  	[sflag:s29] =	ssyncadd.s32 $0xFFFFFFFF  }
0xb7: {  	_ =	strace $0x9000004B  }
0xb8: {  	_ =	sfence  }
0xb9: {  	s30 =	sld [smem:$0x0];
	_ =	sdelay $0x2  }
0xba: {  	s31 =	sshll.u32 s1, $0xD;
	s1 =	sshrl.u32 s1, $0x2  }
0xbb: {  	s3 =	sand.u32 $0x4000, s31;
	s1 =	sadd.s32 s1, s30  }
0xbc: {  	s0 =	sor.u32 s3, s0;
	s1 =	sshll.u32 s1, $0x11  }
0xbd: {  	s0 =	sor.u32 s1, s0  }
0xbe: {  	s0 =	sadd.s32 $0x8F2B, s0  }
0xbf: {  	[sflag:s0] =	ssyncadd.remote.s32 $0x1  }
0xc0: {  	_ =	sfence.sel $0xFFFF  }
0xc1: {  	[dreg:$0x0] =	wrdreg $0xFFFFFFFF;
	(pc) =	sbr.abs _section_cstart, $3  }
0xc2: {  	[dreg:$0x1] =	wrdreg $0xFFFFFFFF  }
0xc3: {  	_ =	task.clear_ibuf [dreg:s7], $0x2FFFF;
	_ =	strace $0x9FFFFFFF  }
0xc4: {  	(tm) =	ssettm $0x7FFFFFFF  }
0xc5: {  	_ =	shalt  }
tec
execute0_lowered:
.L_overlay_start_1:
0x0: {  	(tag) =	ssettag $0x1  }
0x1: {  	s0 =	rddreg [dreg:$0x0]  }
0x2: {  	s1 =	rddreg [dreg:$0x1];
	s14 =	stileid.u32  }
0x3: {  	s3 =	srdreg.scid;
	s2 =	rddreg [dreg:$0x2]  }
0x4: {  	s17 =	simm.s32 $0x80;
	s18 =	simm.s32 $0x5200;
	s19 =	simm.s32 $0x5A00  }
0x5: {  	s21 =	simm.s32 $0x6200;
	s22 =	simm.s32 $0x180;
	s23 =	simm.s32 $0x6A00  }
0x6: {  	s24 =	simm.s32 $0x1;
	s25 =	simm.s32 $0x7200;
	s28 =	simm.s32 $0x8200  }
0x7: {  	s29 =	simm.s32 $0x8A00;
	s30 =	simm.s32 $0x2;
	s31 =	simm.s32 $0x3  }
0x8: {  	s5 =	sand.u32 $0x1, s3;
	s4 =	sshll.u32 s14, $0x1;
	s3 =	rddreg [dreg:$0x3]  }
0x9: {  	s8 =	smul.u32 $0x2780, s14;
	s26 =	sshll.u32 s14, $0x6;
	s6 =	sor.u32 s5, s4  }
0xa: {  	s4 =	simm.s32 $0x0;
	s7 =	smul.u32 $0x27800, s5;
	s5 =	ssub.s32 $0x2, s5  }
0xb: {  	s14 =	sor.u32 $0x1C05, s26;
	s26 =	simm.s32 $0x7A00;
	s6 =	smul.u32 $0x2800, s6  }
0xc: {  	[smem:$0x7FF] =	sst s4;
	s9 =	sshrl.u32 s8, $0x3;
	s11 =	sshrl.u32 s5, $0x1  }
0xd: {  	s12 =	sadd.s32 s8, s2;
	s13 =	sadd.s32 s8, s3;
	_ =	strace $0x8000004A  }
0xe: {  	s10 =	sadd.s32 s9, s0;
	s7 =	sadd.s32 s8, s7;
	s11 =	ssub.s32 s5, s11  }
0xf: {  	s8 =	sadd.s32 s1, s9;
	s15 =	sshrl.u32 s12, $0x3;
	s16 =	sshrl.u32 s13, $0x3  }
0x10: {  	s1 =	simm.s32 $0x4;
	s6 =	sshrl.u32 s6, $0x3;
	s7 =	sshrl.u32 s7, $0x3  }
0x11: {  	s6 =	sadd.s32 s6, s0;
	s0 =	sadd.s32 s7, s0;
	s7 =	sadd.s32 $0x17600, s10  }
0x12: {  	s10 =	smax.u32 s11, $0x1;
	s11 =	simm.s32 $0x5;
	s5 =	sadd.s32 $0x3600, s6  }
0x13: {  	s6 =	sadd.s32 $0xD600, s6;
	s9 =	sadd.s32 $0x1C600, s0;
	s0 =	simm.s32 $0x0  }
.LBB2_1:
0x14: {  	[tilespmem:s4], [sflag:$0x5] =	stream.linear.gather [hbm4b:s5+s4], $0x2800, $0x38;
	[tilespmem:$0xE100] =	vst v63  }
0x15: {  	_ =	swait.ge [sflag:s11], $0x2800  }
0x16: {  	[sflag:s11] =	ssyncset.done $0x0  }
0x17: {  	s12 =	simm.s32 $0x2800;
	[sflag:s11] =	ssyncadd.s32 $0xFFFFD800  }
0x18: {  	[tilespmem:s12], [sflag:$0x5] =	stream.linear.gather [hbm4b:s5+s4], $0x200, $0x38;
	[tilespmem:$0xE100] =	vst v63  }
0x19: {  	_ =	swait.ge [sflag:s11], $0x200  }
0x1a: {  	[sflag:s11] =	ssyncset.done $0x0  }
0x1b: {  	s13 =	simm.s32 $0x2A00;
	[sflag:s11] =	ssyncadd.s32 $0xFFFFFE00  }
0x1c: {  	[tilespmem:s13], [sflag:$0x5] =	stream.linear.gather [hbm4b:s6+s4], $0x2800, $0x38;
	[tilespmem:$0xE100] =	vst v63  }
0x1d: {  	_ =	swait.ge [sflag:s11], $0x2800  }
0x1e: {  	[sflag:s11] =	ssyncset.done $0x0  }
0x1f: {  	[sflag:s11] =	ssyncadd.s32 $0xFFFFD800  }
0x20: {  	[spmem:s15], [sflag:s14] =	dma.local [hbm:s7], $0x4F0  }
0x21: {  	_ =	swait.ge [sflag:s11], $0x4F0  }
0x22: {  	[sflag:s11] =	ssyncset.done $0x0  }
0x23: {  	[sflag:s11] =	ssyncadd.s32 $0xFFFFFB10  }
0x24: {  	[spmem:s16], [sflag:s14] =	dma.local [hbm:s8], $0x4F0  }
0x25: {  	_ =	swait.ge [sflag:s11], $0x4F0  }
0x26: {  	[sflag:s11] =	ssyncset.done $0x0  }
0x27: {  	[sflag:s11] =	ssyncadd.s32 $0xFFFFFB10  }
0x28: {  	[bflag:$0x0] =	sbarrier.arrive $0xFFFF  }
0x29: {  	[tilespmem:s18], [sflag:$0x1] =	stream.indirect.gather [spmem:s2], $0x10, s4, s17, $0xb8;
	[tilespmem:$0xE100] =	vst v63  }
0x2a: {  	_ = 	snop  }
0x2b: {  	[tilespmem:s19], [sflag:$0x1] =	stream.indirect.gather [spmem:s2], $0x10, s17, s17, $0xb8;
	[tilespmem:$0xE100] =	vst v63  }
0x2c: {  	s20 =	simm.s32 $0x100  }
0x2d: {  	[tilespmem:s21], [sflag:$0x1] =	stream.indirect.gather [spmem:s2], $0x10, s20, s17, $0xb8;
	[tilespmem:$0xE100] =	vst v63  }
0x2e: {  	_ = 	snop  }
0x2f: {  	[tilespmem:s23], [sflag:$0x1] =	stream.indirect.gather [spmem:s2], $0x10, s22, s17, $0xb8;
	[tilespmem:$0xE100] =	vst v63  }
0x30: {  	_ =	swait.ge [sflag:s24], $0x800  }
0x31: {  	[sflag:s24] =	ssyncset.done $0x0  }
0x32: {  	[sflag:s24] =	ssyncadd.s32 $0xFFFFF800  }
0x33: {  	_ =	swait.ge [sflag:s24], $0x800  }
0x34: {  	[sflag:s24] =	ssyncset.done $0x0  }
0x35: {  	[sflag:s24] =	ssyncadd.s32 $0xFFFFF800  }
0x36: {  	_ =	swait.ge [sflag:s24], $0x800  }
0x37: {  	[sflag:s24] =	ssyncset.done $0x0  }
0x38: {  	[sflag:s24] =	ssyncadd.s32 $0xFFFFF800  }
0x39: {  	_ =	swait.ge [sflag:s24], $0x800  }
0x3a: {  	[sflag:s24] =	ssyncset.done $0x0  }
0x3b: {  	s13 =	simm.s32 $0x200;
	[sflag:s24] =	ssyncadd.s32 $0xFFFFF800  }
0x3c: {  	[tilespmem:s25], [sflag:$0x2] =	stream.indirect.gather [spmem:s2], $0x10, s13, s17, $0xb8;
	[tilespmem:$0xE100] =	vst v63  }
0x3d: {  	s20 =	simm.s32 $0x280  }
0x3e: {  	[tilespmem:s26], [sflag:$0x2] =	stream.indirect.gather [spmem:s2], $0x10, s20, s17, $0xb8;
	[tilespmem:$0xE100] =	vst v63  }
0x3f: {  	s13 =	simm.s32 $0x300  }
0x40: {  	[tilespmem:s28], [sflag:$0x2] =	stream.indirect.gather [spmem:s2], $0x10, s13, s17, $0xb8;
	[tilespmem:$0xE100] =	vst v63  }
0x41: {  	s20 =	simm.s32 $0x380  }
0x42: {  	[tilespmem:s29], [sflag:$0x2] =	stream.indirect.gather [spmem:s2], $0x10, s20, s17, $0xb8;
	[tilespmem:$0xE100] =	vst v63  }
0x43: {  	s13 =	simm.s32 $0x2A00  }
0x44: {  	[spmem:s3] =	stream.indirect.scatter.add.f32 [tilespmem:s18], [sflag:$0x3], $0x10, s13, s17, $0xb8;
	[tilespmem:$0xE100] =	vst v63  }
0x45: {  	s20 =	simm.s32 $0x2A80  }
0x46: {  	[spmem:s3] =	stream.indirect.scatter.add.f32 [tilespmem:s19], [sflag:$0x3], $0x10, s20, s17, $0xb8;
	[tilespmem:$0xE100] =	vst v63  }
0x47: {  	s13 =	simm.s32 $0x2B00  }
0x48: {  	[spmem:s3] =	stream.indirect.scatter.add.f32 [tilespmem:s21], [sflag:$0x3], $0x10, s13, s17, $0xb8;
	[tilespmem:$0xE100] =	vst v63  }
0x49: {  	s20 =	simm.s32 $0x2B80  }
0x4a: {  	[spmem:s3] =	stream.indirect.scatter.add.f32 [tilespmem:s23], [sflag:$0x3], $0x10, s20, s17, $0xb8;
	[tilespmem:$0xE100] =	vst v63  }
0x4b: {  	_ =	swait.ge [sflag:s30], $0x800  }
0x4c: {  	[sflag:s30] =	ssyncset.done $0x0  }
0x4d: {  	[sflag:s30] =	ssyncadd.s32 $0xFFFFF800  }
0x4e: {  	_ =	swait.ge [sflag:s30], $0x800  }
0x4f: {  	[sflag:s30] =	ssyncset.done $0x0  }
0x50: {  	[sflag:s30] =	ssyncadd.s32 $0xFFFFF800  }
0x51: {  	_ =	swait.ge [sflag:s30], $0x800  }
0x52: {  	[sflag:s30] =	ssyncset.done $0x0  }
0x53: {  	[sflag:s30] =	ssyncadd.s32 $0xFFFFF800  }
0x54: {  	_ =	swait.ge [sflag:s30], $0x800  }
0x55: {  	[sflag:s30] =	ssyncset.done $0x0  }
0x56: {  	[sflag:s30] =	ssyncadd.s32 $0xFFFFF800  }
0x57: {  	_ =	swait.ge [sflag:s31], $0x800  }
0x58: {  	[sflag:s31] =	ssyncset.done $0x0  }
0x59: {  	[sflag:s31] =	ssyncadd.s32 $0xFFFFF800  }
0x5a: {  	_ =	swait.ge [sflag:s31], $0x800  }
0x5b: {  	[sflag:s31] =	ssyncset.done $0x0  }
0x5c: {  	[sflag:s31] =	ssyncadd.s32 $0xFFFFF800  }
0x5d: {  	_ =	swait.ge [sflag:s31], $0x800  }
0x5e: {  	[sflag:s31] =	ssyncset.done $0x0  }
0x5f: {  	[sflag:s31] =	ssyncadd.s32 $0xFFFFF800  }
0x60: {  	_ =	swait.ge [sflag:s31], $0x800  }
0x61: {  	[sflag:s31] =	ssyncset.done $0x0  }
0x62: {  	s13 =	simm.s32 $0x400;
	[sflag:s31] =	ssyncadd.s32 $0xFFFFF800  }
0x63: {  	[tilespmem:s18], [sflag:$0x1] =	stream.indirect.gather [spmem:s2], $0x10, s13, s17, $0xb8;
	[tilespmem:$0xE100] =	vst v63  }
0x64: {  	s20 =	simm.s32 $0x480  }
0x65: {  	[tilespmem:s19], [sflag:$0x1] =	stream.indirect.gather [spmem:s2], $0x10, s20, s17, $0xb8;
	[tilespmem:$0xE100] =	vst v63  }
0x66: {  	s13 =	simm.s32 $0x500  }
0x67: {  	[tilespmem:s21], [sflag:$0x1] =	stream.indirect.gather [spmem:s2], $0x10, s13, s17, $0xb8;
	[tilespmem:$0xE100] =	vst v63  }
0x68: {  	s20 =	simm.s32 $0x580  }
0x69: {  	[tilespmem:s23], [sflag:$0x1] =	stream.indirect.gather [spmem:s2], $0x10, s20, s17, $0xb8;
	[tilespmem:$0xE100] =	vst v63  }
0x6a: {  	s13 =	simm.s32 $0x2C00  }
0x6b: {  	[spmem:s3] =	stream.indirect.scatter.add.f32 [tilespmem:s25], [sflag:$0x4], $0x10, s13, s17, $0xb8;
	[tilespmem:$0xE100] =	vst v63  }
0x6c: {  	s20 =	simm.s32 $0x2C80  }
0x6d: {  	[spmem:s3] =	stream.indirect.scatter.add.f32 [tilespmem:s26], [sflag:$0x4], $0x10, s20, s17, $0xb8;
	[tilespmem:$0xE100] =	vst v63  }
0x6e: {  	s13 =	simm.s32 $0x2D00  }
0x6f: {  	[spmem:s3] =	stream.indirect.scatter.add.f32 [tilespmem:s28], [sflag:$0x4], $0x10, s13, s17, $0xb8;
	[tilespmem:$0xE100] =	vst v63  }
0x70: {  	s20 =	simm.s32 $0x2D80  }
0x71: {  	[spmem:s3] =	stream.indirect.scatter.add.f32 [tilespmem:s29], [sflag:$0x4], $0x10, s20, s17, $0xb8;
	[tilespmem:$0xE100] =	vst v63  }
0x72: {  	_ =	swait.ge [sflag:s1], $0x800  }
0x73: {  	[sflag:s1] =	ssyncset.done $0x0  }
0x74: {  	[sflag:s1] =	ssyncadd.s32 $0xFFFFF800  }
0x75: {  	_ =	swait.ge [sflag:s1], $0x800  }
0x76: {  	[sflag:s1] =	ssyncset.done $0x0  }
0x77: {  	[sflag:s1] =	ssyncadd.s32 $0xFFFFF800  }
0x78: {  	_ =	swait.ge [sflag:s1], $0x800  }
0x79: {  	[sflag:s1] =	ssyncset.done $0x0  }
0x7a: {  	[sflag:s1] =	ssyncadd.s32 $0xFFFFF800  }
0x7b: {  	_ =	swait.ge [sflag:s1], $0x800  }
0x7c: {  	s12 =	simm.s32 $0x1000;
	[sflag:s1] =	ssyncset.done $0x0  }
.LBB2_2:
0x7d: {  	p0 =	sne.s32 s12, $0x9000  }
0x7e: {  	[sflag:s1] =	ssyncadd.s32 $0xFFFFF800;
	s13 =	smov.u32 s12;
	s12 =	sadd.s32 $0x1000, s12  }
0x7f: {  	_ =	swait.ge [sflag:s24], $0x800  }
0x80: {  	[sflag:s24] =	ssyncset.done $0x0  }
0x81: {  	[sflag:s24] =	ssyncadd.s32 $0xFFFFF800  }
0x82: {  	_ =	swait.ge [sflag:s24], $0x800  }
0x83: {  	[sflag:s24] =	ssyncset.done $0x0  }
0x84: {  	[sflag:s24] =	ssyncadd.s32 $0xFFFFF800  }
0x85: {  	_ =	swait.ge [sflag:s24], $0x800  }
0x86: {  	[sflag:s24] =	ssyncset.done $0x0  }
0x87: {  	[sflag:s24] =	ssyncadd.s32 $0xFFFFF800  }
0x88: {  	_ =	swait.ge [sflag:s24], $0x800  }
0x89: {  	s13 =	sshra.s32 s13, $0x2;
	[sflag:s24] =	ssyncset.done $0x0  }
0x8a: {  	s20 =	sadd.s32 $0x200, s13;
	[sflag:s24] =	ssyncadd.s32 $0xFFFFF800  }
0x8b: {  	[tilespmem:s25], [sflag:$0x2] =	stream.indirect.gather [spmem:s2], $0x10, s20, s17, $0xb8;
	[tilespmem:$0xE100] =	vst v63  }
0x8c: {  	s20 =	sadd.s32 $0x280, s13  }
0x8d: {  	[tilespmem:s26], [sflag:$0x2] =	stream.indirect.gather [spmem:s2], $0x10, s20, s17, $0xb8;
	[tilespmem:$0xE100] =	vst v63  }
0x8e: {  	s20 =	sadd.s32 $0x300, s13  }
0x8f: {  	[tilespmem:s28], [sflag:$0x2] =	stream.indirect.gather [spmem:s2], $0x10, s20, s17, $0xb8;
	[tilespmem:$0xE100] =	vst v63  }
0x90: {  	s20 =	sadd.s32 $0x380, s13  }
0x91: {  	[tilespmem:s29], [sflag:$0x2] =	stream.indirect.gather [spmem:s2], $0x10, s20, s17, $0xb8;
	[tilespmem:$0xE100] =	vst v63  }
0x92: {  	s20 =	sadd.s32 $0x2A00, s13  }
0x93: {  	[spmem:s3] =	stream.indirect.scatter.add.f32 [tilespmem:s18], [sflag:$0x3], $0x10, s20, s17, $0xb8;
	[tilespmem:$0xE100] =	vst v63  }
0x94: {  	s20 =	sadd.s32 $0x2A80, s13  }
0x95: {  	[spmem:s3] =	stream.indirect.scatter.add.f32 [tilespmem:s19], [sflag:$0x3], $0x10, s20, s17, $0xb8;
	[tilespmem:$0xE100] =	vst v63  }
0x96: {  	s20 =	sadd.s32 $0x2B00, s13  }
0x97: {  	[spmem:s3] =	stream.indirect.scatter.add.f32 [tilespmem:s21], [sflag:$0x3], $0x10, s20, s17, $0xb8;
	[tilespmem:$0xE100] =	vst v63  }
0x98: {  	s20 =	sadd.s32 $0x2B80, s13  }
0x99: {  	[spmem:s3] =	stream.indirect.scatter.add.f32 [tilespmem:s23], [sflag:$0x3], $0x10, s20, s17, $0xb8;
	[tilespmem:$0xE100] =	vst v63  }
0x9a: {  	_ =	swait.ge [sflag:s30], $0x800  }
0x9b: {  	[sflag:s30] =	ssyncset.done $0x0  }
0x9c: {  	[sflag:s30] =	ssyncadd.s32 $0xFFFFF800  }
0x9d: {  	_ =	swait.ge [sflag:s30], $0x800  }
0x9e: {  	[sflag:s30] =	ssyncset.done $0x0  }
0x9f: {  	[sflag:s30] =	ssyncadd.s32 $0xFFFFF800  }
0xa0: {  	_ =	swait.ge [sflag:s30], $0x800  }
0xa1: {  	[sflag:s30] =	ssyncset.done $0x0  }
0xa2: {  	[sflag:s30] =	ssyncadd.s32 $0xFFFFF800  }
0xa3: {  	_ =	swait.ge [sflag:s30], $0x800  }
0xa4: {  	[sflag:s30] =	ssyncset.done $0x0  }
0xa5: {  	[sflag:s30] =	ssyncadd.s32 $0xFFFFF800  }
0xa6: {  	_ =	swait.ge [sflag:s31], $0x800  }
0xa7: {  	[sflag:s31] =	ssyncset.done $0x0  }
0xa8: {  	[sflag:s31] =	ssyncadd.s32 $0xFFFFF800  }
0xa9: {  	_ =	swait.ge [sflag:s31], $0x800  }
0xaa: {  	[sflag:s31] =	ssyncset.done $0x0  }
0xab: {  	[sflag:s31] =	ssyncadd.s32 $0xFFFFF800  }
0xac: {  	_ =	swait.ge [sflag:s31], $0x800  }
0xad: {  	[sflag:s31] =	ssyncset.done $0x0  }
0xae: {  	[sflag:s31] =	ssyncadd.s32 $0xFFFFF800  }
0xaf: {  	_ =	swait.ge [sflag:s31], $0x800  }
0xb0: {  	[sflag:s31] =	ssyncset.done $0x0  }
0xb1: {  	s20 =	sadd.s32 $0x400, s13;
	[sflag:s31] =	ssyncadd.s32 $0xFFFFF800  }
0xb2: {  	[tilespmem:s18], [sflag:$0x1] =	stream.indirect.gather [spmem:s2], $0x10, s20, s17, $0xb8;
	[tilespmem:$0xE100] =	vst v63  }
0xb3: {  	s20 =	sadd.s32 $0x480, s13  }
0xb4: {  	[tilespmem:s19], [sflag:$0x1] =	stream.indirect.gather [spmem:s2], $0x10, s20, s17, $0xb8;
	[tilespmem:$0xE100] =	vst v63  }
0xb5: {  	s20 =	sadd.s32 $0x500, s13  }
0xb6: {  	[tilespmem:s21], [sflag:$0x1] =	stream.indirect.gather [spmem:s2], $0x10, s20, s17, $0xb8;
	[tilespmem:$0xE100] =	vst v63  }
0xb7: {  	s20 =	sadd.s32 $0x580, s13  }
0xb8: {  	[tilespmem:s23], [sflag:$0x1] =	stream.indirect.gather [spmem:s2], $0x10, s20, s17, $0xb8;
	[tilespmem:$0xE100] =	vst v63  }
0xb9: {  	s20 =	sadd.s32 $0x2C00, s13  }
0xba: {  	[spmem:s3] =	stream.indirect.scatter.add.f32 [tilespmem:s25], [sflag:$0x4], $0x10, s20, s17, $0xb8;
	[tilespmem:$0xE100] =	vst v63  }
0xbb: {  	s20 =	sadd.s32 $0x2C80, s13  }
0xbc: {  	[spmem:s3] =	stream.indirect.scatter.add.f32 [tilespmem:s26], [sflag:$0x4], $0x10, s20, s17, $0xb8;
	[tilespmem:$0xE100] =	vst v63  }
0xbd: {  	s20 =	sadd.s32 $0x2D00, s13  }
0xbe: {  	[spmem:s3] =	stream.indirect.scatter.add.f32 [tilespmem:s28], [sflag:$0x4], $0x10, s20, s17, $0xb8;
	[tilespmem:$0xE100] =	vst v63  }
0xbf: {  	s13 =	sadd.s32 $0x2D80, s13  }
0xc0: {  	[spmem:s3] =	stream.indirect.scatter.add.f32 [tilespmem:s29], [sflag:$0x4], $0x10, s13, s17, $0xb8;
	[tilespmem:$0xE100] =	vst v63  }
0xc1: {  	_ =	swait.ge [sflag:s1], $0x800  }
0xc2: {  	[sflag:s1] =	ssyncset.done $0x0  }
0xc3: {  	[sflag:s1] =	ssyncadd.s32 $0xFFFFF800  }
0xc4: {  	_ =	swait.ge [sflag:s1], $0x800  }
0xc5: {  	[sflag:s1] =	ssyncset.done $0x0  }
0xc6: {  	[sflag:s1] =	ssyncadd.s32 $0xFFFFF800  }
.Ltmp0:
0xc7: {  	_ =	swait.ge [sflag:s1], $0x800;
	(pc) =	sbr.rel @p0 .LBB2_2-.Ltmp0, $4  }
0xc8: {  	[sflag:s1] =	ssyncset.done $0x0  }
0xc9: {  	[sflag:s1] =	ssyncadd.s32 $0xFFFFF800  }
0xca: {  	_ =	swait.ge [sflag:s1], $0x800  }
0xcb: {  	[sflag:s1] =	ssyncset.done $0x0  }
0xcc: {  	[sflag:s1] =	ssyncadd.s32 $0xFFFFF800  }
0xcd: {  	_ =	swait.ge [sflag:s24], $0x800  }
0xce: {  	[sflag:s24] =	ssyncset.done $0x0  }
0xcf: {  	[sflag:s24] =	ssyncadd.s32 $0xFFFFF800  }
0xd0: {  	_ =	swait.ge [sflag:s24], $0x800  }
0xd1: {  	[sflag:s24] =	ssyncset.done $0x0  }
0xd2: {  	[sflag:s24] =	ssyncadd.s32 $0xFFFFF800  }
0xd3: {  	_ =	swait.ge [sflag:s24], $0x800  }
0xd4: {  	[sflag:s24] =	ssyncset.done $0x0  }
0xd5: {  	[sflag:s24] =	ssyncadd.s32 $0xFFFFF800  }
0xd6: {  	_ =	swait.ge [sflag:s24], $0x800  }
0xd7: {  	s0 =	sadd.s32 $0x1, s0;
	[sflag:s24] =	ssyncset.done $0x0  }
0xd8: {  	p0 =	sne.s32 s0, s10;
	[sflag:s24] =	ssyncadd.s32 $0xFFFFF800  }
.Ltmp1:
0xd9: {  	[bflag:$0x0] =	sbarrier.arrive $0xFFFF;
	(pc) =	sbr.rel @p0 .LBB2_1-.Ltmp1, $4  }
0xda: {  	[hbm:s9], [sflag:s14] =	dma.local [spmem:s16], $0x4F0  }
0xdb: {  	_ =	swait.ge [sflag:s11], $0x4F0  }
0xdc: {  	[sflag:s11] =	ssyncset.done $0x0  }
0xdd: {  	[sflag:s11] =	ssyncadd.s32 $0xFFFFFB10  }
0xde: {  	_ =	sfence.sel $0x180000  }
0xdf: {  	[bflag:$0x0] =	sbarrier.arrive $0xFFFF  }
0xe0: {  	_ =	strace $0x9000004A  }
0xe1: {  	s0 =	stileid.u32;
	[bflag:$0x2] =	sbarrier.arrive $0xFFFF  }
0xe2: {  	p0 =	sne.s32 s0, $0x0;
	s0 =	rddreg [dreg:$0x4]  }
0xe3: {  	s0 =	sadd.s32 @!p0 $0x100000, s0  }
0xe4: {  	[sflag:s0] =	ssyncadd.tile.s32 @!p0 $0x1;
	_ =	shalt  }
.Lfunc_end2:
_tile_overlayer_lowered:
.L_overlay_start_2:
0xe5: {  	(tag) =	ssettag $0x2  }
0xe6: {  	s0 =	rddreg [dreg:$0x0];
	s2 =	stileid.u32  }
0xe7: {  	s1 =	rddreg [dreg:$0x1];
	p0 =	sne.s32 s2, $0x0  }
0xe8: {  	s3 =	rddreg [dreg:$0x2];
	[bflag:$0x3] =	sbarrier.arrive $0xFFFF;
	s2 =	simm.s32 @!p0 $0x1C05  }
0xe9: {  	[timem:s3], [sflag:s2] =	dma.local @!p0 [hbm:s0], s1  }
0xea: {  	s0 =	simm.s32 @!p0 $0x5  }
0xeb: {  	_ =	swait.ge @!p0 [sflag:s0], s1  }
0xec: {  	s1 =	ssub.s32 @!p0 $0x0, s1;
	[sflag:s0] =	ssyncset.done @!p0 $0x0  }
0xed: {  	[sflag:s0] =	ssyncadd.s32 @!p0 s1  }
0xee: {  	[bflag:$0x3] =	sbarrier.arrive $0xFFFF  }
0xef: {  	_ =	shalt  }

// kernel: kernel.17.cloned.1.call-start
scs
__scs_entry_jumppad:
0x0: {  	(pc) =	sbr.rel $0x88, $3  }
0x1: {  	(tag) =	ssettag $0x0;
	lr =	simm.s32 $0x1  }
0x2: {  	[smem:$0x3F9B] =	sst lr;
	_ =	strace $0xD0000000  }
0x3: {  	_ = 	snop  }
0x4: {  	_ = 	snop  }
0x5: {  	_ = 	snop  }
0x6: {  	_ = 	snop  }
0x7: {  	_ = 	snop  }
__scs_overlays_trampoline_lowered:
0x8: {  	[smem:$0x3FAA] =	sst s0  }
0x9: {  	[smem:$0x3FAB] =	sst s1  }
0xa: {  	[smem:$0x3FAC] =	sst s2  }
0xb: {  	[smem:$0x3FAD] =	sst s3  }
0xc: {  	[smem:$0x3FAE] =	sst s4  }
0xd: {  	[smem:$0x3FAF] =	sst s5  }
0xe: {  	[smem:$0x3FB0] =	sst s6  }
0xf: {  	[smem:$0x3FB1] =	sst s7  }
0x10: {  	[smem:$0x3FB2] =	sst s8  }
0x11: {  	[smem:$0x3FB3] =	sst s9;
	s0 =	simm.s32 @!p0 $0x0  }
0x12: {  	s1 =	sld [smem:$0x3F99];
	s0 =	simm.s32 @p0 $0x1  }
0x13: {  	[smem:$0x3FB4] =	sst s0;
	s0 =	simm.s32 @!p1 $0x0  }
0x14: {  	s2 =	sld [smem:$0x3F98];
	s0 =	simm.s32 @p1 $0x1  }
0x15: {  	[smem:$0x3FB5] =	sst s0;
	s0 =	simm.s32 @!p2 $0x0  }
0x16: {  	s3 =	sld [smem:$0x3FDB];
	s0 =	simm.s32 @p2 $0x1  }
0x17: {  	s4 =	simm.s32 $0x1BF5;
	[smem:$0x3FB7] =	sst s0  }
0x18: {  	s0 =	sld [smem:$0x3F9A];
	_ =	swait.ge [sflag:s4], $0x0  }
0x19: {  	s7 =	sld [smem:$0x3F9B]  }
0x1a: {  	s8 =	sadd.s32 $0xFFFFE003, lr  }
0x1b: {  	s9 =	sadd.s32 $0xFFFFFEF7, lr;
	s5 =	simm.s32 $0xFFFFFFFF;
	p2 =	slt.u32 s8, $0xFFFFF086  }
0x1c: {  	p1 =	slt.u32 s9, $0xF7A;
	s5 =	simm.s32 @!p2 $0x0  }
0x1d: {  	s5 =	simm.s32 @p1 $0x1;
	p0 =	seq.s32 s7, s2  }
0x1e: {  	s7 =	smul.u32 @!p0 $0xF7A, s2;
	p2 =	seq.s32 @!p0 s5, $0x0  }
0x1f: {  	s9 =	smul.u32 $0xF7A, s1;
	s8 =	simm.s32 @!p0 $0x1BF5;
	p2 =	por !p2, p0  }
0x20: {  	[sflag:s8] =	ssyncset.s32 @!p0 $0xFFFFF086;
	s6 =	sadd.s32 @!p0 s3, s7;
	s7 =	simm.s32 @!p0 $0x108  }
0x21: {  	s3 =	sadd.s32 s3, s9;
	s6 =	sadd.s32 @!p0 $0x88, s6;
	s7 =	simm.s32 @p2 $0x1082  }
0x22: {  	[simem:s7], [sflag:s8] =	dma.local @!p0 [hbm:s6], $0xF7A  }
0x23: {  	s9 =	sor.u32 $0xD0000000, s2;
	s6 =	simm.s32 $0x108;
	_ =	swait.ge @!p0 [sflag:s8], $0x0  }
0x24: {  	s3 =	sadd.s32 $0x88, s3;
	s6 =	simm.s32 @!p1 $0x1082;
	[sflag:s4] =	ssyncset.s32 $0xFFFFF086  }
0x25: {  	[simem:s6], [sflag:s4] =	dma.local [hbm:s3], $0xF7A  }
0x26: {  	[smem:$0x3F9B] =	sst s1;
	(tag) =	ssettag s2;
	_ =	strace s9  }
0x27: {  	s1 =	sld [smem:$0x3FAB]  }
0x28: {  	s2 =	sld [smem:$0x3FAC]  }
0x29: {  	s4 =	sld [smem:$0x3FAE]  }
0x2a: {  	p0 =	seq.s32 s5, $0x0;
	s5 =	sld [smem:$0x3FAF]  }
0x2b: {  	s6 =	sld [smem:$0x3FB0]  }
0x2c: {  	s7 =	sld [smem:$0x3FB1]  }
0x2d: {  	s3 =	simm.s32 $0x108;
	s8 =	sld [smem:$0x3FB2]  }
0x2e: {  	s3 =	simm.s32 @!p0 $0x1082;
	s9 =	sld [smem:$0x3FB3]  }
0x2f: {  	lr =	sadd.s32 s0, s3;
	s0 =	sld [smem:$0x3FAA]  }
0x30: {  	s3 =	sld [smem:$0x3FAD]  }
0x31: {  	[smem:$0x3FB6] =	sst s10  }
0x32: {  	s10 =	sld [smem:$0x3FB4];
	_ =	sdelay $0x3  }
0x33: {  	p0 =	seq.s32 s10, $0x1;
	s10 =	sld [smem:$0x3FB6];
	_ =	sdelay $0x3  }
0x34: {  	[smem:$0x3FB6] =	sst s10  }
0x35: {  	s10 =	sld [smem:$0x3FB5];
	_ =	sdelay $0x3  }
0x36: {  	p1 =	seq.s32 s10, $0x1;
	s10 =	sld [smem:$0x3FB6];
	_ =	sdelay $0x3  }
0x37: {  	[smem:$0x3FB6] =	sst s10  }
0x38: {  	s10 =	sld [smem:$0x3FB7]  }
0x39: {  	_ = 	snop;
	(pc) =	sbr.ind lr, $3  }
0x3a: {  	_ = 	snop  }
0x3b: {  	_ = 	snop  }
0x3c: {  	p2 =	seq.s32 s10, $0x1;
	s10 =	sld [smem:$0x3FB6]  }
0x3d: {  	_ =	shalt  }
0x3e: {  	_ =	shalt  }
0x3f: {  	_ =	shalt  }
0x40: {  	_ =	shalt  }
0x41: {  	_ =	shalt  }
0x42: {  	_ =	shalt  }
0x43: {  	_ =	shalt  }
0x44: {  	_ =	shalt  }
0x45: {  	_ =	shalt  }
0x46: {  	_ =	shalt  }
0x47: {  	_ =	shalt  }
0x48: {  	_ =	shalt  }
0x49: {  	_ =	shalt  }
0x4a: {  	_ =	shalt  }
0x4b: {  	_ =	shalt  }
0x4c: {  	_ =	shalt  }
0x4d: {  	_ =	shalt  }
0x4e: {  	_ =	shalt  }
0x4f: {  	_ =	shalt  }
0x50: {  	_ =	shalt  }
0x51: {  	_ =	shalt  }
0x52: {  	_ =	shalt  }
0x53: {  	_ =	shalt  }
0x54: {  	_ =	shalt  }
0x55: {  	_ =	shalt  }
0x56: {  	_ =	shalt  }
0x57: {  	_ =	shalt  }
0x58: {  	_ =	shalt  }
0x59: {  	_ =	shalt  }
0x5a: {  	_ =	shalt  }
0x5b: {  	_ =	shalt  }
0x5c: {  	_ =	shalt  }
0x5d: {  	_ =	shalt  }
0x5e: {  	_ =	shalt  }
0x5f: {  	_ =	shalt  }
0x60: {  	_ =	shalt  }
0x61: {  	_ =	shalt  }
0x62: {  	_ =	shalt  }
0x63: {  	_ =	shalt  }
0x64: {  	_ =	shalt  }
0x65: {  	_ =	shalt  }
0x66: {  	_ =	shalt  }
0x67: {  	_ =	shalt  }
0x68: {  	_ =	shalt  }
0x69: {  	_ =	shalt  }
0x6a: {  	_ =	shalt  }
0x6b: {  	_ =	shalt  }
0x6c: {  	_ =	shalt  }
0x6d: {  	_ =	shalt  }
0x6e: {  	_ =	shalt  }
0x6f: {  	_ =	shalt  }
0x70: {  	_ =	shalt  }
0x71: {  	_ =	shalt  }
0x72: {  	_ =	shalt  }
0x73: {  	_ =	shalt  }
0x74: {  	_ =	shalt  }
0x75: {  	_ =	shalt  }
0x76: {  	_ =	shalt  }
0x77: {  	_ =	shalt  }
0x78: {  	_ =	shalt  }
0x79: {  	_ =	shalt  }
0x7a: {  	_ =	shalt  }
0x7b: {  	_ =	shalt  }
0x7c: {  	_ =	shalt  }
0x7d: {  	_ =	shalt  }
0x7e: {  	_ =	shalt  }
0x7f: {  	_ =	shalt  }
0x80: {  	_ =	shalt  }
0x81: {  	_ =	shalt  }
0x82: {  	_ =	shalt  }
0x83: {  	_ =	shalt  }
0x84: {  	_ =	shalt  }
0x85: {  	_ =	shalt  }
0x86: {  	_ =	shalt  }
0x87: {  	_ =	shalt  }
.Lfunc_end0:
.L_simem_size_0:
called_computation.2_lowered:
.L_overlay_start_0:
0x88: {  	s2 =	sld [smem:$0x3FD9]  }
0x89: {  	s3 =	sld [smem:$0x3FFE];
	_ =	sdelay $0x1  }
0x8a: {  	s1 =	srdreg.scid  }
0x8b: {  	s0 =	sand.u32 $0x1, s1  }
0x8c: {  	s17 =	sshll.u32 s0, $0xA;
	s2 =	sadd.s32 s3, s2  }
0x8d: {  	s2 =	sadd.s32 s2, s17  }
0x8e: {  	[smem:$0x3FC2] =	sst s2  }
0x8f: {  	_ = 	snop  }
0x90: {  	s2 =	sld [smem:$0x3FD0];
	(tm) =	ssettm $0x1  }
0x91: {  	s18 =	sld [smem:$0x3FFB];
	_ =	sdelay $0x3  }
0x92: {  	_ =	strace s18  }
0x93: {  	s3 =	sld [smem:$0x3FFC];
	_ =	sdelay $0x3  }
0x94: {  	_ =	strace s3  }
0x95: {  	s3 =	sld [smem:$0x3FFD];
	_ =	sdelay $0x3  }
0x96: {  	_ =	strace s3  }
0x97: {  	_ =	strace $0x8FFFFFFF  }
0x98: {  	s19 =	sld [smem:$0x3FDB];
	_ =	sdelay $0x1  }
0x99: {  	s4 =	simm.s32 $_scs_section_size  }
0x9a: {  	s5 =	simm.s32 $_size__tile_overlayer_lowered;
	s6 =	simm.s32 $_tile_overlayer_lowered  }
0x9b: {  	s22 =	simm.s32 $0x1BFF;
	s21 =	sshll.u32 s6, $0x1;
	s3 =	sadd.s32 s4, s19  }
0x9c: {  	s7 =	simm.s32 $0x0;
	s20 =	sshll.u32 s5, $0x1;
	s5 =	sadd.s32 s21, s3  }
0x9d: {  	[timem:s7], [sflag:s22] =	dma.local [hbm:s5], s20  }
0x9e: {  	_ =	swait.ge [sflag:s22], s20  }
0x9f: {  	s4 =	ssub.s32 $0x0, s20;
	[sflag:s22] =	ssyncset.done $0x0  }
0xa0: {  	[sflag:s22] =	ssyncadd.s32 s4;
	_ =	sdelay $0x1  }
0xa1: {  	s23 =	simm.s32 $0x1B8B  }
0xa2: {  	_ =	swait.ge [sflag:s23], $0x1  }
0xa3: {  	[sflag:s23] =	ssyncset.done $0x0  }
0xa4: {  	s25 =	simm.s32 $0x1B8E;
	s24 =	sld [smem:$0x3FFE];
	[sflag:s23] =	ssyncadd.s32 $0xFFFFFFFF  }
0xa5: {  	s26 =	simm.s32 $execute0_lowered;
	[smem:$0x3FD2] =	sst s25  }
0xa6: {  	s5 =	sshll.u32 s26, $0x1;
	_ =	strace $0x8000004C;
	[dreg:$0x1] =	wrdreg $0xFFFFFFFF  }
0xa7: {  	s28 =	simm.s32 $_size_execute0_lowered;
	s3 =	sadd.s32 s3, s5;
	[dreg:$0x0] =	wrdreg $0x0  }
0xa8: {  	s5 =	sshll.u32 s28, $0x1;
	[dreg:$0x2] =	wrdreg s3  }
0xa9: {  	[dreg:$0x3] =	wrdreg s5  }
0xaa: {  	[dreg:$0x4] =	wrdreg $0xC0  }
0xab: {  	_ =	task [dreg:s7], $0x5FFFF  }
0xac: {  	[dreg:$0x1] =	wrdreg $0xFFFFFFFF  }
0xad: {  	[dreg:$0x0] =	wrdreg $0x60  }
0xae: {  	[dreg:$0x2] =	wrdreg s24  }
0xaf: {  	[dreg:$0x3] =	wrdreg s2  }
0xb0: {  	[dreg:$0x4] =	wrdreg $0x92000  }
0xb1: {  	[dreg:$0x5] =	wrdreg $0xB9800  }
0xb2: {  	[dreg:$0x6] =	wrdreg $0x9  }
0xb3: {  	_ =	task.clear_ibuf [dreg:s7], $0x7FFFF;
	_ =	strace $0x9000004C  }
0xb4: {  	s29 =	simm.s32 $0x9;
	_ =	strace $0x8000004E  }
0xb5: {  	_ =	swait.ge [sflag:s29], $0x1  }
0xb6: {  	[sflag:s29] =	ssyncadd.s32 $0xFFFFFFFF  }
0xb7: {  	_ =	strace $0x9000004E  }
0xb8: {  	_ =	sfence  }
0xb9: {  	s30 =	sld [smem:$0x0];
	_ =	sdelay $0x2  }
0xba: {  	s31 =	sshll.u32 s1, $0xD;
	s1 =	sshrl.u32 s1, $0x2  }
0xbb: {  	s3 =	sand.u32 $0x4000, s31;
	s1 =	sadd.s32 s1, s30  }
0xbc: {  	s0 =	sor.u32 s3, s0;
	s1 =	sshll.u32 s1, $0x11  }
0xbd: {  	s0 =	sor.u32 s1, s0  }
0xbe: {  	s0 =	sadd.s32 $0x8F2B, s0  }
0xbf: {  	[sflag:s0] =	ssyncadd.remote.s32 $0x1  }
0xc0: {  	_ =	sfence.sel $0xFFFF  }
0xc1: {  	[dreg:$0x0] =	wrdreg $0xFFFFFFFF;
	(pc) =	sbr.abs _section_cstart, $3  }
0xc2: {  	[dreg:$0x1] =	wrdreg $0xFFFFFFFF  }
0xc3: {  	_ =	task.clear_ibuf [dreg:s7], $0x2FFFF;
	_ =	strace $0x9FFFFFFF  }
0xc4: {  	(tm) =	ssettm $0x7FFFFFFF  }
0xc5: {  	_ =	shalt  }
tec
execute0_lowered:
.L_overlay_start_1:
0x0: {  	(tag) =	ssettag $0x1  }
0x1: {  	s0 =	rddreg [dreg:$0x0]  }
0x2: {  	s1 =	rddreg [dreg:$0x1];
	s14 =	stileid.u32  }
0x3: {  	s3 =	srdreg.scid;
	s2 =	rddreg [dreg:$0x2]  }
0x4: {  	s17 =	simm.s32 $0x80;
	s18 =	simm.s32 $0x5200;
	s19 =	simm.s32 $0x5A00  }
0x5: {  	s21 =	simm.s32 $0x6200;
	s22 =	simm.s32 $0x180;
	s23 =	simm.s32 $0x6A00  }
0x6: {  	s24 =	simm.s32 $0x1;
	s25 =	simm.s32 $0x7200;
	s28 =	simm.s32 $0x8200  }
0x7: {  	s29 =	simm.s32 $0x8A00;
	s30 =	simm.s32 $0x2;
	s31 =	simm.s32 $0x3  }
0x8: {  	s5 =	sand.u32 $0x1, s3;
	s4 =	sshll.u32 s14, $0x1;
	s3 =	rddreg [dreg:$0x3]  }
0x9: {  	s8 =	smul.u32 $0x2780, s14;
	s26 =	sshll.u32 s14, $0x6;
	s6 =	sor.u32 s5, s4  }
0xa: {  	s4 =	simm.s32 $0x0;
	s7 =	smul.u32 $0x27800, s5;
	s5 =	ssub.s32 $0x2, s5  }
0xb: {  	s14 =	sor.u32 $0x1C05, s26;
	s26 =	simm.s32 $0x7A00;
	s6 =	smul.u32 $0x2800, s6  }
0xc: {  	[smem:$0x7FF] =	sst s4;
	s9 =	sshrl.u32 s8, $0x3;
	s11 =	sshrl.u32 s5, $0x1  }
0xd: {  	s12 =	sadd.s32 s8, s2;
	s13 =	sadd.s32 s8, s3;
	_ =	strace $0x8000004D  }
0xe: {  	s10 =	sadd.s32 s9, s0;
	s7 =	sadd.s32 s8, s7;
	s11 =	ssub.s32 s5, s11  }
0xf: {  	s8 =	sadd.s32 s1, s9;
	s15 =	sshrl.u32 s12, $0x3;
	s16 =	sshrl.u32 s13, $0x3  }
0x10: {  	s1 =	simm.s32 $0x4;
	s6 =	sshrl.u32 s6, $0x3;
	s7 =	sshrl.u32 s7, $0x3  }
0x11: {  	s6 =	sadd.s32 s6, s0;
	s0 =	sadd.s32 s7, s0;
	s7 =	sadd.s32 $0x17600, s10  }
0x12: {  	s10 =	smax.u32 s11, $0x1;
	s11 =	simm.s32 $0x5;
	s5 =	sadd.s32 $0x3600, s6  }
0x13: {  	s6 =	sadd.s32 $0xD600, s6;
	s9 =	sadd.s32 $0x1C600, s0;
	s0 =	simm.s32 $0x0  }
.LBB2_1:
0x14: {  	[tilespmem:s4], [sflag:$0x5] =	stream.linear.gather [hbm4b:s5+s4], $0x2800, $0x38;
	[tilespmem:$0xE100] =	vst v63  }
0x15: {  	_ =	swait.ge [sflag:s11], $0x2800  }
0x16: {  	[sflag:s11] =	ssyncset.done $0x0  }
0x17: {  	s12 =	simm.s32 $0x2800;
	[sflag:s11] =	ssyncadd.s32 $0xFFFFD800  }
0x18: {  	[tilespmem:s12], [sflag:$0x5] =	stream.linear.gather [hbm4b:s5+s4], $0x200, $0x38;
	[tilespmem:$0xE100] =	vst v63  }
0x19: {  	_ =	swait.ge [sflag:s11], $0x200  }
0x1a: {  	[sflag:s11] =	ssyncset.done $0x0  }
0x1b: {  	s13 =	simm.s32 $0x2A00;
	[sflag:s11] =	ssyncadd.s32 $0xFFFFFE00  }
0x1c: {  	[tilespmem:s13], [sflag:$0x5] =	stream.linear.gather [hbm4b:s6+s4], $0x2800, $0x38;
	[tilespmem:$0xE100] =	vst v63  }
0x1d: {  	_ =	swait.ge [sflag:s11], $0x2800  }
0x1e: {  	[sflag:s11] =	ssyncset.done $0x0  }
0x1f: {  	[sflag:s11] =	ssyncadd.s32 $0xFFFFD800  }
0x20: {  	[spmem:s15], [sflag:s14] =	dma.local [hbm:s7], $0x4F0  }
0x21: {  	_ =	swait.ge [sflag:s11], $0x4F0  }
0x22: {  	[sflag:s11] =	ssyncset.done $0x0  }
0x23: {  	[sflag:s11] =	ssyncadd.s32 $0xFFFFFB10  }
0x24: {  	[spmem:s16], [sflag:s14] =	dma.local [hbm:s8], $0x4F0  }
0x25: {  	_ =	swait.ge [sflag:s11], $0x4F0  }
0x26: {  	[sflag:s11] =	ssyncset.done $0x0  }
0x27: {  	[sflag:s11] =	ssyncadd.s32 $0xFFFFFB10  }
0x28: {  	[bflag:$0x0] =	sbarrier.arrive $0xFFFF  }
0x29: {  	[tilespmem:s18], [sflag:$0x1] =	stream.indirect.gather [spmem:s2], $0x10, s4, s17, $0xb8;
	[tilespmem:$0xE100] =	vst v63  }
0x2a: {  	_ = 	snop  }
0x2b: {  	[tilespmem:s19], [sflag:$0x1] =	stream.indirect.gather [spmem:s2], $0x10, s17, s17, $0xb8;
	[tilespmem:$0xE100] =	vst v63  }
0x2c: {  	s20 =	simm.s32 $0x100  }
0x2d: {  	[tilespmem:s21], [sflag:$0x1] =	stream.indirect.gather [spmem:s2], $0x10, s20, s17, $0xb8;
	[tilespmem:$0xE100] =	vst v63  }
0x2e: {  	_ = 	snop  }
0x2f: {  	[tilespmem:s23], [sflag:$0x1] =	stream.indirect.gather [spmem:s2], $0x10, s22, s17, $0xb8;
	[tilespmem:$0xE100] =	vst v63  }
0x30: {  	_ =	swait.ge [sflag:s24], $0x800  }
0x31: {  	[sflag:s24] =	ssyncset.done $0x0  }
0x32: {  	[sflag:s24] =	ssyncadd.s32 $0xFFFFF800  }
0x33: {  	_ =	swait.ge [sflag:s24], $0x800  }
0x34: {  	[sflag:s24] =	ssyncset.done $0x0  }
0x35: {  	[sflag:s24] =	ssyncadd.s32 $0xFFFFF800  }
0x36: {  	_ =	swait.ge [sflag:s24], $0x800  }
0x37: {  	[sflag:s24] =	ssyncset.done $0x0  }
0x38: {  	[sflag:s24] =	ssyncadd.s32 $0xFFFFF800  }
0x39: {  	_ =	swait.ge [sflag:s24], $0x800  }
0x3a: {  	[sflag:s24] =	ssyncset.done $0x0  }
0x3b: {  	s13 =	simm.s32 $0x200;
	[sflag:s24] =	ssyncadd.s32 $0xFFFFF800  }
0x3c: {  	[tilespmem:s25], [sflag:$0x2] =	stream.indirect.gather [spmem:s2], $0x10, s13, s17, $0xb8;
	[tilespmem:$0xE100] =	vst v63  }
0x3d: {  	s20 =	simm.s32 $0x280  }
0x3e: {  	[tilespmem:s26], [sflag:$0x2] =	stream.indirect.gather [spmem:s2], $0x10, s20, s17, $0xb8;
	[tilespmem:$0xE100] =	vst v63  }
0x3f: {  	s13 =	simm.s32 $0x300  }
0x40: {  	[tilespmem:s28], [sflag:$0x2] =	stream.indirect.gather [spmem:s2], $0x10, s13, s17, $0xb8;
	[tilespmem:$0xE100] =	vst v63  }
0x41: {  	s20 =	simm.s32 $0x380  }
0x42: {  	[tilespmem:s29], [sflag:$0x2] =	stream.indirect.gather [spmem:s2], $0x10, s20, s17, $0xb8;
	[tilespmem:$0xE100] =	vst v63  }
0x43: {  	s13 =	simm.s32 $0x2A00  }
0x44: {  	[spmem:s3] =	stream.indirect.scatter.add.f32 [tilespmem:s18], [sflag:$0x3], $0x10, s13, s17, $0xb8;
	[tilespmem:$0xE100] =	vst v63  }
0x45: {  	s20 =	simm.s32 $0x2A80  }
0x46: {  	[spmem:s3] =	stream.indirect.scatter.add.f32 [tilespmem:s19], [sflag:$0x3], $0x10, s20, s17, $0xb8;
	[tilespmem:$0xE100] =	vst v63  }
0x47: {  	s13 =	simm.s32 $0x2B00  }
0x48: {  	[spmem:s3] =	stream.indirect.scatter.add.f32 [tilespmem:s21], [sflag:$0x3], $0x10, s13, s17, $0xb8;
	[tilespmem:$0xE100] =	vst v63  }
0x49: {  	s20 =	simm.s32 $0x2B80  }
0x4a: {  	[spmem:s3] =	stream.indirect.scatter.add.f32 [tilespmem:s23], [sflag:$0x3], $0x10, s20, s17, $0xb8;
	[tilespmem:$0xE100] =	vst v63  }
0x4b: {  	_ =	swait.ge [sflag:s30], $0x800  }
0x4c: {  	[sflag:s30] =	ssyncset.done $0x0  }
0x4d: {  	[sflag:s30] =	ssyncadd.s32 $0xFFFFF800  }
0x4e: {  	_ =	swait.ge [sflag:s30], $0x800  }
0x4f: {  	[sflag:s30] =	ssyncset.done $0x0  }
0x50: {  	[sflag:s30] =	ssyncadd.s32 $0xFFFFF800  }
0x51: {  	_ =	swait.ge [sflag:s30], $0x800  }
0x52: {  	[sflag:s30] =	ssyncset.done $0x0  }
0x53: {  	[sflag:s30] =	ssyncadd.s32 $0xFFFFF800  }
0x54: {  	_ =	swait.ge [sflag:s30], $0x800  }
0x55: {  	[sflag:s30] =	ssyncset.done $0x0  }
0x56: {  	[sflag:s30] =	ssyncadd.s32 $0xFFFFF800  }
0x57: {  	_ =	swait.ge [sflag:s31], $0x800  }
0x58: {  	[sflag:s31] =	ssyncset.done $0x0  }
0x59: {  	[sflag:s31] =	ssyncadd.s32 $0xFFFFF800  }
0x5a: {  	_ =	swait.ge [sflag:s31], $0x800  }
0x5b: {  	[sflag:s31] =	ssyncset.done $0x0  }
0x5c: {  	[sflag:s31] =	ssyncadd.s32 $0xFFFFF800  }
0x5d: {  	_ =	swait.ge [sflag:s31], $0x800  }
0x5e: {  	[sflag:s31] =	ssyncset.done $0x0  }
0x5f: {  	[sflag:s31] =	ssyncadd.s32 $0xFFFFF800  }
0x60: {  	_ =	swait.ge [sflag:s31], $0x800  }
0x61: {  	[sflag:s31] =	ssyncset.done $0x0  }
0x62: {  	s13 =	simm.s32 $0x400;
	[sflag:s31] =	ssyncadd.s32 $0xFFFFF800  }
0x63: {  	[tilespmem:s18], [sflag:$0x1] =	stream.indirect.gather [spmem:s2], $0x10, s13, s17, $0xb8;
	[tilespmem:$0xE100] =	vst v63  }
0x64: {  	s20 =	simm.s32 $0x480  }
0x65: {  	[tilespmem:s19], [sflag:$0x1] =	stream.indirect.gather [spmem:s2], $0x10, s20, s17, $0xb8;
	[tilespmem:$0xE100] =	vst v63  }
0x66: {  	s13 =	simm.s32 $0x500  }
0x67: {  	[tilespmem:s21], [sflag:$0x1] =	stream.indirect.gather [spmem:s2], $0x10, s13, s17, $0xb8;
	[tilespmem:$0xE100] =	vst v63  }
0x68: {  	s20 =	simm.s32 $0x580  }
0x69: {  	[tilespmem:s23], [sflag:$0x1] =	stream.indirect.gather [spmem:s2], $0x10, s20, s17, $0xb8;
	[tilespmem:$0xE100] =	vst v63  }
0x6a: {  	s13 =	simm.s32 $0x2C00  }
0x6b: {  	[spmem:s3] =	stream.indirect.scatter.add.f32 [tilespmem:s25], [sflag:$0x4], $0x10, s13, s17, $0xb8;
	[tilespmem:$0xE100] =	vst v63  }
0x6c: {  	s20 =	simm.s32 $0x2C80  }
0x6d: {  	[spmem:s3] =	stream.indirect.scatter.add.f32 [tilespmem:s26], [sflag:$0x4], $0x10, s20, s17, $0xb8;
	[tilespmem:$0xE100] =	vst v63  }
0x6e: {  	s13 =	simm.s32 $0x2D00  }
0x6f: {  	[spmem:s3] =	stream.indirect.scatter.add.f32 [tilespmem:s28], [sflag:$0x4], $0x10, s13, s17, $0xb8;
	[tilespmem:$0xE100] =	vst v63  }
0x70: {  	s20 =	simm.s32 $0x2D80  }
0x71: {  	[spmem:s3] =	stream.indirect.scatter.add.f32 [tilespmem:s29], [sflag:$0x4], $0x10, s20, s17, $0xb8;
	[tilespmem:$0xE100] =	vst v63  }
0x72: {  	_ =	swait.ge [sflag:s1], $0x800  }
0x73: {  	[sflag:s1] =	ssyncset.done $0x0  }
0x74: {  	[sflag:s1] =	ssyncadd.s32 $0xFFFFF800  }
0x75: {  	_ =	swait.ge [sflag:s1], $0x800  }
0x76: {  	[sflag:s1] =	ssyncset.done $0x0  }
0x77: {  	[sflag:s1] =	ssyncadd.s32 $0xFFFFF800  }
0x78: {  	_ =	swait.ge [sflag:s1], $0x800  }
0x79: {  	[sflag:s1] =	ssyncset.done $0x0  }
0x7a: {  	[sflag:s1] =	ssyncadd.s32 $0xFFFFF800  }
0x7b: {  	_ =	swait.ge [sflag:s1], $0x800  }
0x7c: {  	s12 =	simm.s32 $0x1000;
	[sflag:s1] =	ssyncset.done $0x0  }
.LBB2_2:
0x7d: {  	p0 =	sne.s32 s12, $0x9000  }
0x7e: {  	[sflag:s1] =	ssyncadd.s32 $0xFFFFF800;
	s13 =	smov.u32 s12;
	s12 =	sadd.s32 $0x1000, s12  }
0x7f: {  	_ =	swait.ge [sflag:s24], $0x800  }
0x80: {  	[sflag:s24] =	ssyncset.done $0x0  }
0x81: {  	[sflag:s24] =	ssyncadd.s32 $0xFFFFF800  }
0x82: {  	_ =	swait.ge [sflag:s24], $0x800  }
0x83: {  	[sflag:s24] =	ssyncset.done $0x0  }
0x84: {  	[sflag:s24] =	ssyncadd.s32 $0xFFFFF800  }
0x85: {  	_ =	swait.ge [sflag:s24], $0x800  }
0x86: {  	[sflag:s24] =	ssyncset.done $0x0  }
0x87: {  	[sflag:s24] =	ssyncadd.s32 $0xFFFFF800  }
0x88: {  	_ =	swait.ge [sflag:s24], $0x800  }
0x89: {  	s13 =	sshra.s32 s13, $0x2;
	[sflag:s24] =	ssyncset.done $0x0  }
0x8a: {  	s20 =	sadd.s32 $0x200, s13;
	[sflag:s24] =	ssyncadd.s32 $0xFFFFF800  }
0x8b: {  	[tilespmem:s25], [sflag:$0x2] =	stream.indirect.gather [spmem:s2], $0x10, s20, s17, $0xb8;
	[tilespmem:$0xE100] =	vst v63  }
0x8c: {  	s20 =	sadd.s32 $0x280, s13  }
0x8d: {  	[tilespmem:s26], [sflag:$0x2] =	stream.indirect.gather [spmem:s2], $0x10, s20, s17, $0xb8;
	[tilespmem:$0xE100] =	vst v63  }
0x8e: {  	s20 =	sadd.s32 $0x300, s13  }
0x8f: {  	[tilespmem:s28], [sflag:$0x2] =	stream.indirect.gather [spmem:s2], $0x10, s20, s17, $0xb8;
	[tilespmem:$0xE100] =	vst v63  }
0x90: {  	s20 =	sadd.s32 $0x380, s13  }
0x91: {  	[tilespmem:s29], [sflag:$0x2] =	stream.indirect.gather [spmem:s2], $0x10, s20, s17, $0xb8;
	[tilespmem:$0xE100] =	vst v63  }
0x92: {  	s20 =	sadd.s32 $0x2A00, s13  }
0x93: {  	[spmem:s3] =	stream.indirect.scatter.add.f32 [tilespmem:s18], [sflag:$0x3], $0x10, s20, s17, $0xb8;
	[tilespmem:$0xE100] =	vst v63  }
0x94: {  	s20 =	sadd.s32 $0x2A80, s13  }
0x95: {  	[spmem:s3] =	stream.indirect.scatter.add.f32 [tilespmem:s19], [sflag:$0x3], $0x10, s20, s17, $0xb8;
	[tilespmem:$0xE100] =	vst v63  }
0x96: {  	s20 =	sadd.s32 $0x2B00, s13  }
0x97: {  	[spmem:s3] =	stream.indirect.scatter.add.f32 [tilespmem:s21], [sflag:$0x3], $0x10, s20, s17, $0xb8;
	[tilespmem:$0xE100] =	vst v63  }
0x98: {  	s20 =	sadd.s32 $0x2B80, s13  }
0x99: {  	[spmem:s3] =	stream.indirect.scatter.add.f32 [tilespmem:s23], [sflag:$0x3], $0x10, s20, s17, $0xb8;
	[tilespmem:$0xE100] =	vst v63  }
0x9a: {  	_ =	swait.ge [sflag:s30], $0x800  }
0x9b: {  	[sflag:s30] =	ssyncset.done $0x0  }
0x9c: {  	[sflag:s30] =	ssyncadd.s32 $0xFFFFF800  }
0x9d: {  	_ =	swait.ge [sflag:s30], $0x800  }
0x9e: {  	[sflag:s30] =	ssyncset.done $0x0  }
0x9f: {  	[sflag:s30] =	ssyncadd.s32 $0xFFFFF800  }
0xa0: {  	_ =	swait.ge [sflag:s30], $0x800  }
0xa1: {  	[sflag:s30] =	ssyncset.done $0x0  }
0xa2: {  	[sflag:s30] =	ssyncadd.s32 $0xFFFFF800  }
0xa3: {  	_ =	swait.ge [sflag:s30], $0x800  }
0xa4: {  	[sflag:s30] =	ssyncset.done $0x0  }
0xa5: {  	[sflag:s30] =	ssyncadd.s32 $0xFFFFF800  }
0xa6: {  	_ =	swait.ge [sflag:s31], $0x800  }
0xa7: {  	[sflag:s31] =	ssyncset.done $0x0  }
0xa8: {  	[sflag:s31] =	ssyncadd.s32 $0xFFFFF800  }
0xa9: {  	_ =	swait.ge [sflag:s31], $0x800  }
0xaa: {  	[sflag:s31] =	ssyncset.done $0x0  }
0xab: {  	[sflag:s31] =	ssyncadd.s32 $0xFFFFF800  }
0xac: {  	_ =	swait.ge [sflag:s31], $0x800  }
0xad: {  	[sflag:s31] =	ssyncset.done $0x0  }
0xae: {  	[sflag:s31] =	ssyncadd.s32 $0xFFFFF800  }
0xaf: {  	_ =	swait.ge [sflag:s31], $0x800  }
0xb0: {  	[sflag:s31] =	ssyncset.done $0x0  }
0xb1: {  	s20 =	sadd.s32 $0x400, s13;
	[sflag:s31] =	ssyncadd.s32 $0xFFFFF800  }
0xb2: {  	[tilespmem:s18], [sflag:$0x1] =	stream.indirect.gather [spmem:s2], $0x10, s20, s17, $0xb8;
	[tilespmem:$0xE100] =	vst v63  }
0xb3: {  	s20 =	sadd.s32 $0x480, s13  }
0xb4: {  	[tilespmem:s19], [sflag:$0x1] =	stream.indirect.gather [spmem:s2], $0x10, s20, s17, $0xb8;
	[tilespmem:$0xE100] =	vst v63  }
0xb5: {  	s20 =	sadd.s32 $0x500, s13  }
0xb6: {  	[tilespmem:s21], [sflag:$0x1] =	stream.indirect.gather [spmem:s2], $0x10, s20, s17, $0xb8;
	[tilespmem:$0xE100] =	vst v63  }
0xb7: {  	s20 =	sadd.s32 $0x580, s13  }
0xb8: {  	[tilespmem:s23], [sflag:$0x1] =	stream.indirect.gather [spmem:s2], $0x10, s20, s17, $0xb8;
	[tilespmem:$0xE100] =	vst v63  }
0xb9: {  	s20 =	sadd.s32 $0x2C00, s13  }
0xba: {  	[spmem:s3] =	stream.indirect.scatter.add.f32 [tilespmem:s25], [sflag:$0x4], $0x10, s20, s17, $0xb8;
	[tilespmem:$0xE100] =	vst v63  }
0xbb: {  	s20 =	sadd.s32 $0x2C80, s13  }
0xbc: {  	[spmem:s3] =	stream.indirect.scatter.add.f32 [tilespmem:s26], [sflag:$0x4], $0x10, s20, s17, $0xb8;
	[tilespmem:$0xE100] =	vst v63  }
0xbd: {  	s20 =	sadd.s32 $0x2D00, s13  }
0xbe: {  	[spmem:s3] =	stream.indirect.scatter.add.f32 [tilespmem:s28], [sflag:$0x4], $0x10, s20, s17, $0xb8;
	[tilespmem:$0xE100] =	vst v63  }
0xbf: {  	s13 =	sadd.s32 $0x2D80, s13  }
0xc0: {  	[spmem:s3] =	stream.indirect.scatter.add.f32 [tilespmem:s29], [sflag:$0x4], $0x10, s13, s17, $0xb8;
	[tilespmem:$0xE100] =	vst v63  }
0xc1: {  	_ =	swait.ge [sflag:s1], $0x800  }
0xc2: {  	[sflag:s1] =	ssyncset.done $0x0  }
0xc3: {  	[sflag:s1] =	ssyncadd.s32 $0xFFFFF800  }
0xc4: {  	_ =	swait.ge [sflag:s1], $0x800  }
0xc5: {  	[sflag:s1] =	ssyncset.done $0x0  }
0xc6: {  	[sflag:s1] =	ssyncadd.s32 $0xFFFFF800  }
.Ltmp0:
0xc7: {  	_ =	swait.ge [sflag:s1], $0x800;
	(pc) =	sbr.rel @p0 .LBB2_2-.Ltmp0, $4  }
0xc8: {  	[sflag:s1] =	ssyncset.done $0x0  }
0xc9: {  	[sflag:s1] =	ssyncadd.s32 $0xFFFFF800  }
0xca: {  	_ =	swait.ge [sflag:s1], $0x800  }
0xcb: {  	[sflag:s1] =	ssyncset.done $0x0  }
0xcc: {  	[sflag:s1] =	ssyncadd.s32 $0xFFFFF800  }
0xcd: {  	_ =	swait.ge [sflag:s24], $0x800  }
0xce: {  	[sflag:s24] =	ssyncset.done $0x0  }
0xcf: {  	[sflag:s24] =	ssyncadd.s32 $0xFFFFF800  }
0xd0: {  	_ =	swait.ge [sflag:s24], $0x800  }
0xd1: {  	[sflag:s24] =	ssyncset.done $0x0  }
0xd2: {  	[sflag:s24] =	ssyncadd.s32 $0xFFFFF800  }
0xd3: {  	_ =	swait.ge [sflag:s24], $0x800  }
0xd4: {  	[sflag:s24] =	ssyncset.done $0x0  }
0xd5: {  	[sflag:s24] =	ssyncadd.s32 $0xFFFFF800  }
0xd6: {  	_ =	swait.ge [sflag:s24], $0x800  }
0xd7: {  	s0 =	sadd.s32 $0x1, s0;
	[sflag:s24] =	ssyncset.done $0x0  }
0xd8: {  	p0 =	sne.s32 s0, s10;
	[sflag:s24] =	ssyncadd.s32 $0xFFFFF800  }
.Ltmp1:
0xd9: {  	[bflag:$0x0] =	sbarrier.arrive $0xFFFF;
	(pc) =	sbr.rel @p0 .LBB2_1-.Ltmp1, $4  }
0xda: {  	[hbm:s9], [sflag:s14] =	dma.local [spmem:s16], $0x4F0  }
0xdb: {  	_ =	swait.ge [sflag:s11], $0x4F0  }
0xdc: {  	[sflag:s11] =	ssyncset.done $0x0  }
0xdd: {  	[sflag:s11] =	ssyncadd.s32 $0xFFFFFB10  }
0xde: {  	_ =	sfence.sel $0x180000  }
0xdf: {  	[bflag:$0x0] =	sbarrier.arrive $0xFFFF  }
0xe0: {  	_ =	strace $0x9000004D  }
0xe1: {  	s0 =	stileid.u32;
	[bflag:$0x2] =	sbarrier.arrive $0xFFFF  }
0xe2: {  	p0 =	sne.s32 s0, $0x0;
	s0 =	rddreg [dreg:$0x4]  }
0xe3: {  	s0 =	sadd.s32 @!p0 $0x100000, s0  }
0xe4: {  	[sflag:s0] =	ssyncadd.tile.s32 @!p0 $0x1;
	_ =	shalt  }
.Lfunc_end2:
_tile_overlayer_lowered:
.L_overlay_start_2:
0xe5: {  	(tag) =	ssettag $0x2  }
0xe6: {  	s0 =	rddreg [dreg:$0x0];
	s2 =	stileid.u32  }
0xe7: {  	s1 =	rddreg [dreg:$0x1];
	p0 =	sne.s32 s2, $0x0  }
0xe8: {  	s3 =	rddreg [dreg:$0x2];
	[bflag:$0x3] =	sbarrier.arrive $0xFFFF;
	s2 =	simm.s32 @!p0 $0x1C05  }
0xe9: {  	[timem:s3], [sflag:s2] =	dma.local @!p0 [hbm:s0], s1  }
0xea: {  	s0 =	simm.s32 @!p0 $0x5  }
0xeb: {  	_ =	swait.ge @!p0 [sflag:s0], s1  }
0xec: {  	s1 =	ssub.s32 @!p0 $0x0, s1;
	[sflag:s0] =	ssyncset.done @!p0 $0x0  }
0xed: {  	[sflag:s0] =	ssyncadd.s32 @!p0 s1  }
0xee: {  	[bflag:$0x3] =	sbarrier.arrive $0xFFFF  }
0xef: {  	_ =	shalt  }

// kernel: kernel.20.cloned.1.call-start
scs
__scs_entry_jumppad:
0x0: {  	(pc) =	sbr.rel $0x88, $3  }
0x1: {  	(tag) =	ssettag $0x0;
	lr =	simm.s32 $0x1  }
0x2: {  	[smem:$0x3F9B] =	sst lr;
	_ =	strace $0xD0000000  }
0x3: {  	_ = 	snop  }
0x4: {  	_ = 	snop  }
0x5: {  	_ = 	snop  }
0x6: {  	_ = 	snop  }
0x7: {  	_ = 	snop  }
__scs_overlays_trampoline_lowered:
0x8: {  	[smem:$0x3FAA] =	sst s0  }
0x9: {  	[smem:$0x3FAB] =	sst s1  }
0xa: {  	[smem:$0x3FAC] =	sst s2  }
0xb: {  	[smem:$0x3FAD] =	sst s3  }
0xc: {  	[smem:$0x3FAE] =	sst s4  }
0xd: {  	[smem:$0x3FAF] =	sst s5  }
0xe: {  	[smem:$0x3FB0] =	sst s6  }
0xf: {  	[smem:$0x3FB1] =	sst s7  }
0x10: {  	[smem:$0x3FB2] =	sst s8  }
0x11: {  	[smem:$0x3FB3] =	sst s9;
	s0 =	simm.s32 @!p0 $0x0  }
0x12: {  	s1 =	sld [smem:$0x3F99];
	s0 =	simm.s32 @p0 $0x1  }
0x13: {  	[smem:$0x3FB4] =	sst s0;
	s0 =	simm.s32 @!p1 $0x0  }
0x14: {  	s2 =	sld [smem:$0x3F98];
	s0 =	simm.s32 @p1 $0x1  }
0x15: {  	[smem:$0x3FB5] =	sst s0;
	s0 =	simm.s32 @!p2 $0x0  }
0x16: {  	s3 =	sld [smem:$0x3FDB];
	s0 =	simm.s32 @p2 $0x1  }
0x17: {  	s4 =	simm.s32 $0x1BF5;
	[smem:$0x3FB7] =	sst s0  }
0x18: {  	s0 =	sld [smem:$0x3F9A];
	_ =	swait.ge [sflag:s4], $0x0  }
0x19: {  	s7 =	sld [smem:$0x3F9B]  }
0x1a: {  	s8 =	sadd.s32 $0xFFFFE003, lr  }
0x1b: {  	s9 =	sadd.s32 $0xFFFFFEF7, lr;
	s5 =	simm.s32 $0xFFFFFFFF;
	p2 =	slt.u32 s8, $0xFFFFF086  }
0x1c: {  	p1 =	slt.u32 s9, $0xF7A;
	s5 =	simm.s32 @!p2 $0x0  }
0x1d: {  	s5 =	simm.s32 @p1 $0x1;
	p0 =	seq.s32 s7, s2  }
0x1e: {  	s7 =	smul.u32 @!p0 $0xF7A, s2;
	p2 =	seq.s32 @!p0 s5, $0x0  }
0x1f: {  	s9 =	smul.u32 $0xF7A, s1;
	s8 =	simm.s32 @!p0 $0x1BF5;
	p2 =	por !p2, p0  }
0x20: {  	[sflag:s8] =	ssyncset.s32 @!p0 $0xFFFFF086;
	s6 =	sadd.s32 @!p0 s3, s7;
	s7 =	simm.s32 @!p0 $0x108  }
0x21: {  	s3 =	sadd.s32 s3, s9;
	s6 =	sadd.s32 @!p0 $0x88, s6;
	s7 =	simm.s32 @p2 $0x1082  }
0x22: {  	[simem:s7], [sflag:s8] =	dma.local @!p0 [hbm:s6], $0xF7A  }
0x23: {  	s9 =	sor.u32 $0xD0000000, s2;
	s6 =	simm.s32 $0x108;
	_ =	swait.ge @!p0 [sflag:s8], $0x0  }
0x24: {  	s3 =	sadd.s32 $0x88, s3;
	s6 =	simm.s32 @!p1 $0x1082;
	[sflag:s4] =	ssyncset.s32 $0xFFFFF086  }
0x25: {  	[simem:s6], [sflag:s4] =	dma.local [hbm:s3], $0xF7A  }
0x26: {  	[smem:$0x3F9B] =	sst s1;
	(tag) =	ssettag s2;
	_ =	strace s9  }
0x27: {  	s1 =	sld [smem:$0x3FAB]  }
0x28: {  	s2 =	sld [smem:$0x3FAC]  }
0x29: {  	s4 =	sld [smem:$0x3FAE]  }
0x2a: {  	p0 =	seq.s32 s5, $0x0;
	s5 =	sld [smem:$0x3FAF]  }
0x2b: {  	s6 =	sld [smem:$0x3FB0]  }
0x2c: {  	s7 =	sld [smem:$0x3FB1]  }
0x2d: {  	s3 =	simm.s32 $0x108;
	s8 =	sld [smem:$0x3FB2]  }
0x2e: {  	s3 =	simm.s32 @!p0 $0x1082;
	s9 =	sld [smem:$0x3FB3]  }
0x2f: {  	lr =	sadd.s32 s0, s3;
	s0 =	sld [smem:$0x3FAA]  }
0x30: {  	s3 =	sld [smem:$0x3FAD]  }
0x31: {  	[smem:$0x3FB6] =	sst s10  }
0x32: {  	s10 =	sld [smem:$0x3FB4];
	_ =	sdelay $0x3  }
0x33: {  	p0 =	seq.s32 s10, $0x1;
	s10 =	sld [smem:$0x3FB6];
	_ =	sdelay $0x3  }
0x34: {  	[smem:$0x3FB6] =	sst s10  }
0x35: {  	s10 =	sld [smem:$0x3FB5];
	_ =	sdelay $0x3  }
0x36: {  	p1 =	seq.s32 s10, $0x1;
	s10 =	sld [smem:$0x3FB6];
	_ =	sdelay $0x3  }
0x37: {  	[smem:$0x3FB6] =	sst s10  }
0x38: {  	s10 =	sld [smem:$0x3FB7]  }
0x39: {  	_ = 	snop;
	(pc) =	sbr.ind lr, $3  }
0x3a: {  	_ = 	snop  }
0x3b: {  	_ = 	snop  }
0x3c: {  	p2 =	seq.s32 s10, $0x1;
	s10 =	sld [smem:$0x3FB6]  }
0x3d: {  	_ =	shalt  }
0x3e: {  	_ =	shalt  }
0x3f: {  	_ =	shalt  }
0x40: {  	_ =	shalt  }
0x41: {  	_ =	shalt  }
0x42: {  	_ =	shalt  }
0x43: {  	_ =	shalt  }
0x44: {  	_ =	shalt  }
0x45: {  	_ =	shalt  }
0x46: {  	_ =	shalt  }
0x47: {  	_ =	shalt  }
0x48: {  	_ =	shalt  }
0x49: {  	_ =	shalt  }
0x4a: {  	_ =	shalt  }
0x4b: {  	_ =	shalt  }
0x4c: {  	_ =	shalt  }
0x4d: {  	_ =	shalt  }
0x4e: {  	_ =	shalt  }
0x4f: {  	_ =	shalt  }
0x50: {  	_ =	shalt  }
0x51: {  	_ =	shalt  }
0x52: {  	_ =	shalt  }
0x53: {  	_ =	shalt  }
0x54: {  	_ =	shalt  }
0x55: {  	_ =	shalt  }
0x56: {  	_ =	shalt  }
0x57: {  	_ =	shalt  }
0x58: {  	_ =	shalt  }
0x59: {  	_ =	shalt  }
0x5a: {  	_ =	shalt  }
0x5b: {  	_ =	shalt  }
0x5c: {  	_ =	shalt  }
0x5d: {  	_ =	shalt  }
0x5e: {  	_ =	shalt  }
0x5f: {  	_ =	shalt  }
0x60: {  	_ =	shalt  }
0x61: {  	_ =	shalt  }
0x62: {  	_ =	shalt  }
0x63: {  	_ =	shalt  }
0x64: {  	_ =	shalt  }
0x65: {  	_ =	shalt  }
0x66: {  	_ =	shalt  }
0x67: {  	_ =	shalt  }
0x68: {  	_ =	shalt  }
0x69: {  	_ =	shalt  }
0x6a: {  	_ =	shalt  }
0x6b: {  	_ =	shalt  }
0x6c: {  	_ =	shalt  }
0x6d: {  	_ =	shalt  }
0x6e: {  	_ =	shalt  }
0x6f: {  	_ =	shalt  }
0x70: {  	_ =	shalt  }
0x71: {  	_ =	shalt  }
0x72: {  	_ =	shalt  }
0x73: {  	_ =	shalt  }
0x74: {  	_ =	shalt  }
0x75: {  	_ =	shalt  }
0x76: {  	_ =	shalt  }
0x77: {  	_ =	shalt  }
0x78: {  	_ =	shalt  }
0x79: {  	_ =	shalt  }
0x7a: {  	_ =	shalt  }
0x7b: {  	_ =	shalt  }
0x7c: {  	_ =	shalt  }
0x7d: {  	_ =	shalt  }
0x7e: {  	_ =	shalt  }
0x7f: {  	_ =	shalt  }
0x80: {  	_ =	shalt  }
0x81: {  	_ =	shalt  }
0x82: {  	_ =	shalt  }
0x83: {  	_ =	shalt  }
0x84: {  	_ =	shalt  }
0x85: {  	_ =	shalt  }
0x86: {  	_ =	shalt  }
0x87: {  	_ =	shalt  }
.Lfunc_end0:
.L_simem_size_0:
called_computation.3_lowered:
.L_overlay_start_0:
0x88: {  	s2 =	sld [smem:$0x3FD9]  }
0x89: {  	s3 =	sld [smem:$0x3FFE];
	_ =	sdelay $0x1  }
0x8a: {  	s1 =	srdreg.scid  }
0x8b: {  	s0 =	sand.u32 $0x1, s1  }
0x8c: {  	s17 =	sshll.u32 s0, $0xA;
	s2 =	sadd.s32 s3, s2  }
0x8d: {  	s2 =	sadd.s32 s2, s17  }
0x8e: {  	[smem:$0x3FC2] =	sst s2  }
0x8f: {  	_ = 	snop  }
0x90: {  	s2 =	sld [smem:$0x3FD0];
	(tm) =	ssettm $0x1  }
0x91: {  	s18 =	sld [smem:$0x3FFB];
	_ =	sdelay $0x3  }
0x92: {  	_ =	strace s18  }
0x93: {  	s3 =	sld [smem:$0x3FFC];
	_ =	sdelay $0x3  }
0x94: {  	_ =	strace s3  }
0x95: {  	s3 =	sld [smem:$0x3FFD];
	_ =	sdelay $0x3  }
0x96: {  	_ =	strace s3  }
0x97: {  	_ =	strace $0x8FFFFFFF  }
0x98: {  	s19 =	sld [smem:$0x3FDB];
	_ =	sdelay $0x1  }
0x99: {  	s4 =	simm.s32 $_scs_section_size  }
0x9a: {  	s5 =	simm.s32 $_size__tile_overlayer_lowered;
	s6 =	simm.s32 $_tile_overlayer_lowered  }
0x9b: {  	s22 =	simm.s32 $0x1BFF;
	s21 =	sshll.u32 s6, $0x1;
	s3 =	sadd.s32 s4, s19  }
0x9c: {  	s7 =	simm.s32 $0x0;
	s20 =	sshll.u32 s5, $0x1;
	s5 =	sadd.s32 s21, s3  }
0x9d: {  	[timem:s7], [sflag:s22] =	dma.local [hbm:s5], s20  }
0x9e: {  	_ =	swait.ge [sflag:s22], s20  }
0x9f: {  	s4 =	ssub.s32 $0x0, s20;
	[sflag:s22] =	ssyncset.done $0x0  }
0xa0: {  	[sflag:s22] =	ssyncadd.s32 s4;
	_ =	sdelay $0x1  }
0xa1: {  	s23 =	simm.s32 $0x1B8B  }
0xa2: {  	_ =	swait.ge [sflag:s23], $0x1  }
0xa3: {  	[sflag:s23] =	ssyncset.done $0x0  }
0xa4: {  	s25 =	simm.s32 $0x1B8E;
	s24 =	sld [smem:$0x3FFE];
	[sflag:s23] =	ssyncadd.s32 $0xFFFFFFFF  }
0xa5: {  	s26 =	simm.s32 $execute0_lowered;
	[smem:$0x3FD2] =	sst s25  }
0xa6: {  	s5 =	sshll.u32 s26, $0x1;
	_ =	strace $0x8000004F;
	[dreg:$0x1] =	wrdreg $0xFFFFFFFF  }
0xa7: {  	s28 =	simm.s32 $_size_execute0_lowered;
	s3 =	sadd.s32 s3, s5;
	[dreg:$0x0] =	wrdreg $0x0  }
0xa8: {  	s5 =	sshll.u32 s28, $0x1;
	[dreg:$0x2] =	wrdreg s3  }
0xa9: {  	[dreg:$0x3] =	wrdreg s5  }
0xaa: {  	[dreg:$0x4] =	wrdreg $0xC0  }
0xab: {  	_ =	task [dreg:s7], $0x5FFFF  }
0xac: {  	[dreg:$0x1] =	wrdreg $0xFFFFFFFF  }
0xad: {  	[dreg:$0x0] =	wrdreg $0x60  }
0xae: {  	[dreg:$0x2] =	wrdreg s24  }
0xaf: {  	[dreg:$0x3] =	wrdreg s2  }
0xb0: {  	[dreg:$0x4] =	wrdreg $0x92000  }
0xb1: {  	[dreg:$0x5] =	wrdreg $0xB9800  }
0xb2: {  	[dreg:$0x6] =	wrdreg $0x9  }
0xb3: {  	_ =	task.clear_ibuf [dreg:s7], $0x7FFFF;
	_ =	strace $0x9000004F  }
0xb4: {  	s29 =	simm.s32 $0x9;
	_ =	strace $0x80000051  }
0xb5: {  	_ =	swait.ge [sflag:s29], $0x1  }
0xb6: {  	[sflag:s29] =	ssyncadd.s32 $0xFFFFFFFF  }
0xb7: {  	_ =	strace $0x90000051  }
0xb8: {  	_ =	sfence  }
0xb9: {  	s30 =	sld [smem:$0x0];
	_ =	sdelay $0x2  }
0xba: {  	s31 =	sshll.u32 s1, $0xD;
	s1 =	sshrl.u32 s1, $0x2  }
0xbb: {  	s3 =	sand.u32 $0x4000, s31;
	s1 =	sadd.s32 s1, s30  }
0xbc: {  	s0 =	sor.u32 s3, s0;
	s1 =	sshll.u32 s1, $0x11  }
0xbd: {  	s0 =	sor.u32 s1, s0  }
0xbe: {  	s0 =	sadd.s32 $0x8F2B, s0  }
0xbf: {  	[sflag:s0] =	ssyncadd.remote.s32 $0x1  }
0xc0: {  	_ =	sfence.sel $0xFFFF  }
0xc1: {  	[dreg:$0x0] =	wrdreg $0xFFFFFFFF;
	(pc) =	sbr.abs _section_cstart, $3  }
0xc2: {  	[dreg:$0x1] =	wrdreg $0xFFFFFFFF  }
0xc3: {  	_ =	task.clear_ibuf [dreg:s7], $0x2FFFF;
	_ =	strace $0x9FFFFFFF  }
0xc4: {  	(tm) =	ssettm $0x7FFFFFFF  }
0xc5: {  	_ =	shalt  }
tec
execute0_lowered:
.L_overlay_start_1:
0x0: {  	(tag) =	ssettag $0x1  }
0x1: {  	s0 =	rddreg [dreg:$0x0]  }
0x2: {  	s1 =	rddreg [dreg:$0x1];
	s14 =	stileid.u32  }
0x3: {  	s3 =	srdreg.scid;
	s2 =	rddreg [dreg:$0x2]  }
0x4: {  	s17 =	simm.s32 $0x80;
	s18 =	simm.s32 $0x5200;
	s19 =	simm.s32 $0x5A00  }
0x5: {  	s21 =	simm.s32 $0x6200;
	s22 =	simm.s32 $0x180;
	s23 =	simm.s32 $0x6A00  }
0x6: {  	s24 =	simm.s32 $0x1;
	s25 =	simm.s32 $0x7200;
	s28 =	simm.s32 $0x8200  }
0x7: {  	s29 =	simm.s32 $0x8A00;
	s30 =	simm.s32 $0x2;
	s31 =	simm.s32 $0x3  }
0x8: {  	s5 =	sand.u32 $0x1, s3;
	s4 =	sshll.u32 s14, $0x1;
	s3 =	rddreg [dreg:$0x3]  }
0x9: {  	s8 =	smul.u32 $0x2780, s14;
	s26 =	sshll.u32 s14, $0x6;
	s6 =	sor.u32 s5, s4  }
0xa: {  	s4 =	simm.s32 $0x0;
	s7 =	smul.u32 $0x27800, s5;
	s5 =	ssub.s32 $0x2, s5  }
0xb: {  	s14 =	sor.u32 $0x1C05, s26;
	s26 =	simm.s32 $0x7A00;
	s6 =	smul.u32 $0x2800, s6  }
0xc: {  	[smem:$0x7FF] =	sst s4;
	s9 =	sshrl.u32 s8, $0x3;
	s11 =	sshrl.u32 s5, $0x1  }
0xd: {  	s12 =	sadd.s32 s8, s2;
	s13 =	sadd.s32 s8, s3;
	_ =	strace $0x80000050  }
0xe: {  	s10 =	sadd.s32 s9, s0;
	s7 =	sadd.s32 s8, s7;
	s11 =	ssub.s32 s5, s11  }
0xf: {  	s8 =	sadd.s32 s1, s9;
	s15 =	sshrl.u32 s12, $0x3;
	s16 =	sshrl.u32 s13, $0x3  }
0x10: {  	s1 =	simm.s32 $0x4;
	s6 =	sshrl.u32 s6, $0x3;
	s7 =	sshrl.u32 s7, $0x3  }
0x11: {  	s6 =	sadd.s32 s6, s0;
	s0 =	sadd.s32 s7, s0;
	s7 =	sadd.s32 $0x17600, s10  }
0x12: {  	s10 =	smax.u32 s11, $0x1;
	s11 =	simm.s32 $0x5;
	s5 =	sadd.s32 $0x3600, s6  }
0x13: {  	s6 =	sadd.s32 $0xD600, s6;
	s9 =	sadd.s32 $0x1C600, s0;
	s0 =	simm.s32 $0x0  }
.LBB2_1:
0x14: {  	[tilespmem:s4], [sflag:$0x5] =	stream.linear.gather [hbm4b:s5+s4], $0x2800, $0x38;
	[tilespmem:$0xE100] =	vst v63  }
0x15: {  	_ =	swait.ge [sflag:s11], $0x2800  }
0x16: {  	[sflag:s11] =	ssyncset.done $0x0  }
0x17: {  	s12 =	simm.s32 $0x2800;
	[sflag:s11] =	ssyncadd.s32 $0xFFFFD800  }
0x18: {  	[tilespmem:s12], [sflag:$0x5] =	stream.linear.gather [hbm4b:s5+s4], $0x200, $0x38;
	[tilespmem:$0xE100] =	vst v63  }
0x19: {  	_ =	swait.ge [sflag:s11], $0x200  }
0x1a: {  	[sflag:s11] =	ssyncset.done $0x0  }
0x1b: {  	s13 =	simm.s32 $0x2A00;
	[sflag:s11] =	ssyncadd.s32 $0xFFFFFE00  }
0x1c: {  	[tilespmem:s13], [sflag:$0x5] =	stream.linear.gather [hbm4b:s6+s4], $0x2800, $0x38;
	[tilespmem:$0xE100] =	vst v63  }
0x1d: {  	_ =	swait.ge [sflag:s11], $0x2800  }
0x1e: {  	[sflag:s11] =	ssyncset.done $0x0  }
0x1f: {  	[sflag:s11] =	ssyncadd.s32 $0xFFFFD800  }
0x20: {  	[spmem:s15], [sflag:s14] =	dma.local [hbm:s7], $0x4F0  }
0x21: {  	_ =	swait.ge [sflag:s11], $0x4F0  }
0x22: {  	[sflag:s11] =	ssyncset.done $0x0  }
0x23: {  	[sflag:s11] =	ssyncadd.s32 $0xFFFFFB10  }
0x24: {  	[spmem:s16], [sflag:s14] =	dma.local [hbm:s8], $0x4F0  }
0x25: {  	_ =	swait.ge [sflag:s11], $0x4F0  }
0x26: {  	[sflag:s11] =	ssyncset.done $0x0  }
0x27: {  	[sflag:s11] =	ssyncadd.s32 $0xFFFFFB10  }
0x28: {  	[bflag:$0x0] =	sbarrier.arrive $0xFFFF  }
0x29: {  	[tilespmem:s18], [sflag:$0x1] =	stream.indirect.gather [spmem:s2], $0x10, s4, s17, $0xb8;
	[tilespmem:$0xE100] =	vst v63  }
0x2a: {  	_ = 	snop  }
0x2b: {  	[tilespmem:s19], [sflag:$0x1] =	stream.indirect.gather [spmem:s2], $0x10, s17, s17, $0xb8;
	[tilespmem:$0xE100] =	vst v63  }
0x2c: {  	s20 =	simm.s32 $0x100  }
0x2d: {  	[tilespmem:s21], [sflag:$0x1] =	stream.indirect.gather [spmem:s2], $0x10, s20, s17, $0xb8;
	[tilespmem:$0xE100] =	vst v63  }
0x2e: {  	_ = 	snop  }
0x2f: {  	[tilespmem:s23], [sflag:$0x1] =	stream.indirect.gather [spmem:s2], $0x10, s22, s17, $0xb8;
	[tilespmem:$0xE100] =	vst v63  }
0x30: {  	_ =	swait.ge [sflag:s24], $0x800  }
0x31: {  	[sflag:s24] =	ssyncset.done $0x0  }
0x32: {  	[sflag:s24] =	ssyncadd.s32 $0xFFFFF800  }
0x33: {  	_ =	swait.ge [sflag:s24], $0x800  }
0x34: {  	[sflag:s24] =	ssyncset.done $0x0  }
0x35: {  	[sflag:s24] =	ssyncadd.s32 $0xFFFFF800  }
0x36: {  	_ =	swait.ge [sflag:s24], $0x800  }
0x37: {  	[sflag:s24] =	ssyncset.done $0x0  }
0x38: {  	[sflag:s24] =	ssyncadd.s32 $0xFFFFF800  }
0x39: {  	_ =	swait.ge [sflag:s24], $0x800  }
0x3a: {  	[sflag:s24] =	ssyncset.done $0x0  }
0x3b: {  	s13 =	simm.s32 $0x200;
	[sflag:s24] =	ssyncadd.s32 $0xFFFFF800  }
0x3c: {  	[tilespmem:s25], [sflag:$0x2] =	stream.indirect.gather [spmem:s2], $0x10, s13, s17, $0xb8;
	[tilespmem:$0xE100] =	vst v63  }
0x3d: {  	s20 =	simm.s32 $0x280  }
0x3e: {  	[tilespmem:s26], [sflag:$0x2] =	stream.indirect.gather [spmem:s2], $0x10, s20, s17, $0xb8;
	[tilespmem:$0xE100] =	vst v63  }
0x3f: {  	s13 =	simm.s32 $0x300  }
0x40: {  	[tilespmem:s28], [sflag:$0x2] =	stream.indirect.gather [spmem:s2], $0x10, s13, s17, $0xb8;
	[tilespmem:$0xE100] =	vst v63  }
0x41: {  	s20 =	simm.s32 $0x380  }
0x42: {  	[tilespmem:s29], [sflag:$0x2] =	stream.indirect.gather [spmem:s2], $0x10, s20, s17, $0xb8;
	[tilespmem:$0xE100] =	vst v63  }
0x43: {  	s13 =	simm.s32 $0x2A00  }
0x44: {  	[spmem:s3] =	stream.indirect.scatter.add.f32 [tilespmem:s18], [sflag:$0x3], $0x10, s13, s17, $0xb8;
	[tilespmem:$0xE100] =	vst v63  }
0x45: {  	s20 =	simm.s32 $0x2A80  }
0x46: {  	[spmem:s3] =	stream.indirect.scatter.add.f32 [tilespmem:s19], [sflag:$0x3], $0x10, s20, s17, $0xb8;
	[tilespmem:$0xE100] =	vst v63  }
0x47: {  	s13 =	simm.s32 $0x2B00  }
0x48: {  	[spmem:s3] =	stream.indirect.scatter.add.f32 [tilespmem:s21], [sflag:$0x3], $0x10, s13, s17, $0xb8;
	[tilespmem:$0xE100] =	vst v63  }
0x49: {  	s20 =	simm.s32 $0x2B80  }
0x4a: {  	[spmem:s3] =	stream.indirect.scatter.add.f32 [tilespmem:s23], [sflag:$0x3], $0x10, s20, s17, $0xb8;
	[tilespmem:$0xE100] =	vst v63  }
0x4b: {  	_ =	swait.ge [sflag:s30], $0x800  }
0x4c: {  	[sflag:s30] =	ssyncset.done $0x0  }
0x4d: {  	[sflag:s30] =	ssyncadd.s32 $0xFFFFF800  }
0x4e: {  	_ =	swait.ge [sflag:s30], $0x800  }
0x4f: {  	[sflag:s30] =	ssyncset.done $0x0  }
0x50: {  	[sflag:s30] =	ssyncadd.s32 $0xFFFFF800  }
0x51: {  	_ =	swait.ge [sflag:s30], $0x800  }
0x52: {  	[sflag:s30] =	ssyncset.done $0x0  }
0x53: {  	[sflag:s30] =	ssyncadd.s32 $0xFFFFF800  }
0x54: {  	_ =	swait.ge [sflag:s30], $0x800  }
0x55: {  	[sflag:s30] =	ssyncset.done $0x0  }
0x56: {  	[sflag:s30] =	ssyncadd.s32 $0xFFFFF800  }
0x57: {  	_ =	swait.ge [sflag:s31], $0x800  }
0x58: {  	[sflag:s31] =	ssyncset.done $0x0  }
0x59: {  	[sflag:s31] =	ssyncadd.s32 $0xFFFFF800  }
0x5a: {  	_ =	swait.ge [sflag:s31], $0x800  }
0x5b: {  	[sflag:s31] =	ssyncset.done $0x0  }
0x5c: {  	[sflag:s31] =	ssyncadd.s32 $0xFFFFF800  }
0x5d: {  	_ =	swait.ge [sflag:s31], $0x800  }
0x5e: {  	[sflag:s31] =	ssyncset.done $0x0  }
0x5f: {  	[sflag:s31] =	ssyncadd.s32 $0xFFFFF800  }
0x60: {  	_ =	swait.ge [sflag:s31], $0x800  }
0x61: {  	[sflag:s31] =	ssyncset.done $0x0  }
0x62: {  	s13 =	simm.s32 $0x400;
	[sflag:s31] =	ssyncadd.s32 $0xFFFFF800  }
0x63: {  	[tilespmem:s18], [sflag:$0x1] =	stream.indirect.gather [spmem:s2], $0x10, s13, s17, $0xb8;
	[tilespmem:$0xE100] =	vst v63  }
0x64: {  	s20 =	simm.s32 $0x480  }
0x65: {  	[tilespmem:s19], [sflag:$0x1] =	stream.indirect.gather [spmem:s2], $0x10, s20, s17, $0xb8;
	[tilespmem:$0xE100] =	vst v63  }
0x66: {  	s13 =	simm.s32 $0x500  }
0x67: {  	[tilespmem:s21], [sflag:$0x1] =	stream.indirect.gather [spmem:s2], $0x10, s13, s17, $0xb8;
	[tilespmem:$0xE100] =	vst v63  }
0x68: {  	s20 =	simm.s32 $0x580  }
0x69: {  	[tilespmem:s23], [sflag:$0x1] =	stream.indirect.gather [spmem:s2], $0x10, s20, s17, $0xb8;
	[tilespmem:$0xE100] =	vst v63  }
0x6a: {  	s13 =	simm.s32 $0x2C00  }
0x6b: {  	[spmem:s3] =	stream.indirect.scatter.add.f32 [tilespmem:s25], [sflag:$0x4], $0x10, s13, s17, $0xb8;
	[tilespmem:$0xE100] =	vst v63  }
0x6c: {  	s20 =	simm.s32 $0x2C80  }
0x6d: {  	[spmem:s3] =	stream.indirect.scatter.add.f32 [tilespmem:s26], [sflag:$0x4], $0x10, s20, s17, $0xb8;
	[tilespmem:$0xE100] =	vst v63  }
0x6e: {  	s13 =	simm.s32 $0x2D00  }
0x6f: {  	[spmem:s3] =	stream.indirect.scatter.add.f32 [tilespmem:s28], [sflag:$0x4], $0x10, s13, s17, $0xb8;
	[tilespmem:$0xE100] =	vst v63  }
0x70: {  	s20 =	simm.s32 $0x2D80  }
0x71: {  	[spmem:s3] =	stream.indirect.scatter.add.f32 [tilespmem:s29], [sflag:$0x4], $0x10, s20, s17, $0xb8;
	[tilespmem:$0xE100] =	vst v63  }
0x72: {  	_ =	swait.ge [sflag:s1], $0x800  }
0x73: {  	[sflag:s1] =	ssyncset.done $0x0  }
0x74: {  	[sflag:s1] =	ssyncadd.s32 $0xFFFFF800  }
0x75: {  	_ =	swait.ge [sflag:s1], $0x800  }
0x76: {  	[sflag:s1] =	ssyncset.done $0x0  }
0x77: {  	[sflag:s1] =	ssyncadd.s32 $0xFFFFF800  }
0x78: {  	_ =	swait.ge [sflag:s1], $0x800  }
0x79: {  	[sflag:s1] =	ssyncset.done $0x0  }
0x7a: {  	[sflag:s1] =	ssyncadd.s32 $0xFFFFF800  }
0x7b: {  	_ =	swait.ge [sflag:s1], $0x800  }
0x7c: {  	s12 =	simm.s32 $0x1000;
	[sflag:s1] =	ssyncset.done $0x0  }
.LBB2_2:
0x7d: {  	p0 =	sne.s32 s12, $0x9000  }
0x7e: {  	[sflag:s1] =	ssyncadd.s32 $0xFFFFF800;
	s13 =	smov.u32 s12;
	s12 =	sadd.s32 $0x1000, s12  }
0x7f: {  	_ =	swait.ge [sflag:s24], $0x800  }
0x80: {  	[sflag:s24] =	ssyncset.done $0x0  }
0x81: {  	[sflag:s24] =	ssyncadd.s32 $0xFFFFF800  }
0x82: {  	_ =	swait.ge [sflag:s24], $0x800  }
0x83: {  	[sflag:s24] =	ssyncset.done $0x0  }
0x84: {  	[sflag:s24] =	ssyncadd.s32 $0xFFFFF800  }
0x85: {  	_ =	swait.ge [sflag:s24], $0x800  }
0x86: {  	[sflag:s24] =	ssyncset.done $0x0  }
0x87: {  	[sflag:s24] =	ssyncadd.s32 $0xFFFFF800  }
0x88: {  	_ =	swait.ge [sflag:s24], $0x800  }
0x89: {  	s13 =	sshra.s32 s13, $0x2;
	[sflag:s24] =	ssyncset.done $0x0  }
0x8a: {  	s20 =	sadd.s32 $0x200, s13;
	[sflag:s24] =	ssyncadd.s32 $0xFFFFF800  }
0x8b: {  	[tilespmem:s25], [sflag:$0x2] =	stream.indirect.gather [spmem:s2], $0x10, s20, s17, $0xb8;
	[tilespmem:$0xE100] =	vst v63  }
0x8c: {  	s20 =	sadd.s32 $0x280, s13  }
0x8d: {  	[tilespmem:s26], [sflag:$0x2] =	stream.indirect.gather [spmem:s2], $0x10, s20, s17, $0xb8;
	[tilespmem:$0xE100] =	vst v63  }
0x8e: {  	s20 =	sadd.s32 $0x300, s13  }
0x8f: {  	[tilespmem:s28], [sflag:$0x2] =	stream.indirect.gather [spmem:s2], $0x10, s20, s17, $0xb8;
	[tilespmem:$0xE100] =	vst v63  }
0x90: {  	s20 =	sadd.s32 $0x380, s13  }
0x91: {  	[tilespmem:s29], [sflag:$0x2] =	stream.indirect.gather [spmem:s2], $0x10, s20, s17, $0xb8;
	[tilespmem:$0xE100] =	vst v63  }
0x92: {  	s20 =	sadd.s32 $0x2A00, s13  }
0x93: {  	[spmem:s3] =	stream.indirect.scatter.add.f32 [tilespmem:s18], [sflag:$0x3], $0x10, s20, s17, $0xb8;
	[tilespmem:$0xE100] =	vst v63  }
0x94: {  	s20 =	sadd.s32 $0x2A80, s13  }
0x95: {  	[spmem:s3] =	stream.indirect.scatter.add.f32 [tilespmem:s19], [sflag:$0x3], $0x10, s20, s17, $0xb8;
	[tilespmem:$0xE100] =	vst v63  }
0x96: {  	s20 =	sadd.s32 $0x2B00, s13  }
0x97: {  	[spmem:s3] =	stream.indirect.scatter.add.f32 [tilespmem:s21], [sflag:$0x3], $0x10, s20, s17, $0xb8;
	[tilespmem:$0xE100] =	vst v63  }
0x98: {  	s20 =	sadd.s32 $0x2B80, s13  }
0x99: {  	[spmem:s3] =	stream.indirect.scatter.add.f32 [tilespmem:s23], [sflag:$0x3], $0x10, s20, s17, $0xb8;
	[tilespmem:$0xE100] =	vst v63  }
0x9a: {  	_ =	swait.ge [sflag:s30], $0x800  }
0x9b: {  	[sflag:s30] =	ssyncset.done $0x0  }
0x9c: {  	[sflag:s30] =	ssyncadd.s32 $0xFFFFF800  }
0x9d: {  	_ =	swait.ge [sflag:s30], $0x800  }
0x9e: {  	[sflag:s30] =	ssyncset.done $0x0  }
0x9f: {  	[sflag:s30] =	ssyncadd.s32 $0xFFFFF800  }
0xa0: {  	_ =	swait.ge [sflag:s30], $0x800  }
0xa1: {  	[sflag:s30] =	ssyncset.done $0x0  }
0xa2: {  	[sflag:s30] =	ssyncadd.s32 $0xFFFFF800  }
0xa3: {  	_ =	swait.ge [sflag:s30], $0x800  }
0xa4: {  	[sflag:s30] =	ssyncset.done $0x0  }
0xa5: {  	[sflag:s30] =	ssyncadd.s32 $0xFFFFF800  }
0xa6: {  	_ =	swait.ge [sflag:s31], $0x800  }
0xa7: {  	[sflag:s31] =	ssyncset.done $0x0  }
0xa8: {  	[sflag:s31] =	ssyncadd.s32 $0xFFFFF800  }
0xa9: {  	_ =	swait.ge [sflag:s31], $0x800  }
0xaa: {  	[sflag:s31] =	ssyncset.done $0x0  }
0xab: {  	[sflag:s31] =	ssyncadd.s32 $0xFFFFF800  }
0xac: {  	_ =	swait.ge [sflag:s31], $0x800  }
0xad: {  	[sflag:s31] =	ssyncset.done $0x0  }
0xae: {  	[sflag:s31] =	ssyncadd.s32 $0xFFFFF800  }
0xaf: {  	_ =	swait.ge [sflag:s31], $0x800  }
0xb0: {  	[sflag:s31] =	ssyncset.done $0x0  }
0xb1: {  	s20 =	sadd.s32 $0x400, s13;
	[sflag:s31] =	ssyncadd.s32 $0xFFFFF800  }
0xb2: {  	[tilespmem:s18], [sflag:$0x1] =	stream.indirect.gather [spmem:s2], $0x10, s20, s17, $0xb8;
	[tilespmem:$0xE100] =	vst v63  }
0xb3: {  	s20 =	sadd.s32 $0x480, s13  }
0xb4: {  	[tilespmem:s19], [sflag:$0x1] =	stream.indirect.gather [spmem:s2], $0x10, s20, s17, $0xb8;
	[tilespmem:$0xE100] =	vst v63  }
0xb5: {  	s20 =	sadd.s32 $0x500, s13  }
0xb6: {  	[tilespmem:s21], [sflag:$0x1] =	stream.indirect.gather [spmem:s2], $0x10, s20, s17, $0xb8;
	[tilespmem:$0xE100] =	vst v63  }
0xb7: {  	s20 =	sadd.s32 $0x580, s13  }
0xb8: {  	[tilespmem:s23], [sflag:$0x1] =	stream.indirect.gather [spmem:s2], $0x10, s20, s17, $0xb8;
	[tilespmem:$0xE100] =	vst v63  }
0xb9: {  	s20 =	sadd.s32 $0x2C00, s13  }
0xba: {  	[spmem:s3] =	stream.indirect.scatter.add.f32 [tilespmem:s25], [sflag:$0x4], $0x10, s20, s17, $0xb8;
	[tilespmem:$0xE100] =	vst v63  }
0xbb: {  	s20 =	sadd.s32 $0x2C80, s13  }
0xbc: {  	[spmem:s3] =	stream.indirect.scatter.add.f32 [tilespmem:s26], [sflag:$0x4], $0x10, s20, s17, $0xb8;
	[tilespmem:$0xE100] =	vst v63  }
0xbd: {  	s20 =	sadd.s32 $0x2D00, s13  }
0xbe: {  	[spmem:s3] =	stream.indirect.scatter.add.f32 [tilespmem:s28], [sflag:$0x4], $0x10, s20, s17, $0xb8;
	[tilespmem:$0xE100] =	vst v63  }
0xbf: {  	s13 =	sadd.s32 $0x2D80, s13  }
0xc0: {  	[spmem:s3] =	stream.indirect.scatter.add.f32 [tilespmem:s29], [sflag:$0x4], $0x10, s13, s17, $0xb8;
	[tilespmem:$0xE100] =	vst v63  }
0xc1: {  	_ =	swait.ge [sflag:s1], $0x800  }
0xc2: {  	[sflag:s1] =	ssyncset.done $0x0  }
0xc3: {  	[sflag:s1] =	ssyncadd.s32 $0xFFFFF800  }
0xc4: {  	_ =	swait.ge [sflag:s1], $0x800  }
0xc5: {  	[sflag:s1] =	ssyncset.done $0x0  }
0xc6: {  	[sflag:s1] =	ssyncadd.s32 $0xFFFFF800  }
.Ltmp0:
0xc7: {  	_ =	swait.ge [sflag:s1], $0x800;
	(pc) =	sbr.rel @p0 .LBB2_2-.Ltmp0, $4  }
0xc8: {  	[sflag:s1] =	ssyncset.done $0x0  }
0xc9: {  	[sflag:s1] =	ssyncadd.s32 $0xFFFFF800  }
0xca: {  	_ =	swait.ge [sflag:s1], $0x800  }
0xcb: {  	[sflag:s1] =	ssyncset.done $0x0  }
0xcc: {  	[sflag:s1] =	ssyncadd.s32 $0xFFFFF800  }
0xcd: {  	_ =	swait.ge [sflag:s24], $0x800  }
0xce: {  	[sflag:s24] =	ssyncset.done $0x0  }
0xcf: {  	[sflag:s24] =	ssyncadd.s32 $0xFFFFF800  }
0xd0: {  	_ =	swait.ge [sflag:s24], $0x800  }
0xd1: {  	[sflag:s24] =	ssyncset.done $0x0  }
0xd2: {  	[sflag:s24] =	ssyncadd.s32 $0xFFFFF800  }
0xd3: {  	_ =	swait.ge [sflag:s24], $0x800  }
0xd4: {  	[sflag:s24] =	ssyncset.done $0x0  }
0xd5: {  	[sflag:s24] =	ssyncadd.s32 $0xFFFFF800  }
0xd6: {  	_ =	swait.ge [sflag:s24], $0x800  }
0xd7: {  	s0 =	sadd.s32 $0x1, s0;
	[sflag:s24] =	ssyncset.done $0x0  }
0xd8: {  	p0 =	sne.s32 s0, s10;
	[sflag:s24] =	ssyncadd.s32 $0xFFFFF800  }
.Ltmp1:
0xd9: {  	[bflag:$0x0] =	sbarrier.arrive $0xFFFF;
	(pc) =	sbr.rel @p0 .LBB2_1-.Ltmp1, $4  }
0xda: {  	[hbm:s9], [sflag:s14] =	dma.local [spmem:s16], $0x4F0  }
0xdb: {  	_ =	swait.ge [sflag:s11], $0x4F0  }
0xdc: {  	[sflag:s11] =	ssyncset.done $0x0  }
0xdd: {  	[sflag:s11] =	ssyncadd.s32 $0xFFFFFB10  }
0xde: {  	_ =	sfence.sel $0x180000  }
0xdf: {  	[bflag:$0x0] =	sbarrier.arrive $0xFFFF  }
0xe0: {  	_ =	strace $0x90000050  }
0xe1: {  	s0 =	stileid.u32;
	[bflag:$0x2] =	sbarrier.arrive $0xFFFF  }
0xe2: {  	p0 =	sne.s32 s0, $0x0;
	s0 =	rddreg [dreg:$0x4]  }
0xe3: {  	s0 =	sadd.s32 @!p0 $0x100000, s0  }
0xe4: {  	[sflag:s0] =	ssyncadd.tile.s32 @!p0 $0x1;
	_ =	shalt  }
.Lfunc_end2:
_tile_overlayer_lowered:
.L_overlay_start_2:
0xe5: {  	(tag) =	ssettag $0x2  }
0xe6: {  	s0 =	rddreg [dreg:$0x0];
	s2 =	stileid.u32  }
0xe7: {  	s1 =	rddreg [dreg:$0x1];
	p0 =	sne.s32 s2, $0x0  }
0xe8: {  	s3 =	rddreg [dreg:$0x2];
	[bflag:$0x3] =	sbarrier.arrive $0xFFFF;
	s2 =	simm.s32 @!p0 $0x1C05  }
0xe9: {  	[timem:s3], [sflag:s2] =	dma.local @!p0 [hbm:s0], s1  }
0xea: {  	s0 =	simm.s32 @!p0 $0x5  }
0xeb: {  	_ =	swait.ge @!p0 [sflag:s0], s1  }
0xec: {  	s1 =	ssub.s32 @!p0 $0x0, s1;
	[sflag:s0] =	ssyncset.done @!p0 $0x0  }
0xed: {  	[sflag:s0] =	ssyncadd.s32 @!p0 s1  }
0xee: {  	[bflag:$0x3] =	sbarrier.arrive $0xFFFF  }
0xef: {  	_ =	shalt  }

</sc_bundles>
